<compile_context>
chip_gen: v7x
topology: tpu7x:2x2x1
jax: 0.10.2.dev20260603
libtpu: 0.0.44.dev20260713+nightly
codegen_flags: <defaults>
</compile_context>

<pallas_src>
import functools

import jax
import jax.numpy as jnp
from jax import lax
from jax.experimental import pallas as pl
from jax.experimental.pallas import tpu as pltpu
from jax.experimental.pallas import tpu_sc as plsc

BATCH = 16384
N_FIELDS = 4
DIM = 16
VOCAB = 1000000

_NC = 2
_NS = 16
_NW = _NC * _NS
_BPW = BATCH // _NW
_CHUNK = 128
_NCHUNK = _BPW // _CHUNK

_UCH = 128
_GRP = VOCAB // _UCH
_GPW = -(-_GRP // _NW)
_TAIL = VOCAB - _GRP * _UCH

_mesh = plsc.VectorSubcoreMesh(core_axis_name="c", subcore_axis_name="s")


@functools.partial(
    pl.kernel,
    mesh=_mesh,
    compiler_params=pltpu.CompilerParams(
        use_tc_tiling_on_sc=True, needs_layout_passes=False
    ),
    out_type=[jax.ShapeDtypeStruct((VOCAB * DIM,), jnp.float32)] * N_FIELDS,
    scratch_types=[
        pltpu.VMEM((2, DIM, _UCH), jnp.float32),
        pltpu.VMEM((DIM, _TAIL), jnp.float32),
        pltpu.VMEM((2, _UCH * DIM), jnp.float32),
        pltpu.SemaphoreType.DMA,
        pltpu.SemaphoreType.DMA,
    ],
)
def _untile(w0, w1, w2, w3, t0, t1, t2, t3, s0, s1, s2, s3,
            blk_v, tail_v, rows_v, semi, semo):
    wid = lax.axis_index("s") * _NC + lax.axis_index("c")
    iota = lax.iota(jnp.int32, 16)
    for wt, tt, st in zip([w0, w1, w2, w3], [t0, t1, t2, t3],
                          [s0, s1, s2, s3]):
        lo = wid * _GPW
        hi = jnp.minimum(lo + _GPW, _GRP)

        def fetch(g, slot, wt=wt):
            pltpu.make_async_copy(
                wt.at[:, pl.ds(pl.multiple_of(g * _UCH, 128), _UCH)],
                blk_v.at[slot],
                semi,
            ).start()

        fetch(lo, 0)

        @pl.loop(0, _GPW)
        def per_group(i, wt=wt, st=st, lo=lo, hi=hi, fetch=fetch):
            g = lo + i

            @pl.when(g < hi)
            def _():
                slot = lax.rem(i, 2)

                @pl.when(g + 1 < hi)
                def _():
                    fetch(g + 1, lax.rem(i + 1, 2))

                pltpu.make_async_copy(
                    wt.at[:, pl.ds(0, _UCH)], blk_v.at[0], semi
                ).wait()

                @pl.when(i >= 2)
                def _():
                    pltpu.make_async_copy(
                        st.at[pl.ds(0, _UCH * DIM)], rows_v.at[0], semo
                    ).wait()

                @plsc.parallel_loop(0, _UCH // 4, unroll=4)
                def per_col(j, slot=slot):
                    for q in range(4):
                        jj = j + q * (_UCH // 4)
                        col = plsc.load_gather(
                            blk_v.at[slot],
                            [iota, jnp.full((16,), jj, jnp.int32)],
                        )
                        rows_v[slot, pl.ds(jj * DIM, DIM)] = col

                pltpu.make_async_copy(
                    rows_v.at[slot],
                    st.at[pl.ds(g * _UCH * DIM, _UCH * DIM)],
                    semo,
                ).start()

        nw = hi - lo
        for k in range(2):
            @pl.when(nw >= k + 1)
            def _(st=st):
                pltpu.make_async_copy(
                    st.at[pl.ds(0, _UCH * DIM)], rows_v.at[0], semo
                ).wait()

        @pl.when(wid == 0)
        def _(tt=tt, st=st):
            pltpu.sync_copy(tt, tail_v)

            @plsc.parallel_loop(0, _TAIL, unroll=16)
            def per_tail_col(j):
                col = plsc.load_gather(
                    tail_v, [iota, jnp.full((16,), j, jnp.int32)]
                )
                rows_v[0, pl.ds(j * DIM, DIM)] = col

            pltpu.sync_copy(
                rows_v.at[0, pl.ds(0, _TAIL * DIM)],
                st.at[pl.ds(_GRP * _UCH * DIM, _TAIL * DIM)],
            )


@functools.partial(
    pl.kernel,
    mesh=_mesh,
    compiler_params=pltpu.CompilerParams(use_tc_tiling_on_sc=False),
    out_type=jax.ShapeDtypeStruct((BATCH, N_FIELDS, DIM), jnp.float32),
    scratch_types=[
        pltpu.VMEM((N_FIELDS, _BPW), jnp.int32),
        pltpu.VMEM((N_FIELDS, _BPW, DIM), jnp.float32),
        pltpu.SemaphoreType.DMA,
    ],
)
def _emb_lookup(xT_hbm, w0, w1, w2, w3, out_hbm, idx_v, rows_v, sem):
    wid = lax.axis_index("s") * _NC + lax.axis_index("c")
    base = wid * _BPW
    pltpu.sync_copy(xT_hbm.at[:, pl.ds(base, _BPW)], idx_v)
    tables = [w0, w1, w2, w3]
    handles = []
    for f in range(N_FIELDS):
        for c in range(_NCHUNK):
            handles.append(
                pltpu.async_copy(
                    tables[f].at[idx_v.at[f, pl.ds(c * _CHUNK, _CHUNK)]],
                    rows_v.at[f, pl.ds(c * _CHUNK, _CHUNK)],
                    sem,
                )
            )
    for h in handles:
        h.wait()
    for f in range(N_FIELDS):
        pltpu.sync_copy(rows_v.at[f], out_hbm.at[pl.ds(base, _BPW), f])


def kernel(x, W0, W1, W2, W3):
    xT = x.astype(jnp.int32).T
    tails = [W.T[:, _GRP * _UCH:] for W in (W0, W1, W2, W3)]
    s0, s1, s2, s3 = _untile(W0.T, W1.T, W2.T, W3.T, *tails)
    out = _emb_lookup(
        xT,
        s0.reshape(VOCAB, DIM),
        s1.reshape(VOCAB, DIM),
        s2.reshape(VOCAB, DIM),
        s3.reshape(VOCAB, DIM),
    )
    return out.reshape(BATCH, N_FIELDS * DIM)

# --- scband reference (transcript-rebuilt; emitter-appended) ---
"""Pipeline reference for scband-categorical-embedding-43001212568078 (READ-ONLY COPY).

The authoritative reference and input builder live on the scoring server;
editing this copy changes nothing except your own understanding.
"""

import jax, jax.numpy as jnp
import numpy as np

BATCH = 16384
N_FIELDS = 4
VOCABS = [1000000, 1000000, 1000000, 1000000]
DIMS = [16, 16, 16, 16]


def setup_inputs(seed: int = 0) -> dict:
    key = jax.random.key(seed)
    k_idx, k0, k1, k2, k3 = jax.random.split(key, 5)
    x = jax.random.randint(k_idx, (BATCH, N_FIELDS), 0, min(VOCABS), dtype=jnp.int64)
    tables = {}
    for i, (kk, v, d) in enumerate(zip([k0, k1, k2, k3], VOCABS, DIMS)):
        tables[f"W{i}"] = jax.random.normal(kk, (v, d), dtype=jnp.float32) * 0.02
    return {"x": x, **tables}


def reference(x, W0, W1, W2, W3):
    tables = [W0, W1, W2, W3]
    embedded = [jnp.take(tables[i], x[:, i], axis=0) for i in range(N_FIELDS)]
    return jnp.concatenate(embedded, axis=1)

if __name__ == "__main__":
    import jax
    _d = setup_inputs()
    print(jax.jit(kernel)(*tuple(_d.values())))

</pallas_src>

<mosaic_0001>
#map = affine_map<(d0, d1) -> (0, 0)>
#map1 = affine_map<(d0, d1) -> (0)>
module attributes {stable_mosaic.version = 14 : i64} {
  func.func @_untile(%arg0: i32, %arg1: i32, %arg2: memref<16x1000000xf32, #tpu.memory_space<hbm>>, %arg3: memref<16x1000000xf32, #tpu.memory_space<hbm>>, %arg4: memref<16x1000000xf32, #tpu.memory_space<hbm>>, %arg5: memref<16x1000000xf32, #tpu.memory_space<hbm>>, %arg6: memref<16x64xf32, #tpu.memory_space<hbm>>, %arg7: memref<16x64xf32, #tpu.memory_space<hbm>>, %arg8: memref<16x64xf32, #tpu.memory_space<hbm>>, %arg9: memref<16x64xf32, #tpu.memory_space<hbm>>, %arg10: memref<16000000xf32, #tpu.memory_space<hbm>>, %arg11: memref<16000000xf32, #tpu.memory_space<hbm>>, %arg12: memref<16000000xf32, #tpu.memory_space<hbm>>, %arg13: memref<16000000xf32, #tpu.memory_space<hbm>>, %arg14: memref<2x16x128xf32, #tpu.memory_space<vmem>>, %arg15: memref<16x64xf32, #tpu.memory_space<vmem>>, %arg16: memref<2x2048xf32, #tpu.memory_space<vmem>>, %arg17: memref<!tpu.dma_semaphore, #tpu.memory_space<semaphore_mem>>, %arg18: memref<!tpu.dma_semaphore, #tpu.memory_space<semaphore_mem>>) attributes {dimension_semantics = [#tpu.dimension_semantics<core_parallel>, #tpu.dimension_semantics<subcore_parallel>], iteration_bounds = array<i64: 2, 16>, scalar_prefetch = 0 : i64, scratch_operands = 5 : i64, tpu.core_type = #tpu.core_type<sc_vector_subcore>, window_params = [{transform_indices = #map}, {transform_indices = #map}, {transform_indices = #map}, {transform_indices = #map}, {transform_indices = #map}, {transform_indices = #map}, {transform_indices = #map}, {transform_indices = #map}, {transform_indices = #map1}, {transform_indices = #map1}, {transform_indices = #map1}, {transform_indices = #map1}]} {
    %mul3A = arith.constant 2 : i32
    %mul3A_0 = arith.muli %arg1, %mul3A : i32
    %add3A = arith.addi %mul3A_0, %arg0 : i32
    %iota3A = tpu.iota {dimensions = array<i32: 0>} : vector<16xi32>
    %mul3A_1 = arith.constant 245 : i32
    %mul3A_2 = arith.muli %add3A, %mul3A_1 : i32
    %add3A_3 = arith.constant 245 : i32
    %add3A_4 = arith.addi %mul3A_2, %add3A_3 : i32
    %min3A = arith.constant 7812 : i32
    %min3A_5 = arith.minsi %add3A_4, %min3A : i32
    %mul3A_6 = arith.constant 128 : i32
    %mul3A_7 = arith.muli %mul3A_2, %mul3A_6 : i32
    %multiple_of3A = tpu.assume_multiple %mul3A_7, 128 : i32
    %dma_start3A = arith.constant 0 : i32
    %dma_start3A_8 = arith.constant 0 : i32
    %dma_start3A_9 = arith.constant 0 : i32
    %dma_start3A_10 = tpu.memref_slice %arg14[%dma_start3A, %dma_start3A_8, %dma_start3A_9] : memref<2x16x128xf32, #tpu.memory_space<vmem>> -> memref<1x16x128xf32, #tpu.memory_space<vmem>>
    %dma_start3A_11 = tpu.memref_squeeze %dma_start3A_10 : memref<1x16x128xf32, #tpu.memory_space<vmem>> -> memref<16x128xf32, #tpu.memory_space<vmem>>
    %dma_start3A_12 = arith.constant 0 : i32
    %dma_start3A_13 = tpu.memref_slice %arg2[%dma_start3A_12, %multiple_of3A] : memref<16x1000000xf32, #tpu.memory_space<hbm>> -> memref<16x128xf32, #tpu.memory_space<hbm>>
    %dma_start3A_14 = arith.constant 0 : i32
    %dma_start3A_15 = arith.constant 0 : i32
    %dma_start3A_16 = tpu.memref_slice %arg14[%dma_start3A, %dma_start3A_14, %dma_start3A_15] : memref<2x16x128xf32, #tpu.memory_space<vmem>> -> memref<1x16x128xf32, #tpu.memory_space<vmem>>
    %dma_start3A_17 = tpu.memref_squeeze %dma_start3A_16 : memref<1x16x128xf32, #tpu.memory_space<vmem>> -> memref<16x128xf32, #tpu.memory_space<vmem>>
    %dma_start3A_18 = arith.constant 0 : i32
    %dma_start3A_19 = tpu.memref_slice %arg2[%dma_start3A_18, %multiple_of3A] : memref<16x1000000xf32, #tpu.memory_space<hbm>> -> memref<16x128xf32, #tpu.memory_space<hbm>>
    tpu.enqueue_dma source(%dma_start3A_19 : memref<16x128xf32, #tpu.memory_space<hbm>>) target(%dma_start3A_17 : memref<16x128xf32, #tpu.memory_space<vmem>>) target_semaphore(%arg17 : memref<!tpu.dma_semaphore, #tpu.memory_space<semaphore_mem>>)
    %scan3A = arith.constant 0 : i32
    %scan3A_20 = arith.constant 245 : i32
    %scan3A_21 = arith.addi %scan3A, %scan3A_20 : i32
    %scan3A_22 = arith.constant 1 : i32
    scf.for %scan3A_164 = %scan3A to %scan3A_21 step %scan3A_22  : i32 {
      %mul3A_165 = arith.constant 1 : i32
      %mul3A_166 = arith.muli %scan3A_164, %mul3A_165 : i32
      %add3A_167 = arith.constant 0 : i32
      %add3A_168 = arith.addi %add3A_167, %mul3A_166 : i32
      %add3A_169 = arith.addi %mul3A_2, %add3A_168 : i32
      %lt3A = arith.cmpi slt, %add3A_169, %min3A_5 : i32
      %convert_element_type3A_170 = arith.extui %lt3A : i1 to i32
      %cond3A_171 = arith.constant 0 : i32
      %cond3A_172 = arith.cmpi ne, %convert_element_type3A_170, %cond3A_171 : i32
      scf.if %cond3A_172 {
        %rem3A = arith.constant 2 : i32
        %rem3A_173 = arith.remsi %add3A_168, %rem3A : i32
        %add3A_174 = arith.constant 1 : i32
        %add3A_175 = arith.addi %add3A_169, %add3A_174 : i32
        %lt3A_176 = arith.cmpi slt, %add3A_175, %min3A_5 : i32
        %convert_element_type3A_177 = arith.extui %lt3A_176 : i1 to i32
        %cond3A_178 = arith.constant 0 : i32
        %cond3A_179 = arith.cmpi ne, %convert_element_type3A_177, %cond3A_178 : i32
        scf.if %cond3A_179 {
          %add3A_213 = arith.constant 1 : i32
          %add3A_214 = arith.addi %add3A_169, %add3A_213 : i32
          %add3A_215 = arith.constant 1 : i32
          %add3A_216 = arith.addi %add3A_168, %add3A_215 : i32
          %rem3A_217 = arith.constant 2 : i32
          %rem3A_218 = arith.remsi %add3A_216, %rem3A_217 : i32
          %mul3A_219 = arith.constant 128 : i32
          %mul3A_220 = arith.muli %add3A_214, %mul3A_219 : i32
          %multiple_of3A_221 = tpu.assume_multiple %mul3A_220, 128 : i32
          %dma_start3A_222 = arith.constant 0 : i32
          %dma_start3A_223 = arith.constant 0 : i32
          %dma_start3A_224 = tpu.memref_slice %arg14[%rem3A_218, %dma_start3A_222, %dma_start3A_223] : memref<2x16x128xf32, #tpu.memory_space<vmem>> -> memref<1x16x128xf32, #tpu.memory_space<vmem>>
          %dma_start3A_225 = tpu.memref_squeeze %dma_start3A_224 : memref<1x16x128xf32, #tpu.memory_space<vmem>> -> memref<16x128xf32, #tpu.memory_space<vmem>>
          %dma_start3A_226 = arith.constant 0 : i32
          %dma_start3A_227 = tpu.memref_slice %arg2[%dma_start3A_226, %multiple_of3A_221] : memref<16x1000000xf32, #tpu.memory_space<hbm>> -> memref<16x128xf32, #tpu.memory_space<hbm>>
          %dma_start3A_228 = arith.constant 0 : i32
          %dma_start3A_229 = arith.constant 0 : i32
          %dma_start3A_230 = tpu.memref_slice %arg14[%rem3A_218, %dma_start3A_228, %dma_start3A_229] : memref<2x16x128xf32, #tpu.memory_space<vmem>> -> memref<1x16x128xf32, #tpu.memory_space<vmem>>
          %dma_start3A_231 = tpu.memref_squeeze %dma_start3A_230 : memref<1x16x128xf32, #tpu.memory_space<vmem>> -> memref<16x128xf32, #tpu.memory_space<vmem>>
          %dma_start3A_232 = arith.constant 0 : i32
          %dma_start3A_233 = tpu.memref_slice %arg2[%dma_start3A_232, %multiple_of3A_221] : memref<16x1000000xf32, #tpu.memory_space<hbm>> -> memref<16x128xf32, #tpu.memory_space<hbm>>
          tpu.enqueue_dma source(%dma_start3A_233 : memref<16x128xf32, #tpu.memory_space<hbm>>) target(%dma_start3A_231 : memref<16x128xf32, #tpu.memory_space<vmem>>) target_semaphore(%arg17 : memref<!tpu.dma_semaphore, #tpu.memory_space<semaphore_mem>>)
        } else {
        }
        %dma_wait3A = arith.constant 0 : i32
        %dma_wait3A_180 = arith.constant 0 : i32
        %dma_wait3A_181 = arith.constant 0 : i32
        %dma_wait3A_182 = tpu.memref_slice %arg14[%dma_wait3A, %dma_wait3A_180, %dma_wait3A_181] : memref<2x16x128xf32, #tpu.memory_space<vmem>> -> memref<1x16x128xf32, #tpu.memory_space<vmem>>
        %dma_wait3A_183 = tpu.memref_squeeze %dma_wait3A_182 : memref<1x16x128xf32, #tpu.memory_space<vmem>> -> memref<16x128xf32, #tpu.memory_space<vmem>>
        %dma_wait3A_184 = arith.constant 0 : i32
        %dma_wait3A_185 = arith.constant 0 : i32
        %dma_wait3A_186 = tpu.memref_slice %arg2[%dma_wait3A_184, %dma_wait3A_185] : memref<16x1000000xf32, #tpu.memory_space<hbm>> -> memref<16x128xf32, #tpu.memory_space<hbm>>
        %dma_wait3A_187 = arith.constant 0 : i32
        %dma_wait3A_188 = arith.constant 0 : i32
        %dma_wait3A_189 = tpu.memref_slice %arg14[%dma_wait3A, %dma_wait3A_187, %dma_wait3A_188] : memref<2x16x128xf32, #tpu.memory_space<vmem>> -> memref<1x16x128xf32, #tpu.memory_space<vmem>>
        %dma_wait3A_190 = tpu.memref_squeeze %dma_wait3A_189 : memref<1x16x128xf32, #tpu.memory_space<vmem>> -> memref<16x128xf32, #tpu.memory_space<vmem>>
        %dma_wait3A_191 = arith.constant 0 : i32
        %dma_wait3A_192 = arith.constant 0 : i32
        %dma_wait3A_193 = tpu.memref_slice %arg2[%dma_wait3A_191, %dma_wait3A_192] : memref<16x1000000xf32, #tpu.memory_space<hbm>> -> memref<16x128xf32, #tpu.memory_space<hbm>>
        tpu.wait_dma2 semaphore(%arg17 : memref<!tpu.dma_semaphore, #tpu.memory_space<semaphore_mem>>) src(%dma_wait3A_193 : memref<16x128xf32, #tpu.memory_space<hbm>>) dst(%dma_wait3A_190 : memref<16x128xf32, #tpu.memory_space<vmem>>)
        %ge3A_194 = arith.constant 2 : i32
        %ge3A_195 = arith.cmpi sge, %add3A_168, %ge3A_194 : i32
        %convert_element_type3A_196 = arith.extui %ge3A_195 : i1 to i32
        %cond3A_197 = arith.constant 0 : i32
        %cond3A_198 = arith.cmpi ne, %convert_element_type3A_196, %cond3A_197 : i32
        scf.if %cond3A_198 {
          %dma_wait3A_213 = arith.constant 0 : i32
          %dma_wait3A_214 = arith.constant 0 : i32
          %dma_wait3A_215 = tpu.memref_slice %arg16[%dma_wait3A_213, %dma_wait3A_214] : memref<2x2048xf32, #tpu.memory_space<vmem>> -> memref<1x2048xf32, #tpu.memory_space<vmem>>
          %dma_wait3A_216 = tpu.memref_squeeze %dma_wait3A_215 : memref<1x2048xf32, #tpu.memory_space<vmem>> -> memref<2048xf32, #tpu.memory_space<vmem>>
          %dma_wait3A_217 = arith.constant 0 : i32
          %dma_wait3A_218 = tpu.memref_slice %arg10[%dma_wait3A_217] : memref<16000000xf32, #tpu.memory_space<hbm>> -> memref<2048xf32, #tpu.memory_space<hbm>>
          %dma_wait3A_219 = arith.constant 0 : i32
          %dma_wait3A_220 = tpu.memref_slice %arg16[%dma_wait3A_213, %dma_wait3A_219] : memref<2x2048xf32, #tpu.memory_space<vmem>> -> memref<1x2048xf32, #tpu.memory_space<vmem>>
          %dma_wait3A_221 = tpu.memref_squeeze %dma_wait3A_220 : memref<1x2048xf32, #tpu.memory_space<vmem>> -> memref<2048xf32, #tpu.memory_space<vmem>>
          %dma_wait3A_222 = arith.constant 0 : i32
          %dma_wait3A_223 = tpu.memref_slice %arg10[%dma_wait3A_222] : memref<16000000xf32, #tpu.memory_space<hbm>> -> memref<2048xf32, #tpu.memory_space<hbm>>
          tpu.wait_dma2 semaphore(%arg18 : memref<!tpu.dma_semaphore, #tpu.memory_space<semaphore_mem>>) src(%dma_wait3A_223 : memref<2048xf32, #tpu.memory_space<hbm>>) dst(%dma_wait3A_221 : memref<2048xf32, #tpu.memory_space<vmem>>)
        } else {
        }
        %parallel_loop3A = arith.constant 0 : i32
        %parallel_loop3A_199 = arith.constant 32 : i32
        %parallel_loop3A_200 = arith.constant 1 : i32
        scf.for %parallel_loop3A_213 = %parallel_loop3A to %parallel_loop3A_199 step %parallel_loop3A_200  : i32 {
          %parallel_loop3A_214 = arith.constant 0 : i32
          %parallel_loop3A_215 = arith.addi %parallel_loop3A_213, %parallel_loop3A_214 : i32
          %parallel_loop3A_216 = vector.broadcast %parallel_loop3A_215 : i32 to vector<16xi32>
          %parallel_loop3A_217 = arith.constant 0 : i32
          %parallel_loop3A_218 = arith.constant 0 : i32
          %parallel_loop3A_219 = tpu.memref_slice %arg14[%rem3A_173, %parallel_loop3A_217, %parallel_loop3A_218] : memref<2x16x128xf32, #tpu.memory_space<vmem>> -> memref<1x16x128xf32, #tpu.memory_space<vmem>>
          %parallel_loop3A_220 = tpu.memref_squeeze %parallel_loop3A_219 : memref<1x16x128xf32, #tpu.memory_space<vmem>> -> memref<16x128xf32, #tpu.memory_space<vmem>>
          %parallel_loop3A_221 = tpu.vector_load_idx %parallel_loop3A_220[%iota3A, %parallel_loop3A_216] : memref<16x128xf32, #tpu.memory_space<vmem>>[vector<16xi32>, vector<16xi32>], vector<16xf32>,
          %parallel_loop3A_222 = arith.constant 16 : i32
          %parallel_loop3A_223 = arith.muli %parallel_loop3A_215, %parallel_loop3A_222 : i32
          %parallel_loop3A_224 = arith.index_cast %rem3A_173 : i32 to index
          %parallel_loop3A_225 = arith.index_cast %parallel_loop3A_223 : i32 to index
          %parallel_loop3A_226 = tpu.vector_load %arg16[%parallel_loop3A_224, %parallel_loop3A_225] {strides = array<i32>} : memref<2x2048xf32, #tpu.memory_space<vmem>>, vector<16xf32>,
          tpu.vector_store %arg16[%parallel_loop3A_224, %parallel_loop3A_225], %parallel_loop3A_221 {strides = array<i32>} : memref<2x2048xf32, #tpu.memory_space<vmem>>, vector<16xf32>,
          %parallel_loop3A_227 = arith.constant 32 : i32
          %parallel_loop3A_228 = arith.addi %parallel_loop3A_213, %parallel_loop3A_227 : i32
          %parallel_loop3A_229 = vector.broadcast %parallel_loop3A_228 : i32 to vector<16xi32>
          %parallel_loop3A_230 = arith.constant 0 : i32
          %parallel_loop3A_231 = arith.constant 0 : i32
          %parallel_loop3A_232 = tpu.memref_slice %arg14[%rem3A_173, %parallel_loop3A_230, %parallel_loop3A_231] : memref<2x16x128xf32, #tpu.memory_space<vmem>> -> memref<1x16x128xf32, #tpu.memory_space<vmem>>
          %parallel_loop3A_233 = tpu.memref_squeeze %parallel_loop3A_232 : memref<1x16x128xf32, #tpu.memory_space<vmem>> -> memref<16x128xf32, #tpu.memory_space<vmem>>
          %parallel_loop3A_234 = tpu.vector_load_idx %parallel_loop3A_233[%iota3A, %parallel_loop3A_229] : memref<16x128xf32, #tpu.memory_space<vmem>>[vector<16xi32>, vector<16xi32>], vector<16xf32>,
          %parallel_loop3A_235 = arith.constant 16 : i32
          %parallel_loop3A_236 = arith.muli %parallel_loop3A_228, %parallel_loop3A_235 : i32
          %parallel_loop3A_237 = arith.index_cast %rem3A_173 : i32 to index
          %parallel_loop3A_238 = arith.index_cast %parallel_loop3A_236 : i32 to index
          %parallel_loop3A_239 = tpu.vector_load %arg16[%parallel_loop3A_237, %parallel_loop3A_238] {strides = array<i32>} : memref<2x2048xf32, #tpu.memory_space<vmem>>, vector<16xf32>,
          tpu.vector_store %arg16[%parallel_loop3A_237, %parallel_loop3A_238], %parallel_loop3A_234 {strides = array<i32>} : memref<2x2048xf32, #tpu.memory_space<vmem>>, vector<16xf32>,
          %parallel_loop3A_240 = arith.constant 64 : i32
          %parallel_loop3A_241 = arith.addi %parallel_loop3A_213, %parallel_loop3A_240 : i32
          %parallel_loop3A_242 = vector.broadcast %parallel_loop3A_241 : i32 to vector<16xi32>
          %parallel_loop3A_243 = arith.constant 0 : i32
          %parallel_loop3A_244 = arith.constant 0 : i32
          %parallel_loop3A_245 = tpu.memref_slice %arg14[%rem3A_173, %parallel_loop3A_243, %parallel_loop3A_244] : memref<2x16x128xf32, #tpu.memory_space<vmem>> -> memref<1x16x128xf32, #tpu.memory_space<vmem>>
          %parallel_loop3A_246 = tpu.memref_squeeze %parallel_loop3A_245 : memref<1x16x128xf32, #tpu.memory_space<vmem>> -> memref<16x128xf32, #tpu.memory_space<vmem>>
          %parallel_loop3A_247 = tpu.vector_load_idx %parallel_loop3A_246[%iota3A, %parallel_loop3A_242] : memref<16x128xf32, #tpu.memory_space<vmem>>[vector<16xi32>, vector<16xi32>], vector<16xf32>,
          %parallel_loop3A_248 = arith.constant 16 : i32
          %parallel_loop3A_249 = arith.muli %parallel_loop3A_241, %parallel_loop3A_248 : i32
          %parallel_loop3A_250 = arith.index_cast %rem3A_173 : i32 to index
          %parallel_loop3A_251 = arith.index_cast %parallel_loop3A_249 : i32 to index
          %parallel_loop3A_252 = tpu.vector_load %arg16[%parallel_loop3A_250, %parallel_loop3A_251] {strides = array<i32>} : memref<2x2048xf32, #tpu.memory_space<vmem>>, vector<16xf32>,
          tpu.vector_store %arg16[%parallel_loop3A_250, %parallel_loop3A_251], %parallel_loop3A_247 {strides = array<i32>} : memref<2x2048xf32, #tpu.memory_space<vmem>>, vector<16xf32>,
          %parallel_loop3A_253 = arith.constant 96 : i32
          %parallel_loop3A_254 = arith.addi %parallel_loop3A_213, %parallel_loop3A_253 : i32
          %parallel_loop3A_255 = vector.broadcast %parallel_loop3A_254 : i32 to vector<16xi32>
          %parallel_loop3A_256 = arith.constant 0 : i32
          %parallel_loop3A_257 = arith.constant 0 : i32
          %parallel_loop3A_258 = tpu.memref_slice %arg14[%rem3A_173, %parallel_loop3A_256, %parallel_loop3A_257] : memref<2x16x128xf32, #tpu.memory_space<vmem>> -> memref<1x16x128xf32, #tpu.memory_space<vmem>>
          %parallel_loop3A_259 = tpu.memref_squeeze %parallel_loop3A_258 : memref<1x16x128xf32, #tpu.memory_space<vmem>> -> memref<16x128xf32, #tpu.memory_space<vmem>>
          %parallel_loop3A_260 = tpu.vector_load_idx %parallel_loop3A_259[%iota3A, %parallel_loop3A_255] : memref<16x128xf32, #tpu.memory_space<vmem>>[vector<16xi32>, vector<16xi32>], vector<16xf32>,
          %parallel_loop3A_261 = arith.constant 16 : i32
          %parallel_loop3A_262 = arith.muli %parallel_loop3A_254, %parallel_loop3A_261 : i32
          %parallel_loop3A_263 = arith.index_cast %rem3A_173 : i32 to index
          %parallel_loop3A_264 = arith.index_cast %parallel_loop3A_262 : i32 to index
          %parallel_loop3A_265 = tpu.vector_load %arg16[%parallel_loop3A_263, %parallel_loop3A_264] {strides = array<i32>} : memref<2x2048xf32, #tpu.memory_space<vmem>>, vector<16xf32>,
          tpu.vector_store %arg16[%parallel_loop3A_263, %parallel_loop3A_264], %parallel_loop3A_260 {strides = array<i32>} : memref<2x2048xf32, #tpu.memory_space<vmem>>, vector<16xf32>,
        } {sc.loop_unroll_factor = 4 : i64, sc.parallel_access}
        %mul3A_201 = arith.constant 128 : i32
        %mul3A_202 = arith.muli %add3A_169, %mul3A_201 : i32
        %mul3A_203 = arith.constant 16 : i32
        %mul3A_204 = arith.muli %mul3A_202, %mul3A_203 : i32
        %dma_start3A_205 = arith.constant 0 : i32
        %dma_start3A_206 = tpu.memref_slice %arg16[%rem3A_173, %dma_start3A_205] : memref<2x2048xf32, #tpu.memory_space<vmem>> -> memref<1x2048xf32, #tpu.memory_space<vmem>>
        %dma_start3A_207 = tpu.memref_squeeze %dma_start3A_206 : memref<1x2048xf32, #tpu.memory_space<vmem>> -> memref<2048xf32, #tpu.memory_space<vmem>>
        %dma_start3A_208 = tpu.memref_slice %arg10[%mul3A_204] : memref<16000000xf32, #tpu.memory_space<hbm>> -> memref<2048xf32, #tpu.memory_space<hbm>>
        %dma_start3A_209 = tpu.memref_slice %arg10[%mul3A_204] : memref<16000000xf32, #tpu.memory_space<hbm>> -> memref<2048xf32, #tpu.memory_space<hbm>>
        %dma_start3A_210 = arith.constant 0 : i32
        %dma_start3A_211 = tpu.memref_slice %arg16[%rem3A_173, %dma_start3A_210] : memref<2x2048xf32, #tpu.memory_space<vmem>> -> memref<1x2048xf32, #tpu.memory_space<vmem>>
        %dma_start3A_212 = tpu.memref_squeeze %dma_start3A_211 : memref<1x2048xf32, #tpu.memory_space<vmem>> -> memref<2048xf32, #tpu.memory_space<vmem>>
        tpu.enqueue_dma source(%dma_start3A_212 : memref<2048xf32, #tpu.memory_space<vmem>>) target(%dma_start3A_209 : memref<2048xf32, #tpu.memory_space<hbm>>) target_semaphore(%arg18 : memref<!tpu.dma_semaphore, #tpu.memory_space<semaphore_mem>>)
      } else {
      }
    }
    %scan3A_23 = arith.constant 245 : i32
    %sub3A = arith.subi %min3A_5, %mul3A_2 : i32
    %ge3A = arith.constant 1 : i32
    %ge3A_24 = arith.cmpi sge, %sub3A, %ge3A : i32
    %convert_element_type3A = arith.extui %ge3A_24 : i1 to i32
    %cond3A = arith.constant 0 : i32
    %cond3A_25 = arith.cmpi ne, %convert_element_type3A, %cond3A : i32
    scf.if %cond3A_25 {
      %dma_wait3A = arith.constant 0 : i32
      %dma_wait3A_164 = arith.constant 0 : i32
      %dma_wait3A_165 = tpu.memref_slice %arg16[%dma_wait3A, %dma_wait3A_164] : memref<2x2048xf32, #tpu.memory_space<vmem>> -> memref<1x2048xf32, #tpu.memory_space<vmem>>
      %dma_wait3A_166 = tpu.memref_squeeze %dma_wait3A_165 : memref<1x2048xf32, #tpu.memory_space<vmem>> -> memref<2048xf32, #tpu.memory_space<vmem>>
      %dma_wait3A_167 = arith.constant 0 : i32
      %dma_wait3A_168 = tpu.memref_slice %arg10[%dma_wait3A_167] : memref<16000000xf32, #tpu.memory_space<hbm>> -> memref<2048xf32, #tpu.memory_space<hbm>>
      %dma_wait3A_169 = arith.constant 0 : i32
      %dma_wait3A_170 = tpu.memref_slice %arg16[%dma_wait3A, %dma_wait3A_169] : memref<2x2048xf32, #tpu.memory_space<vmem>> -> memref<1x2048xf32, #tpu.memory_space<vmem>>
      %dma_wait3A_171 = tpu.memref_squeeze %dma_wait3A_170 : memref<1x2048xf32, #tpu.memory_space<vmem>> -> memref<2048xf32, #tpu.memory_space<vmem>>
      %dma_wait3A_172 = arith.constant 0 : i32
      %dma_wait3A_173 = tpu.memref_slice %arg10[%dma_wait3A_172] : memref<16000000xf32, #tpu.memory_space<hbm>> -> memref<2048xf32, #tpu.memory_space<hbm>>
      tpu.wait_dma2 semaphore(%arg18 : memref<!tpu.dma_semaphore, #tpu.memory_space<semaphore_mem>>) src(%dma_wait3A_173 : memref<2048xf32, #tpu.memory_space<hbm>>) dst(%dma_wait3A_171 : memref<2048xf32, #tpu.memory_space<vmem>>)
    } else {
    }
    %ge3A_26 = arith.constant 2 : i32
    %ge3A_27 = arith.cmpi sge, %sub3A, %ge3A_26 : i32
    %convert_element_type3A_28 = arith.extui %ge3A_27 : i1 to i32
    %cond3A_29 = arith.constant 0 : i32
    %cond3A_30 = arith.cmpi ne, %convert_element_type3A_28, %cond3A_29 : i32
    scf.if %cond3A_30 {
      %dma_wait3A = arith.constant 0 : i32
      %dma_wait3A_164 = arith.constant 0 : i32
      %dma_wait3A_165 = tpu.memref_slice %arg16[%dma_wait3A, %dma_wait3A_164] : memref<2x2048xf32, #tpu.memory_space<vmem>> -> memref<1x2048xf32, #tpu.memory_space<vmem>>
      %dma_wait3A_166 = tpu.memref_squeeze %dma_wait3A_165 : memref<1x2048xf32, #tpu.memory_space<vmem>> -> memref<2048xf32, #tpu.memory_space<vmem>>
      %dma_wait3A_167 = arith.constant 0 : i32
      %dma_wait3A_168 = tpu.memref_slice %arg10[%dma_wait3A_167] : memref<16000000xf32, #tpu.memory_space<hbm>> -> memref<2048xf32, #tpu.memory_space<hbm>>
      %dma_wait3A_169 = arith.constant 0 : i32
      %dma_wait3A_170 = tpu.memref_slice %arg16[%dma_wait3A, %dma_wait3A_169] : memref<2x2048xf32, #tpu.memory_space<vmem>> -> memref<1x2048xf32, #tpu.memory_space<vmem>>
      %dma_wait3A_171 = tpu.memref_squeeze %dma_wait3A_170 : memref<1x2048xf32, #tpu.memory_space<vmem>> -> memref<2048xf32, #tpu.memory_space<vmem>>
      %dma_wait3A_172 = arith.constant 0 : i32
      %dma_wait3A_173 = tpu.memref_slice %arg10[%dma_wait3A_172] : memref<16000000xf32, #tpu.memory_space<hbm>> -> memref<2048xf32, #tpu.memory_space<hbm>>
      tpu.wait_dma2 semaphore(%arg18 : memref<!tpu.dma_semaphore, #tpu.memory_space<semaphore_mem>>) src(%dma_wait3A_173 : memref<2048xf32, #tpu.memory_space<hbm>>) dst(%dma_wait3A_171 : memref<2048xf32, #tpu.memory_space<vmem>>)
    } else {
    }
    %eq3A = arith.constant 0 : i32
    %eq3A_31 = arith.cmpi eq, %add3A, %eq3A : i32
    %convert_element_type3A_32 = arith.extui %eq3A_31 : i1 to i32
    %cond3A_33 = arith.constant 0 : i32
    %cond3A_34 = arith.cmpi ne, %convert_element_type3A_32, %cond3A_33 : i32
    scf.if %cond3A_34 {
      "tpu.region"() ({
        %run_scoped3A_166 = tpu.sem_alloc : memref<!tpu.dma_semaphore, #tpu.memory_space<semaphore_mem>>
        tpu.enqueue_dma source(%arg6 : memref<16x64xf32, #tpu.memory_space<hbm>>) target(%arg15 : memref<16x64xf32, #tpu.memory_space<vmem>>) target_semaphore(%run_scoped3A_166 : memref<!tpu.dma_semaphore, #tpu.memory_space<semaphore_mem>>)
        tpu.wait_dma2 semaphore(%run_scoped3A_166 : memref<!tpu.dma_semaphore, #tpu.memory_space<semaphore_mem>>) src(%arg6 : memref<16x64xf32, #tpu.memory_space<hbm>>) dst(%arg15 : memref<16x64xf32, #tpu.memory_space<vmem>>)
        tpu.yield
      }) : () -> ()
      %parallel_loop3A = arith.constant 0 : i32
      %parallel_loop3A_164 = arith.constant 64 : i32
      %parallel_loop3A_165 = arith.constant 1 : i32
      scf.for %parallel_loop3A_166 = %parallel_loop3A to %parallel_loop3A_164 step %parallel_loop3A_165  : i32 {
        %parallel_loop3A_167 = vector.broadcast %parallel_loop3A_166 : i32 to vector<16xi32>
        %parallel_loop3A_168 = tpu.vector_load_idx %arg15[%iota3A, %parallel_loop3A_167] : memref<16x64xf32, #tpu.memory_space<vmem>>[vector<16xi32>, vector<16xi32>], vector<16xf32>,
        %parallel_loop3A_169 = arith.constant 16 : i32
        %parallel_loop3A_170 = arith.muli %parallel_loop3A_166, %parallel_loop3A_169 : i32
        %parallel_loop3A_171 = arith.constant 0 : i32
        %parallel_loop3A_172 = arith.index_cast %parallel_loop3A_171 : i32 to index
        %parallel_loop3A_173 = arith.index_cast %parallel_loop3A_170 : i32 to index
        %parallel_loop3A_174 = tpu.vector_load %arg16[%parallel_loop3A_172, %parallel_loop3A_173] {strides = array<i32>} : memref<2x2048xf32, #tpu.memory_space<vmem>>, vector<16xf32>,
        tpu.vector_store %arg16[%parallel_loop3A_172, %parallel_loop3A_173], %parallel_loop3A_168 {strides = array<i32>} : memref<2x2048xf32, #tpu.memory_space<vmem>>, vector<16xf32>,
      } {sc.loop_unroll_factor = 16 : i64, sc.parallel_access}
      %run_scoped3A = arith.constant 0 : i32
      "tpu.region"() ({
        %run_scoped3A_166 = tpu.sem_alloc : memref<!tpu.dma_semaphore, #tpu.memory_space<semaphore_mem>>
        %dma_start3A_167 = arith.constant 0 : i32
        %dma_start3A_168 = tpu.memref_slice %arg16[%run_scoped3A, %dma_start3A_167] : memref<2x2048xf32, #tpu.memory_space<vmem>> -> memref<1x1024xf32, #tpu.memory_space<vmem>>
        %dma_start3A_169 = tpu.memref_squeeze %dma_start3A_168 : memref<1x1024xf32, #tpu.memory_space<vmem>> -> memref<1024xf32, #tpu.memory_space<vmem>>
        %dma_start3A_170 = arith.constant 15998976 : i32
        %dma_start3A_171 = tpu.memref_slice %arg10[%dma_start3A_170] : memref<16000000xf32, #tpu.memory_space<hbm>> -> memref<1024xf32, #tpu.memory_space<hbm>>
        %dma_start3A_172 = arith.constant 15998976 : i32
        %dma_start3A_173 = tpu.memref_slice %arg10[%dma_start3A_172] : memref<16000000xf32, #tpu.memory_space<hbm>> -> memref<1024xf32, #tpu.memory_space<hbm>>
        %dma_start3A_174 = arith.constant 0 : i32
        %dma_start3A_175 = tpu.memref_slice %arg16[%run_scoped3A, %dma_start3A_174] : memref<2x2048xf32, #tpu.memory_space<vmem>> -> memref<1x1024xf32, #tpu.memory_space<vmem>>
        %dma_start3A_176 = tpu.memref_squeeze %dma_start3A_175 : memref<1x1024xf32, #tpu.memory_space<vmem>> -> memref<1024xf32, #tpu.memory_space<vmem>>
        tpu.enqueue_dma source(%dma_start3A_176 : memref<1024xf32, #tpu.memory_space<vmem>>) target(%dma_start3A_173 : memref<1024xf32, #tpu.memory_space<hbm>>) target_semaphore(%run_scoped3A_166 : memref<!tpu.dma_semaphore, #tpu.memory_space<semaphore_mem>>)
        %dma_wait3A = arith.constant 0 : i32
        %dma_wait3A_177 = tpu.memref_slice %arg16[%run_scoped3A, %dma_wait3A] : memref<2x2048xf32, #tpu.memory_space<vmem>> -> memref<1x1024xf32, #tpu.memory_space<vmem>>
        %dma_wait3A_178 = tpu.memref_squeeze %dma_wait3A_177 : memref<1x1024xf32, #tpu.memory_space<vmem>> -> memref<1024xf32, #tpu.memory_space<vmem>>
        %dma_wait3A_179 = arith.constant 15998976 : i32
        %dma_wait3A_180 = tpu.memref_slice %arg10[%dma_wait3A_179] : memref<16000000xf32, #tpu.memory_space<hbm>> -> memref<1024xf32, #tpu.memory_space<hbm>>
        %dma_wait3A_181 = arith.constant 15998976 : i32
        %dma_wait3A_182 = tpu.memref_slice %arg10[%dma_wait3A_181] : memref<16000000xf32, #tpu.memory_space<hbm>> -> memref<1024xf32, #tpu.memory_space<hbm>>
        %dma_wait3A_183 = arith.constant 0 : i32
        %dma_wait3A_184 = tpu.memref_slice %arg16[%run_scoped3A, %dma_wait3A_183] : memref<2x2048xf32, #tpu.memory_space<vmem>> -> memref<1x1024xf32, #tpu.memory_space<vmem>>
        %dma_wait3A_185 = tpu.memref_squeeze %dma_wait3A_184 : memref<1x1024xf32, #tpu.memory_space<vmem>> -> memref<1024xf32, #tpu.memory_space<vmem>>
        tpu.wait_dma2 semaphore(%run_scoped3A_166 : memref<!tpu.dma_semaphore, #tpu.memory_space<semaphore_mem>>) src(%dma_wait3A_185 : memref<1024xf32, #tpu.memory_space<vmem>>) dst(%dma_wait3A_182 : memref<1024xf32, #tpu.memory_space<hbm>>)
        tpu.yield
      }) : () -> ()
    } else {
    }
    %mul3A_35 = arith.constant 245 : i32
    %mul3A_36 = arith.muli %add3A, %mul3A_35 : i32
    %add3A_37 = arith.constant 245 : i32
    %add3A_38 = arith.addi %mul3A_36, %add3A_37 : i32
    %min3A_39 = arith.constant 7812 : i32
    %min3A_40 = arith.minsi %add3A_38, %min3A_39 : i32
    %mul3A_41 = arith.constant 128 : i32
    %mul3A_42 = arith.muli %mul3A_36, %mul3A_41 : i32
    %multiple_of3A_43 = tpu.assume_multiple %mul3A_42, 128 : i32
    %dma_start3A_44 = arith.constant 0 : i32
    %dma_start3A_45 = arith.constant 0 : i32
    %dma_start3A_46 = arith.constant 0 : i32
    %dma_start3A_47 = tpu.memref_slice %arg14[%dma_start3A_44, %dma_start3A_45, %dma_start3A_46] : memref<2x16x128xf32, #tpu.memory_space<vmem>> -> memref<1x16x128xf32, #tpu.memory_space<vmem>>
    %dma_start3A_48 = tpu.memref_squeeze %dma_start3A_47 : memref<1x16x128xf32, #tpu.memory_space<vmem>> -> memref<16x128xf32, #tpu.memory_space<vmem>>
    %dma_start3A_49 = arith.constant 0 : i32
    %dma_start3A_50 = tpu.memref_slice %arg3[%dma_start3A_49, %multiple_of3A_43] : memref<16x1000000xf32, #tpu.memory_space<hbm>> -> memref<16x128xf32, #tpu.memory_space<hbm>>
    %dma_start3A_51 = arith.constant 0 : i32
    %dma_start3A_52 = arith.constant 0 : i32
    %dma_start3A_53 = tpu.memref_slice %arg14[%dma_start3A_44, %dma_start3A_51, %dma_start3A_52] : memref<2x16x128xf32, #tpu.memory_space<vmem>> -> memref<1x16x128xf32, #tpu.memory_space<vmem>>
    %dma_start3A_54 = tpu.memref_squeeze %dma_start3A_53 : memref<1x16x128xf32, #tpu.memory_space<vmem>> -> memref<16x128xf32, #tpu.memory_space<vmem>>
    %dma_start3A_55 = arith.constant 0 : i32
    %dma_start3A_56 = tpu.memref_slice %arg3[%dma_start3A_55, %multiple_of3A_43] : memref<16x1000000xf32, #tpu.memory_space<hbm>> -> memref<16x128xf32, #tpu.memory_space<hbm>>
    tpu.enqueue_dma source(%dma_start3A_56 : memref<16x128xf32, #tpu.memory_space<hbm>>) target(%dma_start3A_54 : memref<16x128xf32, #tpu.memory_space<vmem>>) target_semaphore(%arg17 : memref<!tpu.dma_semaphore, #tpu.memory_space<semaphore_mem>>)
    %scan3A_57 = arith.constant 0 : i32
    %scan3A_58 = arith.constant 245 : i32
    %scan3A_59 = arith.addi %scan3A_57, %scan3A_58 : i32
    %scan3A_60 = arith.constant 1 : i32
    scf.for %scan3A_164 = %scan3A_57 to %scan3A_59 step %scan3A_60  : i32 {
      %mul3A_165 = arith.constant 1 : i32
      %mul3A_166 = arith.muli %scan3A_164, %mul3A_165 : i32
      %add3A_167 = arith.constant 0 : i32
      %add3A_168 = arith.addi %add3A_167, %mul3A_166 : i32
      %add3A_169 = arith.addi %mul3A_36, %add3A_168 : i32
      %lt3A = arith.cmpi slt, %add3A_169, %min3A_40 : i32
      %convert_element_type3A_170 = arith.extui %lt3A : i1 to i32
      %cond3A_171 = arith.constant 0 : i32
      %cond3A_172 = arith.cmpi ne, %convert_element_type3A_170, %cond3A_171 : i32
      scf.if %cond3A_172 {
        %rem3A = arith.constant 2 : i32
        %rem3A_173 = arith.remsi %add3A_168, %rem3A : i32
        %add3A_174 = arith.constant 1 : i32
        %add3A_175 = arith.addi %add3A_169, %add3A_174 : i32
        %lt3A_176 = arith.cmpi slt, %add3A_175, %min3A_40 : i32
        %convert_element_type3A_177 = arith.extui %lt3A_176 : i1 to i32
        %cond3A_178 = arith.constant 0 : i32
        %cond3A_179 = arith.cmpi ne, %convert_element_type3A_177, %cond3A_178 : i32
        scf.if %cond3A_179 {
          %add3A_213 = arith.constant 1 : i32
          %add3A_214 = arith.addi %add3A_169, %add3A_213 : i32
          %add3A_215 = arith.constant 1 : i32
          %add3A_216 = arith.addi %add3A_168, %add3A_215 : i32
          %rem3A_217 = arith.constant 2 : i32
          %rem3A_218 = arith.remsi %add3A_216, %rem3A_217 : i32
          %mul3A_219 = arith.constant 128 : i32
          %mul3A_220 = arith.muli %add3A_214, %mul3A_219 : i32
          %multiple_of3A_221 = tpu.assume_multiple %mul3A_220, 128 : i32
          %dma_start3A_222 = arith.constant 0 : i32
          %dma_start3A_223 = arith.constant 0 : i32
          %dma_start3A_224 = tpu.memref_slice %arg14[%rem3A_218, %dma_start3A_222, %dma_start3A_223] : memref<2x16x128xf32, #tpu.memory_space<vmem>> -> memref<1x16x128xf32, #tpu.memory_space<vmem>>
          %dma_start3A_225 = tpu.memref_squeeze %dma_start3A_224 : memref<1x16x128xf32, #tpu.memory_space<vmem>> -> memref<16x128xf32, #tpu.memory_space<vmem>>
          %dma_start3A_226 = arith.constant 0 : i32
          %dma_start3A_227 = tpu.memref_slice %arg3[%dma_start3A_226, %multiple_of3A_221] : memref<16x1000000xf32, #tpu.memory_space<hbm>> -> memref<16x128xf32, #tpu.memory_space<hbm>>
          %dma_start3A_228 = arith.constant 0 : i32
          %dma_start3A_229 = arith.constant 0 : i32
          %dma_start3A_230 = tpu.memref_slice %arg14[%rem3A_218, %dma_start3A_228, %dma_start3A_229] : memref<2x16x128xf32, #tpu.memory_space<vmem>> -> memref<1x16x128xf32, #tpu.memory_space<vmem>>
          %dma_start3A_231 = tpu.memref_squeeze %dma_start3A_230 : memref<1x16x128xf32, #tpu.memory_space<vmem>> -> memref<16x128xf32, #tpu.memory_space<vmem>>
          %dma_start3A_232 = arith.constant 0 : i32
          %dma_start3A_233 = tpu.memref_slice %arg3[%dma_start3A_232, %multiple_of3A_221] : memref<16x1000000xf32, #tpu.memory_space<hbm>> -> memref<16x128xf32, #tpu.memory_space<hbm>>
          tpu.enqueue_dma source(%dma_start3A_233 : memref<16x128xf32, #tpu.memory_space<hbm>>) target(%dma_start3A_231 : memref<16x128xf32, #tpu.memory_space<vmem>>) target_semaphore(%arg17 : memref<!tpu.dma_semaphore, #tpu.memory_space<semaphore_mem>>)
        } else {
        }
        %dma_wait3A = arith.constant 0 : i32
        %dma_wait3A_180 = arith.constant 0 : i32
        %dma_wait3A_181 = arith.constant 0 : i32
        %dma_wait3A_182 = tpu.memref_slice %arg14[%dma_wait3A, %dma_wait3A_180, %dma_wait3A_181] : memref<2x16x128xf32, #tpu.memory_space<vmem>> -> memref<1x16x128xf32, #tpu.memory_space<vmem>>
        %dma_wait3A_183 = tpu.memref_squeeze %dma_wait3A_182 : memref<1x16x128xf32, #tpu.memory_space<vmem>> -> memref<16x128xf32, #tpu.memory_space<vmem>>
        %dma_wait3A_184 = arith.constant 0 : i32
        %dma_wait3A_185 = arith.constant 0 : i32
        %dma_wait3A_186 = tpu.memref_slice %arg3[%dma_wait3A_184, %dma_wait3A_185] : memref<16x1000000xf32, #tpu.memory_space<hbm>> -> memref<16x128xf32, #tpu.memory_space<hbm>>
        %dma_wait3A_187 = arith.constant 0 : i32
        %dma_wait3A_188 = arith.constant 0 : i32
        %dma_wait3A_189 = tpu.memref_slice %arg14[%dma_wait3A, %dma_wait3A_187, %dma_wait3A_188] : memref<2x16x128xf32, #tpu.memory_space<vmem>> -> memref<1x16x128xf32, #tpu.memory_space<vmem>>
        %dma_wait3A_190 = tpu.memref_squeeze %dma_wait3A_189 : memref<1x16x128xf32, #tpu.memory_space<vmem>> -> memref<16x128xf32, #tpu.memory_space<vmem>>
        %dma_wait3A_191 = arith.constant 0 : i32
        %dma_wait3A_192 = arith.constant 0 : i32
        %dma_wait3A_193 = tpu.memref_slice %arg3[%dma_wait3A_191, %dma_wait3A_192] : memref<16x1000000xf32, #tpu.memory_space<hbm>> -> memref<16x128xf32, #tpu.memory_space<hbm>>
        tpu.wait_dma2 semaphore(%arg17 : memref<!tpu.dma_semaphore, #tpu.memory_space<semaphore_mem>>) src(%dma_wait3A_193 : memref<16x128xf32, #tpu.memory_space<hbm>>) dst(%dma_wait3A_190 : memref<16x128xf32, #tpu.memory_space<vmem>>)
        %ge3A_194 = arith.constant 2 : i32
        %ge3A_195 = arith.cmpi sge, %add3A_168, %ge3A_194 : i32
        %convert_element_type3A_196 = arith.extui %ge3A_195 : i1 to i32
        %cond3A_197 = arith.constant 0 : i32
        %cond3A_198 = arith.cmpi ne, %convert_element_type3A_196, %cond3A_197 : i32
        scf.if %cond3A_198 {
          %dma_wait3A_213 = arith.constant 0 : i32
          %dma_wait3A_214 = arith.constant 0 : i32
          %dma_wait3A_215 = tpu.memref_slice %arg16[%dma_wait3A_213, %dma_wait3A_214] : memref<2x2048xf32, #tpu.memory_space<vmem>> -> memref<1x2048xf32, #tpu.memory_space<vmem>>
          %dma_wait3A_216 = tpu.memref_squeeze %dma_wait3A_215 : memref<1x2048xf32, #tpu.memory_space<vmem>> -> memref<2048xf32, #tpu.memory_space<vmem>>
          %dma_wait3A_217 = arith.constant 0 : i32
          %dma_wait3A_218 = tpu.memref_slice %arg11[%dma_wait3A_217] : memref<16000000xf32, #tpu.memory_space<hbm>> -> memref<2048xf32, #tpu.memory_space<hbm>>
          %dma_wait3A_219 = arith.constant 0 : i32
          %dma_wait3A_220 = tpu.memref_slice %arg16[%dma_wait3A_213, %dma_wait3A_219] : memref<2x2048xf32, #tpu.memory_space<vmem>> -> memref<1x2048xf32, #tpu.memory_space<vmem>>
          %dma_wait3A_221 = tpu.memref_squeeze %dma_wait3A_220 : memref<1x2048xf32, #tpu.memory_space<vmem>> -> memref<2048xf32, #tpu.memory_space<vmem>>
          %dma_wait3A_222 = arith.constant 0 : i32
          %dma_wait3A_223 = tpu.memref_slice %arg11[%dma_wait3A_222] : memref<16000000xf32, #tpu.memory_space<hbm>> -> memref<2048xf32, #tpu.memory_space<hbm>>
          tpu.wait_dma2 semaphore(%arg18 : memref<!tpu.dma_semaphore, #tpu.memory_space<semaphore_mem>>) src(%dma_wait3A_223 : memref<2048xf32, #tpu.memory_space<hbm>>) dst(%dma_wait3A_221 : memref<2048xf32, #tpu.memory_space<vmem>>)
        } else {
        }
        %parallel_loop3A = arith.constant 0 : i32
        %parallel_loop3A_199 = arith.constant 32 : i32
        %parallel_loop3A_200 = arith.constant 1 : i32
        scf.for %parallel_loop3A_213 = %parallel_loop3A to %parallel_loop3A_199 step %parallel_loop3A_200  : i32 {
          %parallel_loop3A_214 = arith.constant 0 : i32
          %parallel_loop3A_215 = arith.addi %parallel_loop3A_213, %parallel_loop3A_214 : i32
          %parallel_loop3A_216 = vector.broadcast %parallel_loop3A_215 : i32 to vector<16xi32>
          %parallel_loop3A_217 = arith.constant 0 : i32
          %parallel_loop3A_218 = arith.constant 0 : i32
          %parallel_loop3A_219 = tpu.memref_slice %arg14[%rem3A_173, %parallel_loop3A_217, %parallel_loop3A_218] : memref<2x16x128xf32, #tpu.memory_space<vmem>> -> memref<1x16x128xf32, #tpu.memory_space<vmem>>
          %parallel_loop3A_220 = tpu.memref_squeeze %parallel_loop3A_219 : memref<1x16x128xf32, #tpu.memory_space<vmem>> -> memref<16x128xf32, #tpu.memory_space<vmem>>
          %parallel_loop3A_221 = tpu.vector_load_idx %parallel_loop3A_220[%iota3A, %parallel_loop3A_216] : memref<16x128xf32, #tpu.memory_space<vmem>>[vector<16xi32>, vector<16xi32>], vector<16xf32>,
          %parallel_loop3A_222 = arith.constant 16 : i32
          %parallel_loop3A_223 = arith.muli %parallel_loop3A_215, %parallel_loop3A_222 : i32
          %parallel_loop3A_224 = arith.index_cast %rem3A_173 : i32 to index
          %parallel_loop3A_225 = arith.index_cast %parallel_loop3A_223 : i32 to index
          %parallel_loop3A_226 = tpu.vector_load %arg16[%parallel_loop3A_224, %parallel_loop3A_225] {strides = array<i32>} : memref<2x2048xf32, #tpu.memory_space<vmem>>, vector<16xf32>,
          tpu.vector_store %arg16[%parallel_loop3A_224, %parallel_loop3A_225], %parallel_loop3A_221 {strides = array<i32>} : memref<2x2048xf32, #tpu.memory_space<vmem>>, vector<16xf32>,
          %parallel_loop3A_227 = arith.constant 32 : i32
          %parallel_loop3A_228 = arith.addi %parallel_loop3A_213, %parallel_loop3A_227 : i32
          %parallel_loop3A_229 = vector.broadcast %parallel_loop3A_228 : i32 to vector<16xi32>
          %parallel_loop3A_230 = arith.constant 0 : i32
          %parallel_loop3A_231 = arith.constant 0 : i32
          %parallel_loop3A_232 = tpu.memref_slice %arg14[%rem3A_173, %parallel_loop3A_230, %parallel_loop3A_231] : memref<2x16x128xf32, #tpu.memory_space<vmem>> -> memref<1x16x128xf32, #tpu.memory_space<vmem>>
          %parallel_loop3A_233 = tpu.memref_squeeze %parallel_loop3A_232 : memref<1x16x128xf32, #tpu.memory_space<vmem>> -> memref<16x128xf32, #tpu.memory_space<vmem>>
          %parallel_loop3A_234 = tpu.vector_load_idx %parallel_loop3A_233[%iota3A, %parallel_loop3A_229] : memref<16x128xf32, #tpu.memory_space<vmem>>[vector<16xi32>, vector<16xi32>], vector<16xf32>,
          %parallel_loop3A_235 = arith.constant 16 : i32
          %parallel_loop3A_236 = arith.muli %parallel_loop3A_228, %parallel_loop3A_235 : i32
          %parallel_loop3A_237 = arith.index_cast %rem3A_173 : i32 to index
          %parallel_loop3A_238 = arith.index_cast %parallel_loop3A_236 : i32 to index
          %parallel_loop3A_239 = tpu.vector_load %arg16[%parallel_loop3A_237, %parallel_loop3A_238] {strides = array<i32>} : memref<2x2048xf32, #tpu.memory_space<vmem>>, vector<16xf32>,
          tpu.vector_store %arg16[%parallel_loop3A_237, %parallel_loop3A_238], %parallel_loop3A_234 {strides = array<i32>} : memref<2x2048xf32, #tpu.memory_space<vmem>>, vector<16xf32>,
          %parallel_loop3A_240 = arith.constant 64 : i32
          %parallel_loop3A_241 = arith.addi %parallel_loop3A_213, %parallel_loop3A_240 : i32
          %parallel_loop3A_242 = vector.broadcast %parallel_loop3A_241 : i32 to vector<16xi32>
          %parallel_loop3A_243 = arith.constant 0 : i32
          %parallel_loop3A_244 = arith.constant 0 : i32
          %parallel_loop3A_245 = tpu.memref_slice %arg14[%rem3A_173, %parallel_loop3A_243, %parallel_loop3A_244] : memref<2x16x128xf32, #tpu.memory_space<vmem>> -> memref<1x16x128xf32, #tpu.memory_space<vmem>>
          %parallel_loop3A_246 = tpu.memref_squeeze %parallel_loop3A_245 : memref<1x16x128xf32, #tpu.memory_space<vmem>> -> memref<16x128xf32, #tpu.memory_space<vmem>>
          %parallel_loop3A_247 = tpu.vector_load_idx %parallel_loop3A_246[%iota3A, %parallel_loop3A_242] : memref<16x128xf32, #tpu.memory_space<vmem>>[vector<16xi32>, vector<16xi32>], vector<16xf32>,
          %parallel_loop3A_248 = arith.constant 16 : i32
          %parallel_loop3A_249 = arith.muli %parallel_loop3A_241, %parallel_loop3A_248 : i32
          %parallel_loop3A_250 = arith.index_cast %rem3A_173 : i32 to index
          %parallel_loop3A_251 = arith.index_cast %parallel_loop3A_249 : i32 to index
          %parallel_loop3A_252 = tpu.vector_load %arg16[%parallel_loop3A_250, %parallel_loop3A_251] {strides = array<i32>} : memref<2x2048xf32, #tpu.memory_space<vmem>>, vector<16xf32>,
          tpu.vector_store %arg16[%parallel_loop3A_250, %parallel_loop3A_251], %parallel_loop3A_247 {strides = array<i32>} : memref<2x2048xf32, #tpu.memory_space<vmem>>, vector<16xf32>,
          %parallel_loop3A_253 = arith.constant 96 : i32
          %parallel_loop3A_254 = arith.addi %parallel_loop3A_213, %parallel_loop3A_253 : i32
          %parallel_loop3A_255 = vector.broadcast %parallel_loop3A_254 : i32 to vector<16xi32>
          %parallel_loop3A_256 = arith.constant 0 : i32
          %parallel_loop3A_257 = arith.constant 0 : i32
          %parallel_loop3A_258 = tpu.memref_slice %arg14[%rem3A_173, %parallel_loop3A_256, %parallel_loop3A_257] : memref<2x16x128xf32, #tpu.memory_space<vmem>> -> memref<1x16x128xf32, #tpu.memory_space<vmem>>
          %parallel_loop3A_259 = tpu.memref_squeeze %parallel_loop3A_258 : memref<1x16x128xf32, #tpu.memory_space<vmem>> -> memref<16x128xf32, #tpu.memory_space<vmem>>
          %parallel_loop3A_260 = tpu.vector_load_idx %parallel_loop3A_259[%iota3A, %parallel_loop3A_255] : memref<16x128xf32, #tpu.memory_space<vmem>>[vector<16xi32>, vector<16xi32>], vector<16xf32>,
          %parallel_loop3A_261 = arith.constant 16 : i32
          %parallel_loop3A_262 = arith.muli %parallel_loop3A_254, %parallel_loop3A_261 : i32
          %parallel_loop3A_263 = arith.index_cast %rem3A_173 : i32 to index
          %parallel_loop3A_264 = arith.index_cast %parallel_loop3A_262 : i32 to index
          %parallel_loop3A_265 = tpu.vector_load %arg16[%parallel_loop3A_263, %parallel_loop3A_264] {strides = array<i32>} : memref<2x2048xf32, #tpu.memory_space<vmem>>, vector<16xf32>,
          tpu.vector_store %arg16[%parallel_loop3A_263, %parallel_loop3A_264], %parallel_loop3A_260 {strides = array<i32>} : memref<2x2048xf32, #tpu.memory_space<vmem>>, vector<16xf32>,
        } {sc.loop_unroll_factor = 4 : i64, sc.parallel_access}
        %mul3A_201 = arith.constant 128 : i32
        %mul3A_202 = arith.muli %add3A_169, %mul3A_201 : i32
        %mul3A_203 = arith.constant 16 : i32
        %mul3A_204 = arith.muli %mul3A_202, %mul3A_203 : i32
        %dma_start3A_205 = arith.constant 0 : i32
        %dma_start3A_206 = tpu.memref_slice %arg16[%rem3A_173, %dma_start3A_205] : memref<2x2048xf32, #tpu.memory_space<vmem>> -> memref<1x2048xf32, #tpu.memory_space<vmem>>
        %dma_start3A_207 = tpu.memref_squeeze %dma_start3A_206 : memref<1x2048xf32, #tpu.memory_space<vmem>> -> memref<2048xf32, #tpu.memory_space<vmem>>
        %dma_start3A_208 = tpu.memref_slice %arg11[%mul3A_204] : memref<16000000xf32, #tpu.memory_space<hbm>> -> memref<2048xf32, #tpu.memory_space<hbm>>
        %dma_start3A_209 = tpu.memref_slice %arg11[%mul3A_204] : memref<16000000xf32, #tpu.memory_space<hbm>> -> memref<2048xf32, #tpu.memory_space<hbm>>
        %dma_start3A_210 = arith.constant 0 : i32
        %dma_start3A_211 = tpu.memref_slice %arg16[%rem3A_173, %dma_start3A_210] : memref<2x2048xf32, #tpu.memory_space<vmem>> -> memref<1x2048xf32, #tpu.memory_space<vmem>>
        %dma_start3A_212 = tpu.memref_squeeze %dma_start3A_211 : memref<1x2048xf32, #tpu.memory_space<vmem>> -> memref<2048xf32, #tpu.memory_space<vmem>>
        tpu.enqueue_dma source(%dma_start3A_212 : memref<2048xf32, #tpu.memory_space<vmem>>) target(%dma_start3A_209 : memref<2048xf32, #tpu.memory_space<hbm>>) target_semaphore(%arg18 : memref<!tpu.dma_semaphore, #tpu.memory_space<semaphore_mem>>)
      } else {
      }
    }
    %scan3A_61 = arith.constant 245 : i32
    %sub3A_62 = arith.subi %min3A_40, %mul3A_36 : i32
    %ge3A_63 = arith.constant 1 : i32
    %ge3A_64 = arith.cmpi sge, %sub3A_62, %ge3A_63 : i32
    %convert_element_type3A_65 = arith.extui %ge3A_64 : i1 to i32
    %cond3A_66 = arith.constant 0 : i32
    %cond3A_67 = arith.cmpi ne, %convert_element_type3A_65, %cond3A_66 : i32
    scf.if %cond3A_67 {
      %dma_wait3A = arith.constant 0 : i32
      %dma_wait3A_164 = arith.constant 0 : i32
      %dma_wait3A_165 = tpu.memref_slice %arg16[%dma_wait3A, %dma_wait3A_164] : memref<2x2048xf32, #tpu.memory_space<vmem>> -> memref<1x2048xf32, #tpu.memory_space<vmem>>
      %dma_wait3A_166 = tpu.memref_squeeze %dma_wait3A_165 : memref<1x2048xf32, #tpu.memory_space<vmem>> -> memref<2048xf32, #tpu.memory_space<vmem>>
      %dma_wait3A_167 = arith.constant 0 : i32
      %dma_wait3A_168 = tpu.memref_slice %arg11[%dma_wait3A_167] : memref<16000000xf32, #tpu.memory_space<hbm>> -> memref<2048xf32, #tpu.memory_space<hbm>>
      %dma_wait3A_169 = arith.constant 0 : i32
      %dma_wait3A_170 = tpu.memref_slice %arg16[%dma_wait3A, %dma_wait3A_169] : memref<2x2048xf32, #tpu.memory_space<vmem>> -> memref<1x2048xf32, #tpu.memory_space<vmem>>
      %dma_wait3A_171 = tpu.memref_squeeze %dma_wait3A_170 : memref<1x2048xf32, #tpu.memory_space<vmem>> -> memref<2048xf32, #tpu.memory_space<vmem>>
      %dma_wait3A_172 = arith.constant 0 : i32
      %dma_wait3A_173 = tpu.memref_slice %arg11[%dma_wait3A_172] : memref<16000000xf32, #tpu.memory_space<hbm>> -> memref<2048xf32, #tpu.memory_space<hbm>>
      tpu.wait_dma2 semaphore(%arg18 : memref<!tpu.dma_semaphore, #tpu.memory_space<semaphore_mem>>) src(%dma_wait3A_173 : memref<2048xf32, #tpu.memory_space<hbm>>) dst(%dma_wait3A_171 : memref<2048xf32, #tpu.memory_space<vmem>>)
    } else {
    }
    %ge3A_68 = arith.constant 2 : i32
    %ge3A_69 = arith.cmpi sge, %sub3A_62, %ge3A_68 : i32
    %convert_element_type3A_70 = arith.extui %ge3A_69 : i1 to i32
    %cond3A_71 = arith.constant 0 : i32
    %cond3A_72 = arith.cmpi ne, %convert_element_type3A_70, %cond3A_71 : i32
    scf.if %cond3A_72 {
      %dma_wait3A = arith.constant 0 : i32
      %dma_wait3A_164 = arith.constant 0 : i32
      %dma_wait3A_165 = tpu.memref_slice %arg16[%dma_wait3A, %dma_wait3A_164] : memref<2x2048xf32, #tpu.memory_space<vmem>> -> memref<1x2048xf32, #tpu.memory_space<vmem>>
      %dma_wait3A_166 = tpu.memref_squeeze %dma_wait3A_165 : memref<1x2048xf32, #tpu.memory_space<vmem>> -> memref<2048xf32, #tpu.memory_space<vmem>>
      %dma_wait3A_167 = arith.constant 0 : i32
      %dma_wait3A_168 = tpu.memref_slice %arg11[%dma_wait3A_167] : memref<16000000xf32, #tpu.memory_space<hbm>> -> memref<2048xf32, #tpu.memory_space<hbm>>
      %dma_wait3A_169 = arith.constant 0 : i32
      %dma_wait3A_170 = tpu.memref_slice %arg16[%dma_wait3A, %dma_wait3A_169] : memref<2x2048xf32, #tpu.memory_space<vmem>> -> memref<1x2048xf32, #tpu.memory_space<vmem>>
      %dma_wait3A_171 = tpu.memref_squeeze %dma_wait3A_170 : memref<1x2048xf32, #tpu.memory_space<vmem>> -> memref<2048xf32, #tpu.memory_space<vmem>>
      %dma_wait3A_172 = arith.constant 0 : i32
      %dma_wait3A_173 = tpu.memref_slice %arg11[%dma_wait3A_172] : memref<16000000xf32, #tpu.memory_space<hbm>> -> memref<2048xf32, #tpu.memory_space<hbm>>
      tpu.wait_dma2 semaphore(%arg18 : memref<!tpu.dma_semaphore, #tpu.memory_space<semaphore_mem>>) src(%dma_wait3A_173 : memref<2048xf32, #tpu.memory_space<hbm>>) dst(%dma_wait3A_171 : memref<2048xf32, #tpu.memory_space<vmem>>)
    } else {
    }
    %eq3A_73 = arith.constant 0 : i32
    %eq3A_74 = arith.cmpi eq, %add3A, %eq3A_73 : i32
    %convert_element_type3A_75 = arith.extui %eq3A_74 : i1 to i32
    %cond3A_76 = arith.constant 0 : i32
    %cond3A_77 = arith.cmpi ne, %convert_element_type3A_75, %cond3A_76 : i32
    scf.if %cond3A_77 {
      "tpu.region"() ({
        %run_scoped3A_166 = tpu.sem_alloc : memref<!tpu.dma_semaphore, #tpu.memory_space<semaphore_mem>>
        tpu.enqueue_dma source(%arg7 : memref<16x64xf32, #tpu.memory_space<hbm>>) target(%arg15 : memref<16x64xf32, #tpu.memory_space<vmem>>) target_semaphore(%run_scoped3A_166 : memref<!tpu.dma_semaphore, #tpu.memory_space<semaphore_mem>>)
        tpu.wait_dma2 semaphore(%run_scoped3A_166 : memref<!tpu.dma_semaphore, #tpu.memory_space<semaphore_mem>>) src(%arg7 : memref<16x64xf32, #tpu.memory_space<hbm>>) dst(%arg15 : memref<16x64xf32, #tpu.memory_space<vmem>>)
        tpu.yield
      }) : () -> ()
      %parallel_loop3A = arith.constant 0 : i32
      %parallel_loop3A_164 = arith.constant 64 : i32
      %parallel_loop3A_165 = arith.constant 1 : i32
      scf.for %parallel_loop3A_166 = %parallel_loop3A to %parallel_loop3A_164 step %parallel_loop3A_165  : i32 {
        %parallel_loop3A_167 = vector.broadcast %parallel_loop3A_166 : i32 to vector<16xi32>
        %parallel_loop3A_168 = tpu.vector_load_idx %arg15[%iota3A, %parallel_loop3A_167] : memref<16x64xf32, #tpu.memory_space<vmem>>[vector<16xi32>, vector<16xi32>], vector<16xf32>,
        %parallel_loop3A_169 = arith.constant 16 : i32
        %parallel_loop3A_170 = arith.muli %parallel_loop3A_166, %parallel_loop3A_169 : i32
        %parallel_loop3A_171 = arith.constant 0 : i32
        %parallel_loop3A_172 = arith.index_cast %parallel_loop3A_171 : i32 to index
        %parallel_loop3A_173 = arith.index_cast %parallel_loop3A_170 : i32 to index
        %parallel_loop3A_174 = tpu.vector_load %arg16[%parallel_loop3A_172, %parallel_loop3A_173] {strides = array<i32>} : memref<2x2048xf32, #tpu.memory_space<vmem>>, vector<16xf32>,
        tpu.vector_store %arg16[%parallel_loop3A_172, %parallel_loop3A_173], %parallel_loop3A_168 {strides = array<i32>} : memref<2x2048xf32, #tpu.memory_space<vmem>>, vector<16xf32>,
      } {sc.loop_unroll_factor = 16 : i64, sc.parallel_access}
      %run_scoped3A = arith.constant 0 : i32
      "tpu.region"() ({
        %run_scoped3A_166 = tpu.sem_alloc : memref<!tpu.dma_semaphore, #tpu.memory_space<semaphore_mem>>
        %dma_start3A_167 = arith.constant 0 : i32
        %dma_start3A_168 = tpu.memref_slice %arg16[%run_scoped3A, %dma_start3A_167] : memref<2x2048xf32, #tpu.memory_space<vmem>> -> memref<1x1024xf32, #tpu.memory_space<vmem>>
        %dma_start3A_169 = tpu.memref_squeeze %dma_start3A_168 : memref<1x1024xf32, #tpu.memory_space<vmem>> -> memref<1024xf32, #tpu.memory_space<vmem>>
        %dma_start3A_170 = arith.constant 15998976 : i32
        %dma_start3A_171 = tpu.memref_slice %arg11[%dma_start3A_170] : memref<16000000xf32, #tpu.memory_space<hbm>> -> memref<1024xf32, #tpu.memory_space<hbm>>
        %dma_start3A_172 = arith.constant 15998976 : i32
        %dma_start3A_173 = tpu.memref_slice %arg11[%dma_start3A_172] : memref<16000000xf32, #tpu.memory_space<hbm>> -> memref<1024xf32, #tpu.memory_space<hbm>>
        %dma_start3A_174 = arith.constant 0 : i32
        %dma_start3A_175 = tpu.memref_slice %arg16[%run_scoped3A, %dma_start3A_174] : memref<2x2048xf32, #tpu.memory_space<vmem>> -> memref<1x1024xf32, #tpu.memory_space<vmem>>
        %dma_start3A_176 = tpu.memref_squeeze %dma_start3A_175 : memref<1x1024xf32, #tpu.memory_space<vmem>> -> memref<1024xf32, #tpu.memory_space<vmem>>
        tpu.enqueue_dma source(%dma_start3A_176 : memref<1024xf32, #tpu.memory_space<vmem>>) target(%dma_start3A_173 : memref<1024xf32, #tpu.memory_space<hbm>>) target_semaphore(%run_scoped3A_166 : memref<!tpu.dma_semaphore, #tpu.memory_space<semaphore_mem>>)
        %dma_wait3A = arith.constant 0 : i32
        %dma_wait3A_177 = tpu.memref_slice %arg16[%run_scoped3A, %dma_wait3A] : memref<2x2048xf32, #tpu.memory_space<vmem>> -> memref<1x1024xf32, #tpu.memory_space<vmem>>
        %dma_wait3A_178 = tpu.memref_squeeze %dma_wait3A_177 : memref<1x1024xf32, #tpu.memory_space<vmem>> -> memref<1024xf32, #tpu.memory_space<vmem>>
        %dma_wait3A_179 = arith.constant 15998976 : i32
        %dma_wait3A_180 = tpu.memref_slice %arg11[%dma_wait3A_179] : memref<16000000xf32, #tpu.memory_space<hbm>> -> memref<1024xf32, #tpu.memory_space<hbm>>
        %dma_wait3A_181 = arith.constant 15998976 : i32
        %dma_wait3A_182 = tpu.memref_slice %arg11[%dma_wait3A_181] : memref<16000000xf32, #tpu.memory_space<hbm>> -> memref<1024xf32, #tpu.memory_space<hbm>>
        %dma_wait3A_183 = arith.constant 0 : i32
        %dma_wait3A_184 = tpu.memref_slice %arg16[%run_scoped3A, %dma_wait3A_183] : memref<2x2048xf32, #tpu.memory_space<vmem>> -> memref<1x1024xf32, #tpu.memory_space<vmem>>
        %dma_wait3A_185 = tpu.memref_squeeze %dma_wait3A_184 : memref<1x1024xf32, #tpu.memory_space<vmem>> -> memref<1024xf32, #tpu.memory_space<vmem>>
        tpu.wait_dma2 semaphore(%run_scoped3A_166 : memref<!tpu.dma_semaphore, #tpu.memory_space<semaphore_mem>>) src(%dma_wait3A_185 : memref<1024xf32, #tpu.memory_space<vmem>>) dst(%dma_wait3A_182 : memref<1024xf32, #tpu.memory_space<hbm>>)
        tpu.yield
      }) : () -> ()
    } else {
    }
    %mul3A_78 = arith.constant 245 : i32
    %mul3A_79 = arith.muli %add3A, %mul3A_78 : i32
    %add3A_80 = arith.constant 245 : i32
    %add3A_81 = arith.addi %mul3A_79, %add3A_80 : i32
    %min3A_82 = arith.constant 7812 : i32
    %min3A_83 = arith.minsi %add3A_81, %min3A_82 : i32
    %mul3A_84 = arith.constant 128 : i32
    %mul3A_85 = arith.muli %mul3A_79, %mul3A_84 : i32
    %multiple_of3A_86 = tpu.assume_multiple %mul3A_85, 128 : i32
    %dma_start3A_87 = arith.constant 0 : i32
    %dma_start3A_88 = arith.constant 0 : i32
    %dma_start3A_89 = arith.constant 0 : i32
    %dma_start3A_90 = tpu.memref_slice %arg14[%dma_start3A_87, %dma_start3A_88, %dma_start3A_89] : memref<2x16x128xf32, #tpu.memory_space<vmem>> -> memref<1x16x128xf32, #tpu.memory_space<vmem>>
    %dma_start3A_91 = tpu.memref_squeeze %dma_start3A_90 : memref<1x16x128xf32, #tpu.memory_space<vmem>> -> memref<16x128xf32, #tpu.memory_space<vmem>>
    %dma_start3A_92 = arith.constant 0 : i32
    %dma_start3A_93 = tpu.memref_slice %arg4[%dma_start3A_92, %multiple_of3A_86] : memref<16x1000000xf32, #tpu.memory_space<hbm>> -> memref<16x128xf32, #tpu.memory_space<hbm>>
    %dma_start3A_94 = arith.constant 0 : i32
    %dma_start3A_95 = arith.constant 0 : i32
    %dma_start3A_96 = tpu.memref_slice %arg14[%dma_start3A_87, %dma_start3A_94, %dma_start3A_95] : memref<2x16x128xf32, #tpu.memory_space<vmem>> -> memref<1x16x128xf32, #tpu.memory_space<vmem>>
    %dma_start3A_97 = tpu.memref_squeeze %dma_start3A_96 : memref<1x16x128xf32, #tpu.memory_space<vmem>> -> memref<16x128xf32, #tpu.memory_space<vmem>>
    %dma_start3A_98 = arith.constant 0 : i32
    %dma_start3A_99 = tpu.memref_slice %arg4[%dma_start3A_98, %multiple_of3A_86] : memref<16x1000000xf32, #tpu.memory_space<hbm>> -> memref<16x128xf32, #tpu.memory_space<hbm>>
    tpu.enqueue_dma source(%dma_start3A_99 : memref<16x128xf32, #tpu.memory_space<hbm>>) target(%dma_start3A_97 : memref<16x128xf32, #tpu.memory_space<vmem>>) target_semaphore(%arg17 : memref<!tpu.dma_semaphore, #tpu.memory_space<semaphore_mem>>)
    %scan3A_100 = arith.constant 0 : i32
    %scan3A_101 = arith.constant 245 : i32
    %scan3A_102 = arith.addi %scan3A_100, %scan3A_101 : i32
    %scan3A_103 = arith.constant 1 : i32
    scf.for %scan3A_164 = %scan3A_100 to %scan3A_102 step %scan3A_103  : i32 {
      %mul3A_165 = arith.constant 1 : i32
      %mul3A_166 = arith.muli %scan3A_164, %mul3A_165 : i32
      %add3A_167 = arith.constant 0 : i32
      %add3A_168 = arith.addi %add3A_167, %mul3A_166 : i32
      %add3A_169 = arith.addi %mul3A_79, %add3A_168 : i32
      %lt3A = arith.cmpi slt, %add3A_169, %min3A_83 : i32
      %convert_element_type3A_170 = arith.extui %lt3A : i1 to i32
      %cond3A_171 = arith.constant 0 : i32
      %cond3A_172 = arith.cmpi ne, %convert_element_type3A_170, %cond3A_171 : i32
      scf.if %cond3A_172 {
        %rem3A = arith.constant 2 : i32
        %rem3A_173 = arith.remsi %add3A_168, %rem3A : i32
        %add3A_174 = arith.constant 1 : i32
        %add3A_175 = arith.addi %add3A_169, %add3A_174 : i32
        %lt3A_176 = arith.cmpi slt, %add3A_175, %min3A_83 : i32
        %convert_element_type3A_177 = arith.extui %lt3A_176 : i1 to i32
        %cond3A_178 = arith.constant 0 : i32
        %cond3A_179 = arith.cmpi ne, %convert_element_type3A_177, %cond3A_178 : i32
        scf.if %cond3A_179 {
          %add3A_213 = arith.constant 1 : i32
          %add3A_214 = arith.addi %add3A_169, %add3A_213 : i32
          %add3A_215 = arith.constant 1 : i32
          %add3A_216 = arith.addi %add3A_168, %add3A_215 : i32
          %rem3A_217 = arith.constant 2 : i32
          %rem3A_218 = arith.remsi %add3A_216, %rem3A_217 : i32
          %mul3A_219 = arith.constant 128 : i32
          %mul3A_220 = arith.muli %add3A_214, %mul3A_219 : i32
          %multiple_of3A_221 = tpu.assume_multiple %mul3A_220, 128 : i32
          %dma_start3A_222 = arith.constant 0 : i32
          %dma_start3A_223 = arith.constant 0 : i32
          %dma_start3A_224 = tpu.memref_slice %arg14[%rem3A_218, %dma_start3A_222, %dma_start3A_223] : memref<2x16x128xf32, #tpu.memory_space<vmem>> -> memref<1x16x128xf32, #tpu.memory_space<vmem>>
          %dma_start3A_225 = tpu.memref_squeeze %dma_start3A_224 : memref<1x16x128xf32, #tpu.memory_space<vmem>> -> memref<16x128xf32, #tpu.memory_space<vmem>>
          %dma_start3A_226 = arith.constant 0 : i32
          %dma_start3A_227 = tpu.memref_slice %arg4[%dma_start3A_226, %multiple_of3A_221] : memref<16x1000000xf32, #tpu.memory_space<hbm>> -> memref<16x128xf32, #tpu.memory_space<hbm>>
          %dma_start3A_228 = arith.constant 0 : i32
          %dma_start3A_229 = arith.constant 0 : i32
          %dma_start3A_230 = tpu.memref_slice %arg14[%rem3A_218, %dma_start3A_228, %dma_start3A_229] : memref<2x16x128xf32, #tpu.memory_space<vmem>> -> memref<1x16x128xf32, #tpu.memory_space<vmem>>
          %dma_start3A_231 = tpu.memref_squeeze %dma_start3A_230 : memref<1x16x128xf32, #tpu.memory_space<vmem>> -> memref<16x128xf32, #tpu.memory_space<vmem>>
          %dma_start3A_232 = arith.constant 0 : i32
          %dma_start3A_233 = tpu.memref_slice %arg4[%dma_start3A_232, %multiple_of3A_221] : memref<16x1000000xf32, #tpu.memory_space<hbm>> -> memref<16x128xf32, #tpu.memory_space<hbm>>
          tpu.enqueue_dma source(%dma_start3A_233 : memref<16x128xf32, #tpu.memory_space<hbm>>) target(%dma_start3A_231 : memref<16x128xf32, #tpu.memory_space<vmem>>) target_semaphore(%arg17 : memref<!tpu.dma_semaphore, #tpu.memory_space<semaphore_mem>>)
        } else {
        }
        %dma_wait3A = arith.constant 0 : i32
        %dma_wait3A_180 = arith.constant 0 : i32
        %dma_wait3A_181 = arith.constant 0 : i32
        %dma_wait3A_182 = tpu.memref_slice %arg14[%dma_wait3A, %dma_wait3A_180, %dma_wait3A_181] : memref<2x16x128xf32, #tpu.memory_space<vmem>> -> memref<1x16x128xf32, #tpu.memory_space<vmem>>
        %dma_wait3A_183 = tpu.memref_squeeze %dma_wait3A_182 : memref<1x16x128xf32, #tpu.memory_space<vmem>> -> memref<16x128xf32, #tpu.memory_space<vmem>>
        %dma_wait3A_184 = arith.constant 0 : i32
        %dma_wait3A_185 = arith.constant 0 : i32
        %dma_wait3A_186 = tpu.memref_slice %arg4[%dma_wait3A_184, %dma_wait3A_185] : memref<16x1000000xf32, #tpu.memory_space<hbm>> -> memref<16x128xf32, #tpu.memory_space<hbm>>
        %dma_wait3A_187 = arith.constant 0 : i32
        %dma_wait3A_188 = arith.constant 0 : i32
        %dma_wait3A_189 = tpu.memref_slice %arg14[%dma_wait3A, %dma_wait3A_187, %dma_wait3A_188] : memref<2x16x128xf32, #tpu.memory_space<vmem>> -> memref<1x16x128xf32, #tpu.memory_space<vmem>>
        %dma_wait3A_190 = tpu.memref_squeeze %dma_wait3A_189 : memref<1x16x128xf32, #tpu.memory_space<vmem>> -> memref<16x128xf32, #tpu.memory_space<vmem>>
        %dma_wait3A_191 = arith.constant 0 : i32
        %dma_wait3A_192 = arith.constant 0 : i32
        %dma_wait3A_193 = tpu.memref_slice %arg4[%dma_wait3A_191, %dma_wait3A_192] : memref<16x1000000xf32, #tpu.memory_space<hbm>> -> memref<16x128xf32, #tpu.memory_space<hbm>>
        tpu.wait_dma2 semaphore(%arg17 : memref<!tpu.dma_semaphore, #tpu.memory_space<semaphore_mem>>) src(%dma_wait3A_193 : memref<16x128xf32, #tpu.memory_space<hbm>>) dst(%dma_wait3A_190 : memref<16x128xf32, #tpu.memory_space<vmem>>)
        %ge3A_194 = arith.constant 2 : i32
        %ge3A_195 = arith.cmpi sge, %add3A_168, %ge3A_194 : i32
        %convert_element_type3A_196 = arith.extui %ge3A_195 : i1 to i32
        %cond3A_197 = arith.constant 0 : i32
        %cond3A_198 = arith.cmpi ne, %convert_element_type3A_196, %cond3A_197 : i32
        scf.if %cond3A_198 {
          %dma_wait3A_213 = arith.constant 0 : i32
          %dma_wait3A_214 = arith.constant 0 : i32
          %dma_wait3A_215 = tpu.memref_slice %arg16[%dma_wait3A_213, %dma_wait3A_214] : memref<2x2048xf32, #tpu.memory_space<vmem>> -> memref<1x2048xf32, #tpu.memory_space<vmem>>
          %dma_wait3A_216 = tpu.memref_squeeze %dma_wait3A_215 : memref<1x2048xf32, #tpu.memory_space<vmem>> -> memref<2048xf32, #tpu.memory_space<vmem>>
          %dma_wait3A_217 = arith.constant 0 : i32
          %dma_wait3A_218 = tpu.memref_slice %arg12[%dma_wait3A_217] : memref<16000000xf32, #tpu.memory_space<hbm>> -> memref<2048xf32, #tpu.memory_space<hbm>>
          %dma_wait3A_219 = arith.constant 0 : i32
          %dma_wait3A_220 = tpu.memref_slice %arg16[%dma_wait3A_213, %dma_wait3A_219] : memref<2x2048xf32, #tpu.memory_space<vmem>> -> memref<1x2048xf32, #tpu.memory_space<vmem>>
          %dma_wait3A_221 = tpu.memref_squeeze %dma_wait3A_220 : memref<1x2048xf32, #tpu.memory_space<vmem>> -> memref<2048xf32, #tpu.memory_space<vmem>>
          %dma_wait3A_222 = arith.constant 0 : i32
          %dma_wait3A_223 = tpu.memref_slice %arg12[%dma_wait3A_222] : memref<16000000xf32, #tpu.memory_space<hbm>> -> memref<2048xf32, #tpu.memory_space<hbm>>
          tpu.wait_dma2 semaphore(%arg18 : memref<!tpu.dma_semaphore, #tpu.memory_space<semaphore_mem>>) src(%dma_wait3A_223 : memref<2048xf32, #tpu.memory_space<hbm>>) dst(%dma_wait3A_221 : memref<2048xf32, #tpu.memory_space<vmem>>)
        } else {
        }
        %parallel_loop3A = arith.constant 0 : i32
        %parallel_loop3A_199 = arith.constant 32 : i32
        %parallel_loop3A_200 = arith.constant 1 : i32
        scf.for %parallel_loop3A_213 = %parallel_loop3A to %parallel_loop3A_199 step %parallel_loop3A_200  : i32 {
          %parallel_loop3A_214 = arith.constant 0 : i32
          %parallel_loop3A_215 = arith.addi %parallel_loop3A_213, %parallel_loop3A_214 : i32
          %parallel_loop3A_216 = vector.broadcast %parallel_loop3A_215 : i32 to vector<16xi32>
          %parallel_loop3A_217 = arith.constant 0 : i32
          %parallel_loop3A_218 = arith.constant 0 : i32
          %parallel_loop3A_219 = tpu.memref_slice %arg14[%rem3A_173, %parallel_loop3A_217, %parallel_loop3A_218] : memref<2x16x128xf32, #tpu.memory_space<vmem>> -> memref<1x16x128xf32, #tpu.memory_space<vmem>>
          %parallel_loop3A_220 = tpu.memref_squeeze %parallel_loop3A_219 : memref<1x16x128xf32, #tpu.memory_space<vmem>> -> memref<16x128xf32, #tpu.memory_space<vmem>>
          %parallel_loop3A_221 = tpu.vector_load_idx %parallel_loop3A_220[%iota3A, %parallel_loop3A_216] : memref<16x128xf32, #tpu.memory_space<vmem>>[vector<16xi32>, vector<16xi32>], vector<16xf32>,
          %parallel_loop3A_222 = arith.constant 16 : i32
          %parallel_loop3A_223 = arith.muli %parallel_loop3A_215, %parallel_loop3A_222 : i32
          %parallel_loop3A_224 = arith.index_cast %rem3A_173 : i32 to index
          %parallel_loop3A_225 = arith.index_cast %parallel_loop3A_223 : i32 to index
          %parallel_loop3A_226 = tpu.vector_load %arg16[%parallel_loop3A_224, %parallel_loop3A_225] {strides = array<i32>} : memref<2x2048xf32, #tpu.memory_space<vmem>>, vector<16xf32>,
          tpu.vector_store %arg16[%parallel_loop3A_224, %parallel_loop3A_225], %parallel_loop3A_221 {strides = array<i32>} : memref<2x2048xf32, #tpu.memory_space<vmem>>, vector<16xf32>,
          %parallel_loop3A_227 = arith.constant 32 : i32
          %parallel_loop3A_228 = arith.addi %parallel_loop3A_213, %parallel_loop3A_227 : i32
          %parallel_loop3A_229 = vector.broadcast %parallel_loop3A_228 : i32 to vector<16xi32>
          %parallel_loop3A_230 = arith.constant 0 : i32
          %parallel_loop3A_231 = arith.constant 0 : i32
          %parallel_loop3A_232 = tpu.memref_slice %arg14[%rem3A_173, %parallel_loop3A_230, %parallel_loop3A_231] : memref<2x16x128xf32, #tpu.memory_space<vmem>> -> memref<1x16x128xf32, #tpu.memory_space<vmem>>
          %parallel_loop3A_233 = tpu.memref_squeeze %parallel_loop3A_232 : memref<1x16x128xf32, #tpu.memory_space<vmem>> -> memref<16x128xf32, #tpu.memory_space<vmem>>
          %parallel_loop3A_234 = tpu.vector_load_idx %parallel_loop3A_233[%iota3A, %parallel_loop3A_229] : memref<16x128xf32, #tpu.memory_space<vmem>>[vector<16xi32>, vector<16xi32>], vector<16xf32>,
          %parallel_loop3A_235 = arith.constant 16 : i32
          %parallel_loop3A_236 = arith.muli %parallel_loop3A_228, %parallel_loop3A_235 : i32
          %parallel_loop3A_237 = arith.index_cast %rem3A_173 : i32 to index
          %parallel_loop3A_238 = arith.index_cast %parallel_loop3A_236 : i32 to index
          %parallel_loop3A_239 = tpu.vector_load %arg16[%parallel_loop3A_237, %parallel_loop3A_238] {strides = array<i32>} : memref<2x2048xf32, #tpu.memory_space<vmem>>, vector<16xf32>,
          tpu.vector_store %arg16[%parallel_loop3A_237, %parallel_loop3A_238], %parallel_loop3A_234 {strides = array<i32>} : memref<2x2048xf32, #tpu.memory_space<vmem>>, vector<16xf32>,
          %parallel_loop3A_240 = arith.constant 64 : i32
          %parallel_loop3A_241 = arith.addi %parallel_loop3A_213, %parallel_loop3A_240 : i32
          %parallel_loop3A_242 = vector.broadcast %parallel_loop3A_241 : i32 to vector<16xi32>
          %parallel_loop3A_243 = arith.constant 0 : i32
          %parallel_loop3A_244 = arith.constant 0 : i32
          %parallel_loop3A_245 = tpu.memref_slice %arg14[%rem3A_173, %parallel_loop3A_243, %parallel_loop3A_244] : memref<2x16x128xf32, #tpu.memory_space<vmem>> -> memref<1x16x128xf32, #tpu.memory_space<vmem>>
          %parallel_loop3A_246 = tpu.memref_squeeze %parallel_loop3A_245 : memref<1x16x128xf32, #tpu.memory_space<vmem>> -> memref<16x128xf32, #tpu.memory_space<vmem>>
          %parallel_loop3A_247 = tpu.vector_load_idx %parallel_loop3A_246[%iota3A, %parallel_loop3A_242] : memref<16x128xf32, #tpu.memory_space<vmem>>[vector<16xi32>, vector<16xi32>], vector<16xf32>,
          %parallel_loop3A_248 = arith.constant 16 : i32
          %parallel_loop3A_249 = arith.muli %parallel_loop3A_241, %parallel_loop3A_248 : i32
          %parallel_loop3A_250 = arith.index_cast %rem3A_173 : i32 to index
          %parallel_loop3A_251 = arith.index_cast %parallel_loop3A_249 : i32 to index
          %parallel_loop3A_252 = tpu.vector_load %arg16[%parallel_loop3A_250, %parallel_loop3A_251] {strides = array<i32>} : memref<2x2048xf32, #tpu.memory_space<vmem>>, vector<16xf32>,
          tpu.vector_store %arg16[%parallel_loop3A_250, %parallel_loop3A_251], %parallel_loop3A_247 {strides = array<i32>} : memref<2x2048xf32, #tpu.memory_space<vmem>>, vector<16xf32>,
          %parallel_loop3A_253 = arith.constant 96 : i32
          %parallel_loop3A_254 = arith.addi %parallel_loop3A_213, %parallel_loop3A_253 : i32
          %parallel_loop3A_255 = vector.broadcast %parallel_loop3A_254 : i32 to vector<16xi32>
          %parallel_loop3A_256 = arith.constant 0 : i32
          %parallel_loop3A_257 = arith.constant 0 : i32
          %parallel_loop3A_258 = tpu.memref_slice %arg14[%rem3A_173, %parallel_loop3A_256, %parallel_loop3A_257] : memref<2x16x128xf32, #tpu.memory_space<vmem>> -> memref<1x16x128xf32, #tpu.memory_space<vmem>>
          %parallel_loop3A_259 = tpu.memref_squeeze %parallel_loop3A_258 : memref<1x16x128xf32, #tpu.memory_space<vmem>> -> memref<16x128xf32, #tpu.memory_space<vmem>>
          %parallel_loop3A_260 = tpu.vector_load_idx %parallel_loop3A_259[%iota3A, %parallel_loop3A_255] : memref<16x128xf32, #tpu.memory_space<vmem>>[vector<16xi32>, vector<16xi32>], vector<16xf32>,
          %parallel_loop3A_261 = arith.constant 16 : i32
          %parallel_loop3A_262 = arith.muli %parallel_loop3A_254, %parallel_loop3A_261 : i32
          %parallel_loop3A_263 = arith.index_cast %rem3A_173 : i32 to index
          %parallel_loop3A_264 = arith.index_cast %parallel_loop3A_262 : i32 to index
          %parallel_loop3A_265 = tpu.vector_load %arg16[%parallel_loop3A_263, %parallel_loop3A_264] {strides = array<i32>} : memref<2x2048xf32, #tpu.memory_space<vmem>>, vector<16xf32>,
          tpu.vector_store %arg16[%parallel_loop3A_263, %parallel_loop3A_264], %parallel_loop3A_260 {strides = array<i32>} : memref<2x2048xf32, #tpu.memory_space<vmem>>, vector<16xf32>,
        } {sc.loop_unroll_factor = 4 : i64, sc.parallel_access}
        %mul3A_201 = arith.constant 128 : i32
        %mul3A_202 = arith.muli %add3A_169, %mul3A_201 : i32
        %mul3A_203 = arith.constant 16 : i32
        %mul3A_204 = arith.muli %mul3A_202, %mul3A_203 : i32
        %dma_start3A_205 = arith.constant 0 : i32
        %dma_start3A_206 = tpu.memref_slice %arg16[%rem3A_173, %dma_start3A_205] : memref<2x2048xf32, #tpu.memory_space<vmem>> -> memref<1x2048xf32, #tpu.memory_space<vmem>>
        %dma_start3A_207 = tpu.memref_squeeze %dma_start3A_206 : memref<1x2048xf32, #tpu.memory_space<vmem>> -> memref<2048xf32, #tpu.memory_space<vmem>>
        %dma_start3A_208 = tpu.memref_slice %arg12[%mul3A_204] : memref<16000000xf32, #tpu.memory_space<hbm>> -> memref<2048xf32, #tpu.memory_space<hbm>>
        %dma_start3A_209 = tpu.memref_slice %arg12[%mul3A_204] : memref<16000000xf32, #tpu.memory_space<hbm>> -> memref<2048xf32, #tpu.memory_space<hbm>>
        %dma_start3A_210 = arith.constant 0 : i32
        %dma_start3A_211 = tpu.memref_slice %arg16[%rem3A_173, %dma_start3A_210] : memref<2x2048xf32, #tpu.memory_space<vmem>> -> memref<1x2048xf32, #tpu.memory_space<vmem>>
        %dma_start3A_212 = tpu.memref_squeeze %dma_start3A_211 : memref<1x2048xf32, #tpu.memory_space<vmem>> -> memref<2048xf32, #tpu.memory_space<vmem>>
        tpu.enqueue_dma source(%dma_start3A_212 : memref<2048xf32, #tpu.memory_space<vmem>>) target(%dma_start3A_209 : memref<2048xf32, #tpu.memory_space<hbm>>) target_semaphore(%arg18 : memref<!tpu.dma_semaphore, #tpu.memory_space<semaphore_mem>>)
      } else {
      }
    }
    %scan3A_104 = arith.constant 245 : i32
    %sub3A_105 = arith.subi %min3A_83, %mul3A_79 : i32
    %ge3A_106 = arith.constant 1 : i32
    %ge3A_107 = arith.cmpi sge, %sub3A_105, %ge3A_106 : i32
    %convert_element_type3A_108 = arith.extui %ge3A_107 : i1 to i32
    %cond3A_109 = arith.constant 0 : i32
    %cond3A_110 = arith.cmpi ne, %convert_element_type3A_108, %cond3A_109 : i32
    scf.if %cond3A_110 {
      %dma_wait3A = arith.constant 0 : i32
      %dma_wait3A_164 = arith.constant 0 : i32
      %dma_wait3A_165 = tpu.memref_slice %arg16[%dma_wait3A, %dma_wait3A_164] : memref<2x2048xf32, #tpu.memory_space<vmem>> -> memref<1x2048xf32, #tpu.memory_space<vmem>>
      %dma_wait3A_166 = tpu.memref_squeeze %dma_wait3A_165 : memref<1x2048xf32, #tpu.memory_space<vmem>> -> memref<2048xf32, #tpu.memory_space<vmem>>
      %dma_wait3A_167 = arith.constant 0 : i32
      %dma_wait3A_168 = tpu.memref_slice %arg12[%dma_wait3A_167] : memref<16000000xf32, #tpu.memory_space<hbm>> -> memref<2048xf32, #tpu.memory_space<hbm>>
      %dma_wait3A_169 = arith.constant 0 : i32
      %dma_wait3A_170 = tpu.memref_slice %arg16[%dma_wait3A, %dma_wait3A_169] : memref<2x2048xf32, #tpu.memory_space<vmem>> -> memref<1x2048xf32, #tpu.memory_space<vmem>>
      %dma_wait3A_171 = tpu.memref_squeeze %dma_wait3A_170 : memref<1x2048xf32, #tpu.memory_space<vmem>> -> memref<2048xf32, #tpu.memory_space<vmem>>
      %dma_wait3A_172 = arith.constant 0 : i32
      %dma_wait3A_173 = tpu.memref_slice %arg12[%dma_wait3A_172] : memref<16000000xf32, #tpu.memory_space<hbm>> -> memref<2048xf32, #tpu.memory_space<hbm>>
      tpu.wait_dma2 semaphore(%arg18 : memref<!tpu.dma_semaphore, #tpu.memory_space<semaphore_mem>>) src(%dma_wait3A_173 : memref<2048xf32, #tpu.memory_space<hbm>>) dst(%dma_wait3A_171 : memref<2048xf32, #tpu.memory_space<vmem>>)
    } else {
    }
    %ge3A_111 = arith.constant 2 : i32
    %ge3A_112 = arith.cmpi sge, %sub3A_105, %ge3A_111 : i32
    %convert_element_type3A_113 = arith.extui %ge3A_112 : i1 to i32
    %cond3A_114 = arith.constant 0 : i32
    %cond3A_115 = arith.cmpi ne, %convert_element_type3A_113, %cond3A_114 : i32
    scf.if %cond3A_115 {
      %dma_wait3A = arith.constant 0 : i32
      %dma_wait3A_164 = arith.constant 0 : i32
      %dma_wait3A_165 = tpu.memref_slice %arg16[%dma_wait3A, %dma_wait3A_164] : memref<2x2048xf32, #tpu.memory_space<vmem>> -> memref<1x2048xf32, #tpu.memory_space<vmem>>
      %dma_wait3A_166 = tpu.memref_squeeze %dma_wait3A_165 : memref<1x2048xf32, #tpu.memory_space<vmem>> -> memref<2048xf32, #tpu.memory_space<vmem>>
      %dma_wait3A_167 = arith.constant 0 : i32
      %dma_wait3A_168 = tpu.memref_slice %arg12[%dma_wait3A_167] : memref<16000000xf32, #tpu.memory_space<hbm>> -> memref<2048xf32, #tpu.memory_space<hbm>>
      %dma_wait3A_169 = arith.constant 0 : i32
      %dma_wait3A_170 = tpu.memref_slice %arg16[%dma_wait3A, %dma_wait3A_169] : memref<2x2048xf32, #tpu.memory_space<vmem>> -> memref<1x2048xf32, #tpu.memory_space<vmem>>
      %dma_wait3A_171 = tpu.memref_squeeze %dma_wait3A_170 : memref<1x2048xf32, #tpu.memory_space<vmem>> -> memref<2048xf32, #tpu.memory_space<vmem>>
      %dma_wait3A_172 = arith.constant 0 : i32
      %dma_wait3A_173 = tpu.memref_slice %arg12[%dma_wait3A_172] : memref<16000000xf32, #tpu.memory_space<hbm>> -> memref<2048xf32, #tpu.memory_space<hbm>>
      tpu.wait_dma2 semaphore(%arg18 : memref<!tpu.dma_semaphore, #tpu.memory_space<semaphore_mem>>) src(%dma_wait3A_173 : memref<2048xf32, #tpu.memory_space<hbm>>) dst(%dma_wait3A_171 : memref<2048xf32, #tpu.memory_space<vmem>>)
    } else {
    }
    %eq3A_116 = arith.constant 0 : i32
    %eq3A_117 = arith.cmpi eq, %add3A, %eq3A_116 : i32
    %convert_element_type3A_118 = arith.extui %eq3A_117 : i1 to i32
    %cond3A_119 = arith.constant 0 : i32
    %cond3A_120 = arith.cmpi ne, %convert_element_type3A_118, %cond3A_119 : i32
    scf.if %cond3A_120 {
      "tpu.region"() ({
        %run_scoped3A_166 = tpu.sem_alloc : memref<!tpu.dma_semaphore, #tpu.memory_space<semaphore_mem>>
        tpu.enqueue_dma source(%arg8 : memref<16x64xf32, #tpu.memory_space<hbm>>) target(%arg15 : memref<16x64xf32, #tpu.memory_space<vmem>>) target_semaphore(%run_scoped3A_166 : memref<!tpu.dma_semaphore, #tpu.memory_space<semaphore_mem>>)
        tpu.wait_dma2 semaphore(%run_scoped3A_166 : memref<!tpu.dma_semaphore, #tpu.memory_space<semaphore_mem>>) src(%arg8 : memref<16x64xf32, #tpu.memory_space<hbm>>) dst(%arg15 : memref<16x64xf32, #tpu.memory_space<vmem>>)
        tpu.yield
      }) : () -> ()
      %parallel_loop3A = arith.constant 0 : i32
      %parallel_loop3A_164 = arith.constant 64 : i32
      %parallel_loop3A_165 = arith.constant 1 : i32
      scf.for %parallel_loop3A_166 = %parallel_loop3A to %parallel_loop3A_164 step %parallel_loop3A_165  : i32 {
        %parallel_loop3A_167 = vector.broadcast %parallel_loop3A_166 : i32 to vector<16xi32>
        %parallel_loop3A_168 = tpu.vector_load_idx %arg15[%iota3A, %parallel_loop3A_167] : memref<16x64xf32, #tpu.memory_space<vmem>>[vector<16xi32>, vector<16xi32>], vector<16xf32>,
        %parallel_loop3A_169 = arith.constant 16 : i32
        %parallel_loop3A_170 = arith.muli %parallel_loop3A_166, %parallel_loop3A_169 : i32
        %parallel_loop3A_171 = arith.constant 0 : i32
        %parallel_loop3A_172 = arith.index_cast %parallel_loop3A_171 : i32 to index
        %parallel_loop3A_173 = arith.index_cast %parallel_loop3A_170 : i32 to index
        %parallel_loop3A_174 = tpu.vector_load %arg16[%parallel_loop3A_172, %parallel_loop3A_173] {strides = array<i32>} : memref<2x2048xf32, #tpu.memory_space<vmem>>, vector<16xf32>,
        tpu.vector_store %arg16[%parallel_loop3A_172, %parallel_loop3A_173], %parallel_loop3A_168 {strides = array<i32>} : memref<2x2048xf32, #tpu.memory_space<vmem>>, vector<16xf32>,
      } {sc.loop_unroll_factor = 16 : i64, sc.parallel_access}
      %run_scoped3A = arith.constant 0 : i32
      "tpu.region"() ({
        %run_scoped3A_166 = tpu.sem_alloc : memref<!tpu.dma_semaphore, #tpu.memory_space<semaphore_mem>>
        %dma_start3A_167 = arith.constant 0 : i32
        %dma_start3A_168 = tpu.memref_slice %arg16[%run_scoped3A, %dma_start3A_167] : memref<2x2048xf32, #tpu.memory_space<vmem>> -> memref<1x1024xf32, #tpu.memory_space<vmem>>
        %dma_start3A_169 = tpu.memref_squeeze %dma_start3A_168 : memref<1x1024xf32, #tpu.memory_space<vmem>> -> memref<1024xf32, #tpu.memory_space<vmem>>
        %dma_start3A_170 = arith.constant 15998976 : i32
        %dma_start3A_171 = tpu.memref_slice %arg12[%dma_start3A_170] : memref<16000000xf32, #tpu.memory_space<hbm>> -> memref<1024xf32, #tpu.memory_space<hbm>>
        %dma_start3A_172 = arith.constant 15998976 : i32
        %dma_start3A_173 = tpu.memref_slice %arg12[%dma_start3A_172] : memref<16000000xf32, #tpu.memory_space<hbm>> -> memref<1024xf32, #tpu.memory_space<hbm>>
        %dma_start3A_174 = arith.constant 0 : i32
        %dma_start3A_175 = tpu.memref_slice %arg16[%run_scoped3A, %dma_start3A_174] : memref<2x2048xf32, #tpu.memory_space<vmem>> -> memref<1x1024xf32, #tpu.memory_space<vmem>>
        %dma_start3A_176 = tpu.memref_squeeze %dma_start3A_175 : memref<1x1024xf32, #tpu.memory_space<vmem>> -> memref<1024xf32, #tpu.memory_space<vmem>>
        tpu.enqueue_dma source(%dma_start3A_176 : memref<1024xf32, #tpu.memory_space<vmem>>) target(%dma_start3A_173 : memref<1024xf32, #tpu.memory_space<hbm>>) target_semaphore(%run_scoped3A_166 : memref<!tpu.dma_semaphore, #tpu.memory_space<semaphore_mem>>)
        %dma_wait3A = arith.constant 0 : i32
        %dma_wait3A_177 = tpu.memref_slice %arg16[%run_scoped3A, %dma_wait3A] : memref<2x2048xf32, #tpu.memory_space<vmem>> -> memref<1x1024xf32, #tpu.memory_space<vmem>>
        %dma_wait3A_178 = tpu.memref_squeeze %dma_wait3A_177 : memref<1x1024xf32, #tpu.memory_space<vmem>> -> memref<1024xf32, #tpu.memory_space<vmem>>
        %dma_wait3A_179 = arith.constant 15998976 : i32
        %dma_wait3A_180 = tpu.memref_slice %arg12[%dma_wait3A_179] : memref<16000000xf32, #tpu.memory_space<hbm>> -> memref<1024xf32, #tpu.memory_space<hbm>>
        %dma_wait3A_181 = arith.constant 15998976 : i32
        %dma_wait3A_182 = tpu.memref_slice %arg12[%dma_wait3A_181] : memref<16000000xf32, #tpu.memory_space<hbm>> -> memref<1024xf32, #tpu.memory_space<hbm>>
        %dma_wait3A_183 = arith.constant 0 : i32
        %dma_wait3A_184 = tpu.memref_slice %arg16[%run_scoped3A, %dma_wait3A_183] : memref<2x2048xf32, #tpu.memory_space<vmem>> -> memref<1x1024xf32, #tpu.memory_space<vmem>>
        %dma_wait3A_185 = tpu.memref_squeeze %dma_wait3A_184 : memref<1x1024xf32, #tpu.memory_space<vmem>> -> memref<1024xf32, #tpu.memory_space<vmem>>
        tpu.wait_dma2 semaphore(%run_scoped3A_166 : memref<!tpu.dma_semaphore, #tpu.memory_space<semaphore_mem>>) src(%dma_wait3A_185 : memref<1024xf32, #tpu.memory_space<vmem>>) dst(%dma_wait3A_182 : memref<1024xf32, #tpu.memory_space<hbm>>)
        tpu.yield
      }) : () -> ()
    } else {
    }
    %mul3A_121 = arith.constant 245 : i32
    %mul3A_122 = arith.muli %add3A, %mul3A_121 : i32
    %add3A_123 = arith.constant 245 : i32
    %add3A_124 = arith.addi %mul3A_122, %add3A_123 : i32
    %min3A_125 = arith.constant 7812 : i32
    %min3A_126 = arith.minsi %add3A_124, %min3A_125 : i32
    %mul3A_127 = arith.constant 128 : i32
    %mul3A_128 = arith.muli %mul3A_122, %mul3A_127 : i32
    %multiple_of3A_129 = tpu.assume_multiple %mul3A_128, 128 : i32
    %dma_start3A_130 = arith.constant 0 : i32
    %dma_start3A_131 = arith.constant 0 : i32
    %dma_start3A_132 = arith.constant 0 : i32
    %dma_start3A_133 = tpu.memref_slice %arg14[%dma_start3A_130, %dma_start3A_131, %dma_start3A_132] : memref<2x16x128xf32, #tpu.memory_space<vmem>> -> memref<1x16x128xf32, #tpu.memory_space<vmem>>
    %dma_start3A_134 = tpu.memref_squeeze %dma_start3A_133 : memref<1x16x128xf32, #tpu.memory_space<vmem>> -> memref<16x128xf32, #tpu.memory_space<vmem>>
    %dma_start3A_135 = arith.constant 0 : i32
    %dma_start3A_136 = tpu.memref_slice %arg5[%dma_start3A_135, %multiple_of3A_129] : memref<16x1000000xf32, #tpu.memory_space<hbm>> -> memref<16x128xf32, #tpu.memory_space<hbm>>
    %dma_start3A_137 = arith.constant 0 : i32
    %dma_start3A_138 = arith.constant 0 : i32
    %dma_start3A_139 = tpu.memref_slice %arg14[%dma_start3A_130, %dma_start3A_137, %dma_start3A_138] : memref<2x16x128xf32, #tpu.memory_space<vmem>> -> memref<1x16x128xf32, #tpu.memory_space<vmem>>
    %dma_start3A_140 = tpu.memref_squeeze %dma_start3A_139 : memref<1x16x128xf32, #tpu.memory_space<vmem>> -> memref<16x128xf32, #tpu.memory_space<vmem>>
    %dma_start3A_141 = arith.constant 0 : i32
    %dma_start3A_142 = tpu.memref_slice %arg5[%dma_start3A_141, %multiple_of3A_129] : memref<16x1000000xf32, #tpu.memory_space<hbm>> -> memref<16x128xf32, #tpu.memory_space<hbm>>
    tpu.enqueue_dma source(%dma_start3A_142 : memref<16x128xf32, #tpu.memory_space<hbm>>) target(%dma_start3A_140 : memref<16x128xf32, #tpu.memory_space<vmem>>) target_semaphore(%arg17 : memref<!tpu.dma_semaphore, #tpu.memory_space<semaphore_mem>>)
    %scan3A_143 = arith.constant 0 : i32
    %scan3A_144 = arith.constant 245 : i32
    %scan3A_145 = arith.addi %scan3A_143, %scan3A_144 : i32
    %scan3A_146 = arith.constant 1 : i32
    scf.for %scan3A_164 = %scan3A_143 to %scan3A_145 step %scan3A_146  : i32 {
      %mul3A_165 = arith.constant 1 : i32
      %mul3A_166 = arith.muli %scan3A_164, %mul3A_165 : i32
      %add3A_167 = arith.constant 0 : i32
      %add3A_168 = arith.addi %add3A_167, %mul3A_166 : i32
      %add3A_169 = arith.addi %mul3A_122, %add3A_168 : i32
      %lt3A = arith.cmpi slt, %add3A_169, %min3A_126 : i32
      %convert_element_type3A_170 = arith.extui %lt3A : i1 to i32
      %cond3A_171 = arith.constant 0 : i32
      %cond3A_172 = arith.cmpi ne, %convert_element_type3A_170, %cond3A_171 : i32
      scf.if %cond3A_172 {
        %rem3A = arith.constant 2 : i32
        %rem3A_173 = arith.remsi %add3A_168, %rem3A : i32
        %add3A_174 = arith.constant 1 : i32
        %add3A_175 = arith.addi %add3A_169, %add3A_174 : i32
        %lt3A_176 = arith.cmpi slt, %add3A_175, %min3A_126 : i32
        %convert_element_type3A_177 = arith.extui %lt3A_176 : i1 to i32
        %cond3A_178 = arith.constant 0 : i32
        %cond3A_179 = arith.cmpi ne, %convert_element_type3A_177, %cond3A_178 : i32
        scf.if %cond3A_179 {
          %add3A_213 = arith.constant 1 : i32
          %add3A_214 = arith.addi %add3A_169, %add3A_213 : i32
          %add3A_215 = arith.constant 1 : i32
          %add3A_216 = arith.addi %add3A_168, %add3A_215 : i32
          %rem3A_217 = arith.constant 2 : i32
          %rem3A_218 = arith.remsi %add3A_216, %rem3A_217 : i32
          %mul3A_219 = arith.constant 128 : i32
          %mul3A_220 = arith.muli %add3A_214, %mul3A_219 : i32
          %multiple_of3A_221 = tpu.assume_multiple %mul3A_220, 128 : i32
          %dma_start3A_222 = arith.constant 0 : i32
          %dma_start3A_223 = arith.constant 0 : i32
          %dma_start3A_224 = tpu.memref_slice %arg14[%rem3A_218, %dma_start3A_222, %dma_start3A_223] : memref<2x16x128xf32, #tpu.memory_space<vmem>> -> memref<1x16x128xf32, #tpu.memory_space<vmem>>
          %dma_start3A_225 = tpu.memref_squeeze %dma_start3A_224 : memref<1x16x128xf32, #tpu.memory_space<vmem>> -> memref<16x128xf32, #tpu.memory_space<vmem>>
          %dma_start3A_226 = arith.constant 0 : i32
          %dma_start3A_227 = tpu.memref_slice %arg5[%dma_start3A_226, %multiple_of3A_221] : memref<16x1000000xf32, #tpu.memory_space<hbm>> -> memref<16x128xf32, #tpu.memory_space<hbm>>
          %dma_start3A_228 = arith.constant 0 : i32
          %dma_start3A_229 = arith.constant 0 : i32
          %dma_start3A_230 = tpu.memref_slice %arg14[%rem3A_218, %dma_start3A_228, %dma_start3A_229] : memref<2x16x128xf32, #tpu.memory_space<vmem>> -> memref<1x16x128xf32, #tpu.memory_space<vmem>>
          %dma_start3A_231 = tpu.memref_squeeze %dma_start3A_230 : memref<1x16x128xf32, #tpu.memory_space<vmem>> -> memref<16x128xf32, #tpu.memory_space<vmem>>
          %dma_start3A_232 = arith.constant 0 : i32
          %dma_start3A_233 = tpu.memref_slice %arg5[%dma_start3A_232, %multiple_of3A_221] : memref<16x1000000xf32, #tpu.memory_space<hbm>> -> memref<16x128xf32, #tpu.memory_space<hbm>>
          tpu.enqueue_dma source(%dma_start3A_233 : memref<16x128xf32, #tpu.memory_space<hbm>>) target(%dma_start3A_231 : memref<16x128xf32, #tpu.memory_space<vmem>>) target_semaphore(%arg17 : memref<!tpu.dma_semaphore, #tpu.memory_space<semaphore_mem>>)
        } else {
        }
        %dma_wait3A = arith.constant 0 : i32
        %dma_wait3A_180 = arith.constant 0 : i32
        %dma_wait3A_181 = arith.constant 0 : i32
        %dma_wait3A_182 = tpu.memref_slice %arg14[%dma_wait3A, %dma_wait3A_180, %dma_wait3A_181] : memref<2x16x128xf32, #tpu.memory_space<vmem>> -> memref<1x16x128xf32, #tpu.memory_space<vmem>>
        %dma_wait3A_183 = tpu.memref_squeeze %dma_wait3A_182 : memref<1x16x128xf32, #tpu.memory_space<vmem>> -> memref<16x128xf32, #tpu.memory_space<vmem>>
        %dma_wait3A_184 = arith.constant 0 : i32
        %dma_wait3A_185 = arith.constant 0 : i32
        %dma_wait3A_186 = tpu.memref_slice %arg5[%dma_wait3A_184, %dma_wait3A_185] : memref<16x1000000xf32, #tpu.memory_space<hbm>> -> memref<16x128xf32, #tpu.memory_space<hbm>>
        %dma_wait3A_187 = arith.constant 0 : i32
        %dma_wait3A_188 = arith.constant 0 : i32
        %dma_wait3A_189 = tpu.memref_slice %arg14[%dma_wait3A, %dma_wait3A_187, %dma_wait3A_188] : memref<2x16x128xf32, #tpu.memory_space<vmem>> -> memref<1x16x128xf32, #tpu.memory_space<vmem>>
        %dma_wait3A_190 = tpu.memref_squeeze %dma_wait3A_189 : memref<1x16x128xf32, #tpu.memory_space<vmem>> -> memref<16x128xf32, #tpu.memory_space<vmem>>
        %dma_wait3A_191 = arith.constant 0 : i32
        %dma_wait3A_192 = arith.constant 0 : i32
        %dma_wait3A_193 = tpu.memref_slice %arg5[%dma_wait3A_191, %dma_wait3A_192] : memref<16x1000000xf32, #tpu.memory_space<hbm>> -> memref<16x128xf32, #tpu.memory_space<hbm>>
        tpu.wait_dma2 semaphore(%arg17 : memref<!tpu.dma_semaphore, #tpu.memory_space<semaphore_mem>>) src(%dma_wait3A_193 : memref<16x128xf32, #tpu.memory_space<hbm>>) dst(%dma_wait3A_190 : memref<16x128xf32, #tpu.memory_space<vmem>>)
        %ge3A_194 = arith.constant 2 : i32
        %ge3A_195 = arith.cmpi sge, %add3A_168, %ge3A_194 : i32
        %convert_element_type3A_196 = arith.extui %ge3A_195 : i1 to i32
        %cond3A_197 = arith.constant 0 : i32
        %cond3A_198 = arith.cmpi ne, %convert_element_type3A_196, %cond3A_197 : i32
        scf.if %cond3A_198 {
          %dma_wait3A_213 = arith.constant 0 : i32
          %dma_wait3A_214 = arith.constant 0 : i32
          %dma_wait3A_215 = tpu.memref_slice %arg16[%dma_wait3A_213, %dma_wait3A_214] : memref<2x2048xf32, #tpu.memory_space<vmem>> -> memref<1x2048xf32, #tpu.memory_space<vmem>>
          %dma_wait3A_216 = tpu.memref_squeeze %dma_wait3A_215 : memref<1x2048xf32, #tpu.memory_space<vmem>> -> memref<2048xf32, #tpu.memory_space<vmem>>
          %dma_wait3A_217 = arith.constant 0 : i32
          %dma_wait3A_218 = tpu.memref_slice %arg13[%dma_wait3A_217] : memref<16000000xf32, #tpu.memory_space<hbm>> -> memref<2048xf32, #tpu.memory_space<hbm>>
          %dma_wait3A_219 = arith.constant 0 : i32
          %dma_wait3A_220 = tpu.memref_slice %arg16[%dma_wait3A_213, %dma_wait3A_219] : memref<2x2048xf32, #tpu.memory_space<vmem>> -> memref<1x2048xf32, #tpu.memory_space<vmem>>
          %dma_wait3A_221 = tpu.memref_squeeze %dma_wait3A_220 : memref<1x2048xf32, #tpu.memory_space<vmem>> -> memref<2048xf32, #tpu.memory_space<vmem>>
          %dma_wait3A_222 = arith.constant 0 : i32
          %dma_wait3A_223 = tpu.memref_slice %arg13[%dma_wait3A_222] : memref<16000000xf32, #tpu.memory_space<hbm>> -> memref<2048xf32, #tpu.memory_space<hbm>>
          tpu.wait_dma2 semaphore(%arg18 : memref<!tpu.dma_semaphore, #tpu.memory_space<semaphore_mem>>) src(%dma_wait3A_223 : memref<2048xf32, #tpu.memory_space<hbm>>) dst(%dma_wait3A_221 : memref<2048xf32, #tpu.memory_space<vmem>>)
        } else {
        }
        %parallel_loop3A = arith.constant 0 : i32
        %parallel_loop3A_199 = arith.constant 32 : i32
        %parallel_loop3A_200 = arith.constant 1 : i32
        scf.for %parallel_loop3A_213 = %parallel_loop3A to %parallel_loop3A_199 step %parallel_loop3A_200  : i32 {
          %parallel_loop3A_214 = arith.constant 0 : i32
          %parallel_loop3A_215 = arith.addi %parallel_loop3A_213, %parallel_loop3A_214 : i32
          %parallel_loop3A_216 = vector.broadcast %parallel_loop3A_215 : i32 to vector<16xi32>
          %parallel_loop3A_217 = arith.constant 0 : i32
          %parallel_loop3A_218 = arith.constant 0 : i32
          %parallel_loop3A_219 = tpu.memref_slice %arg14[%rem3A_173, %parallel_loop3A_217, %parallel_loop3A_218] : memref<2x16x128xf32, #tpu.memory_space<vmem>> -> memref<1x16x128xf32, #tpu.memory_space<vmem>>
          %parallel_loop3A_220 = tpu.memref_squeeze %parallel_loop3A_219 : memref<1x16x128xf32, #tpu.memory_space<vmem>> -> memref<16x128xf32, #tpu.memory_space<vmem>>
          %parallel_loop3A_221 = tpu.vector_load_idx %parallel_loop3A_220[%iota3A, %parallel_loop3A_216] : memref<16x128xf32, #tpu.memory_space<vmem>>[vector<16xi32>, vector<16xi32>], vector<16xf32>,
          %parallel_loop3A_222 = arith.constant 16 : i32
          %parallel_loop3A_223 = arith.muli %parallel_loop3A_215, %parallel_loop3A_222 : i32
          %parallel_loop3A_224 = arith.index_cast %rem3A_173 : i32 to index
          %parallel_loop3A_225 = arith.index_cast %parallel_loop3A_223 : i32 to index
          %parallel_loop3A_226 = tpu.vector_load %arg16[%parallel_loop3A_224, %parallel_loop3A_225] {strides = array<i32>} : memref<2x2048xf32, #tpu.memory_space<vmem>>, vector<16xf32>,
          tpu.vector_store %arg16[%parallel_loop3A_224, %parallel_loop3A_225], %parallel_loop3A_221 {strides = array<i32>} : memref<2x2048xf32, #tpu.memory_space<vmem>>, vector<16xf32>,
          %parallel_loop3A_227 = arith.constant 32 : i32
          %parallel_loop3A_228 = arith.addi %parallel_loop3A_213, %parallel_loop3A_227 : i32
          %parallel_loop3A_229 = vector.broadcast %parallel_loop3A_228 : i32 to vector<16xi32>
          %parallel_loop3A_230 = arith.constant 0 : i32
          %parallel_loop3A_231 = arith.constant 0 : i32
          %parallel_loop3A_232 = tpu.memref_slice %arg14[%rem3A_173, %parallel_loop3A_230, %parallel_loop3A_231] : memref<2x16x128xf32, #tpu.memory_space<vmem>> -> memref<1x16x128xf32, #tpu.memory_space<vmem>>
          %parallel_loop3A_233 = tpu.memref_squeeze %parallel_loop3A_232 : memref<1x16x128xf32, #tpu.memory_space<vmem>> -> memref<16x128xf32, #tpu.memory_space<vmem>>
          %parallel_loop3A_234 = tpu.vector_load_idx %parallel_loop3A_233[%iota3A, %parallel_loop3A_229] : memref<16x128xf32, #tpu.memory_space<vmem>>[vector<16xi32>, vector<16xi32>], vector<16xf32>,
          %parallel_loop3A_235 = arith.constant 16 : i32
          %parallel_loop3A_236 = arith.muli %parallel_loop3A_228, %parallel_loop3A_235 : i32
          %parallel_loop3A_237 = arith.index_cast %rem3A_173 : i32 to index
          %parallel_loop3A_238 = arith.index_cast %parallel_loop3A_236 : i32 to index
          %parallel_loop3A_239 = tpu.vector_load %arg16[%parallel_loop3A_237, %parallel_loop3A_238] {strides = array<i32>} : memref<2x2048xf32, #tpu.memory_space<vmem>>, vector<16xf32>,
          tpu.vector_store %arg16[%parallel_loop3A_237, %parallel_loop3A_238], %parallel_loop3A_234 {strides = array<i32>} : memref<2x2048xf32, #tpu.memory_space<vmem>>, vector<16xf32>,
          %parallel_loop3A_240 = arith.constant 64 : i32
          %parallel_loop3A_241 = arith.addi %parallel_loop3A_213, %parallel_loop3A_240 : i32
          %parallel_loop3A_242 = vector.broadcast %parallel_loop3A_241 : i32 to vector<16xi32>
          %parallel_loop3A_243 = arith.constant 0 : i32
          %parallel_loop3A_244 = arith.constant 0 : i32
          %parallel_loop3A_245 = tpu.memref_slice %arg14[%rem3A_173, %parallel_loop3A_243, %parallel_loop3A_244] : memref<2x16x128xf32, #tpu.memory_space<vmem>> -> memref<1x16x128xf32, #tpu.memory_space<vmem>>
          %parallel_loop3A_246 = tpu.memref_squeeze %parallel_loop3A_245 : memref<1x16x128xf32, #tpu.memory_space<vmem>> -> memref<16x128xf32, #tpu.memory_space<vmem>>
          %parallel_loop3A_247 = tpu.vector_load_idx %parallel_loop3A_246[%iota3A, %parallel_loop3A_242] : memref<16x128xf32, #tpu.memory_space<vmem>>[vector<16xi32>, vector<16xi32>], vector<16xf32>,
          %parallel_loop3A_248 = arith.constant 16 : i32
          %parallel_loop3A_249 = arith.muli %parallel_loop3A_241, %parallel_loop3A_248 : i32
          %parallel_loop3A_250 = arith.index_cast %rem3A_173 : i32 to index
          %parallel_loop3A_251 = arith.index_cast %parallel_loop3A_249 : i32 to index
          %parallel_loop3A_252 = tpu.vector_load %arg16[%parallel_loop3A_250, %parallel_loop3A_251] {strides = array<i32>} : memref<2x2048xf32, #tpu.memory_space<vmem>>, vector<16xf32>,
          tpu.vector_store %arg16[%parallel_loop3A_250, %parallel_loop3A_251], %parallel_loop3A_247 {strides = array<i32>} : memref<2x2048xf32, #tpu.memory_space<vmem>>, vector<16xf32>,
          %parallel_loop3A_253 = arith.constant 96 : i32
          %parallel_loop3A_254 = arith.addi %parallel_loop3A_213, %parallel_loop3A_253 : i32
          %parallel_loop3A_255 = vector.broadcast %parallel_loop3A_254 : i32 to vector<16xi32>
          %parallel_loop3A_256 = arith.constant 0 : i32
          %parallel_loop3A_257 = arith.constant 0 : i32
          %parallel_loop3A_258 = tpu.memref_slice %arg14[%rem3A_173, %parallel_loop3A_256, %parallel_loop3A_257] : memref<2x16x128xf32, #tpu.memory_space<vmem>> -> memref<1x16x128xf32, #tpu.memory_space<vmem>>
          %parallel_loop3A_259 = tpu.memref_squeeze %parallel_loop3A_258 : memref<1x16x128xf32, #tpu.memory_space<vmem>> -> memref<16x128xf32, #tpu.memory_space<vmem>>
          %parallel_loop3A_260 = tpu.vector_load_idx %parallel_loop3A_259[%iota3A, %parallel_loop3A_255] : memref<16x128xf32, #tpu.memory_space<vmem>>[vector<16xi32>, vector<16xi32>], vector<16xf32>,
          %parallel_loop3A_261 = arith.constant 16 : i32
          %parallel_loop3A_262 = arith.muli %parallel_loop3A_254, %parallel_loop3A_261 : i32
          %parallel_loop3A_263 = arith.index_cast %rem3A_173 : i32 to index
          %parallel_loop3A_264 = arith.index_cast %parallel_loop3A_262 : i32 to index
          %parallel_loop3A_265 = tpu.vector_load %arg16[%parallel_loop3A_263, %parallel_loop3A_264] {strides = array<i32>} : memref<2x2048xf32, #tpu.memory_space<vmem>>, vector<16xf32>,
          tpu.vector_store %arg16[%parallel_loop3A_263, %parallel_loop3A_264], %parallel_loop3A_260 {strides = array<i32>} : memref<2x2048xf32, #tpu.memory_space<vmem>>, vector<16xf32>,
        } {sc.loop_unroll_factor = 4 : i64, sc.parallel_access}
        %mul3A_201 = arith.constant 128 : i32
        %mul3A_202 = arith.muli %add3A_169, %mul3A_201 : i32
        %mul3A_203 = arith.constant 16 : i32
        %mul3A_204 = arith.muli %mul3A_202, %mul3A_203 : i32
        %dma_start3A_205 = arith.constant 0 : i32
        %dma_start3A_206 = tpu.memref_slice %arg16[%rem3A_173, %dma_start3A_205] : memref<2x2048xf32, #tpu.memory_space<vmem>> -> memref<1x2048xf32, #tpu.memory_space<vmem>>
        %dma_start3A_207 = tpu.memref_squeeze %dma_start3A_206 : memref<1x2048xf32, #tpu.memory_space<vmem>> -> memref<2048xf32, #tpu.memory_space<vmem>>
        %dma_start3A_208 = tpu.memref_slice %arg13[%mul3A_204] : memref<16000000xf32, #tpu.memory_space<hbm>> -> memref<2048xf32, #tpu.memory_space<hbm>>
        %dma_start3A_209 = tpu.memref_slice %arg13[%mul3A_204] : memref<16000000xf32, #tpu.memory_space<hbm>> -> memref<2048xf32, #tpu.memory_space<hbm>>
        %dma_start3A_210 = arith.constant 0 : i32
        %dma_start3A_211 = tpu.memref_slice %arg16[%rem3A_173, %dma_start3A_210] : memref<2x2048xf32, #tpu.memory_space<vmem>> -> memref<1x2048xf32, #tpu.memory_space<vmem>>
        %dma_start3A_212 = tpu.memref_squeeze %dma_start3A_211 : memref<1x2048xf32, #tpu.memory_space<vmem>> -> memref<2048xf32, #tpu.memory_space<vmem>>
        tpu.enqueue_dma source(%dma_start3A_212 : memref<2048xf32, #tpu.memory_space<vmem>>) target(%dma_start3A_209 : memref<2048xf32, #tpu.memory_space<hbm>>) target_semaphore(%arg18 : memref<!tpu.dma_semaphore, #tpu.memory_space<semaphore_mem>>)
      } else {
      }
    }
    %scan3A_147 = arith.constant 245 : i32
    %sub3A_148 = arith.subi %min3A_126, %mul3A_122 : i32
    %ge3A_149 = arith.constant 1 : i32
    %ge3A_150 = arith.cmpi sge, %sub3A_148, %ge3A_149 : i32
    %convert_element_type3A_151 = arith.extui %ge3A_150 : i1 to i32
    %cond3A_152 = arith.constant 0 : i32
    %cond3A_153 = arith.cmpi ne, %convert_element_type3A_151, %cond3A_152 : i32
    scf.if %cond3A_153 {
      %dma_wait3A = arith.constant 0 : i32
      %dma_wait3A_164 = arith.constant 0 : i32
      %dma_wait3A_165 = tpu.memref_slice %arg16[%dma_wait3A, %dma_wait3A_164] : memref<2x2048xf32, #tpu.memory_space<vmem>> -> memref<1x2048xf32, #tpu.memory_space<vmem>>
      %dma_wait3A_166 = tpu.memref_squeeze %dma_wait3A_165 : memref<1x2048xf32, #tpu.memory_space<vmem>> -> memref<2048xf32, #tpu.memory_space<vmem>>
      %dma_wait3A_167 = arith.constant 0 : i32
      %dma_wait3A_168 = tpu.memref_slice %arg13[%dma_wait3A_167] : memref<16000000xf32, #tpu.memory_space<hbm>> -> memref<2048xf32, #tpu.memory_space<hbm>>
      %dma_wait3A_169 = arith.constant 0 : i32
      %dma_wait3A_170 = tpu.memref_slice %arg16[%dma_wait3A, %dma_wait3A_169] : memref<2x2048xf32, #tpu.memory_space<vmem>> -> memref<1x2048xf32, #tpu.memory_space<vmem>>
      %dma_wait3A_171 = tpu.memref_squeeze %dma_wait3A_170 : memref<1x2048xf32, #tpu.memory_space<vmem>> -> memref<2048xf32, #tpu.memory_space<vmem>>
      %dma_wait3A_172 = arith.constant 0 : i32
      %dma_wait3A_173 = tpu.memref_slice %arg13[%dma_wait3A_172] : memref<16000000xf32, #tpu.memory_space<hbm>> -> memref<2048xf32, #tpu.memory_space<hbm>>
      tpu.wait_dma2 semaphore(%arg18 : memref<!tpu.dma_semaphore, #tpu.memory_space<semaphore_mem>>) src(%dma_wait3A_173 : memref<2048xf32, #tpu.memory_space<hbm>>) dst(%dma_wait3A_171 : memref<2048xf32, #tpu.memory_space<vmem>>)
    } else {
    }
    %ge3A_154 = arith.constant 2 : i32
    %ge3A_155 = arith.cmpi sge, %sub3A_148, %ge3A_154 : i32
    %convert_element_type3A_156 = arith.extui %ge3A_155 : i1 to i32
    %cond3A_157 = arith.constant 0 : i32
    %cond3A_158 = arith.cmpi ne, %convert_element_type3A_156, %cond3A_157 : i32
    scf.if %cond3A_158 {
      %dma_wait3A = arith.constant 0 : i32
      %dma_wait3A_164 = arith.constant 0 : i32
      %dma_wait3A_165 = tpu.memref_slice %arg16[%dma_wait3A, %dma_wait3A_164] : memref<2x2048xf32, #tpu.memory_space<vmem>> -> memref<1x2048xf32, #tpu.memory_space<vmem>>
      %dma_wait3A_166 = tpu.memref_squeeze %dma_wait3A_165 : memref<1x2048xf32, #tpu.memory_space<vmem>> -> memref<2048xf32, #tpu.memory_space<vmem>>
      %dma_wait3A_167 = arith.constant 0 : i32
      %dma_wait3A_168 = tpu.memref_slice %arg13[%dma_wait3A_167] : memref<16000000xf32, #tpu.memory_space<hbm>> -> memref<2048xf32, #tpu.memory_space<hbm>>
      %dma_wait3A_169 = arith.constant 0 : i32
      %dma_wait3A_170 = tpu.memref_slice %arg16[%dma_wait3A, %dma_wait3A_169] : memref<2x2048xf32, #tpu.memory_space<vmem>> -> memref<1x2048xf32, #tpu.memory_space<vmem>>
      %dma_wait3A_171 = tpu.memref_squeeze %dma_wait3A_170 : memref<1x2048xf32, #tpu.memory_space<vmem>> -> memref<2048xf32, #tpu.memory_space<vmem>>
      %dma_wait3A_172 = arith.constant 0 : i32
      %dma_wait3A_173 = tpu.memref_slice %arg13[%dma_wait3A_172] : memref<16000000xf32, #tpu.memory_space<hbm>> -> memref<2048xf32, #tpu.memory_space<hbm>>
      tpu.wait_dma2 semaphore(%arg18 : memref<!tpu.dma_semaphore, #tpu.memory_space<semaphore_mem>>) src(%dma_wait3A_173 : memref<2048xf32, #tpu.memory_space<hbm>>) dst(%dma_wait3A_171 : memref<2048xf32, #tpu.memory_space<vmem>>)
    } else {
    }
    %eq3A_159 = arith.constant 0 : i32
    %eq3A_160 = arith.cmpi eq, %add3A, %eq3A_159 : i32
    %convert_element_type3A_161 = arith.extui %eq3A_160 : i1 to i32
    %cond3A_162 = arith.constant 0 : i32
    %cond3A_163 = arith.cmpi ne, %convert_element_type3A_161, %cond3A_162 : i32
    scf.if %cond3A_163 {
      "tpu.region"() ({
        %run_scoped3A_166 = tpu.sem_alloc : memref<!tpu.dma_semaphore, #tpu.memory_space<semaphore_mem>>
        tpu.enqueue_dma source(%arg9 : memref<16x64xf32, #tpu.memory_space<hbm>>) target(%arg15 : memref<16x64xf32, #tpu.memory_space<vmem>>) target_semaphore(%run_scoped3A_166 : memref<!tpu.dma_semaphore, #tpu.memory_space<semaphore_mem>>)
        tpu.wait_dma2 semaphore(%run_scoped3A_166 : memref<!tpu.dma_semaphore, #tpu.memory_space<semaphore_mem>>) src(%arg9 : memref<16x64xf32, #tpu.memory_space<hbm>>) dst(%arg15 : memref<16x64xf32, #tpu.memory_space<vmem>>)
        tpu.yield
      }) : () -> ()
      %parallel_loop3A = arith.constant 0 : i32
      %parallel_loop3A_164 = arith.constant 64 : i32
      %parallel_loop3A_165 = arith.constant 1 : i32
      scf.for %parallel_loop3A_166 = %parallel_loop3A to %parallel_loop3A_164 step %parallel_loop3A_165  : i32 {
        %parallel_loop3A_167 = vector.broadcast %parallel_loop3A_166 : i32 to vector<16xi32>
        %parallel_loop3A_168 = tpu.vector_load_idx %arg15[%iota3A, %parallel_loop3A_167] : memref<16x64xf32, #tpu.memory_space<vmem>>[vector<16xi32>, vector<16xi32>], vector<16xf32>,
        %parallel_loop3A_169 = arith.constant 16 : i32
        %parallel_loop3A_170 = arith.muli %parallel_loop3A_166, %parallel_loop3A_169 : i32
        %parallel_loop3A_171 = arith.constant 0 : i32
        %parallel_loop3A_172 = arith.index_cast %parallel_loop3A_171 : i32 to index
        %parallel_loop3A_173 = arith.index_cast %parallel_loop3A_170 : i32 to index
        %parallel_loop3A_174 = tpu.vector_load %arg16[%parallel_loop3A_172, %parallel_loop3A_173] {strides = array<i32>} : memref<2x2048xf32, #tpu.memory_space<vmem>>, vector<16xf32>,
        tpu.vector_store %arg16[%parallel_loop3A_172, %parallel_loop3A_173], %parallel_loop3A_168 {strides = array<i32>} : memref<2x2048xf32, #tpu.memory_space<vmem>>, vector<16xf32>,
      } {sc.loop_unroll_factor = 16 : i64, sc.parallel_access}
      %run_scoped3A = arith.constant 0 : i32
      "tpu.region"() ({
        %run_scoped3A_166 = tpu.sem_alloc : memref<!tpu.dma_semaphore, #tpu.memory_space<semaphore_mem>>
        %dma_start3A_167 = arith.constant 0 : i32
        %dma_start3A_168 = tpu.memref_slice %arg16[%run_scoped3A, %dma_start3A_167] : memref<2x2048xf32, #tpu.memory_space<vmem>> -> memref<1x1024xf32, #tpu.memory_space<vmem>>
        %dma_start3A_169 = tpu.memref_squeeze %dma_start3A_168 : memref<1x1024xf32, #tpu.memory_space<vmem>> -> memref<1024xf32, #tpu.memory_space<vmem>>
        %dma_start3A_170 = arith.constant 15998976 : i32
        %dma_start3A_171 = tpu.memref_slice %arg13[%dma_start3A_170] : memref<16000000xf32, #tpu.memory_space<hbm>> -> memref<1024xf32, #tpu.memory_space<hbm>>
        %dma_start3A_172 = arith.constant 15998976 : i32
        %dma_start3A_173 = tpu.memref_slice %arg13[%dma_start3A_172] : memref<16000000xf32, #tpu.memory_space<hbm>> -> memref<1024xf32, #tpu.memory_space<hbm>>
        %dma_start3A_174 = arith.constant 0 : i32
        %dma_start3A_175 = tpu.memref_slice %arg16[%run_scoped3A, %dma_start3A_174] : memref<2x2048xf32, #tpu.memory_space<vmem>> -> memref<1x1024xf32, #tpu.memory_space<vmem>>
        %dma_start3A_176 = tpu.memref_squeeze %dma_start3A_175 : memref<1x1024xf32, #tpu.memory_space<vmem>> -> memref<1024xf32, #tpu.memory_space<vmem>>
        tpu.enqueue_dma source(%dma_start3A_176 : memref<1024xf32, #tpu.memory_space<vmem>>) target(%dma_start3A_173 : memref<1024xf32, #tpu.memory_space<hbm>>) target_semaphore(%run_scoped3A_166 : memref<!tpu.dma_semaphore, #tpu.memory_space<semaphore_mem>>)
        %dma_wait3A = arith.constant 0 : i32
        %dma_wait3A_177 = tpu.memref_slice %arg16[%run_scoped3A, %dma_wait3A] : memref<2x2048xf32, #tpu.memory_space<vmem>> -> memref<1x1024xf32, #tpu.memory_space<vmem>>
        %dma_wait3A_178 = tpu.memref_squeeze %dma_wait3A_177 : memref<1x1024xf32, #tpu.memory_space<vmem>> -> memref<1024xf32, #tpu.memory_space<vmem>>
        %dma_wait3A_179 = arith.constant 15998976 : i32
        %dma_wait3A_180 = tpu.memref_slice %arg13[%dma_wait3A_179] : memref<16000000xf32, #tpu.memory_space<hbm>> -> memref<1024xf32, #tpu.memory_space<hbm>>
        %dma_wait3A_181 = arith.constant 15998976 : i32
        %dma_wait3A_182 = tpu.memref_slice %arg13[%dma_wait3A_181] : memref<16000000xf32, #tpu.memory_space<hbm>> -> memref<1024xf32, #tpu.memory_space<hbm>>
        %dma_wait3A_183 = arith.constant 0 : i32
        %dma_wait3A_184 = tpu.memref_slice %arg16[%run_scoped3A, %dma_wait3A_183] : memref<2x2048xf32, #tpu.memory_space<vmem>> -> memref<1x1024xf32, #tpu.memory_space<vmem>>
        %dma_wait3A_185 = tpu.memref_squeeze %dma_wait3A_184 : memref<1x1024xf32, #tpu.memory_space<vmem>> -> memref<1024xf32, #tpu.memory_space<vmem>>
        tpu.wait_dma2 semaphore(%run_scoped3A_166 : memref<!tpu.dma_semaphore, #tpu.memory_space<semaphore_mem>>) src(%dma_wait3A_185 : memref<1024xf32, #tpu.memory_space<vmem>>) dst(%dma_wait3A_182 : memref<1024xf32, #tpu.memory_space<hbm>>)
        tpu.yield
      }) : () -> ()
    } else {
    }
    return
  }
}

#map = affine_map<(d0, d1) -> (0, 0)>
#map1 = affine_map<(d0, d1) -> (0, 0, 0)>
module attributes {stable_mosaic.version = 14 : i64} {
  func.func @_emb_lookup(%arg0: i32, %arg1: i32, %arg2: memref<4x16384xi32, #tpu.memory_space<hbm>>, %arg3: memref<1000000x16xf32, #tpu.memory_space<hbm>>, %arg4: memref<1000000x16xf32, #tpu.memory_space<hbm>>, %arg5: memref<1000000x16xf32, #tpu.memory_space<hbm>>, %arg6: memref<1000000x16xf32, #tpu.memory_space<hbm>>, %arg7: memref<16384x4x16xf32, #tpu.memory_space<hbm>>, %arg8: memref<4x512xi32, #tpu.memory_space<vmem>>, %arg9: memref<4x512x16xf32, #tpu.memory_space<vmem>>, %arg10: memref<!tpu.dma_semaphore, #tpu.memory_space<semaphore_mem>>) attributes {dimension_semantics = [#tpu.dimension_semantics<core_parallel>, #tpu.dimension_semantics<subcore_parallel>], iteration_bounds = array<i64: 2, 16>, scalar_prefetch = 0 : i64, scratch_operands = 3 : i64, tpu.core_type = #tpu.core_type<sc_vector_subcore>, window_params = [{transform_indices = #map}, {transform_indices = #map}, {transform_indices = #map}, {transform_indices = #map}, {transform_indices = #map}, {transform_indices = #map1}]} {
    %mul3A = arith.constant 2 : i32
    %mul3A_0 = arith.muli %arg1, %mul3A : i32
    %add3A = arith.addi %mul3A_0, %arg0 : i32
    %mul3A_1 = arith.constant 512 : i32
    %mul3A_2 = arith.muli %add3A, %mul3A_1 : i32
    "tpu.region"() ({
      %run_scoped3A_392 = tpu.sem_alloc : memref<!tpu.dma_semaphore, #tpu.memory_space<semaphore_mem>>
      %dma_start3A_393 = arith.constant 0 : i32
      %dma_start3A_394 = tpu.memref_slice %arg2[%dma_start3A_393, %mul3A_2] : memref<4x16384xi32, #tpu.memory_space<hbm>> -> memref<4x512xi32, #tpu.memory_space<hbm>>
      %dma_start3A_395 = arith.constant 0 : i32
      %dma_start3A_396 = tpu.memref_slice %arg2[%dma_start3A_395, %mul3A_2] : memref<4x16384xi32, #tpu.memory_space<hbm>> -> memref<4x512xi32, #tpu.memory_space<hbm>>
      tpu.enqueue_dma source(%dma_start3A_396 : memref<4x512xi32, #tpu.memory_space<hbm>>) target(%arg8 : memref<4x512xi32, #tpu.memory_space<vmem>>) target_semaphore(%run_scoped3A_392 : memref<!tpu.dma_semaphore, #tpu.memory_space<semaphore_mem>>)
      %dma_wait3A_397 = arith.constant 0 : i32
      %dma_wait3A_398 = tpu.memref_slice %arg2[%dma_wait3A_397, %mul3A_2] : memref<4x16384xi32, #tpu.memory_space<hbm>> -> memref<4x512xi32, #tpu.memory_space<hbm>>
      %dma_wait3A_399 = arith.constant 0 : i32
      %dma_wait3A_400 = tpu.memref_slice %arg2[%dma_wait3A_399, %mul3A_2] : memref<4x16384xi32, #tpu.memory_space<hbm>> -> memref<4x512xi32, #tpu.memory_space<hbm>>
      tpu.wait_dma2 semaphore(%run_scoped3A_392 : memref<!tpu.dma_semaphore, #tpu.memory_space<semaphore_mem>>) src(%dma_wait3A_400 : memref<4x512xi32, #tpu.memory_space<hbm>>) dst(%arg8 : memref<4x512xi32, #tpu.memory_space<vmem>>)
      tpu.yield
    }) : () -> ()
    %dma_start3A = arith.constant 0 : i32
    %dma_start3A_3 = arith.constant 0 : i32
    %dma_start3A_4 = arith.constant 0 : i32
    %dma_start3A_5 = arith.constant 0 : i32
    %dma_start3A_6 = tpu.memref_slice %arg9[%dma_start3A_3, %dma_start3A_4, %dma_start3A_5] : memref<4x512x16xf32, #tpu.memory_space<vmem>> -> memref<1x128x16xf32, #tpu.memory_space<vmem>>
    %dma_start3A_7 = tpu.memref_squeeze %dma_start3A_6 : memref<1x128x16xf32, #tpu.memory_space<vmem>> -> memref<128x16xf32, #tpu.memory_space<vmem>>
    %dma_start3A_8 = arith.constant 0 : i32
    %dma_start3A_9 = tpu.memref_slice %arg8[%dma_start3A, %dma_start3A_8] : memref<4x512xi32, #tpu.memory_space<vmem>> -> memref<1x128xi32, #tpu.memory_space<vmem>>
    %dma_start3A_10 = tpu.memref_squeeze %dma_start3A_9 : memref<1x128xi32, #tpu.memory_space<vmem>> -> memref<128xi32, #tpu.memory_space<vmem>>
    %dma_start3A_11 = arith.constant 0 : i32
    %dma_start3A_12 = arith.constant 0 : i32
    %dma_start3A_13 = tpu.memref_slice %arg3[%dma_start3A_11, %dma_start3A_12] : memref<1000000x16xf32, #tpu.memory_space<hbm>> -> memref<1000000x16xf32, #tpu.memory_space<hbm>>
    tpu.enqueue_indirect_dma source(%dma_start3A_13 : memref<1000000x16xf32, #tpu.memory_space<hbm>>) target(%dma_start3A_7 : memref<128x16xf32, #tpu.memory_space<vmem>>) offsets(%dma_start3A_10 : memref<128xi32, #tpu.memory_space<vmem>>) semaphore(%arg10 : memref<!tpu.dma_semaphore, #tpu.memory_space<semaphore_mem>>)
    %dma_start3A_14 = arith.constant 0 : i32
    %dma_start3A_15 = arith.constant 0 : i32
    %dma_start3A_16 = arith.constant 128 : i32
    %dma_start3A_17 = arith.constant 0 : i32
    %dma_start3A_18 = tpu.memref_slice %arg9[%dma_start3A_15, %dma_start3A_16, %dma_start3A_17] : memref<4x512x16xf32, #tpu.memory_space<vmem>> -> memref<1x128x16xf32, #tpu.memory_space<vmem>>
    %dma_start3A_19 = tpu.memref_squeeze %dma_start3A_18 : memref<1x128x16xf32, #tpu.memory_space<vmem>> -> memref<128x16xf32, #tpu.memory_space<vmem>>
    %dma_start3A_20 = arith.constant 128 : i32
    %dma_start3A_21 = tpu.memref_slice %arg8[%dma_start3A_14, %dma_start3A_20] : memref<4x512xi32, #tpu.memory_space<vmem>> -> memref<1x128xi32, #tpu.memory_space<vmem>>
    %dma_start3A_22 = tpu.memref_squeeze %dma_start3A_21 : memref<1x128xi32, #tpu.memory_space<vmem>> -> memref<128xi32, #tpu.memory_space<vmem>>
    %dma_start3A_23 = arith.constant 0 : i32
    %dma_start3A_24 = arith.constant 0 : i32
    %dma_start3A_25 = tpu.memref_slice %arg3[%dma_start3A_23, %dma_start3A_24] : memref<1000000x16xf32, #tpu.memory_space<hbm>> -> memref<1000000x16xf32, #tpu.memory_space<hbm>>
    tpu.enqueue_indirect_dma source(%dma_start3A_25 : memref<1000000x16xf32, #tpu.memory_space<hbm>>) target(%dma_start3A_19 : memref<128x16xf32, #tpu.memory_space<vmem>>) offsets(%dma_start3A_22 : memref<128xi32, #tpu.memory_space<vmem>>) semaphore(%arg10 : memref<!tpu.dma_semaphore, #tpu.memory_space<semaphore_mem>>)
    %dma_start3A_26 = arith.constant 0 : i32
    %dma_start3A_27 = arith.constant 0 : i32
    %dma_start3A_28 = arith.constant 256 : i32
    %dma_start3A_29 = arith.constant 0 : i32
    %dma_start3A_30 = tpu.memref_slice %arg9[%dma_start3A_27, %dma_start3A_28, %dma_start3A_29] : memref<4x512x16xf32, #tpu.memory_space<vmem>> -> memref<1x128x16xf32, #tpu.memory_space<vmem>>
    %dma_start3A_31 = tpu.memref_squeeze %dma_start3A_30 : memref<1x128x16xf32, #tpu.memory_space<vmem>> -> memref<128x16xf32, #tpu.memory_space<vmem>>
    %dma_start3A_32 = arith.constant 256 : i32
    %dma_start3A_33 = tpu.memref_slice %arg8[%dma_start3A_26, %dma_start3A_32] : memref<4x512xi32, #tpu.memory_space<vmem>> -> memref<1x128xi32, #tpu.memory_space<vmem>>
    %dma_start3A_34 = tpu.memref_squeeze %dma_start3A_33 : memref<1x128xi32, #tpu.memory_space<vmem>> -> memref<128xi32, #tpu.memory_space<vmem>>
    %dma_start3A_35 = arith.constant 0 : i32
    %dma_start3A_36 = arith.constant 0 : i32
    %dma_start3A_37 = tpu.memref_slice %arg3[%dma_start3A_35, %dma_start3A_36] : memref<1000000x16xf32, #tpu.memory_space<hbm>> -> memref<1000000x16xf32, #tpu.memory_space<hbm>>
    tpu.enqueue_indirect_dma source(%dma_start3A_37 : memref<1000000x16xf32, #tpu.memory_space<hbm>>) target(%dma_start3A_31 : memref<128x16xf32, #tpu.memory_space<vmem>>) offsets(%dma_start3A_34 : memref<128xi32, #tpu.memory_space<vmem>>) semaphore(%arg10 : memref<!tpu.dma_semaphore, #tpu.memory_space<semaphore_mem>>)
    %dma_start3A_38 = arith.constant 0 : i32
    %dma_start3A_39 = arith.constant 0 : i32
    %dma_start3A_40 = arith.constant 384 : i32
    %dma_start3A_41 = arith.constant 0 : i32
    %dma_start3A_42 = tpu.memref_slice %arg9[%dma_start3A_39, %dma_start3A_40, %dma_start3A_41] : memref<4x512x16xf32, #tpu.memory_space<vmem>> -> memref<1x128x16xf32, #tpu.memory_space<vmem>>
    %dma_start3A_43 = tpu.memref_squeeze %dma_start3A_42 : memref<1x128x16xf32, #tpu.memory_space<vmem>> -> memref<128x16xf32, #tpu.memory_space<vmem>>
    %dma_start3A_44 = arith.constant 384 : i32
    %dma_start3A_45 = tpu.memref_slice %arg8[%dma_start3A_38, %dma_start3A_44] : memref<4x512xi32, #tpu.memory_space<vmem>> -> memref<1x128xi32, #tpu.memory_space<vmem>>
    %dma_start3A_46 = tpu.memref_squeeze %dma_start3A_45 : memref<1x128xi32, #tpu.memory_space<vmem>> -> memref<128xi32, #tpu.memory_space<vmem>>
    %dma_start3A_47 = arith.constant 0 : i32
    %dma_start3A_48 = arith.constant 0 : i32
    %dma_start3A_49 = tpu.memref_slice %arg3[%dma_start3A_47, %dma_start3A_48] : memref<1000000x16xf32, #tpu.memory_space<hbm>> -> memref<1000000x16xf32, #tpu.memory_space<hbm>>
    tpu.enqueue_indirect_dma source(%dma_start3A_49 : memref<1000000x16xf32, #tpu.memory_space<hbm>>) target(%dma_start3A_43 : memref<128x16xf32, #tpu.memory_space<vmem>>) offsets(%dma_start3A_46 : memref<128xi32, #tpu.memory_space<vmem>>) semaphore(%arg10 : memref<!tpu.dma_semaphore, #tpu.memory_space<semaphore_mem>>)
    %dma_start3A_50 = arith.constant 1 : i32
    %dma_start3A_51 = arith.constant 1 : i32
    %dma_start3A_52 = arith.constant 0 : i32
    %dma_start3A_53 = arith.constant 0 : i32
    %dma_start3A_54 = tpu.memref_slice %arg9[%dma_start3A_51, %dma_start3A_52, %dma_start3A_53] : memref<4x512x16xf32, #tpu.memory_space<vmem>> -> memref<1x128x16xf32, #tpu.memory_space<vmem>>
    %dma_start3A_55 = tpu.memref_squeeze %dma_start3A_54 : memref<1x128x16xf32, #tpu.memory_space<vmem>> -> memref<128x16xf32, #tpu.memory_space<vmem>>
    %dma_start3A_56 = arith.constant 0 : i32
    %dma_start3A_57 = tpu.memref_slice %arg8[%dma_start3A_50, %dma_start3A_56] : memref<4x512xi32, #tpu.memory_space<vmem>> -> memref<1x128xi32, #tpu.memory_space<vmem>>
    %dma_start3A_58 = tpu.memref_squeeze %dma_start3A_57 : memref<1x128xi32, #tpu.memory_space<vmem>> -> memref<128xi32, #tpu.memory_space<vmem>>
    %dma_start3A_59 = arith.constant 0 : i32
    %dma_start3A_60 = arith.constant 0 : i32
    %dma_start3A_61 = tpu.memref_slice %arg4[%dma_start3A_59, %dma_start3A_60] : memref<1000000x16xf32, #tpu.memory_space<hbm>> -> memref<1000000x16xf32, #tpu.memory_space<hbm>>
    tpu.enqueue_indirect_dma source(%dma_start3A_61 : memref<1000000x16xf32, #tpu.memory_space<hbm>>) target(%dma_start3A_55 : memref<128x16xf32, #tpu.memory_space<vmem>>) offsets(%dma_start3A_58 : memref<128xi32, #tpu.memory_space<vmem>>) semaphore(%arg10 : memref<!tpu.dma_semaphore, #tpu.memory_space<semaphore_mem>>)
    %dma_start3A_62 = arith.constant 1 : i32
    %dma_start3A_63 = arith.constant 1 : i32
    %dma_start3A_64 = arith.constant 128 : i32
    %dma_start3A_65 = arith.constant 0 : i32
    %dma_start3A_66 = tpu.memref_slice %arg9[%dma_start3A_63, %dma_start3A_64, %dma_start3A_65] : memref<4x512x16xf32, #tpu.memory_space<vmem>> -> memref<1x128x16xf32, #tpu.memory_space<vmem>>
    %dma_start3A_67 = tpu.memref_squeeze %dma_start3A_66 : memref<1x128x16xf32, #tpu.memory_space<vmem>> -> memref<128x16xf32, #tpu.memory_space<vmem>>
    %dma_start3A_68 = arith.constant 128 : i32
    %dma_start3A_69 = tpu.memref_slice %arg8[%dma_start3A_62, %dma_start3A_68] : memref<4x512xi32, #tpu.memory_space<vmem>> -> memref<1x128xi32, #tpu.memory_space<vmem>>
    %dma_start3A_70 = tpu.memref_squeeze %dma_start3A_69 : memref<1x128xi32, #tpu.memory_space<vmem>> -> memref<128xi32, #tpu.memory_space<vmem>>
    %dma_start3A_71 = arith.constant 0 : i32
    %dma_start3A_72 = arith.constant 0 : i32
    %dma_start3A_73 = tpu.memref_slice %arg4[%dma_start3A_71, %dma_start3A_72] : memref<1000000x16xf32, #tpu.memory_space<hbm>> -> memref<1000000x16xf32, #tpu.memory_space<hbm>>
    tpu.enqueue_indirect_dma source(%dma_start3A_73 : memref<1000000x16xf32, #tpu.memory_space<hbm>>) target(%dma_start3A_67 : memref<128x16xf32, #tpu.memory_space<vmem>>) offsets(%dma_start3A_70 : memref<128xi32, #tpu.memory_space<vmem>>) semaphore(%arg10 : memref<!tpu.dma_semaphore, #tpu.memory_space<semaphore_mem>>)
    %dma_start3A_74 = arith.constant 1 : i32
    %dma_start3A_75 = arith.constant 1 : i32
    %dma_start3A_76 = arith.constant 256 : i32
    %dma_start3A_77 = arith.constant 0 : i32
    %dma_start3A_78 = tpu.memref_slice %arg9[%dma_start3A_75, %dma_start3A_76, %dma_start3A_77] : memref<4x512x16xf32, #tpu.memory_space<vmem>> -> memref<1x128x16xf32, #tpu.memory_space<vmem>>
    %dma_start3A_79 = tpu.memref_squeeze %dma_start3A_78 : memref<1x128x16xf32, #tpu.memory_space<vmem>> -> memref<128x16xf32, #tpu.memory_space<vmem>>
    %dma_start3A_80 = arith.constant 256 : i32
    %dma_start3A_81 = tpu.memref_slice %arg8[%dma_start3A_74, %dma_start3A_80] : memref<4x512xi32, #tpu.memory_space<vmem>> -> memref<1x128xi32, #tpu.memory_space<vmem>>
    %dma_start3A_82 = tpu.memref_squeeze %dma_start3A_81 : memref<1x128xi32, #tpu.memory_space<vmem>> -> memref<128xi32, #tpu.memory_space<vmem>>
    %dma_start3A_83 = arith.constant 0 : i32
    %dma_start3A_84 = arith.constant 0 : i32
    %dma_start3A_85 = tpu.memref_slice %arg4[%dma_start3A_83, %dma_start3A_84] : memref<1000000x16xf32, #tpu.memory_space<hbm>> -> memref<1000000x16xf32, #tpu.memory_space<hbm>>
    tpu.enqueue_indirect_dma source(%dma_start3A_85 : memref<1000000x16xf32, #tpu.memory_space<hbm>>) target(%dma_start3A_79 : memref<128x16xf32, #tpu.memory_space<vmem>>) offsets(%dma_start3A_82 : memref<128xi32, #tpu.memory_space<vmem>>) semaphore(%arg10 : memref<!tpu.dma_semaphore, #tpu.memory_space<semaphore_mem>>)
    %dma_start3A_86 = arith.constant 1 : i32
    %dma_start3A_87 = arith.constant 1 : i32
    %dma_start3A_88 = arith.constant 384 : i32
    %dma_start3A_89 = arith.constant 0 : i32
    %dma_start3A_90 = tpu.memref_slice %arg9[%dma_start3A_87, %dma_start3A_88, %dma_start3A_89] : memref<4x512x16xf32, #tpu.memory_space<vmem>> -> memref<1x128x16xf32, #tpu.memory_space<vmem>>
    %dma_start3A_91 = tpu.memref_squeeze %dma_start3A_90 : memref<1x128x16xf32, #tpu.memory_space<vmem>> -> memref<128x16xf32, #tpu.memory_space<vmem>>
    %dma_start3A_92 = arith.constant 384 : i32
    %dma_start3A_93 = tpu.memref_slice %arg8[%dma_start3A_86, %dma_start3A_92] : memref<4x512xi32, #tpu.memory_space<vmem>> -> memref<1x128xi32, #tpu.memory_space<vmem>>
    %dma_start3A_94 = tpu.memref_squeeze %dma_start3A_93 : memref<1x128xi32, #tpu.memory_space<vmem>> -> memref<128xi32, #tpu.memory_space<vmem>>
    %dma_start3A_95 = arith.constant 0 : i32
    %dma_start3A_96 = arith.constant 0 : i32
    %dma_start3A_97 = tpu.memref_slice %arg4[%dma_start3A_95, %dma_start3A_96] : memref<1000000x16xf32, #tpu.memory_space<hbm>> -> memref<1000000x16xf32, #tpu.memory_space<hbm>>
    tpu.enqueue_indirect_dma source(%dma_start3A_97 : memref<1000000x16xf32, #tpu.memory_space<hbm>>) target(%dma_start3A_91 : memref<128x16xf32, #tpu.memory_space<vmem>>) offsets(%dma_start3A_94 : memref<128xi32, #tpu.memory_space<vmem>>) semaphore(%arg10 : memref<!tpu.dma_semaphore, #tpu.memory_space<semaphore_mem>>)
    %dma_start3A_98 = arith.constant 2 : i32
    %dma_start3A_99 = arith.constant 2 : i32
    %dma_start3A_100 = arith.constant 0 : i32
    %dma_start3A_101 = arith.constant 0 : i32
    %dma_start3A_102 = tpu.memref_slice %arg9[%dma_start3A_99, %dma_start3A_100, %dma_start3A_101] : memref<4x512x16xf32, #tpu.memory_space<vmem>> -> memref<1x128x16xf32, #tpu.memory_space<vmem>>
    %dma_start3A_103 = tpu.memref_squeeze %dma_start3A_102 : memref<1x128x16xf32, #tpu.memory_space<vmem>> -> memref<128x16xf32, #tpu.memory_space<vmem>>
    %dma_start3A_104 = arith.constant 0 : i32
    %dma_start3A_105 = tpu.memref_slice %arg8[%dma_start3A_98, %dma_start3A_104] : memref<4x512xi32, #tpu.memory_space<vmem>> -> memref<1x128xi32, #tpu.memory_space<vmem>>
    %dma_start3A_106 = tpu.memref_squeeze %dma_start3A_105 : memref<1x128xi32, #tpu.memory_space<vmem>> -> memref<128xi32, #tpu.memory_space<vmem>>
    %dma_start3A_107 = arith.constant 0 : i32
    %dma_start3A_108 = arith.constant 0 : i32
    %dma_start3A_109 = tpu.memref_slice %arg5[%dma_start3A_107, %dma_start3A_108] : memref<1000000x16xf32, #tpu.memory_space<hbm>> -> memref<1000000x16xf32, #tpu.memory_space<hbm>>
    tpu.enqueue_indirect_dma source(%dma_start3A_109 : memref<1000000x16xf32, #tpu.memory_space<hbm>>) target(%dma_start3A_103 : memref<128x16xf32, #tpu.memory_space<vmem>>) offsets(%dma_start3A_106 : memref<128xi32, #tpu.memory_space<vmem>>) semaphore(%arg10 : memref<!tpu.dma_semaphore, #tpu.memory_space<semaphore_mem>>)
    %dma_start3A_110 = arith.constant 2 : i32
    %dma_start3A_111 = arith.constant 2 : i32
    %dma_start3A_112 = arith.constant 128 : i32
    %dma_start3A_113 = arith.constant 0 : i32
    %dma_start3A_114 = tpu.memref_slice %arg9[%dma_start3A_111, %dma_start3A_112, %dma_start3A_113] : memref<4x512x16xf32, #tpu.memory_space<vmem>> -> memref<1x128x16xf32, #tpu.memory_space<vmem>>
    %dma_start3A_115 = tpu.memref_squeeze %dma_start3A_114 : memref<1x128x16xf32, #tpu.memory_space<vmem>> -> memref<128x16xf32, #tpu.memory_space<vmem>>
    %dma_start3A_116 = arith.constant 128 : i32
    %dma_start3A_117 = tpu.memref_slice %arg8[%dma_start3A_110, %dma_start3A_116] : memref<4x512xi32, #tpu.memory_space<vmem>> -> memref<1x128xi32, #tpu.memory_space<vmem>>
    %dma_start3A_118 = tpu.memref_squeeze %dma_start3A_117 : memref<1x128xi32, #tpu.memory_space<vmem>> -> memref<128xi32, #tpu.memory_space<vmem>>
    %dma_start3A_119 = arith.constant 0 : i32
    %dma_start3A_120 = arith.constant 0 : i32
    %dma_start3A_121 = tpu.memref_slice %arg5[%dma_start3A_119, %dma_start3A_120] : memref<1000000x16xf32, #tpu.memory_space<hbm>> -> memref<1000000x16xf32, #tpu.memory_space<hbm>>
    tpu.enqueue_indirect_dma source(%dma_start3A_121 : memref<1000000x16xf32, #tpu.memory_space<hbm>>) target(%dma_start3A_115 : memref<128x16xf32, #tpu.memory_space<vmem>>) offsets(%dma_start3A_118 : memref<128xi32, #tpu.memory_space<vmem>>) semaphore(%arg10 : memref<!tpu.dma_semaphore, #tpu.memory_space<semaphore_mem>>)
    %dma_start3A_122 = arith.constant 2 : i32
    %dma_start3A_123 = arith.constant 2 : i32
    %dma_start3A_124 = arith.constant 256 : i32
    %dma_start3A_125 = arith.constant 0 : i32
    %dma_start3A_126 = tpu.memref_slice %arg9[%dma_start3A_123, %dma_start3A_124, %dma_start3A_125] : memref<4x512x16xf32, #tpu.memory_space<vmem>> -> memref<1x128x16xf32, #tpu.memory_space<vmem>>
    %dma_start3A_127 = tpu.memref_squeeze %dma_start3A_126 : memref<1x128x16xf32, #tpu.memory_space<vmem>> -> memref<128x16xf32, #tpu.memory_space<vmem>>
    %dma_start3A_128 = arith.constant 256 : i32
    %dma_start3A_129 = tpu.memref_slice %arg8[%dma_start3A_122, %dma_start3A_128] : memref<4x512xi32, #tpu.memory_space<vmem>> -> memref<1x128xi32, #tpu.memory_space<vmem>>
    %dma_start3A_130 = tpu.memref_squeeze %dma_start3A_129 : memref<1x128xi32, #tpu.memory_space<vmem>> -> memref<128xi32, #tpu.memory_space<vmem>>
    %dma_start3A_131 = arith.constant 0 : i32
    %dma_start3A_132 = arith.constant 0 : i32
    %dma_start3A_133 = tpu.memref_slice %arg5[%dma_start3A_131, %dma_start3A_132] : memref<1000000x16xf32, #tpu.memory_space<hbm>> -> memref<1000000x16xf32, #tpu.memory_space<hbm>>
    tpu.enqueue_indirect_dma source(%dma_start3A_133 : memref<1000000x16xf32, #tpu.memory_space<hbm>>) target(%dma_start3A_127 : memref<128x16xf32, #tpu.memory_space<vmem>>) offsets(%dma_start3A_130 : memref<128xi32, #tpu.memory_space<vmem>>) semaphore(%arg10 : memref<!tpu.dma_semaphore, #tpu.memory_space<semaphore_mem>>)
    %dma_start3A_134 = arith.constant 2 : i32
    %dma_start3A_135 = arith.constant 2 : i32
    %dma_start3A_136 = arith.constant 384 : i32
    %dma_start3A_137 = arith.constant 0 : i32
    %dma_start3A_138 = tpu.memref_slice %arg9[%dma_start3A_135, %dma_start3A_136, %dma_start3A_137] : memref<4x512x16xf32, #tpu.memory_space<vmem>> -> memref<1x128x16xf32, #tpu.memory_space<vmem>>
    %dma_start3A_139 = tpu.memref_squeeze %dma_start3A_138 : memref<1x128x16xf32, #tpu.memory_space<vmem>> -> memref<128x16xf32, #tpu.memory_space<vmem>>
    %dma_start3A_140 = arith.constant 384 : i32
    %dma_start3A_141 = tpu.memref_slice %arg8[%dma_start3A_134, %dma_start3A_140] : memref<4x512xi32, #tpu.memory_space<vmem>> -> memref<1x128xi32, #tpu.memory_space<vmem>>
    %dma_start3A_142 = tpu.memref_squeeze %dma_start3A_141 : memref<1x128xi32, #tpu.memory_space<vmem>> -> memref<128xi32, #tpu.memory_space<vmem>>
    %dma_start3A_143 = arith.constant 0 : i32
    %dma_start3A_144 = arith.constant 0 : i32
    %dma_start3A_145 = tpu.memref_slice %arg5[%dma_start3A_143, %dma_start3A_144] : memref<1000000x16xf32, #tpu.memory_space<hbm>> -> memref<1000000x16xf32, #tpu.memory_space<hbm>>
    tpu.enqueue_indirect_dma source(%dma_start3A_145 : memref<1000000x16xf32, #tpu.memory_space<hbm>>) target(%dma_start3A_139 : memref<128x16xf32, #tpu.memory_space<vmem>>) offsets(%dma_start3A_142 : memref<128xi32, #tpu.memory_space<vmem>>) semaphore(%arg10 : memref<!tpu.dma_semaphore, #tpu.memory_space<semaphore_mem>>)
    %dma_start3A_146 = arith.constant 3 : i32
    %dma_start3A_147 = arith.constant 3 : i32
    %dma_start3A_148 = arith.constant 0 : i32
    %dma_start3A_149 = arith.constant 0 : i32
    %dma_start3A_150 = tpu.memref_slice %arg9[%dma_start3A_147, %dma_start3A_148, %dma_start3A_149] : memref<4x512x16xf32, #tpu.memory_space<vmem>> -> memref<1x128x16xf32, #tpu.memory_space<vmem>>
    %dma_start3A_151 = tpu.memref_squeeze %dma_start3A_150 : memref<1x128x16xf32, #tpu.memory_space<vmem>> -> memref<128x16xf32, #tpu.memory_space<vmem>>
    %dma_start3A_152 = arith.constant 0 : i32
    %dma_start3A_153 = tpu.memref_slice %arg8[%dma_start3A_146, %dma_start3A_152] : memref<4x512xi32, #tpu.memory_space<vmem>> -> memref<1x128xi32, #tpu.memory_space<vmem>>
    %dma_start3A_154 = tpu.memref_squeeze %dma_start3A_153 : memref<1x128xi32, #tpu.memory_space<vmem>> -> memref<128xi32, #tpu.memory_space<vmem>>
    %dma_start3A_155 = arith.constant 0 : i32
    %dma_start3A_156 = arith.constant 0 : i32
    %dma_start3A_157 = tpu.memref_slice %arg6[%dma_start3A_155, %dma_start3A_156] : memref<1000000x16xf32, #tpu.memory_space<hbm>> -> memref<1000000x16xf32, #tpu.memory_space<hbm>>
    tpu.enqueue_indirect_dma source(%dma_start3A_157 : memref<1000000x16xf32, #tpu.memory_space<hbm>>) target(%dma_start3A_151 : memref<128x16xf32, #tpu.memory_space<vmem>>) offsets(%dma_start3A_154 : memref<128xi32, #tpu.memory_space<vmem>>) semaphore(%arg10 : memref<!tpu.dma_semaphore, #tpu.memory_space<semaphore_mem>>)
    %dma_start3A_158 = arith.constant 3 : i32
    %dma_start3A_159 = arith.constant 3 : i32
    %dma_start3A_160 = arith.constant 128 : i32
    %dma_start3A_161 = arith.constant 0 : i32
    %dma_start3A_162 = tpu.memref_slice %arg9[%dma_start3A_159, %dma_start3A_160, %dma_start3A_161] : memref<4x512x16xf32, #tpu.memory_space<vmem>> -> memref<1x128x16xf32, #tpu.memory_space<vmem>>
    %dma_start3A_163 = tpu.memref_squeeze %dma_start3A_162 : memref<1x128x16xf32, #tpu.memory_space<vmem>> -> memref<128x16xf32, #tpu.memory_space<vmem>>
    %dma_start3A_164 = arith.constant 128 : i32
    %dma_start3A_165 = tpu.memref_slice %arg8[%dma_start3A_158, %dma_start3A_164] : memref<4x512xi32, #tpu.memory_space<vmem>> -> memref<1x128xi32, #tpu.memory_space<vmem>>
    %dma_start3A_166 = tpu.memref_squeeze %dma_start3A_165 : memref<1x128xi32, #tpu.memory_space<vmem>> -> memref<128xi32, #tpu.memory_space<vmem>>
    %dma_start3A_167 = arith.constant 0 : i32
    %dma_start3A_168 = arith.constant 0 : i32
    %dma_start3A_169 = tpu.memref_slice %arg6[%dma_start3A_167, %dma_start3A_168] : memref<1000000x16xf32, #tpu.memory_space<hbm>> -> memref<1000000x16xf32, #tpu.memory_space<hbm>>
    tpu.enqueue_indirect_dma source(%dma_start3A_169 : memref<1000000x16xf32, #tpu.memory_space<hbm>>) target(%dma_start3A_163 : memref<128x16xf32, #tpu.memory_space<vmem>>) offsets(%dma_start3A_166 : memref<128xi32, #tpu.memory_space<vmem>>) semaphore(%arg10 : memref<!tpu.dma_semaphore, #tpu.memory_space<semaphore_mem>>)
    %dma_start3A_170 = arith.constant 3 : i32
    %dma_start3A_171 = arith.constant 3 : i32
    %dma_start3A_172 = arith.constant 256 : i32
    %dma_start3A_173 = arith.constant 0 : i32
    %dma_start3A_174 = tpu.memref_slice %arg9[%dma_start3A_171, %dma_start3A_172, %dma_start3A_173] : memref<4x512x16xf32, #tpu.memory_space<vmem>> -> memref<1x128x16xf32, #tpu.memory_space<vmem>>
    %dma_start3A_175 = tpu.memref_squeeze %dma_start3A_174 : memref<1x128x16xf32, #tpu.memory_space<vmem>> -> memref<128x16xf32, #tpu.memory_space<vmem>>
    %dma_start3A_176 = arith.constant 256 : i32
    %dma_start3A_177 = tpu.memref_slice %arg8[%dma_start3A_170, %dma_start3A_176] : memref<4x512xi32, #tpu.memory_space<vmem>> -> memref<1x128xi32, #tpu.memory_space<vmem>>
    %dma_start3A_178 = tpu.memref_squeeze %dma_start3A_177 : memref<1x128xi32, #tpu.memory_space<vmem>> -> memref<128xi32, #tpu.memory_space<vmem>>
    %dma_start3A_179 = arith.constant 0 : i32
    %dma_start3A_180 = arith.constant 0 : i32
    %dma_start3A_181 = tpu.memref_slice %arg6[%dma_start3A_179, %dma_start3A_180] : memref<1000000x16xf32, #tpu.memory_space<hbm>> -> memref<1000000x16xf32, #tpu.memory_space<hbm>>
    tpu.enqueue_indirect_dma source(%dma_start3A_181 : memref<1000000x16xf32, #tpu.memory_space<hbm>>) target(%dma_start3A_175 : memref<128x16xf32, #tpu.memory_space<vmem>>) offsets(%dma_start3A_178 : memref<128xi32, #tpu.memory_space<vmem>>) semaphore(%arg10 : memref<!tpu.dma_semaphore, #tpu.memory_space<semaphore_mem>>)
    %dma_start3A_182 = arith.constant 3 : i32
    %dma_start3A_183 = arith.constant 3 : i32
    %dma_start3A_184 = arith.constant 384 : i32
    %dma_start3A_185 = arith.constant 0 : i32
    %dma_start3A_186 = tpu.memref_slice %arg9[%dma_start3A_183, %dma_start3A_184, %dma_start3A_185] : memref<4x512x16xf32, #tpu.memory_space<vmem>> -> memref<1x128x16xf32, #tpu.memory_space<vmem>>
    %dma_start3A_187 = tpu.memref_squeeze %dma_start3A_186 : memref<1x128x16xf32, #tpu.memory_space<vmem>> -> memref<128x16xf32, #tpu.memory_space<vmem>>
    %dma_start3A_188 = arith.constant 384 : i32
    %dma_start3A_189 = tpu.memref_slice %arg8[%dma_start3A_182, %dma_start3A_188] : memref<4x512xi32, #tpu.memory_space<vmem>> -> memref<1x128xi32, #tpu.memory_space<vmem>>
    %dma_start3A_190 = tpu.memref_squeeze %dma_start3A_189 : memref<1x128xi32, #tpu.memory_space<vmem>> -> memref<128xi32, #tpu.memory_space<vmem>>
    %dma_start3A_191 = arith.constant 0 : i32
    %dma_start3A_192 = arith.constant 0 : i32
    %dma_start3A_193 = tpu.memref_slice %arg6[%dma_start3A_191, %dma_start3A_192] : memref<1000000x16xf32, #tpu.memory_space<hbm>> -> memref<1000000x16xf32, #tpu.memory_space<hbm>>
    tpu.enqueue_indirect_dma source(%dma_start3A_193 : memref<1000000x16xf32, #tpu.memory_space<hbm>>) target(%dma_start3A_187 : memref<128x16xf32, #tpu.memory_space<vmem>>) offsets(%dma_start3A_190 : memref<128xi32, #tpu.memory_space<vmem>>) semaphore(%arg10 : memref<!tpu.dma_semaphore, #tpu.memory_space<semaphore_mem>>)
    %dma_wait3A = arith.constant 0 : i32
    %dma_wait3A_194 = arith.constant 0 : i32
    %dma_wait3A_195 = arith.constant 0 : i32
    %dma_wait3A_196 = arith.constant 0 : i32
    %dma_wait3A_197 = tpu.memref_slice %arg9[%dma_wait3A_194, %dma_wait3A_195, %dma_wait3A_196] : memref<4x512x16xf32, #tpu.memory_space<vmem>> -> memref<1x128x16xf32, #tpu.memory_space<vmem>>
    %dma_wait3A_198 = tpu.memref_squeeze %dma_wait3A_197 : memref<1x128x16xf32, #tpu.memory_space<vmem>> -> memref<128x16xf32, #tpu.memory_space<vmem>>
    %dma_wait3A_199 = arith.constant 0 : i32
    %dma_wait3A_200 = tpu.memref_slice %arg8[%dma_wait3A, %dma_wait3A_199] : memref<4x512xi32, #tpu.memory_space<vmem>> -> memref<1x128xi32, #tpu.memory_space<vmem>>
    %dma_wait3A_201 = tpu.memref_squeeze %dma_wait3A_200 : memref<1x128xi32, #tpu.memory_space<vmem>> -> memref<128xi32, #tpu.memory_space<vmem>>
    %dma_wait3A_202 = arith.constant 0 : i32
    %dma_wait3A_203 = arith.constant 0 : i32
    %dma_wait3A_204 = tpu.memref_slice %arg3[%dma_wait3A_202, %dma_wait3A_203] : memref<1000000x16xf32, #tpu.memory_space<hbm>> -> memref<1000000x16xf32, #tpu.memory_space<hbm>>
    tpu.wait_indirect_dma semaphore(%arg10 : memref<!tpu.dma_semaphore, #tpu.memory_space<semaphore_mem>>) src(%dma_wait3A_204 : memref<1000000x16xf32, #tpu.memory_space<hbm>>) dst(%dma_wait3A_198 : memref<128x16xf32, #tpu.memory_space<vmem>>)
    %dma_wait3A_205 = arith.constant 0 : i32
    %dma_wait3A_206 = arith.constant 0 : i32
    %dma_wait3A_207 = arith.constant 128 : i32
    %dma_wait3A_208 = arith.constant 0 : i32
    %dma_wait3A_209 = tpu.memref_slice %arg9[%dma_wait3A_206, %dma_wait3A_207, %dma_wait3A_208] : memref<4x512x16xf32, #tpu.memory_space<vmem>> -> memref<1x128x16xf32, #tpu.memory_space<vmem>>
    %dma_wait3A_210 = tpu.memref_squeeze %dma_wait3A_209 : memref<1x128x16xf32, #tpu.memory_space<vmem>> -> memref<128x16xf32, #tpu.memory_space<vmem>>
    %dma_wait3A_211 = arith.constant 128 : i32
    %dma_wait3A_212 = tpu.memref_slice %arg8[%dma_wait3A_205, %dma_wait3A_211] : memref<4x512xi32, #tpu.memory_space<vmem>> -> memref<1x128xi32, #tpu.memory_space<vmem>>
    %dma_wait3A_213 = tpu.memref_squeeze %dma_wait3A_212 : memref<1x128xi32, #tpu.memory_space<vmem>> -> memref<128xi32, #tpu.memory_space<vmem>>
    %dma_wait3A_214 = arith.constant 0 : i32
    %dma_wait3A_215 = arith.constant 0 : i32
    %dma_wait3A_216 = tpu.memref_slice %arg3[%dma_wait3A_214, %dma_wait3A_215] : memref<1000000x16xf32, #tpu.memory_space<hbm>> -> memref<1000000x16xf32, #tpu.memory_space<hbm>>
    tpu.wait_indirect_dma semaphore(%arg10 : memref<!tpu.dma_semaphore, #tpu.memory_space<semaphore_mem>>) src(%dma_wait3A_216 : memref<1000000x16xf32, #tpu.memory_space<hbm>>) dst(%dma_wait3A_210 : memref<128x16xf32, #tpu.memory_space<vmem>>)
    %dma_wait3A_217 = arith.constant 0 : i32
    %dma_wait3A_218 = arith.constant 0 : i32
    %dma_wait3A_219 = arith.constant 256 : i32
    %dma_wait3A_220 = arith.constant 0 : i32
    %dma_wait3A_221 = tpu.memref_slice %arg9[%dma_wait3A_218, %dma_wait3A_219, %dma_wait3A_220] : memref<4x512x16xf32, #tpu.memory_space<vmem>> -> memref<1x128x16xf32, #tpu.memory_space<vmem>>
    %dma_wait3A_222 = tpu.memref_squeeze %dma_wait3A_221 : memref<1x128x16xf32, #tpu.memory_space<vmem>> -> memref<128x16xf32, #tpu.memory_space<vmem>>
    %dma_wait3A_223 = arith.constant 256 : i32
    %dma_wait3A_224 = tpu.memref_slice %arg8[%dma_wait3A_217, %dma_wait3A_223] : memref<4x512xi32, #tpu.memory_space<vmem>> -> memref<1x128xi32, #tpu.memory_space<vmem>>
    %dma_wait3A_225 = tpu.memref_squeeze %dma_wait3A_224 : memref<1x128xi32, #tpu.memory_space<vmem>> -> memref<128xi32, #tpu.memory_space<vmem>>
    %dma_wait3A_226 = arith.constant 0 : i32
    %dma_wait3A_227 = arith.constant 0 : i32
    %dma_wait3A_228 = tpu.memref_slice %arg3[%dma_wait3A_226, %dma_wait3A_227] : memref<1000000x16xf32, #tpu.memory_space<hbm>> -> memref<1000000x16xf32, #tpu.memory_space<hbm>>
    tpu.wait_indirect_dma semaphore(%arg10 : memref<!tpu.dma_semaphore, #tpu.memory_space<semaphore_mem>>) src(%dma_wait3A_228 : memref<1000000x16xf32, #tpu.memory_space<hbm>>) dst(%dma_wait3A_222 : memref<128x16xf32, #tpu.memory_space<vmem>>)
    %dma_wait3A_229 = arith.constant 0 : i32
    %dma_wait3A_230 = arith.constant 0 : i32
    %dma_wait3A_231 = arith.constant 384 : i32
    %dma_wait3A_232 = arith.constant 0 : i32
    %dma_wait3A_233 = tpu.memref_slice %arg9[%dma_wait3A_230, %dma_wait3A_231, %dma_wait3A_232] : memref<4x512x16xf32, #tpu.memory_space<vmem>> -> memref<1x128x16xf32, #tpu.memory_space<vmem>>
    %dma_wait3A_234 = tpu.memref_squeeze %dma_wait3A_233 : memref<1x128x16xf32, #tpu.memory_space<vmem>> -> memref<128x16xf32, #tpu.memory_space<vmem>>
    %dma_wait3A_235 = arith.constant 384 : i32
    %dma_wait3A_236 = tpu.memref_slice %arg8[%dma_wait3A_229, %dma_wait3A_235] : memref<4x512xi32, #tpu.memory_space<vmem>> -> memref<1x128xi32, #tpu.memory_space<vmem>>
    %dma_wait3A_237 = tpu.memref_squeeze %dma_wait3A_236 : memref<1x128xi32, #tpu.memory_space<vmem>> -> memref<128xi32, #tpu.memory_space<vmem>>
    %dma_wait3A_238 = arith.constant 0 : i32
    %dma_wait3A_239 = arith.constant 0 : i32
    %dma_wait3A_240 = tpu.memref_slice %arg3[%dma_wait3A_238, %dma_wait3A_239] : memref<1000000x16xf32, #tpu.memory_space<hbm>> -> memref<1000000x16xf32, #tpu.memory_space<hbm>>
    tpu.wait_indirect_dma semaphore(%arg10 : memref<!tpu.dma_semaphore, #tpu.memory_space<semaphore_mem>>) src(%dma_wait3A_240 : memref<1000000x16xf32, #tpu.memory_space<hbm>>) dst(%dma_wait3A_234 : memref<128x16xf32, #tpu.memory_space<vmem>>)
    %dma_wait3A_241 = arith.constant 1 : i32
    %dma_wait3A_242 = arith.constant 1 : i32
    %dma_wait3A_243 = arith.constant 0 : i32
    %dma_wait3A_244 = arith.constant 0 : i32
    %dma_wait3A_245 = tpu.memref_slice %arg9[%dma_wait3A_242, %dma_wait3A_243, %dma_wait3A_244] : memref<4x512x16xf32, #tpu.memory_space<vmem>> -> memref<1x128x16xf32, #tpu.memory_space<vmem>>
    %dma_wait3A_246 = tpu.memref_squeeze %dma_wait3A_245 : memref<1x128x16xf32, #tpu.memory_space<vmem>> -> memref<128x16xf32, #tpu.memory_space<vmem>>
    %dma_wait3A_247 = arith.constant 0 : i32
    %dma_wait3A_248 = tpu.memref_slice %arg8[%dma_wait3A_241, %dma_wait3A_247] : memref<4x512xi32, #tpu.memory_space<vmem>> -> memref<1x128xi32, #tpu.memory_space<vmem>>
    %dma_wait3A_249 = tpu.memref_squeeze %dma_wait3A_248 : memref<1x128xi32, #tpu.memory_space<vmem>> -> memref<128xi32, #tpu.memory_space<vmem>>
    %dma_wait3A_250 = arith.constant 0 : i32
    %dma_wait3A_251 = arith.constant 0 : i32
    %dma_wait3A_252 = tpu.memref_slice %arg4[%dma_wait3A_250, %dma_wait3A_251] : memref<1000000x16xf32, #tpu.memory_space<hbm>> -> memref<1000000x16xf32, #tpu.memory_space<hbm>>
    tpu.wait_indirect_dma semaphore(%arg10 : memref<!tpu.dma_semaphore, #tpu.memory_space<semaphore_mem>>) src(%dma_wait3A_252 : memref<1000000x16xf32, #tpu.memory_space<hbm>>) dst(%dma_wait3A_246 : memref<128x16xf32, #tpu.memory_space<vmem>>)
    %dma_wait3A_253 = arith.constant 1 : i32
    %dma_wait3A_254 = arith.constant 1 : i32
    %dma_wait3A_255 = arith.constant 128 : i32
    %dma_wait3A_256 = arith.constant 0 : i32
    %dma_wait3A_257 = tpu.memref_slice %arg9[%dma_wait3A_254, %dma_wait3A_255, %dma_wait3A_256] : memref<4x512x16xf32, #tpu.memory_space<vmem>> -> memref<1x128x16xf32, #tpu.memory_space<vmem>>
    %dma_wait3A_258 = tpu.memref_squeeze %dma_wait3A_257 : memref<1x128x16xf32, #tpu.memory_space<vmem>> -> memref<128x16xf32, #tpu.memory_space<vmem>>
    %dma_wait3A_259 = arith.constant 128 : i32
    %dma_wait3A_260 = tpu.memref_slice %arg8[%dma_wait3A_253, %dma_wait3A_259] : memref<4x512xi32, #tpu.memory_space<vmem>> -> memref<1x128xi32, #tpu.memory_space<vmem>>
    %dma_wait3A_261 = tpu.memref_squeeze %dma_wait3A_260 : memref<1x128xi32, #tpu.memory_space<vmem>> -> memref<128xi32, #tpu.memory_space<vmem>>
    %dma_wait3A_262 = arith.constant 0 : i32
    %dma_wait3A_263 = arith.constant 0 : i32
    %dma_wait3A_264 = tpu.memref_slice %arg4[%dma_wait3A_262, %dma_wait3A_263] : memref<1000000x16xf32, #tpu.memory_space<hbm>> -> memref<1000000x16xf32, #tpu.memory_space<hbm>>
    tpu.wait_indirect_dma semaphore(%arg10 : memref<!tpu.dma_semaphore, #tpu.memory_space<semaphore_mem>>) src(%dma_wait3A_264 : memref<1000000x16xf32, #tpu.memory_space<hbm>>) dst(%dma_wait3A_258 : memref<128x16xf32, #tpu.memory_space<vmem>>)
    %dma_wait3A_265 = arith.constant 1 : i32
    %dma_wait3A_266 = arith.constant 1 : i32
    %dma_wait3A_267 = arith.constant 256 : i32
    %dma_wait3A_268 = arith.constant 0 : i32
    %dma_wait3A_269 = tpu.memref_slice %arg9[%dma_wait3A_266, %dma_wait3A_267, %dma_wait3A_268] : memref<4x512x16xf32, #tpu.memory_space<vmem>> -> memref<1x128x16xf32, #tpu.memory_space<vmem>>
    %dma_wait3A_270 = tpu.memref_squeeze %dma_wait3A_269 : memref<1x128x16xf32, #tpu.memory_space<vmem>> -> memref<128x16xf32, #tpu.memory_space<vmem>>
    %dma_wait3A_271 = arith.constant 256 : i32
    %dma_wait3A_272 = tpu.memref_slice %arg8[%dma_wait3A_265, %dma_wait3A_271] : memref<4x512xi32, #tpu.memory_space<vmem>> -> memref<1x128xi32, #tpu.memory_space<vmem>>
    %dma_wait3A_273 = tpu.memref_squeeze %dma_wait3A_272 : memref<1x128xi32, #tpu.memory_space<vmem>> -> memref<128xi32, #tpu.memory_space<vmem>>
    %dma_wait3A_274 = arith.constant 0 : i32
    %dma_wait3A_275 = arith.constant 0 : i32
    %dma_wait3A_276 = tpu.memref_slice %arg4[%dma_wait3A_274, %dma_wait3A_275] : memref<1000000x16xf32, #tpu.memory_space<hbm>> -> memref<1000000x16xf32, #tpu.memory_space<hbm>>
    tpu.wait_indirect_dma semaphore(%arg10 : memref<!tpu.dma_semaphore, #tpu.memory_space<semaphore_mem>>) src(%dma_wait3A_276 : memref<1000000x16xf32, #tpu.memory_space<hbm>>) dst(%dma_wait3A_270 : memref<128x16xf32, #tpu.memory_space<vmem>>)
    %dma_wait3A_277 = arith.constant 1 : i32
    %dma_wait3A_278 = arith.constant 1 : i32
    %dma_wait3A_279 = arith.constant 384 : i32
    %dma_wait3A_280 = arith.constant 0 : i32
    %dma_wait3A_281 = tpu.memref_slice %arg9[%dma_wait3A_278, %dma_wait3A_279, %dma_wait3A_280] : memref<4x512x16xf32, #tpu.memory_space<vmem>> -> memref<1x128x16xf32, #tpu.memory_space<vmem>>
    %dma_wait3A_282 = tpu.memref_squeeze %dma_wait3A_281 : memref<1x128x16xf32, #tpu.memory_space<vmem>> -> memref<128x16xf32, #tpu.memory_space<vmem>>
    %dma_wait3A_283 = arith.constant 384 : i32
    %dma_wait3A_284 = tpu.memref_slice %arg8[%dma_wait3A_277, %dma_wait3A_283] : memref<4x512xi32, #tpu.memory_space<vmem>> -> memref<1x128xi32, #tpu.memory_space<vmem>>
    %dma_wait3A_285 = tpu.memref_squeeze %dma_wait3A_284 : memref<1x128xi32, #tpu.memory_space<vmem>> -> memref<128xi32, #tpu.memory_space<vmem>>
    %dma_wait3A_286 = arith.constant 0 : i32
    %dma_wait3A_287 = arith.constant 0 : i32
    %dma_wait3A_288 = tpu.memref_slice %arg4[%dma_wait3A_286, %dma_wait3A_287] : memref<1000000x16xf32, #tpu.memory_space<hbm>> -> memref<1000000x16xf32, #tpu.memory_space<hbm>>
    tpu.wait_indirect_dma semaphore(%arg10 : memref<!tpu.dma_semaphore, #tpu.memory_space<semaphore_mem>>) src(%dma_wait3A_288 : memref<1000000x16xf32, #tpu.memory_space<hbm>>) dst(%dma_wait3A_282 : memref<128x16xf32, #tpu.memory_space<vmem>>)
    %dma_wait3A_289 = arith.constant 2 : i32
    %dma_wait3A_290 = arith.constant 2 : i32
    %dma_wait3A_291 = arith.constant 0 : i32
    %dma_wait3A_292 = arith.constant 0 : i32
    %dma_wait3A_293 = tpu.memref_slice %arg9[%dma_wait3A_290, %dma_wait3A_291, %dma_wait3A_292] : memref<4x512x16xf32, #tpu.memory_space<vmem>> -> memref<1x128x16xf32, #tpu.memory_space<vmem>>
    %dma_wait3A_294 = tpu.memref_squeeze %dma_wait3A_293 : memref<1x128x16xf32, #tpu.memory_space<vmem>> -> memref<128x16xf32, #tpu.memory_space<vmem>>
    %dma_wait3A_295 = arith.constant 0 : i32
    %dma_wait3A_296 = tpu.memref_slice %arg8[%dma_wait3A_289, %dma_wait3A_295] : memref<4x512xi32, #tpu.memory_space<vmem>> -> memref<1x128xi32, #tpu.memory_space<vmem>>
    %dma_wait3A_297 = tpu.memref_squeeze %dma_wait3A_296 : memref<1x128xi32, #tpu.memory_space<vmem>> -> memref<128xi32, #tpu.memory_space<vmem>>
    %dma_wait3A_298 = arith.constant 0 : i32
    %dma_wait3A_299 = arith.constant 0 : i32
    %dma_wait3A_300 = tpu.memref_slice %arg5[%dma_wait3A_298, %dma_wait3A_299] : memref<1000000x16xf32, #tpu.memory_space<hbm>> -> memref<1000000x16xf32, #tpu.memory_space<hbm>>
    tpu.wait_indirect_dma semaphore(%arg10 : memref<!tpu.dma_semaphore, #tpu.memory_space<semaphore_mem>>) src(%dma_wait3A_300 : memref<1000000x16xf32, #tpu.memory_space<hbm>>) dst(%dma_wait3A_294 : memref<128x16xf32, #tpu.memory_space<vmem>>)
    %dma_wait3A_301 = arith.constant 2 : i32
    %dma_wait3A_302 = arith.constant 2 : i32
    %dma_wait3A_303 = arith.constant 128 : i32
    %dma_wait3A_304 = arith.constant 0 : i32
    %dma_wait3A_305 = tpu.memref_slice %arg9[%dma_wait3A_302, %dma_wait3A_303, %dma_wait3A_304] : memref<4x512x16xf32, #tpu.memory_space<vmem>> -> memref<1x128x16xf32, #tpu.memory_space<vmem>>
    %dma_wait3A_306 = tpu.memref_squeeze %dma_wait3A_305 : memref<1x128x16xf32, #tpu.memory_space<vmem>> -> memref<128x16xf32, #tpu.memory_space<vmem>>
    %dma_wait3A_307 = arith.constant 128 : i32
    %dma_wait3A_308 = tpu.memref_slice %arg8[%dma_wait3A_301, %dma_wait3A_307] : memref<4x512xi32, #tpu.memory_space<vmem>> -> memref<1x128xi32, #tpu.memory_space<vmem>>
    %dma_wait3A_309 = tpu.memref_squeeze %dma_wait3A_308 : memref<1x128xi32, #tpu.memory_space<vmem>> -> memref<128xi32, #tpu.memory_space<vmem>>
    %dma_wait3A_310 = arith.constant 0 : i32
    %dma_wait3A_311 = arith.constant 0 : i32
    %dma_wait3A_312 = tpu.memref_slice %arg5[%dma_wait3A_310, %dma_wait3A_311] : memref<1000000x16xf32, #tpu.memory_space<hbm>> -> memref<1000000x16xf32, #tpu.memory_space<hbm>>
    tpu.wait_indirect_dma semaphore(%arg10 : memref<!tpu.dma_semaphore, #tpu.memory_space<semaphore_mem>>) src(%dma_wait3A_312 : memref<1000000x16xf32, #tpu.memory_space<hbm>>) dst(%dma_wait3A_306 : memref<128x16xf32, #tpu.memory_space<vmem>>)
    %dma_wait3A_313 = arith.constant 2 : i32
    %dma_wait3A_314 = arith.constant 2 : i32
    %dma_wait3A_315 = arith.constant 256 : i32
    %dma_wait3A_316 = arith.constant 0 : i32
    %dma_wait3A_317 = tpu.memref_slice %arg9[%dma_wait3A_314, %dma_wait3A_315, %dma_wait3A_316] : memref<4x512x16xf32, #tpu.memory_space<vmem>> -> memref<1x128x16xf32, #tpu.memory_space<vmem>>
    %dma_wait3A_318 = tpu.memref_squeeze %dma_wait3A_317 : memref<1x128x16xf32, #tpu.memory_space<vmem>> -> memref<128x16xf32, #tpu.memory_space<vmem>>
    %dma_wait3A_319 = arith.constant 256 : i32
    %dma_wait3A_320 = tpu.memref_slice %arg8[%dma_wait3A_313, %dma_wait3A_319] : memref<4x512xi32, #tpu.memory_space<vmem>> -> memref<1x128xi32, #tpu.memory_space<vmem>>
    %dma_wait3A_321 = tpu.memref_squeeze %dma_wait3A_320 : memref<1x128xi32, #tpu.memory_space<vmem>> -> memref<128xi32, #tpu.memory_space<vmem>>
    %dma_wait3A_322 = arith.constant 0 : i32
    %dma_wait3A_323 = arith.constant 0 : i32
    %dma_wait3A_324 = tpu.memref_slice %arg5[%dma_wait3A_322, %dma_wait3A_323] : memref<1000000x16xf32, #tpu.memory_space<hbm>> -> memref<1000000x16xf32, #tpu.memory_space<hbm>>
    tpu.wait_indirect_dma semaphore(%arg10 : memref<!tpu.dma_semaphore, #tpu.memory_space<semaphore_mem>>) src(%dma_wait3A_324 : memref<1000000x16xf32, #tpu.memory_space<hbm>>) dst(%dma_wait3A_318 : memref<128x16xf32, #tpu.memory_space<vmem>>)
    %dma_wait3A_325 = arith.constant 2 : i32
    %dma_wait3A_326 = arith.constant 2 : i32
    %dma_wait3A_327 = arith.constant 384 : i32
    %dma_wait3A_328 = arith.constant 0 : i32
    %dma_wait3A_329 = tpu.memref_slice %arg9[%dma_wait3A_326, %dma_wait3A_327, %dma_wait3A_328] : memref<4x512x16xf32, #tpu.memory_space<vmem>> -> memref<1x128x16xf32, #tpu.memory_space<vmem>>
    %dma_wait3A_330 = tpu.memref_squeeze %dma_wait3A_329 : memref<1x128x16xf32, #tpu.memory_space<vmem>> -> memref<128x16xf32, #tpu.memory_space<vmem>>
    %dma_wait3A_331 = arith.constant 384 : i32
    %dma_wait3A_332 = tpu.memref_slice %arg8[%dma_wait3A_325, %dma_wait3A_331] : memref<4x512xi32, #tpu.memory_space<vmem>> -> memref<1x128xi32, #tpu.memory_space<vmem>>
    %dma_wait3A_333 = tpu.memref_squeeze %dma_wait3A_332 : memref<1x128xi32, #tpu.memory_space<vmem>> -> memref<128xi32, #tpu.memory_space<vmem>>
    %dma_wait3A_334 = arith.constant 0 : i32
    %dma_wait3A_335 = arith.constant 0 : i32
    %dma_wait3A_336 = tpu.memref_slice %arg5[%dma_wait3A_334, %dma_wait3A_335] : memref<1000000x16xf32, #tpu.memory_space<hbm>> -> memref<1000000x16xf32, #tpu.memory_space<hbm>>
    tpu.wait_indirect_dma semaphore(%arg10 : memref<!tpu.dma_semaphore, #tpu.memory_space<semaphore_mem>>) src(%dma_wait3A_336 : memref<1000000x16xf32, #tpu.memory_space<hbm>>) dst(%dma_wait3A_330 : memref<128x16xf32, #tpu.memory_space<vmem>>)
    %dma_wait3A_337 = arith.constant 3 : i32
    %dma_wait3A_338 = arith.constant 3 : i32
    %dma_wait3A_339 = arith.constant 0 : i32
    %dma_wait3A_340 = arith.constant 0 : i32
    %dma_wait3A_341 = tpu.memref_slice %arg9[%dma_wait3A_338, %dma_wait3A_339, %dma_wait3A_340] : memref<4x512x16xf32, #tpu.memory_space<vmem>> -> memref<1x128x16xf32, #tpu.memory_space<vmem>>
    %dma_wait3A_342 = tpu.memref_squeeze %dma_wait3A_341 : memref<1x128x16xf32, #tpu.memory_space<vmem>> -> memref<128x16xf32, #tpu.memory_space<vmem>>
    %dma_wait3A_343 = arith.constant 0 : i32
    %dma_wait3A_344 = tpu.memref_slice %arg8[%dma_wait3A_337, %dma_wait3A_343] : memref<4x512xi32, #tpu.memory_space<vmem>> -> memref<1x128xi32, #tpu.memory_space<vmem>>
    %dma_wait3A_345 = tpu.memref_squeeze %dma_wait3A_344 : memref<1x128xi32, #tpu.memory_space<vmem>> -> memref<128xi32, #tpu.memory_space<vmem>>
    %dma_wait3A_346 = arith.constant 0 : i32
    %dma_wait3A_347 = arith.constant 0 : i32
    %dma_wait3A_348 = tpu.memref_slice %arg6[%dma_wait3A_346, %dma_wait3A_347] : memref<1000000x16xf32, #tpu.memory_space<hbm>> -> memref<1000000x16xf32, #tpu.memory_space<hbm>>
    tpu.wait_indirect_dma semaphore(%arg10 : memref<!tpu.dma_semaphore, #tpu.memory_space<semaphore_mem>>) src(%dma_wait3A_348 : memref<1000000x16xf32, #tpu.memory_space<hbm>>) dst(%dma_wait3A_342 : memref<128x16xf32, #tpu.memory_space<vmem>>)
    %dma_wait3A_349 = arith.constant 3 : i32
    %dma_wait3A_350 = arith.constant 3 : i32
    %dma_wait3A_351 = arith.constant 128 : i32
    %dma_wait3A_352 = arith.constant 0 : i32
    %dma_wait3A_353 = tpu.memref_slice %arg9[%dma_wait3A_350, %dma_wait3A_351, %dma_wait3A_352] : memref<4x512x16xf32, #tpu.memory_space<vmem>> -> memref<1x128x16xf32, #tpu.memory_space<vmem>>
    %dma_wait3A_354 = tpu.memref_squeeze %dma_wait3A_353 : memref<1x128x16xf32, #tpu.memory_space<vmem>> -> memref<128x16xf32, #tpu.memory_space<vmem>>
    %dma_wait3A_355 = arith.constant 128 : i32
    %dma_wait3A_356 = tpu.memref_slice %arg8[%dma_wait3A_349, %dma_wait3A_355] : memref<4x512xi32, #tpu.memory_space<vmem>> -> memref<1x128xi32, #tpu.memory_space<vmem>>
    %dma_wait3A_357 = tpu.memref_squeeze %dma_wait3A_356 : memref<1x128xi32, #tpu.memory_space<vmem>> -> memref<128xi32, #tpu.memory_space<vmem>>
    %dma_wait3A_358 = arith.constant 0 : i32
    %dma_wait3A_359 = arith.constant 0 : i32
    %dma_wait3A_360 = tpu.memref_slice %arg6[%dma_wait3A_358, %dma_wait3A_359] : memref<1000000x16xf32, #tpu.memory_space<hbm>> -> memref<1000000x16xf32, #tpu.memory_space<hbm>>
    tpu.wait_indirect_dma semaphore(%arg10 : memref<!tpu.dma_semaphore, #tpu.memory_space<semaphore_mem>>) src(%dma_wait3A_360 : memref<1000000x16xf32, #tpu.memory_space<hbm>>) dst(%dma_wait3A_354 : memref<128x16xf32, #tpu.memory_space<vmem>>)
    %dma_wait3A_361 = arith.constant 3 : i32
    %dma_wait3A_362 = arith.constant 3 : i32
    %dma_wait3A_363 = arith.constant 256 : i32
    %dma_wait3A_364 = arith.constant 0 : i32
    %dma_wait3A_365 = tpu.memref_slice %arg9[%dma_wait3A_362, %dma_wait3A_363, %dma_wait3A_364] : memref<4x512x16xf32, #tpu.memory_space<vmem>> -> memref<1x128x16xf32, #tpu.memory_space<vmem>>
    %dma_wait3A_366 = tpu.memref_squeeze %dma_wait3A_365 : memref<1x128x16xf32, #tpu.memory_space<vmem>> -> memref<128x16xf32, #tpu.memory_space<vmem>>
    %dma_wait3A_367 = arith.constant 256 : i32
    %dma_wait3A_368 = tpu.memref_slice %arg8[%dma_wait3A_361, %dma_wait3A_367] : memref<4x512xi32, #tpu.memory_space<vmem>> -> memref<1x128xi32, #tpu.memory_space<vmem>>
    %dma_wait3A_369 = tpu.memref_squeeze %dma_wait3A_368 : memref<1x128xi32, #tpu.memory_space<vmem>> -> memref<128xi32, #tpu.memory_space<vmem>>
    %dma_wait3A_370 = arith.constant 0 : i32
    %dma_wait3A_371 = arith.constant 0 : i32
    %dma_wait3A_372 = tpu.memref_slice %arg6[%dma_wait3A_370, %dma_wait3A_371] : memref<1000000x16xf32, #tpu.memory_space<hbm>> -> memref<1000000x16xf32, #tpu.memory_space<hbm>>
    tpu.wait_indirect_dma semaphore(%arg10 : memref<!tpu.dma_semaphore, #tpu.memory_space<semaphore_mem>>) src(%dma_wait3A_372 : memref<1000000x16xf32, #tpu.memory_space<hbm>>) dst(%dma_wait3A_366 : memref<128x16xf32, #tpu.memory_space<vmem>>)
    %dma_wait3A_373 = arith.constant 3 : i32
    %dma_wait3A_374 = arith.constant 3 : i32
    %dma_wait3A_375 = arith.constant 384 : i32
    %dma_wait3A_376 = arith.constant 0 : i32
    %dma_wait3A_377 = tpu.memref_slice %arg9[%dma_wait3A_374, %dma_wait3A_375, %dma_wait3A_376] : memref<4x512x16xf32, #tpu.memory_space<vmem>> -> memref<1x128x16xf32, #tpu.memory_space<vmem>>
    %dma_wait3A_378 = tpu.memref_squeeze %dma_wait3A_377 : memref<1x128x16xf32, #tpu.memory_space<vmem>> -> memref<128x16xf32, #tpu.memory_space<vmem>>
    %dma_wait3A_379 = arith.constant 384 : i32
    %dma_wait3A_380 = tpu.memref_slice %arg8[%dma_wait3A_373, %dma_wait3A_379] : memref<4x512xi32, #tpu.memory_space<vmem>> -> memref<1x128xi32, #tpu.memory_space<vmem>>
    %dma_wait3A_381 = tpu.memref_squeeze %dma_wait3A_380 : memref<1x128xi32, #tpu.memory_space<vmem>> -> memref<128xi32, #tpu.memory_space<vmem>>
    %dma_wait3A_382 = arith.constant 0 : i32
    %dma_wait3A_383 = arith.constant 0 : i32
    %dma_wait3A_384 = tpu.memref_slice %arg6[%dma_wait3A_382, %dma_wait3A_383] : memref<1000000x16xf32, #tpu.memory_space<hbm>> -> memref<1000000x16xf32, #tpu.memory_space<hbm>>
    tpu.wait_indirect_dma semaphore(%arg10 : memref<!tpu.dma_semaphore, #tpu.memory_space<semaphore_mem>>) src(%dma_wait3A_384 : memref<1000000x16xf32, #tpu.memory_space<hbm>>) dst(%dma_wait3A_378 : memref<128x16xf32, #tpu.memory_space<vmem>>)
    %run_scoped3A = arith.constant 0 : i32
    %run_scoped3A_385 = arith.constant 0 : i32
    "tpu.region"() ({
      %run_scoped3A_392 = tpu.sem_alloc : memref<!tpu.dma_semaphore, #tpu.memory_space<semaphore_mem>>
      %dma_start3A_393 = arith.constant 0 : i32
      %dma_start3A_394 = arith.constant 0 : i32
      %dma_start3A_395 = tpu.memref_slice %arg9[%run_scoped3A, %dma_start3A_393, %dma_start3A_394] : memref<4x512x16xf32, #tpu.memory_space<vmem>> -> memref<1x512x16xf32, #tpu.memory_space<vmem>>
      %dma_start3A_396 = tpu.memref_squeeze %dma_start3A_395 : memref<1x512x16xf32, #tpu.memory_space<vmem>> -> memref<512x16xf32, #tpu.memory_space<vmem>>
      %dma_start3A_397 = arith.constant 0 : i32
      %dma_start3A_398 = tpu.memref_slice %arg7[%mul3A_2, %run_scoped3A_385, %dma_start3A_397] : memref<16384x4x16xf32, #tpu.memory_space<hbm>> -> memref<512x1x16xf32, #tpu.memory_space<hbm>>
      %dma_start3A_399 = tpu.memref_squeeze %dma_start3A_398 : memref<512x1x16xf32, #tpu.memory_space<hbm>> -> memref<512x16xf32, #tpu.memory_space<hbm>>
      %dma_start3A_400 = arith.constant 0 : i32
      %dma_start3A_401 = tpu.memref_slice %arg7[%mul3A_2, %run_scoped3A_385, %dma_start3A_400] : memref<16384x4x16xf32, #tpu.memory_space<hbm>> -> memref<512x1x16xf32, #tpu.memory_space<hbm>>
      %dma_start3A_402 = tpu.memref_squeeze %dma_start3A_401 : memref<512x1x16xf32, #tpu.memory_space<hbm>> -> memref<512x16xf32, #tpu.memory_space<hbm>>
      %dma_start3A_403 = arith.constant 0 : i32
      %dma_start3A_404 = arith.constant 0 : i32
      %dma_start3A_405 = tpu.memref_slice %arg9[%run_scoped3A, %dma_start3A_403, %dma_start3A_404] : memref<4x512x16xf32, #tpu.memory_space<vmem>> -> memref<1x512x16xf32, #tpu.memory_space<vmem>>
      %dma_start3A_406 = tpu.memref_squeeze %dma_start3A_405 : memref<1x512x16xf32, #tpu.memory_space<vmem>> -> memref<512x16xf32, #tpu.memory_space<vmem>>
      tpu.enqueue_dma source(%dma_start3A_406 : memref<512x16xf32, #tpu.memory_space<vmem>>) target(%dma_start3A_402 : memref<512x16xf32, #tpu.memory_space<hbm>>) target_semaphore(%run_scoped3A_392 : memref<!tpu.dma_semaphore, #tpu.memory_space<semaphore_mem>>)
      %dma_wait3A_407 = arith.constant 0 : i32
      %dma_wait3A_408 = arith.constant 0 : i32
      %dma_wait3A_409 = tpu.memref_slice %arg9[%run_scoped3A, %dma_wait3A_407, %dma_wait3A_408] : memref<4x512x16xf32, #tpu.memory_space<vmem>> -> memref<1x512x16xf32, #tpu.memory_space<vmem>>
      %dma_wait3A_410 = tpu.memref_squeeze %dma_wait3A_409 : memref<1x512x16xf32, #tpu.memory_space<vmem>> -> memref<512x16xf32, #tpu.memory_space<vmem>>
      %dma_wait3A_411 = arith.constant 0 : i32
      %dma_wait3A_412 = tpu.memref_slice %arg7[%mul3A_2, %run_scoped3A_385, %dma_wait3A_411] : memref<16384x4x16xf32, #tpu.memory_space<hbm>> -> memref<512x1x16xf32, #tpu.memory_space<hbm>>
      %dma_wait3A_413 = tpu.memref_squeeze %dma_wait3A_412 : memref<512x1x16xf32, #tpu.memory_space<hbm>> -> memref<512x16xf32, #tpu.memory_space<hbm>>
      %dma_wait3A_414 = arith.constant 0 : i32
      %dma_wait3A_415 = tpu.memref_slice %arg7[%mul3A_2, %run_scoped3A_385, %dma_wait3A_414] : memref<16384x4x16xf32, #tpu.memory_space<hbm>> -> memref<512x1x16xf32, #tpu.memory_space<hbm>>
      %dma_wait3A_416 = tpu.memref_squeeze %dma_wait3A_415 : memref<512x1x16xf32, #tpu.memory_space<hbm>> -> memref<512x16xf32, #tpu.memory_space<hbm>>
      %dma_wait3A_417 = arith.constant 0 : i32
      %dma_wait3A_418 = arith.constant 0 : i32
      %dma_wait3A_419 = tpu.memref_slice %arg9[%run_scoped3A, %dma_wait3A_417, %dma_wait3A_418] : memref<4x512x16xf32, #tpu.memory_space<vmem>> -> memref<1x512x16xf32, #tpu.memory_space<vmem>>
      %dma_wait3A_420 = tpu.memref_squeeze %dma_wait3A_419 : memref<1x512x16xf32, #tpu.memory_space<vmem>> -> memref<512x16xf32, #tpu.memory_space<vmem>>
      tpu.wait_dma2 semaphore(%run_scoped3A_392 : memref<!tpu.dma_semaphore, #tpu.memory_space<semaphore_mem>>) src(%dma_wait3A_420 : memref<512x16xf32, #tpu.memory_space<vmem>>) dst(%dma_wait3A_416 : memref<512x16xf32, #tpu.memory_space<hbm>>)
      tpu.yield
    }) : () -> ()
    %run_scoped3A_386 = arith.constant 1 : i32
    %run_scoped3A_387 = arith.constant 1 : i32
    "tpu.region"() ({
      %run_scoped3A_392 = tpu.sem_alloc : memref<!tpu.dma_semaphore, #tpu.memory_space<semaphore_mem>>
      %dma_start3A_393 = arith.constant 0 : i32
      %dma_start3A_394 = arith.constant 0 : i32
      %dma_start3A_395 = tpu.memref_slice %arg9[%run_scoped3A_386, %dma_start3A_393, %dma_start3A_394] : memref<4x512x16xf32, #tpu.memory_space<vmem>> -> memref<1x512x16xf32, #tpu.memory_space<vmem>>
      %dma_start3A_396 = tpu.memref_squeeze %dma_start3A_395 : memref<1x512x16xf32, #tpu.memory_space<vmem>> -> memref<512x16xf32, #tpu.memory_space<vmem>>
      %dma_start3A_397 = arith.constant 0 : i32
      %dma_start3A_398 = tpu.memref_slice %arg7[%mul3A_2, %run_scoped3A_387, %dma_start3A_397] : memref<16384x4x16xf32, #tpu.memory_space<hbm>> -> memref<512x1x16xf32, #tpu.memory_space<hbm>>
      %dma_start3A_399 = tpu.memref_squeeze %dma_start3A_398 : memref<512x1x16xf32, #tpu.memory_space<hbm>> -> memref<512x16xf32, #tpu.memory_space<hbm>>
      %dma_start3A_400 = arith.constant 0 : i32
      %dma_start3A_401 = tpu.memref_slice %arg7[%mul3A_2, %run_scoped3A_387, %dma_start3A_400] : memref<16384x4x16xf32, #tpu.memory_space<hbm>> -> memref<512x1x16xf32, #tpu.memory_space<hbm>>
      %dma_start3A_402 = tpu.memref_squeeze %dma_start3A_401 : memref<512x1x16xf32, #tpu.memory_space<hbm>> -> memref<512x16xf32, #tpu.memory_space<hbm>>
      %dma_start3A_403 = arith.constant 0 : i32
      %dma_start3A_404 = arith.constant 0 : i32
      %dma_start3A_405 = tpu.memref_slice %arg9[%run_scoped3A_386, %dma_start3A_403, %dma_start3A_404] : memref<4x512x16xf32, #tpu.memory_space<vmem>> -> memref<1x512x16xf32, #tpu.memory_space<vmem>>
      %dma_start3A_406 = tpu.memref_squeeze %dma_start3A_405 : memref<1x512x16xf32, #tpu.memory_space<vmem>> -> memref<512x16xf32, #tpu.memory_space<vmem>>
      tpu.enqueue_dma source(%dma_start3A_406 : memref<512x16xf32, #tpu.memory_space<vmem>>) target(%dma_start3A_402 : memref<512x16xf32, #tpu.memory_space<hbm>>) target_semaphore(%run_scoped3A_392 : memref<!tpu.dma_semaphore, #tpu.memory_space<semaphore_mem>>)
      %dma_wait3A_407 = arith.constant 0 : i32
      %dma_wait3A_408 = arith.constant 0 : i32
      %dma_wait3A_409 = tpu.memref_slice %arg9[%run_scoped3A_386, %dma_wait3A_407, %dma_wait3A_408] : memref<4x512x16xf32, #tpu.memory_space<vmem>> -> memref<1x512x16xf32, #tpu.memory_space<vmem>>
      %dma_wait3A_410 = tpu.memref_squeeze %dma_wait3A_409 : memref<1x512x16xf32, #tpu.memory_space<vmem>> -> memref<512x16xf32, #tpu.memory_space<vmem>>
      %dma_wait3A_411 = arith.constant 0 : i32
      %dma_wait3A_412 = tpu.memref_slice %arg7[%mul3A_2, %run_scoped3A_387, %dma_wait3A_411] : memref<16384x4x16xf32, #tpu.memory_space<hbm>> -> memref<512x1x16xf32, #tpu.memory_space<hbm>>
      %dma_wait3A_413 = tpu.memref_squeeze %dma_wait3A_412 : memref<512x1x16xf32, #tpu.memory_space<hbm>> -> memref<512x16xf32, #tpu.memory_space<hbm>>
      %dma_wait3A_414 = arith.constant 0 : i32
      %dma_wait3A_415 = tpu.memref_slice %arg7[%mul3A_2, %run_scoped3A_387, %dma_wait3A_414] : memref<16384x4x16xf32, #tpu.memory_space<hbm>> -> memref<512x1x16xf32, #tpu.memory_space<hbm>>
      %dma_wait3A_416 = tpu.memref_squeeze %dma_wait3A_415 : memref<512x1x16xf32, #tpu.memory_space<hbm>> -> memref<512x16xf32, #tpu.memory_space<hbm>>
      %dma_wait3A_417 = arith.constant 0 : i32
      %dma_wait3A_418 = arith.constant 0 : i32
      %dma_wait3A_419 = tpu.memref_slice %arg9[%run_scoped3A_386, %dma_wait3A_417, %dma_wait3A_418] : memref<4x512x16xf32, #tpu.memory_space<vmem>> -> memref<1x512x16xf32, #tpu.memory_space<vmem>>
      %dma_wait3A_420 = tpu.memref_squeeze %dma_wait3A_419 : memref<1x512x16xf32, #tpu.memory_space<vmem>> -> memref<512x16xf32, #tpu.memory_space<vmem>>
      tpu.wait_dma2 semaphore(%run_scoped3A_392 : memref<!tpu.dma_semaphore, #tpu.memory_space<semaphore_mem>>) src(%dma_wait3A_420 : memref<512x16xf32, #tpu.memory_space<vmem>>) dst(%dma_wait3A_416 : memref<512x16xf32, #tpu.memory_space<hbm>>)
      tpu.yield
    }) : () -> ()
    %run_scoped3A_388 = arith.constant 2 : i32
    %run_scoped3A_389 = arith.constant 2 : i32
    "tpu.region"() ({
      %run_scoped3A_392 = tpu.sem_alloc : memref<!tpu.dma_semaphore, #tpu.memory_space<semaphore_mem>>
      %dma_start3A_393 = arith.constant 0 : i32
      %dma_start3A_394 = arith.constant 0 : i32
      %dma_start3A_395 = tpu.memref_slice %arg9[%run_scoped3A_388, %dma_start3A_393, %dma_start3A_394] : memref<4x512x16xf32, #tpu.memory_space<vmem>> -> memref<1x512x16xf32, #tpu.memory_space<vmem>>
      %dma_start3A_396 = tpu.memref_squeeze %dma_start3A_395 : memref<1x512x16xf32, #tpu.memory_space<vmem>> -> memref<512x16xf32, #tpu.memory_space<vmem>>
      %dma_start3A_397 = arith.constant 0 : i32
      %dma_start3A_398 = tpu.memref_slice %arg7[%mul3A_2, %run_scoped3A_389, %dma_start3A_397] : memref<16384x4x16xf32, #tpu.memory_space<hbm>> -> memref<512x1x16xf32, #tpu.memory_space<hbm>>
      %dma_start3A_399 = tpu.memref_squeeze %dma_start3A_398 : memref<512x1x16xf32, #tpu.memory_space<hbm>> -> memref<512x16xf32, #tpu.memory_space<hbm>>
      %dma_start3A_400 = arith.constant 0 : i32
      %dma_start3A_401 = tpu.memref_slice %arg7[%mul3A_2, %run_scoped3A_389, %dma_start3A_400] : memref<16384x4x16xf32, #tpu.memory_space<hbm>> -> memref<512x1x16xf32, #tpu.memory_space<hbm>>
      %dma_start3A_402 = tpu.memref_squeeze %dma_start3A_401 : memref<512x1x16xf32, #tpu.memory_space<hbm>> -> memref<512x16xf32, #tpu.memory_space<hbm>>
      %dma_start3A_403 = arith.constant 0 : i32
      %dma_start3A_404 = arith.constant 0 : i32
      %dma_start3A_405 = tpu.memref_slice %arg9[%run_scoped3A_388, %dma_start3A_403, %dma_start3A_404] : memref<4x512x16xf32, #tpu.memory_space<vmem>> -> memref<1x512x16xf32, #tpu.memory_space<vmem>>
      %dma_start3A_406 = tpu.memref_squeeze %dma_start3A_405 : memref<1x512x16xf32, #tpu.memory_space<vmem>> -> memref<512x16xf32, #tpu.memory_space<vmem>>
      tpu.enqueue_dma source(%dma_start3A_406 : memref<512x16xf32, #tpu.memory_space<vmem>>) target(%dma_start3A_402 : memref<512x16xf32, #tpu.memory_space<hbm>>) target_semaphore(%run_scoped3A_392 : memref<!tpu.dma_semaphore, #tpu.memory_space<semaphore_mem>>)
      %dma_wait3A_407 = arith.constant 0 : i32
      %dma_wait3A_408 = arith.constant 0 : i32
      %dma_wait3A_409 = tpu.memref_slice %arg9[%run_scoped3A_388, %dma_wait3A_407, %dma_wait3A_408] : memref<4x512x16xf32, #tpu.memory_space<vmem>> -> memref<1x512x16xf32, #tpu.memory_space<vmem>>
      %dma_wait3A_410 = tpu.memref_squeeze %dma_wait3A_409 : memref<1x512x16xf32, #tpu.memory_space<vmem>> -> memref<512x16xf32, #tpu.memory_space<vmem>>
      %dma_wait3A_411 = arith.constant 0 : i32
      %dma_wait3A_412 = tpu.memref_slice %arg7[%mul3A_2, %run_scoped3A_389, %dma_wait3A_411] : memref<16384x4x16xf32, #tpu.memory_space<hbm>> -> memref<512x1x16xf32, #tpu.memory_space<hbm>>
      %dma_wait3A_413 = tpu.memref_squeeze %dma_wait3A_412 : memref<512x1x16xf32, #tpu.memory_space<hbm>> -> memref<512x16xf32, #tpu.memory_space<hbm>>
      %dma_wait3A_414 = arith.constant 0 : i32
      %dma_wait3A_415 = tpu.memref_slice %arg7[%mul3A_2, %run_scoped3A_389, %dma_wait3A_414] : memref<16384x4x16xf32, #tpu.memory_space<hbm>> -> memref<512x1x16xf32, #tpu.memory_space<hbm>>
      %dma_wait3A_416 = tpu.memref_squeeze %dma_wait3A_415 : memref<512x1x16xf32, #tpu.memory_space<hbm>> -> memref<512x16xf32, #tpu.memory_space<hbm>>
      %dma_wait3A_417 = arith.constant 0 : i32
      %dma_wait3A_418 = arith.constant 0 : i32
      %dma_wait3A_419 = tpu.memref_slice %arg9[%run_scoped3A_388, %dma_wait3A_417, %dma_wait3A_418] : memref<4x512x16xf32, #tpu.memory_space<vmem>> -> memref<1x512x16xf32, #tpu.memory_space<vmem>>
      %dma_wait3A_420 = tpu.memref_squeeze %dma_wait3A_419 : memref<1x512x16xf32, #tpu.memory_space<vmem>> -> memref<512x16xf32, #tpu.memory_space<vmem>>
      tpu.wait_dma2 semaphore(%run_scoped3A_392 : memref<!tpu.dma_semaphore, #tpu.memory_space<semaphore_mem>>) src(%dma_wait3A_420 : memref<512x16xf32, #tpu.memory_space<vmem>>) dst(%dma_wait3A_416 : memref<512x16xf32, #tpu.memory_space<hbm>>)
      tpu.yield
    }) : () -> ()
    %run_scoped3A_390 = arith.constant 3 : i32
    %run_scoped3A_391 = arith.constant 3 : i32
    "tpu.region"() ({
      %run_scoped3A_392 = tpu.sem_alloc : memref<!tpu.dma_semaphore, #tpu.memory_space<semaphore_mem>>
      %dma_start3A_393 = arith.constant 0 : i32
      %dma_start3A_394 = arith.constant 0 : i32
      %dma_start3A_395 = tpu.memref_slice %arg9[%run_scoped3A_390, %dma_start3A_393, %dma_start3A_394] : memref<4x512x16xf32, #tpu.memory_space<vmem>> -> memref<1x512x16xf32, #tpu.memory_space<vmem>>
      %dma_start3A_396 = tpu.memref_squeeze %dma_start3A_395 : memref<1x512x16xf32, #tpu.memory_space<vmem>> -> memref<512x16xf32, #tpu.memory_space<vmem>>
      %dma_start3A_397 = arith.constant 0 : i32
      %dma_start3A_398 = tpu.memref_slice %arg7[%mul3A_2, %run_scoped3A_391, %dma_start3A_397] : memref<16384x4x16xf32, #tpu.memory_space<hbm>> -> memref<512x1x16xf32, #tpu.memory_space<hbm>>
      %dma_start3A_399 = tpu.memref_squeeze %dma_start3A_398 : memref<512x1x16xf32, #tpu.memory_space<hbm>> -> memref<512x16xf32, #tpu.memory_space<hbm>>
      %dma_start3A_400 = arith.constant 0 : i32
      %dma_start3A_401 = tpu.memref_slice %arg7[%mul3A_2, %run_scoped3A_391, %dma_start3A_400] : memref<16384x4x16xf32, #tpu.memory_space<hbm>> -> memref<512x1x16xf32, #tpu.memory_space<hbm>>
      %dma_start3A_402 = tpu.memref_squeeze %dma_start3A_401 : memref<512x1x16xf32, #tpu.memory_space<hbm>> -> memref<512x16xf32, #tpu.memory_space<hbm>>
      %dma_start3A_403 = arith.constant 0 : i32
      %dma_start3A_404 = arith.constant 0 : i32
      %dma_start3A_405 = tpu.memref_slice %arg9[%run_scoped3A_390, %dma_start3A_403, %dma_start3A_404] : memref<4x512x16xf32, #tpu.memory_space<vmem>> -> memref<1x512x16xf32, #tpu.memory_space<vmem>>
      %dma_start3A_406 = tpu.memref_squeeze %dma_start3A_405 : memref<1x512x16xf32, #tpu.memory_space<vmem>> -> memref<512x16xf32, #tpu.memory_space<vmem>>
      tpu.enqueue_dma source(%dma_start3A_406 : memref<512x16xf32, #tpu.memory_space<vmem>>) target(%dma_start3A_402 : memref<512x16xf32, #tpu.memory_space<hbm>>) target_semaphore(%run_scoped3A_392 : memref<!tpu.dma_semaphore, #tpu.memory_space<semaphore_mem>>)
      %dma_wait3A_407 = arith.constant 0 : i32
      %dma_wait3A_408 = arith.constant 0 : i32
      %dma_wait3A_409 = tpu.memref_slice %arg9[%run_scoped3A_390, %dma_wait3A_407, %dma_wait3A_408] : memref<4x512x16xf32, #tpu.memory_space<vmem>> -> memref<1x512x16xf32, #tpu.memory_space<vmem>>
      %dma_wait3A_410 = tpu.memref_squeeze %dma_wait3A_409 : memref<1x512x16xf32, #tpu.memory_space<vmem>> -> memref<512x16xf32, #tpu.memory_space<vmem>>
      %dma_wait3A_411 = arith.constant 0 : i32
      %dma_wait3A_412 = tpu.memref_slice %arg7[%mul3A_2, %run_scoped3A_391, %dma_wait3A_411] : memref<16384x4x16xf32, #tpu.memory_space<hbm>> -> memref<512x1x16xf32, #tpu.memory_space<hbm>>
      %dma_wait3A_413 = tpu.memref_squeeze %dma_wait3A_412 : memref<512x1x16xf32, #tpu.memory_space<hbm>> -> memref<512x16xf32, #tpu.memory_space<hbm>>
      %dma_wait3A_414 = arith.constant 0 : i32
      %dma_wait3A_415 = tpu.memref_slice %arg7[%mul3A_2, %run_scoped3A_391, %dma_wait3A_414] : memref<16384x4x16xf32, #tpu.memory_space<hbm>> -> memref<512x1x16xf32, #tpu.memory_space<hbm>>
      %dma_wait3A_416 = tpu.memref_squeeze %dma_wait3A_415 : memref<512x1x16xf32, #tpu.memory_space<hbm>> -> memref<512x16xf32, #tpu.memory_space<hbm>>
      %dma_wait3A_417 = arith.constant 0 : i32
      %dma_wait3A_418 = arith.constant 0 : i32
      %dma_wait3A_419 = tpu.memref_slice %arg9[%run_scoped3A_390, %dma_wait3A_417, %dma_wait3A_418] : memref<4x512x16xf32, #tpu.memory_space<vmem>> -> memref<1x512x16xf32, #tpu.memory_space<vmem>>
      %dma_wait3A_420 = tpu.memref_squeeze %dma_wait3A_419 : memref<1x512x16xf32, #tpu.memory_space<vmem>> -> memref<512x16xf32, #tpu.memory_space<vmem>>
      tpu.wait_dma2 semaphore(%run_scoped3A_392 : memref<!tpu.dma_semaphore, #tpu.memory_space<semaphore_mem>>) src(%dma_wait3A_420 : memref<512x16xf32, #tpu.memory_space<vmem>>) dst(%dma_wait3A_416 : memref<512x16xf32, #tpu.memory_space<hbm>>)
      tpu.yield
    }) : () -> ()
    return
  }
}

</mosaic_0001>

<sc_bundles>
// kernel: kernel.4.cloned.1.call-start
scs
__scs_entry_jumppad:
0x0: {  	(pc) =	sbr.rel $0x88, $3  }
0x1: {  	(tag) =	ssettag $0x0;
	lr =	simm.s32 $0x1  }
0x2: {  	[smem:$0x3F9C] =	sst lr;
	_ =	strace $0xD0000000  }
0x3: {  	_ = 	snop  }
0x4: {  	_ = 	snop  }
0x5: {  	_ = 	snop  }
0x6: {  	_ = 	snop  }
0x7: {  	_ = 	snop  }
__scs_overlays_trampoline_lowered:
0x8: {  	[smem:$0x3FAB] =	sst s0  }
0x9: {  	[smem:$0x3FAC] =	sst s1  }
0xa: {  	[smem:$0x3FAD] =	sst s2  }
0xb: {  	[smem:$0x3FAE] =	sst s3  }
0xc: {  	[smem:$0x3FAF] =	sst s4  }
0xd: {  	[smem:$0x3FB0] =	sst s5  }
0xe: {  	[smem:$0x3FB1] =	sst s6  }
0xf: {  	[smem:$0x3FB2] =	sst s7  }
0x10: {  	[smem:$0x3FB3] =	sst s8  }
0x11: {  	[smem:$0x3FB4] =	sst s9;
	s0 =	simm.s32 @!p0 $0x0  }
0x12: {  	s1 =	sld [smem:$0x3F9A];
	s0 =	simm.s32 @p0 $0x1  }
0x13: {  	[smem:$0x3FB5] =	sst s0;
	s0 =	simm.s32 @!p1 $0x0  }
0x14: {  	s2 =	sld [smem:$0x3F99];
	s0 =	simm.s32 @p1 $0x1  }
0x15: {  	[smem:$0x3FB6] =	sst s0;
	s0 =	simm.s32 @!p2 $0x0  }
0x16: {  	s3 =	sld [smem:$0x3FDB];
	s0 =	simm.s32 @p2 $0x1  }
0x17: {  	s4 =	simm.s32 $0x1BF5;
	[smem:$0x3FB8] =	sst s0  }
0x18: {  	s0 =	sld [smem:$0x3F9B];
	_ =	swait.ge [sflag:s4], $0x0  }
0x19: {  	s7 =	sld [smem:$0x3F9C]  }
0x1a: {  	s8 =	sadd.s32 $0xFFFFE003, lr  }
0x1b: {  	s9 =	sadd.s32 $0xFFFFFEF7, lr;
	s5 =	simm.s32 $0xFFFFFFFF;
	p2 =	slt.u32 s8, $0xFFFFF086  }
0x1c: {  	p1 =	slt.u32 s9, $0xF7A;
	s5 =	simm.s32 @!p2 $0x0  }
0x1d: {  	s5 =	simm.s32 @p1 $0x1;
	p0 =	seq.s32 s7, s2  }
0x1e: {  	s7 =	smul.u32 @!p0 $0xF7A, s2;
	p2 =	seq.s32 @!p0 s5, $0x0  }
0x1f: {  	s9 =	smul.u32 $0xF7A, s1;
	s8 =	simm.s32 @!p0 $0x1BF5;
	p2 =	por !p2, p0  }
0x20: {  	[sflag:s8] =	ssyncset.s32 @!p0 $0xFFFFF086;
	s6 =	sadd.s32 @!p0 s3, s7;
	s7 =	simm.s32 @!p0 $0x108  }
0x21: {  	s3 =	sadd.s32 s3, s9;
	s6 =	sadd.s32 @!p0 $0x88, s6;
	s7 =	simm.s32 @p2 $0x1082  }
0x22: {  	[simem:s7], [sflag:s8] =	dma.local @!p0 [hbm:s6], $0xF7A  }
0x23: {  	s9 =	sor.u32 $0xD0000000, s2;
	s6 =	simm.s32 $0x108;
	_ =	swait.ge @!p0 [sflag:s8], $0x0  }
0x24: {  	s3 =	sadd.s32 $0x88, s3;
	s6 =	simm.s32 @!p1 $0x1082;
	[sflag:s4] =	ssyncset.s32 $0xFFFFF086  }
0x25: {  	[simem:s6], [sflag:s4] =	dma.local [hbm:s3], $0xF7A  }
0x26: {  	[smem:$0x3F9C] =	sst s1;
	(tag) =	ssettag s2;
	_ =	strace s9  }
0x27: {  	s1 =	sld [smem:$0x3FAC]  }
0x28: {  	s2 =	sld [smem:$0x3FAD]  }
0x29: {  	s4 =	sld [smem:$0x3FAF]  }
0x2a: {  	p0 =	seq.s32 s5, $0x0;
	s5 =	sld [smem:$0x3FB0]  }
0x2b: {  	s6 =	sld [smem:$0x3FB1]  }
0x2c: {  	s7 =	sld [smem:$0x3FB2]  }
0x2d: {  	s3 =	simm.s32 $0x108;
	s8 =	sld [smem:$0x3FB3]  }
0x2e: {  	s3 =	simm.s32 @!p0 $0x1082;
	s9 =	sld [smem:$0x3FB4]  }
0x2f: {  	lr =	sadd.s32 s0, s3;
	s0 =	sld [smem:$0x3FAB]  }
0x30: {  	s3 =	sld [smem:$0x3FAE]  }
0x31: {  	[smem:$0x3FB7] =	sst s10  }
0x32: {  	s10 =	sld [smem:$0x3FB5];
	_ =	sdelay $0x3  }
0x33: {  	p0 =	seq.s32 s10, $0x1;
	s10 =	sld [smem:$0x3FB7];
	_ =	sdelay $0x3  }
0x34: {  	[smem:$0x3FB7] =	sst s10  }
0x35: {  	s10 =	sld [smem:$0x3FB6];
	_ =	sdelay $0x3  }
0x36: {  	p1 =	seq.s32 s10, $0x1;
	s10 =	sld [smem:$0x3FB7];
	_ =	sdelay $0x3  }
0x37: {  	[smem:$0x3FB7] =	sst s10  }
0x38: {  	s10 =	sld [smem:$0x3FB8]  }
0x39: {  	_ = 	snop;
	(pc) =	sbr.ind lr, $3  }
0x3a: {  	_ = 	snop  }
0x3b: {  	_ = 	snop  }
0x3c: {  	p2 =	seq.s32 s10, $0x1;
	s10 =	sld [smem:$0x3FB7]  }
0x3d: {  	_ =	shalt  }
0x3e: {  	_ =	shalt  }
0x3f: {  	_ =	shalt  }
0x40: {  	_ =	shalt  }
0x41: {  	_ =	shalt  }
0x42: {  	_ =	shalt  }
0x43: {  	_ =	shalt  }
0x44: {  	_ =	shalt  }
0x45: {  	_ =	shalt  }
0x46: {  	_ =	shalt  }
0x47: {  	_ =	shalt  }
0x48: {  	_ =	shalt  }
0x49: {  	_ =	shalt  }
0x4a: {  	_ =	shalt  }
0x4b: {  	_ =	shalt  }
0x4c: {  	_ =	shalt  }
0x4d: {  	_ =	shalt  }
0x4e: {  	_ =	shalt  }
0x4f: {  	_ =	shalt  }
0x50: {  	_ =	shalt  }
0x51: {  	_ =	shalt  }
0x52: {  	_ =	shalt  }
0x53: {  	_ =	shalt  }
0x54: {  	_ =	shalt  }
0x55: {  	_ =	shalt  }
0x56: {  	_ =	shalt  }
0x57: {  	_ =	shalt  }
0x58: {  	_ =	shalt  }
0x59: {  	_ =	shalt  }
0x5a: {  	_ =	shalt  }
0x5b: {  	_ =	shalt  }
0x5c: {  	_ =	shalt  }
0x5d: {  	_ =	shalt  }
0x5e: {  	_ =	shalt  }
0x5f: {  	_ =	shalt  }
0x60: {  	_ =	shalt  }
0x61: {  	_ =	shalt  }
0x62: {  	_ =	shalt  }
0x63: {  	_ =	shalt  }
0x64: {  	_ =	shalt  }
0x65: {  	_ =	shalt  }
0x66: {  	_ =	shalt  }
0x67: {  	_ =	shalt  }
0x68: {  	_ =	shalt  }
0x69: {  	_ =	shalt  }
0x6a: {  	_ =	shalt  }
0x6b: {  	_ =	shalt  }
0x6c: {  	_ =	shalt  }
0x6d: {  	_ =	shalt  }
0x6e: {  	_ =	shalt  }
0x6f: {  	_ =	shalt  }
0x70: {  	_ =	shalt  }
0x71: {  	_ =	shalt  }
0x72: {  	_ =	shalt  }
0x73: {  	_ =	shalt  }
0x74: {  	_ =	shalt  }
0x75: {  	_ =	shalt  }
0x76: {  	_ =	shalt  }
0x77: {  	_ =	shalt  }
0x78: {  	_ =	shalt  }
0x79: {  	_ =	shalt  }
0x7a: {  	_ =	shalt  }
0x7b: {  	_ =	shalt  }
0x7c: {  	_ =	shalt  }
0x7d: {  	_ =	shalt  }
0x7e: {  	_ =	shalt  }
0x7f: {  	_ =	shalt  }
0x80: {  	_ =	shalt  }
0x81: {  	_ =	shalt  }
0x82: {  	_ =	shalt  }
0x83: {  	_ =	shalt  }
0x84: {  	_ =	shalt  }
0x85: {  	_ =	shalt  }
0x86: {  	_ =	shalt  }
0x87: {  	_ =	shalt  }
.Lfunc_end0:
.L_simem_size_0:
called_computation_lowered:
.L_overlay_start_0:
0x88: {  	s2 =	sld [smem:$0x3FD9]  }
0x89: {  	s3 =	sld [smem:$0x3FFE];
	_ =	sdelay $0x1  }
0x8a: {  	s1 =	srdreg.scid  }
0x8b: {  	s0 =	sand.u32 $0x1, s1  }
0x8c: {  	s17 =	sshll.u32 s0, $0xA;
	s2 =	sadd.s32 s3, s2  }
0x8d: {  	s2 =	sadd.s32 s2, s17  }
0x8e: {  	[smem:$0x3FC3] =	sst s2  }
0x8f: {  	_ = 	snop  }
0x90: {  	s2 =	sld [smem:$0x3FC8]  }
0x91: {  	s18 =	sld [smem:$0x3FC7]  }
0x92: {  	s4 =	sld [smem:$0x3FC6]  }
0x93: {  	s5 =	sld [smem:$0x3FC5]  }
0x94: {  	s6 =	sld [smem:$0x3FD0];
	(tm) =	ssettm $0x1  }
0x95: {  	s7 =	sld [smem:$0x3FFB];
	_ =	sdelay $0x3  }
0x96: {  	_ =	strace s7  }
0x97: {  	s7 =	sld [smem:$0x3FFC];
	_ =	sdelay $0x3  }
0x98: {  	_ =	strace s7  }
0x99: {  	s7 =	sld [smem:$0x3FFD];
	_ =	sdelay $0x3  }
0x9a: {  	_ =	strace s7  }
0x9b: {  	_ =	strace $0x8FFFFFFF  }
0x9c: {  	s19 =	sld [smem:$0x3FDB];
	_ =	sdelay $0x1  }
0x9d: {  	s8 =	simm.s32 $_scs_section_size  }
0x9e: {  	s9 =	simm.s32 $_size__tile_overlayer_lowered;
	s10 =	simm.s32 $_tile_overlayer_lowered  }
0x9f: {  	s22 =	simm.s32 $0x1BFF;
	s21 =	sshll.u32 s10, $0x1;
	s7 =	sadd.s32 s8, s19  }
0xa0: {  	s11 =	simm.s32 $0x0;
	s20 =	sshll.u32 s9, $0x1;
	s9 =	sadd.s32 s21, s7  }
0xa1: {  	[timem:s11], [sflag:s22] =	dma.local [hbm:s9], s20  }
0xa2: {  	_ =	swait.ge [sflag:s22], s20  }
0xa3: {  	s8 =	ssub.s32 $0x0, s20;
	[sflag:s22] =	ssyncset.done $0x0  }
0xa4: {  	[sflag:s22] =	ssyncadd.s32 s8;
	_ =	sdelay $0x1  }
0xa5: {  	s23 =	simm.s32 $0x1B8B  }
0xa6: {  	_ =	swait.ge [sflag:s23], $0x1  }
0xa7: {  	[sflag:s23] =	ssyncset.done $0x0  }
0xa8: {  	s25 =	simm.s32 $0x1B8E;
	s24 =	sld [smem:$0x3FFE];
	[sflag:s23] =	ssyncadd.s32 $0xFFFFFFFF  }
0xa9: {  	s26 =	simm.s32 $execute0_lowered;
	[smem:$0x3FD2] =	sst s25  }
0xaa: {  	s9 =	sshll.u32 s26, $0x1;
	_ =	strace $0x80000046;
	[dreg:$0x1] =	wrdreg $0xFFFFFFFF  }
0xab: {  	s28 =	simm.s32 $_size_execute0_lowered;
	s7 =	sadd.s32 s7, s9;
	[dreg:$0x0] =	wrdreg $0x0  }
0xac: {  	s9 =	sshll.u32 s28, $0x1;
	[dreg:$0x2] =	wrdreg s7  }
0xad: {  	[dreg:$0x3] =	wrdreg s9  }
0xae: {  	[dreg:$0x4] =	wrdreg $0xC0  }
0xaf: {  	_ =	task [dreg:s11], $0x5FFFF  }
0xb0: {  	[dreg:$0x1] =	wrdreg $0xFFFFFFFF  }
0xb1: {  	[dreg:$0x0] =	wrdreg $0x60  }
0xb2: {  	[dreg:$0x2] =	wrdreg s2  }
0xb3: {  	[dreg:$0x3] =	wrdreg s18  }
0xb4: {  	[dreg:$0x4] =	wrdreg s4  }
0xb5: {  	[dreg:$0x5] =	wrdreg s5  }
0xb6: {  	[dreg:$0x6] =	wrdreg s6  }
0xb7: {  	[dreg:$0x7] =	wrdreg s24  }
0xb8: {  	[dreg:$0x8] =	wrdreg $0x9  }
0xb9: {  	_ =	task.clear_ibuf [dreg:s11], $0x9FFFF;
	_ =	strace $0x90000046  }
0xba: {  	s29 =	simm.s32 $0x9;
	_ =	strace $0x80000048  }
0xbb: {  	_ =	swait.ge [sflag:s29], $0x1  }
0xbc: {  	[sflag:s29] =	ssyncadd.s32 $0xFFFFFFFF  }
0xbd: {  	_ =	strace $0x90000048  }
0xbe: {  	_ =	sfence  }
0xbf: {  	s30 =	sld [smem:$0x0];
	_ =	sdelay $0x2  }
0xc0: {  	s31 =	sshll.u32 s1, $0xD;
	s1 =	sshrl.u32 s1, $0x2  }
0xc1: {  	s3 =	sand.u32 $0x4000, s31;
	s1 =	sadd.s32 s1, s30  }
0xc2: {  	s0 =	sor.u32 s3, s0;
	s1 =	sshll.u32 s1, $0x11  }
0xc3: {  	s0 =	sor.u32 s1, s0  }
0xc4: {  	s0 =	sadd.s32 $0x8F2B, s0  }
0xc5: {  	[sflag:s0] =	ssyncadd.remote.s32 $0x1  }
0xc6: {  	_ =	sfence.sel $0xFFFF  }
0xc7: {  	[dreg:$0x0] =	wrdreg $0xFFFFFFFF;
	(pc) =	sbr.abs _section_cstart, $3  }
0xc8: {  	[dreg:$0x1] =	wrdreg $0xFFFFFFFF  }
0xc9: {  	_ =	task.clear_ibuf [dreg:s11], $0x2FFFF;
	_ =	strace $0x9FFFFFFF  }
0xca: {  	(tm) =	ssettm $0x7FFFFFFF  }
0xcb: {  	_ =	shalt  }
tec
execute0_lowered:
.L_overlay_start_1:
0x0: {  	(tag) =	ssettag $0x1  }
0x1: {  	s3 =	rddreg [dreg:$0x0]  }
0x2: {  	s4 =	rddreg [dreg:$0x1]  }
0x3: {  	s9 =	rddreg [dreg:$0x2]  }
0x4: {  	s10 =	rddreg [dreg:$0x3]  }
0x5: {  	s0 =	rddreg [dreg:$0x5];
	s7 =	simm.s32 $0x0  }
0x6: {  	[smem:$0x7FF] =	sst s7;
	s5 =	sadd.s32 $0xE00, s0  }
0x7: {  	s15 =	sadd.s32 $0x1000, s0;
	_ =	strace $0x80000047;
	[dreg:$0x7] =	wrdreg s5  }
0x8: {  	s1 =	srdreg.scid;
	s16 =	sadd.s32 $0x1200, s0;
	[dreg:$0x8] =	wrdreg s15  }
0x9: {  	s2 =	stileid.u32;
	s17 =	sadd.s32 $0x1400, s0;
	[dreg:$0x9] =	wrdreg s16  }
0xa: {  	s29 =	simm.s32 $0x1;
	s18 =	sadd.s32 $0x1E9A00, s0;
	[dreg:$0xa] =	wrdreg s17  }
0xb: {  	s30 =	simm.s32 $0x1000;
	s19 =	sadd.s32 $0x3D2000, s0;
	[dreg:$0xb] =	wrdreg s18  }
0xc: {  	s1 =	sand.u32 $0x1, s1;
	s8 =	sadd.s32 $0x5BA600, s0;
	[dreg:$0xc] =	wrdreg s19  }
0xd: {  	s2 =	sshll.u32 s2, $0x1;
	s22 =	sadd.s32 $0x1E9800, s0;
	[dreg:$0xd] =	wrdreg s8  }
0xe: {  	s24 =	sadd.s32 $0x3D1E00, s0;
	s26 =	sadd.s32 $0x5BA400, s0;
	[dreg:$0xf] =	wrdreg s22  }
0xf: {  	s0 =	sadd.s32 $0x7A2A00, s0;
	s2 =	sor.u32 s1, s2;
	[dreg:$0x11] =	wrdreg s24  }
0x10: {  	s1 =	ssub.s32 $0x2, s1;
	[dreg:$0x13] =	wrdreg s26;
	s11 =	smul.u32 $0xF5, s2  }
0x11: {  	[dreg:$0x15] =	wrdreg s0;
	s6 =	smul.u32 $0x7A80, s2;
	s21 =	sshrl.u32 s1, $0x1  }
0x12: {  	p1 =	sne.s32 s2, $0x0;
	s1 =	ssub.s32 s1, s21;
	s20 =	smin.u32 s11, $0x1D8F  }
0x13: {  	s3 =	sadd.s32 s3, s6;
	s23 =	sadd.s32 s4, s6;
	s25 =	sadd.s32 s9, s6  }
.Ltmp0:
0x14: {  	s16 =	sadd.s32 $0xF5, s20;
	[dreg:$0xe] =	wrdreg s3;
	(pc) =	sbr.rel .LBB2_1-.Ltmp0, $4  }
0x15: {  	s28 =	sadd.s32 s10, s6;
	[dreg:$0x10] =	wrdreg s23;
	s5 =	ssub.s32 s16, s11  }
0x16: {  	s31 =	smax.u32 s1, $0x1;
	[dreg:$0x12] =	wrdreg s25;
	p0 =	slt.s32 s5, $0x1  }
0x17: {  	v0 =	vlaneseq.u32;
	s1 =	simm.s32 $0x0;
	[dreg:$0x14] =	wrdreg s28;
	p3 =	seq.s32 @!p0 s5, $0x1  }
0x18: {  	v0 =	vmul.u32 $0x80, v0;
	[dreg:$0x16] =	wrdreg s31;
	p2 =	por p3, p0;
	p3 =	por !p3, p0  }
.LBB2_37:
0x19: {  	s0 =	simm.s32 @!p0 $0x2  }
0x1a: {  	_ =	swait.ge @!p0 [sflag:s0], $0x800  }
.Ltmp1:
0x1b: {  	[sflag:s0] =	ssyncset.done @!p0 $0x0;
	(pc) =	sbr.rel @!p1 .LBB2_38-.Ltmp1, $4  }
0x1c: {  	[sflag:s0] =	ssyncadd.s32 @!p0 $0xFFFFF800;
	s0 =	simm.s32 @p4 $0x2  }
0x1d: {  	_ =	swait.ge @p4 [sflag:s0], $0x800  }
0x1e: {  	[sflag:s0] =	ssyncset.done @p4 $0x0  }
0x1f: {  	s1 =	rddreg [dreg:$0x17];
	[sflag:s0] =	ssyncadd.s32 @p4 $0xFFFFF800  }
.LBB2_41:
0x20: {  	s1 =	sadd.s32 $0x1, s1;
	s0 =	rddreg [dreg:$0x16]  }
0x21: {  	p4 =	sne.s32 s1, s0  }
.Ltmp2:
0x22: {  	_ = 	snop;
	(pc) =	sbr.rel @!p4 .LBB2_42-.Ltmp2, $1  }
0x23: {  	_ =	sdelay $0x3  }
.LBB2_1:
.Ltmp3:
0x24: {  	(pc) =	sbr.rel .LBB2_2-.Ltmp3, $4  }
0x25: {  	[dreg:$0x17] =	wrdreg s1  }
0x26: {  	s0 =	rddreg [dreg:$0xe]  }
0x27: {  	s31 =	simm.s32 $0x400;
	s2 =	simm.s32 $0x7A1400;
	s8 =	simm.s32 $0x0  }
0x28: {  	[tilespmem:s7], [sflag:$0x1] =	stream.strided.gather [hbm4b:s0+s31], $0x800, s2, s31, $0x38;
	[tilespmem:$0x2800] =	vst v63  }
.LBB2_6:
0x29: {  	s8 =	sadd.s32 $0x1, s8  }
0x2a: {  	p4 =	sne.s32 s8, $0xF5  }
.Ltmp4:
0x2b: {  	_ = 	snop;
	(pc) =	sbr.rel @!p4 .LBB2_7-.Ltmp4, $1  }
0x2c: {  	_ =	sdelay $0x3  }
.LBB2_2:
0x2d: {  	s10 =	sadd.s32 s11, s8  }
0x2e: {  	p4 =	sge.u32 s10, s16  }
.Ltmp5:
0x2f: {  	_ = 	snop;
	(pc) =	sbr.rel @p4 .LBB2_6-.Ltmp5, $1  }
0x30: {  	_ =	sdelay $0x3  }
0x31: {  	s0 =	sadd.s32 $0x1, s10  }
0x32: {  	s2 =	rddreg [dreg:$0x0];
	s21 =	simm.s32 $0x3;
	s22 =	simm.s32 $0x1  }
0x33: {  	s23 =	simm.s32 $0x2;
	s24 =	sshll.u32 s8, $0xB;
	s25 =	sshll.u32 s8, $0x7  }
0x34: {  	s17 =	simm.s32 $0x0;
	s6 =	simm.s32 $0x4;
	s26 =	simm.s32 $0x23  }
0x35: {  	s31 =	simm.s32 $0x21;
	s18 =	simm.s32 $0x60;
	s20 =	simm.s32 $0x61  }
0x36: {  	s3 =	simm.s32 $0x22;
	s19 =	simm.s32 $0x62;
	p4 =	sge.u32 s0, s16  }
0x37: {  	s1 =	sxor.u32 @!p4 $0xFFFFFFFF, s8;
	s0 =	sshll.u32 @!p4 s0, $0x7;
	s5 =	simm.s32 @!p4 $0x7A1400  }
0x38: {  	s4 =	simm.s32 $0x41;
	v1 =	vmov s21;
	s1 =	sshll.u32 @!p4 s1, $0xB;
	s0 =	sand.u32 @!p4 $0x1FFFFF80, s0  }
0x39: {  	v2 =	vmov s22;
	v1 =	vand.u32 $0x7F, v1;
	s1 =	sand.u32 @!p4 $0x800, s1;
	s0 =	sadd.s32 @!p4 s2, s0;
	s2 =	simm.s32 @!p4 $0x400  }
0x3a: {  	v3 =	vmov s23;
	v2 =	vand.u32 $0x7D, v2;
	v1 =	vbroadcast v1, $0x0;
	[tilespmem:s1], [sflag:$0x1] =	stream.strided.gather @!p4 [hbm4b:s0+s2], $0x800, s5, s2, $0x38;
	[tilespmem:$0x2800] =	vst v63  }
0x3b: {  	s14 =	simm.s32 $0x43;
	s15 =	simm.s32 $0x210;
	v4 =	vmov s17;
	v3 =	vand.u32 $0x7E, v3;
	v2 =	vbroadcast v2, $0x0;
	_ =	swait.ge [sflag:s29], $0x800  }
0x3c: {  	s9 =	sand.u32 $0x80, s25;
	v4 =	vand.u32 $0x7C, v4;
	v3 =	vbroadcast v3, $0x0;
	p4 =	slt.u32 s8, $0x2;
	v5 =	vor.u32 v0, v1;
	[sflag:s29] =	ssyncset.done $0x0  }
0x3d: {  	s22 =	simm.s32 $0x20;
	v6 =	vmov s26;
	v4 =	vbroadcast v4, $0x0;
	v2 =	vor.u32 v0, v2;
	s0 =	simm.s32 @!p4 $0x2;
	[sflag:s29] =	ssyncadd.s32 $0xFFFFF800  }
0x3e: {  	s21 =	simm.s32 $0x5;
	v7 =	vmov s31;
	s23 =	simm.s32 $0x6;
	v8 =	vmov s3;
	v3 =	vor.u32 v0, v3;
	_ =	swait.ge @!p4 [sflag:s0], $0x800  }
0x3f: {  	s12 =	sand.u32 $0x300, s17;
	s25 =	simm.s32 $0x10;
	v11 =	vmov s4;
	v6 =	vand.u32 $0x7F, v6;
	v4 =	vor.u32 v0, v4;
	[sflag:s0] =	ssyncset.done @!p4 $0x0  }
0x40: {  	s26 =	simm.s32 $0x30;
	v7 =	vand.u32 $0x7D, v7;
	v9 =	vmov s22;
	v6 =	vbroadcast v6, $0x0;
	[sflag:s0] =	ssyncadd.s32 @!p4 $0xFFFFF800;
	s0 =	sand.u32 $0x800, s24  }
0x41: {  	s31 =	simm.s32 $0x20;
	s3 =	simm.s32 $0x400;
	s4 =	simm.s32 $0x220;
	v8 =	vand.u32 $0x7E, v8;
	v7 =	vbroadcast v7, $0x0;
	v1 =	vmov s9;
	v5 =	vld.idx.msk [tilespmem:v5+s0+$0x0], $0xffff  }
0x42: {  	s13 =	sand.u32 $0x70, s26;
	s28 =	sand.u32 $0x50, s25;
	s25 =	sand.u32 $0x40, s17;
	v9 =	vand.u32 $0x7C, v9;
	v8 =	vbroadcast v8, $0x0;
	v6 =	vor.u32 v0, v6;
	v2 =	vld.idx.msk [tilespmem:v2+s0+$0x0], $0xffff  }
0x43: {  	s31 =	sand.u32 $0x60, s31;
	s3 =	sand.u32 $0x700, s3;
	s4 =	sand.u32 $0x60, s4;
	v9 =	vbroadcast v9, $0x0;
	v7 =	vor.u32 v0, v7;
	v3 =	vld.idx.msk [tilespmem:v3+s0+$0x0], $0xffff  }
0x44: {  	v10 =	vmov s14;
	s3 =	sor.u32 s25, s3;
	s1 =	simm.s32 $0x40;
	s5 =	sor.u32 $0x1800, s12;
	v8 =	vor.u32 v0, v8;
	v4 =	vld.idx.msk [tilespmem:v4+s0+$0x0], $0xffff  }
0x45: {  	v10 =	vand.u32 $0x7F, v10;
	s22 =	sor.u32 s13, s5;
	s28 =	sor.u32 s28, s5;
	v9 =	vor.u32 v0, v9;
	s24 =	simm.s32 $0x42  }
0x46: {  	v10 =	vbroadcast v10, $0x0;
	s26 =	sor.u32 s25, s5;
	s5 =	sor.u32 s31, s5;
	s31 =	simm.s32 $0x420;
	[tilespmem:v1+s22+$0x0 ss:$0x1] =	vst.idx.msk $0xffff, v5;
	v5 =	vand.u32 $0x7D, v11;
	v11 =	vmov s24  }
0x47: {  	s2 =	sand.u32 $0x50, s15;
	s13 =	simm.s32 $0x230;
	s12 =	sand.u32 $0x700, s31;
	[tilespmem:v1+s28+$0x0 ss:$0x1] =	vst.idx.msk $0xffff, v2;
	v2 =	vld.idx.msk [tilespmem:v6+s0+$0x0], $0xffff;
	v6 =	vmov s1;
	v5 =	vbroadcast v5, $0x0;
	v11 =	vand.u32 $0x7E, v11  }
0x48: {  	v10 =	vor.u32 v0, v10;
	s14 =	sand.u32 $0x70, s13;
	s13 =	simm.s32 $0x820;
	s28 =	simm.s32 $0x460;
	[tilespmem:v1+s5+$0x0 ss:$0x1] =	vst.idx.msk $0xffff, v3;
	v7 =	vld.idx.msk [tilespmem:v7+s0+$0x0], $0xffff;
	v3 =	vand.u32 $0x7C, v6;
	v6 =	vbroadcast v11, $0x0  }
0x49: {  	s22 =	simm.s32 $0x440;
	[tilespmem:v1+s26+$0x0 ss:$0x1] =	vst.idx.msk $0xffff, v4;
	s15 =	sand.u32 $0x700, s28;
	s28 =	simm.s32 $0x63;
	v4 =	vld.idx.msk [tilespmem:v8+s0+$0x0], $0xffff;
	v3 =	vbroadcast v3, $0x0;
	v5 =	vor.u32 v0, v5  }
0x4a: {  	s26 =	simm.s32 $0x800;
	s24 =	simm.s32 $0x430;
	s22 =	sand.u32 $0x700, s22;
	v11 =	vld.idx.msk [tilespmem:v9+s0+$0x0], $0xffff;
	v8 =	vmov s28;
	v9 =	vmov s20;
	v6 =	vor.u32 v0, v6  }
0x4b: {  	s1 =	sor.u32 s2, s12;
	s12 =	simm.s32 $0x410;
	s5 =	sor.u32 s14, s15;
	v8 =	vand.u32 $0x7F, v8;
	v12 =	vand.u32 $0x7D, v9;
	v3 =	vor.u32 v0, v3  }
0x4c: {  	s4 =	sor.u32 s4, s22;
	s14 =	sand.u32 $0xB00, s26;
	s15 =	simm.s32 $0x840;
	v13 =	vbroadcast v8, $0x0;
	v8 =	vmov s18;
	[tilespmem:v1+s5+$0x1800 ss:$0x1] =	vst.idx.msk $0xffff, v2;
	v2 =	vmov s19  }
0x4d: {  	s2 =	sand.u32 $0x50, s12;
	s26 =	simm.s32 $0x860;
	s22 =	simm.s32 $0x7;
	[tilespmem:v1+s1+$0x1800 ss:$0x1] =	vst.idx.msk $0xffff, v7;
	v7 =	vand.u32 $0x7C, v8;
	v9 =	vld.idx.msk [tilespmem:v10+s0+$0x0], $0xffff;
	v10 =	vbroadcast v12, $0x0;
	v2 =	vand.u32 $0x7E, v2  }
0x4e: {  	s20 =	sand.u32 $0xB00, s15;
	s28 =	sor.u32 s25, s14;
	s18 =	sand.u32 $0x60, s31;
	[tilespmem:v1+s4+$0x1800 ss:$0x1] =	vst.idx.msk $0xffff, v4;
	v63 =	vbroadcast v7, $0x0;
	v7 =	vor.u32 v0, v13;
	v8 =	vld.idx.msk [tilespmem:v5+s0+$0x0], $0xffff;
	v2 =	vbroadcast v2, $0x0  }
0x4f: {  	s31 =	sand.u32 $0xB00, s26;
	s26 =	simm.s32 $0x8;
	s1 =	sand.u32 $0x70, s24;
	[tilespmem:v1+s3+$0x1800 ss:$0x1] =	vst.idx.msk $0xffff, v11;
	v6 =	vld.idx.msk [tilespmem:v6+s0+$0x0], $0xffff;
	v5 =	vor.u32 v0, v10  }
0x50: {  	s5 =	sand.u32 $0xB00, s13;
	s19 =	simm.s32 $0x0;
	s1 =	sor.u32 s1, s31;
	v4 =	vld.idx.msk [tilespmem:v3+s0+$0x0], $0xffff;
	v3 =	vor.u32 v0, v2;
	v2 =	vor.u32 v0, v63  }
.LBB2_4:
0x51: {  	p4 =	slt.u32 s26, $0x1C;
	s2 =	sor.u32 s2, s5  }
0x52: {  	v10 =	vmov s22;
	s3 =	sor.u32 s18, s20;
	[tilespmem:v1+s1+$0x1800 ss:$0x1] =	vst.idx.msk $0xffff, v9;
	s18 =	smov.u32 s6;
	s6 =	smov.u32 s26  }
0x53: {  	v9 =	vmov s21;
	s1 =	sadd.s32 $0xC00, s17;
	s4 =	sadd.s32 $0xC20, s17;
	v10 =	vand.u32 $0x7F, v10;
	[tilespmem:v1+s2+$0x1800 ss:$0x1] =	vst.idx.msk $0xffff, v8;
	s2 =	sadd.s32 $0x610, s19;
	v7 =	vld.idx.msk [tilespmem:v7+s0+$0x0], $0xffff  }
0x54: {  	s5 =	sadd.s32 $0xC40, s17;
	v8 =	vand.u32 $0x7D, v9;
	v9 =	vmov s23;
	s1 =	sand.u32 $0xF00, s1;
	v10 =	vbroadcast v10, $0x0;
	v5 =	vld.idx.msk [tilespmem:v5+s0+$0x0], $0xffff;
	[tilespmem:v1+s3+$0x1800 ss:$0x1] =	vst.idx.msk $0xffff, v6;
	s3 =	sadd.s32 $0x620, s19  }
0x55: {  	s4 =	sand.u32 $0xF00, s4;
	v6 =	vmov s18;
	v8 =	vbroadcast v8, $0x0;
	v9 =	vand.u32 $0x7E, v9;
	s2 =	sand.u32 $0x50, s2;
	[tilespmem:v1+s28+$0x1800 ss:$0x1] =	vst.idx.msk $0xffff, v4;
	v3 =	vld.idx.msk [tilespmem:v3+s0+$0x0], $0xffff;
	s3 =	sand.u32 $0x60, s3  }
0x56: {  	s20 =	sadd.s32 $0x630, s19;
	s21 =	sadd.s32 $0xC60, s17;
	s5 =	sand.u32 $0xF00, s5;
	v4 =	vand.u32 $0x7C, v6;
	v6 =	vbroadcast v9, $0x0;
	v9 =	vor.u32 v0, v10;
	v2 =	vld.idx.msk [tilespmem:v2+s0+$0x0], $0xffff  }
0x57: {  	s20 =	sand.u32 $0x70, s20;
	s21 =	sand.u32 $0xF00, s21;
	s1 =	sor.u32 s25, s1;
	v4 =	vbroadcast v4, $0x0;
	v8 =	vor.u32 v0, v8  }
0x58: {  	s22 =	sadd.s32 $0x23, s18;
	s2 =	sor.u32 s2, s4;
	s4 =	sor.u32 s20, s21;
	v6 =	vor.u32 v0, v6  }
0x59: {  	s17 =	sadd.s32 $0x80, s17;
	s21 =	sadd.s32 $0x21, s18;
	v10 =	vmov s22;
	s3 =	sor.u32 s3, s5;
	v4 =	vor.u32 v0, v4;
	[tilespmem:v1+s4+$0x1800 ss:$0x1] =	vst.idx.msk $0xffff, v7  }
0x5a: {  	s20 =	sadd.s32 $0x60, s18;
	s28 =	sadd.s32 $0x61, s18;
	v10 =	vand.u32 $0x7F, v10;
	v7 =	vmov s21;
	s4 =	sadd.s32 $0x22, s18;
	[tilespmem:v1+s2+$0x1800 ss:$0x1] =	vst.idx.msk $0xffff, v5  }
0x5b: {  	s5 =	sadd.s32 $0x40, s18;
	s22 =	sadd.s32 $0x62, s18;
	v10 =	vbroadcast v10, $0x0;
	s2 =	sadd.s32 $0x20, s18;
	v5 =	vand.u32 $0x7D, v7;
	v7 =	vmov s4;
	v9 =	vld.idx.msk [tilespmem:v9+s0+$0x0], $0xffff;
	[tilespmem:v1+s3+$0x1800 ss:$0x1] =	vst.idx.msk $0xffff, v3  }
0x5c: {  	s21 =	sadd.s32 $0x1, s26;
	v3 =	vmov s2;
	v5 =	vbroadcast v5, $0x0;
	s2 =	sadd.s32 $0x41, s18;
	v7 =	vand.u32 $0x7E, v7;
	s3 =	sadd.s32 $0x42, s18;
	v8 =	vld.idx.msk [tilespmem:v8+s0+$0x0], $0xffff;
	[tilespmem:v1+s1+$0x1800 ss:$0x1] =	vst.idx.msk $0xffff, v2  }
0x5d: {  	s23 =	sadd.s32 $0x2, s26;
	s19 =	sadd.s32 $0x40, s19;
	s25 =	sadd.s32 $0x43, s18;
	v2 =	vand.u32 $0x7C, v3;
	v3 =	vld.idx.msk [tilespmem:v6+s0+$0x0], $0xffff;
	v6 =	vbroadcast v7, $0x0;
	v7 =	vor.u32 v0, v10  }
0x5e: {  	s24 =	sadd.s32 $0x30, s19;
	s4 =	sadd.s32 $0x10, s19;
	s1 =	sand.u32 $0x300, s17;
	v2 =	vbroadcast v2, $0x0;
	v5 =	vor.u32 v0, v5;
	v4 =	vld.idx.msk [tilespmem:v4+s0+$0x0], $0xffff  }
0x5f: {  	s31 =	sadd.s32 $0x20, s19;
	s24 =	sand.u32 $0x70, s24;
	s1 =	sor.u32 $0x1800, s1;
	v6 =	vor.u32 v0, v6  }
0x60: {  	s4 =	sand.u32 $0x50, s4;
	s18 =	sadd.s32 $0x63, s18;
	v10 =	vmov s25;
	s24 =	sor.u32 s24, s1;
	v2 =	vor.u32 v0, v2  }
0x61: {  	v11 =	vmov s2;
	s2 =	sand.u32 $0x60, s31;
	s25 =	sand.u32 $0x40, s19;
	s4 =	sor.u32 s4, s1;
	[tilespmem:v1+s24+$0x0 ss:$0x1] =	vst.idx.msk $0xffff, v9;
	v9 =	vand.u32 $0x7F, v10  }
0x62: {  	s31 =	sadd.s32 $0x400, s17;
	s24 =	sor.u32 s25, s1;
	s1 =	sor.u32 s2, s1;
	v10 =	vmov s3;
	[tilespmem:v1+s4+$0x0 ss:$0x1] =	vst.idx.msk $0xffff, v8;
	v8 =	vand.u32 $0x7D, v11;
	v7 =	vld.idx.msk [tilespmem:v7+s0+$0x0], $0xffff;
	v9 =	vbroadcast v9, $0x0  }
0x63: {  	s2 =	sadd.s32 $0x210, s19;
	s3 =	sadd.s32 $0x420, s17;
	v11 =	vmov s5;
	v5 =	vld.idx.msk [tilespmem:v5+s0+$0x0], $0xffff;
	v8 =	vbroadcast v8, $0x0;
	[tilespmem:v1+s1+$0x0 ss:$0x1] =	vst.idx.msk $0xffff, v3;
	s1 =	sadd.s32 $0x220, s19;
	v3 =	vand.u32 $0x7E, v10  }
0x64: {  	s4 =	sand.u32 $0x700, s31;
	s2 =	sand.u32 $0x50, s2;
	s5 =	sadd.s32 $0x440, s17;
	[tilespmem:v1+s24+$0x0 ss:$0x1] =	vst.idx.msk $0xffff, v4;
	v4 =	vand.u32 $0x7C, v11;
	v6 =	vld.idx.msk [tilespmem:v6+s0+$0x0], $0xffff;
	v3 =	vbroadcast v3, $0x0;
	v9 =	vor.u32 v0, v9  }
0x65: {  	s3 =	sand.u32 $0x700, s3;
	s31 =	sadd.s32 $0x460, s17;
	s24 =	sadd.s32 $0x230, s19;
	v2 =	vld.idx.msk [tilespmem:v2+s0+$0x0], $0xffff;
	v4 =	vbroadcast v4, $0x0;
	v8 =	vor.u32 v0, v8  }
0x66: {  	s31 =	sand.u32 $0x700, s31;
	s5 =	sand.u32 $0x700, s5;
	s24 =	sand.u32 $0x70, s24;
	v3 =	vor.u32 v0, v3  }
0x67: {  	v10 =	vmov s18;
	s4 =	sor.u32 s25, s4;
	s1 =	sand.u32 $0x60, s1;
	s24 =	sor.u32 s24, s31;
	v4 =	vor.u32 v0, v4  }
0x68: {  	s2 =	sor.u32 s2, s3;
	s3 =	sadd.s32 $0x800, s17;
	v11 =	vmov s28;
	s1 =	sor.u32 s1, s5;
	[tilespmem:v1+s24+$0x1800 ss:$0x1] =	vst.idx.msk $0xffff, v7;
	v7 =	vand.u32 $0x7F, v10  }
0x69: {  	s3 =	sand.u32 $0xB00, s3;
	s5 =	sadd.s32 $0x820, s17;
	v10 =	vmov s22;
	[tilespmem:v1+s2+$0x1800 ss:$0x1] =	vst.idx.msk $0xffff, v5;
	s2 =	sadd.s32 $0x410, s19;
	v5 =	vand.u32 $0x7D, v11;
	v9 =	vld.idx.msk [tilespmem:v9+s0+$0x0], $0xffff;
	v7 =	vbroadcast v7, $0x0  }
.Ltmp6:
0x6a: {  	v11 =	vmov s20;
	s20 =	sadd.s32 $0x840, s17;
	v10 =	vand.u32 $0x7E, v10;
	v8 =	vld.idx.msk [tilespmem:v8+s0+$0x0], $0xffff;
	v5 =	vbroadcast v5, $0x0;
	[tilespmem:v1+s1+$0x1800 ss:$0x1] =	vst.idx.msk $0xffff, v6;
	s1 =	sadd.s32 $0x420, s19;
	(pc) =	sbr.rel @p4 .LBB2_4-.Ltmp6, $4  }
0x6b: {  	s5 =	sand.u32 $0xB00, s5;
	s2 =	sand.u32 $0x50, s2;
	[tilespmem:v1+s4+$0x1800 ss:$0x1] =	vst.idx.msk $0xffff, v2;
	v2 =	vand.u32 $0x7C, v11;
	v6 =	vld.idx.msk [tilespmem:v3+s0+$0x0], $0xffff;
	s18 =	sand.u32 $0x60, s1;
	v3 =	vbroadcast v10, $0x0;
	v7 =	vor.u32 v0, v7  }
0x6c: {  	s20 =	sand.u32 $0xB00, s20;
	s1 =	sadd.s32 $0x430, s19;
	s4 =	sadd.s32 $0x860, s17;
	v4 =	vld.idx.msk [tilespmem:v4+s0+$0x0], $0xffff;
	v2 =	vbroadcast v2, $0x0;
	v5 =	vor.u32 v0, v5  }
0x6d: {  	s28 =	sor.u32 s25, s3;
	s1 =	sand.u32 $0x70, s1;
	s3 =	sand.u32 $0xB00, s4;
	v3 =	vor.u32 v0, v3  }
0x6e: {  	s26 =	sadd.s32 $0x4, s26;
	s22 =	sadd.s32 $0x3, s6;
	s1 =	sor.u32 s1, s3;
	v2 =	vor.u32 v0, v2  }
0x6f: {  	v10 =	vmov s22;
	s2 =	sor.u32 s2, s5;
	s22 =	sor.u32 s18, s20  }
0x70: {  	v11 =	vmov s21;
	s3 =	sadd.s32 $0xC00, s17;
	s4 =	sadd.s32 $0x610, s19;
	s31 =	sadd.s32 $0xC20, s17;
	v10 =	vand.u32 $0x7F, v10  }
0x71: {  	v12 =	vmov s23;
	s12 =	sadd.s32 $0x620, s19;
	s13 =	sadd.s32 $0xC40, s17;
	s14 =	sadd.s32 $0x630, s19;
	v11 =	vand.u32 $0x7D, v11;
	v10 =	vbroadcast v10, $0x0  }
0x72: {  	v13 =	vmov s6;
	s15 =	sadd.s32 $0xC60, s17;
	s24 =	sadd.s32 $0x23, s6;
	s17 =	sadd.s32 $0x80, s17;
	v12 =	vand.u32 $0x7E, v12;
	v11 =	vbroadcast v11, $0x0  }
0x73: {  	s19 =	sadd.s32 $0x40, s19;
	s3 =	sand.u32 $0xF00, s3;
	s4 =	sand.u32 $0x50, s4;
	v13 =	vand.u32 $0x7C, v13;
	v12 =	vbroadcast v12, $0x0;
	v10 =	vor.u32 v0, v10  }
0x74: {  	s5 =	sand.u32 $0xF00, s31;
	s23 =	sand.u32 $0x60, s12;
	s26 =	sand.u32 $0xF00, s13;
	v13 =	vbroadcast v13, $0x0;
	v11 =	vor.u32 v0, v11  }
0x75: {  	s31 =	sand.u32 $0x70, s14;
	s20 =	sand.u32 $0xF00, s15;
	s12 =	sadd.s32 $0x21, s6;
	v14 =	vmov s24;
	v12 =	vor.u32 v0, v12  }
0x76: {  	s24 =	sadd.s32 $0x60, s6;
	s13 =	sadd.s32 $0x22, s6;
	s14 =	sadd.s32 $0x20, s6;
	v15 =	vmov s12;
	v14 =	vand.u32 $0x7F, v14;
	v13 =	vor.u32 v0, v13  }
0x77: {  	s15 =	sadd.s32 $0x43, s6;
	[tilespmem:v1+s22+$0x1800 ss:$0x1] =	vst.idx.msk $0xffff, v6;
	s22 =	sadd.s32 $0x800, s17;
	s21 =	sor.u32 s25, s3;
	v16 =	vmov s13;
	v15 =	vand.u32 $0x7D, v15;
	v14 =	vbroadcast v14, $0x0  }
0x78: {  	s18 =	sor.u32 s4, s5;
	s20 =	sor.u32 s31, s20;
	s5 =	sadd.s32 $0x61, s6;
	v17 =	vmov s14;
	v16 =	vand.u32 $0x7E, v16;
	v15 =	vbroadcast v15, $0x0;
	v10 =	vld.idx.msk [tilespmem:v10+s0+$0x0], $0xffff  }
0x79: {  	s12 =	sadd.s32 $0x40, s6;
	s31 =	sadd.s32 $0x62, s6;
	s3 =	sadd.s32 $0x41, s6;
	v17 =	vand.u32 $0x7C, v17;
	v16 =	vbroadcast v16, $0x0;
	v14 =	vor.u32 v0, v14;
	v11 =	vld.idx.msk [tilespmem:v11+s0+$0x0], $0xffff  }
0x7a: {  	s4 =	sadd.s32 $0x42, s6;
	s25 =	sand.u32 $0x300, s17;
	s14 =	sadd.s32 $0x30, s19;
	v17 =	vbroadcast v17, $0x0;
	v15 =	vor.u32 v0, v15;
	v12 =	vld.idx.msk [tilespmem:v12+s0+$0x0], $0xffff  }
0x7b: {  	[tilespmem:v1+s1+$0x1800 ss:$0x1] =	vst.idx.msk $0xffff, v9;
	s13 =	sadd.s32 $0x10, s19;
	v44 =	vmov s15;
	s1 =	sor.u32 $0x1800, s25;
	s14 =	sand.u32 $0x70, s14;
	v16 =	vor.u32 v0, v16;
	v13 =	vld.idx.msk [tilespmem:v13+s0+$0x0], $0xffff  }
0x7c: {  	[tilespmem:v1+s2+$0x1800 ss:$0x1] =	vst.idx.msk $0xffff, v8;
	s15 =	sadd.s32 $0x20, s19;
	s13 =	sand.u32 $0x50, s13;
	v46 =	vmov s3;
	v9 =	vand.u32 $0x7F, v44;
	s14 =	sor.u32 s14, s1;
	v45 =	vor.u32 v0, v17  }
0x7d: {  	s25 =	sand.u32 $0x40, s19;
	s2 =	sand.u32 $0x60, s15;
	v47 =	vmov s4;
	v9 =	vbroadcast v9, $0x0;
	v17 =	vand.u32 $0x7D, v46;
	[tilespmem:v1+s14+$0x0 ss:$0x1] =	vst.idx.msk $0xffff, v10;
	s14 =	sor.u32 s13, s1  }
0x7e: {  	v49 =	vmov s12;
	s3 =	sadd.s32 $0x230, s19;
	s15 =	sor.u32 s25, s1;
	v17 =	vbroadcast v17, $0x0;
	s1 =	sor.u32 s2, s1;
	v10 =	vand.u32 $0x7E, v47;
	[tilespmem:v1+s14+$0x0 ss:$0x1] =	vst.idx.msk $0xffff, v11;
	v48 =	vld.idx.msk [tilespmem:v14+s0+$0x0], $0xffff  }
0x7f: {  	s12 =	sadd.s32 $0x460, s17;
	v9 =	vor.u32 v0, v9;
	s13 =	sadd.s32 $0x210, s19;
	s2 =	sand.u32 $0x70, s3;
	[tilespmem:v1+s1+$0x0 ss:$0x1] =	vst.idx.msk $0xffff, v12;
	v14 =	vand.u32 $0x7C, v49;
	v10 =	vbroadcast v10, $0x0;
	v50 =	vld.idx.msk [tilespmem:v15+s0+$0x0], $0xffff  }
0x80: {  	v52 =	vor.u32 v0, v17;
	s3 =	sand.u32 $0x700, s12;
	[tilespmem:v1+s15+$0x0 ss:$0x1] =	vst.idx.msk $0xffff, v13;
	s15 =	sadd.s32 $0x63, s6;
	s6 =	sadd.s32 $0x400, s17;
	v51 =	vld.idx.msk [tilespmem:v16+s0+$0x0], $0xffff;
	v14 =	vbroadcast v14, $0x0  }
0x81: {  	s12 =	sadd.s32 $0x220, s19;
	s2 =	sor.u32 s2, s3;
	s14 =	sadd.s32 $0x420, s17;
	v53 =	vmov s15;
	v8 =	vld.idx.msk [tilespmem:v45+s0+$0x0], $0xffff;
	v10 =	vor.u32 v0, v10  }
0x82: {  	v54 =	vld.idx.msk [tilespmem:v7+s0+$0x0], $0xffff;
	[tilespmem:v1+s28+$0x1800 ss:$0x1] =	vst.idx.msk $0xffff, v4;
	v55 =	vmov s5;
	s1 =	sand.u32 $0x50, s13;
	s13 =	sadd.s32 $0x440, s17;
	s3 =	sand.u32 $0x700, s14;
	v6 =	vand.u32 $0x7F, v53;
	v14 =	vor.u32 v0, v14  }
0x83: {  	v5 =	vld.idx.msk [tilespmem:v5+s0+$0x0], $0xffff;
	v56 =	vmov s31;
	v7 =	vand.u32 $0x7D, v55;
	s15 =	sand.u32 $0x700, s13;
	s1 =	sor.u32 s1, s3;
	s3 =	sand.u32 $0x60, s12;
	v6 =	vbroadcast v6, $0x0;
	[tilespmem:v1+s2+$0x1800 ss:$0x1] =	vst.idx.msk $0xffff, v48  }
0x84: {  	v57 =	vmov s24;
	s24 =	sadd.s32 $0x410, s19;
	v7 =	vbroadcast v7, $0x0;
	v11 =	vand.u32 $0x7E, v56;
	s14 =	sand.u32 $0x700, s6;
	s3 =	sor.u32 s3, s15;
	[tilespmem:v1+s1+$0x1800 ss:$0x1] =	vst.idx.msk $0xffff, v50;
	v9 =	vld.idx.msk [tilespmem:v9+s0+$0x0], $0xffff  }
0x85: {  	v12 =	vand.u32 $0x7C, v57;
	v11 =	vbroadcast v11, $0x0;
	s13 =	sadd.s32 $0x860, s17;
	s12 =	sadd.s32 $0x430, s19;
	v6 =	vor.u32 v0, v6;
	s2 =	sor.u32 s25, s14;
	[tilespmem:v1+s3+$0x1800 ss:$0x1] =	vst.idx.msk $0xffff, v51;
	v58 =	vld.idx.msk [tilespmem:v52+s0+$0x0], $0xffff  }
0x86: {  	s28 =	sadd.s32 $0x820, s17;
	v7 =	vor.u32 v0, v7;
	v60 =	vbroadcast v12, $0x0;
	s6 =	sand.u32 $0xB00, s13;
	s5 =	sand.u32 $0x70, s12;
	[tilespmem:v1+s2+$0x1800 ss:$0x1] =	vst.idx.msk $0xffff, v8;
	v59 =	vld.idx.msk [tilespmem:v10+s0+$0x0], $0xffff  }
0x87: {  	s4 =	sand.u32 $0xB00, s22;
	s31 =	sadd.s32 $0x420, s19;
	[tilespmem:v1+s20+$0x1800 ss:$0x1] =	vst.idx.msk $0xffff, v54;
	v11 =	vor.u32 v0, v11;
	s5 =	sor.u32 s5, s6;
	v61 =	vld.idx.msk [tilespmem:v14+s0+$0x0], $0xffff  }
0x88: {  	v3 =	vld.idx.msk [tilespmem:v3+s0+$0x0], $0xffff;
	[tilespmem:v1+s18+$0x1800 ss:$0x1] =	vst.idx.msk $0xffff, v5;
	v62 =	vor.u32 v0, v60;
	s14 =	sadd.s32 $0x840, s17;
	s1 =	sand.u32 $0x50, s24;
	s3 =	sand.u32 $0xB00, s28  }
0x89: {  	v2 =	vld.idx.msk [tilespmem:v2+s0+$0x0], $0xffff;
	s2 =	sand.u32 $0x60, s31;
	s15 =	sand.u32 $0xB00, s14;
	s1 =	sor.u32 s1, s3;
	[tilespmem:v1+s5+$0x1800 ss:$0x1] =	vst.idx.msk $0xffff, v9  }
0x8a: {  	s22 =	sadd.s32 $0x610, s19;
	s4 =	sor.u32 s25, s4;
	s2 =	sor.u32 s2, s15;
	[tilespmem:v1+s1+$0x1800 ss:$0x1] =	vst.idx.msk $0xffff, v58;
	v6 =	vld.idx.msk [tilespmem:v6+s0+$0x0], $0xffff  }
0x8b: {  	s20 =	sadd.s32 $0xC00, s17;
	s18 =	sor.u32 s23, s26;
	s26 =	sadd.s32 $0x630, s19;
	[tilespmem:v1+s2+$0x1800 ss:$0x1] =	vst.idx.msk $0xffff, v59;
	v7 =	vld.idx.msk [tilespmem:v7+s0+$0x0], $0xffff  }
0x8c: {  	s23 =	sadd.s32 $0xC20, s17;
	s13 =	sand.u32 $0x70, s26;
	s28 =	sadd.s32 $0xC60, s17;
	[tilespmem:v1+s4+$0x1800 ss:$0x1] =	vst.idx.msk $0xffff, v61;
	v63 =	vld.idx.msk [tilespmem:v11+s0+$0x0], $0xffff  }
0x8d: {  	[tilespmem:v1+s18+$0x1800 ss:$0x1] =	vst.idx.msk $0xffff, v3;
	s6 =	sand.u32 $0xF00, s23;
	s24 =	sadd.s32 $0x620, s19;
	s14 =	sand.u32 $0xF00, s28;
	v3 =	vld.idx.msk [tilespmem:v62+s0+$0x0], $0xffff  }
0x8e: {  	[tilespmem:v1+s21+$0x1800 ss:$0x1] =	vst.idx.msk $0xffff, v2;
	s31 =	sadd.s32 $0xC40, s17;
	s5 =	sand.u32 $0x50, s22;
	s0 =	sor.u32 s13, s14  }
0x8f: {  	s3 =	sand.u32 $0xF00, s31;
	s2 =	sand.u32 $0x60, s24;
	s15 =	sor.u32 s5, s6;
	[tilespmem:v1+s0+$0x1800 ss:$0x1] =	vst.idx.msk $0xffff, v6  }
0x90: {  	s17 =	sand.u32 $0xF00, s20;
	s18 =	sor.u32 s2, s3;
	[tilespmem:v1+s15+$0x1800 ss:$0x1] =	vst.idx.msk $0xffff, v7  }
0x91: {  	s0 =	sor.u32 s25, s17;
	[tilespmem:v1+s18+$0x1800 ss:$0x1] =	vst.idx.msk $0xffff, v63  }
0x92: {  	[tilespmem:v1+s0+$0x1800 ss:$0x1] =	vst.idx.msk $0xffff, v3  }
0x93: {  	s19 =	sshll.u32 s10, $0x8;
	s0 =	rddreg [dreg:$0xa]  }
0x94: {  	s20 =	sor.u32 $0x1800, s9;
	s0 =	sadd.s32 s0, s19  }
0x95: {  	[hbm4b:s0+s7] =	stream.linear.scatter [tilespmem:s20], [sflag:$0x2], $0x80, $0x38;
	[tilespmem:$0x2800] =	vst v63  }
0x96: {  	s21 =	sor.u32 $0x1900, s9;
	s22 =	sadd.s32 $0x10, s0  }
0x97: {  	[hbm4b:s22+s7] =	stream.linear.scatter [tilespmem:s21], [sflag:$0x2], $0x80, $0x38;
	[tilespmem:$0x2800] =	vst v63  }
0x98: {  	s23 =	sor.u32 $0x1A00, s9;
	s24 =	sadd.s32 $0x20, s0  }
0x99: {  	[hbm4b:s24+s7] =	stream.linear.scatter [tilespmem:s23], [sflag:$0x2], $0x80, $0x38;
	[tilespmem:$0x2800] =	vst v63  }
0x9a: {  	s25 =	sor.u32 $0x1B00, s9;
	s26 =	sadd.s32 $0x30, s0  }
0x9b: {  	[hbm4b:s26+s7] =	stream.linear.scatter [tilespmem:s25], [sflag:$0x2], $0x80, $0x38;
	[tilespmem:$0x2800] =	vst v63  }
0x9c: {  	s28 =	sor.u32 $0x1C00, s9;
	s31 =	sadd.s32 $0x40, s0  }
0x9d: {  	[hbm4b:s31+s7] =	stream.linear.scatter [tilespmem:s28], [sflag:$0x2], $0x80, $0x38;
	[tilespmem:$0x2800] =	vst v63  }
0x9e: {  	s3 =	sor.u32 $0x1D00, s9;
	s4 =	sadd.s32 $0x50, s0  }
0x9f: {  	[hbm4b:s4+s7] =	stream.linear.scatter [tilespmem:s3], [sflag:$0x2], $0x80, $0x38;
	[tilespmem:$0x2800] =	vst v63  }
0xa0: {  	s5 =	sor.u32 $0x1E00, s9;
	s6 =	sadd.s32 $0x60, s0  }
0xa1: {  	[hbm4b:s6+s7] =	stream.linear.scatter [tilespmem:s5], [sflag:$0x2], $0x80, $0x38;
	[tilespmem:$0x2800] =	vst v63  }
0xa2: {  	s10 =	sor.u32 $0x1F00, s9;
	s12 =	sadd.s32 $0x70, s0  }
0xa3: {  	[hbm4b:s12+s7] =	stream.linear.scatter [tilespmem:s10], [sflag:$0x2], $0x80, $0x38;
	[tilespmem:$0x2800] =	vst v63  }
0xa4: {  	s13 =	sor.u32 $0x2000, s9;
	s14 =	sadd.s32 $0x80, s0  }
0xa5: {  	[hbm4b:s14+s7] =	stream.linear.scatter [tilespmem:s13], [sflag:$0x2], $0x80, $0x38;
	[tilespmem:$0x2800] =	vst v63  }
0xa6: {  	s15 =	sor.u32 $0x2100, s9;
	s17 =	sadd.s32 $0x90, s0  }
0xa7: {  	[hbm4b:s17+s7] =	stream.linear.scatter [tilespmem:s15], [sflag:$0x2], $0x80, $0x38;
	[tilespmem:$0x2800] =	vst v63  }
0xa8: {  	s18 =	sor.u32 $0x2200, s9;
	s19 =	sadd.s32 $0xA0, s0  }
0xa9: {  	[hbm4b:s19+s7] =	stream.linear.scatter [tilespmem:s18], [sflag:$0x2], $0x80, $0x38;
	[tilespmem:$0x2800] =	vst v63  }
0xaa: {  	s20 =	sor.u32 $0x2300, s9;
	s21 =	sadd.s32 $0xB0, s0  }
0xab: {  	[hbm4b:s21+s7] =	stream.linear.scatter [tilespmem:s20], [sflag:$0x2], $0x80, $0x38;
	[tilespmem:$0x2800] =	vst v63  }
0xac: {  	s22 =	sor.u32 $0x2400, s9;
	s23 =	sadd.s32 $0xC0, s0  }
0xad: {  	[hbm4b:s23+s7] =	stream.linear.scatter [tilespmem:s22], [sflag:$0x2], $0x80, $0x38;
	[tilespmem:$0x2800] =	vst v63  }
0xae: {  	s24 =	sor.u32 $0x2500, s9;
	s25 =	sadd.s32 $0xD0, s0  }
0xaf: {  	[hbm4b:s25+s7] =	stream.linear.scatter [tilespmem:s24], [sflag:$0x2], $0x80, $0x38;
	[tilespmem:$0x2800] =	vst v63  }
.Ltmp7:
0xb0: {  	_ = 	snop;
	(pc) =	sbr.rel .LBB2_6-.Ltmp7, $4  }
0xb1: {  	s26 =	sor.u32 $0x2600, s9;
	s28 =	sadd.s32 $0xE0, s0  }
0xb2: {  	[hbm4b:s28+s7] =	stream.linear.scatter [tilespmem:s26], [sflag:$0x2], $0x80, $0x38;
	[tilespmem:$0x2800] =	vst v63  }
0xb3: {  	s31 =	sor.u32 $0x2700, s9;
	s0 =	sadd.s32 $0xF0, s0  }
0xb4: {  	[hbm4b:s0+s7] =	stream.linear.scatter [tilespmem:s31], [sflag:$0x2], $0x80, $0x38;
	[tilespmem:$0x2800] =	vst v63  }
.LBB2_7:
0xb5: {  	s0 =	simm.s32 @!p0 $0x2  }
0xb6: {  	_ =	swait.ge @!p0 [sflag:s0], $0x800  }
.Ltmp8:
0xb7: {  	[sflag:s0] =	ssyncset.done @!p0 $0x0;
	(pc) =	sbr.rel @p1 .LBB2_11-.Ltmp8, $4  }
0xb8: {  	[sflag:s0] =	ssyncadd.s32 @!p0 $0xFFFFF800;
	s0 =	simm.s32 @!p2 $0x2  }
0xb9: {  	_ =	swait.ge @!p2 [sflag:s0], $0x800  }
0xba: {  	[sflag:s0] =	ssyncset.done @!p2 $0x0  }
0xbb: {  	[sflag:s0] =	ssyncadd.s32 @!p2 $0xFFFFF800  }
0xbc: {  	s0 =	simm.s32 $0x0;
	s1 =	simm.s32 $0x1;
	s2 =	simm.s32 $0x2  }
0xbd: {  	s15 =	simm.s32 $0x4;
	s17 =	simm.s32 $0x5;
	s18 =	simm.s32 $0x7;
	v1 =	vmov s0;
	v2 =	vmov s1;
	v3 =	vmov s2  }
0xbe: {  	s3 =	simm.s32 $0x9;
	s19 =	simm.s32 $0x8;
	s4 =	simm.s32 $0xE;
	v4 =	vmov s15;
	v5 =	vmov s17;
	v6 =	vmov s18  }
0xbf: {  	s20 =	simm.s32 $0xF;
	s21 =	simm.s32 $0xA;
	s23 =	simm.s32 $0xD;
	v7 =	vmov s19;
	v8 =	vmov s3;
	v9 =	vmov s4  }
0xc0: {  	s24 =	simm.s32 $0xB;
	s26 =	simm.s32 $0x3;
	v10 =	vmov s21;
	v11 =	vmov s20;
	v12 =	vmov s23  }
0xc1: {  	v13 =	vmov s24;
	v14 =	vmov s26;
	v3 =	vand.u32 $0x72, v3  }
0xc2: {  	s22 =	simm.s32 $0xC;
	v4 =	vand.u32 $0x74, v4;
	v7 =	vand.u32 $0x78, v7;
	v15 =	vand.u32 $0x71, v2  }
0xc3: {  	v2 =	vmov s22;
	v11 =	vand.u32 $0x7F, v11;
	v12 =	vand.u32 $0x7D, v12  }
0xc4: {  	v9 =	vand.u32 $0x7E, v9;
	v13 =	vand.u32 $0x7B, v13;
	v6 =	vand.u32 $0x77, v6  }
0xc5: {  	v10 =	vand.u32 $0x7A, v10;
	v1 =	vand.u32 $0x70, v1;
	v7 =	vbroadcast v7, $0x0  }
0xc6: {  	v2 =	vand.u32 $0x7C, v2;
	v16 =	vbroadcast v11, $0x0;
	v3 =	vbroadcast v3, $0x0  }
0xc7: {  	s25 =	simm.s32 $0x6;
	s28 =	rddreg [dreg:$0x4];
	s31 =	simm.s32 $0x3;
	v6 =	vbroadcast v6, $0x0;
	v2 =	vbroadcast v2, $0x0;
	v7 =	vor.u32 v0, v7  }
0xc8: {  	[tilespmem:s30], [sflag:$0x3] =	stream.linear.gather [hbm4b:s28+s0], $0x800, $0x38;
	v11 =	vmov s25;
	v9 =	vbroadcast v9, $0x0;
	v15 =	vbroadcast v15, $0x0;
	[tilespmem:$0x2800] =	vst v63  }
0xc9: {  	_ =	swait.ge [sflag:s31], $0x800;
	v18 =	vor.u32 v0, v3;
	v3 =	vbroadcast v4, $0x0;
	v17 =	vor.u32 v0, v2  }
0xca: {  	[sflag:s31] =	ssyncset.done $0x0;
	v19 =	vor.u32 v0, v6;
	v2 =	vand.u32 $0x75, v5;
	v5 =	vand.u32 $0x79, v8  }
0xcb: {  	[sflag:s31] =	ssyncadd.s32 $0xFFFFF800;
	v8 =	vbroadcast v1, $0x0;
	v1 =	vand.u32 $0x76, v11;
	v11 =	vbroadcast v12, $0x0  }
0xcc: {  	v12 =	vand.u32 $0x73, v14;
	v1 =	vbroadcast v1, $0x0;
	v20 =	vbroadcast v2, $0x0;
	v4 =	vld.idx.msk [tilespmem:v7+s30+$0x0], $0xffff  }
0xcd: {  	v14 =	vor.u32 v0, v11;
	v11 =	vor.u32 v0, v3;
	v7 =	vbroadcast v10, $0x0  }
0xce: {  	v6 =	vor.u32 v0, v1;
	v10 =	vbroadcast v13, $0x0;
	v13 =	vbroadcast v12, $0x0;
	v12 =	vld.idx.msk [tilespmem:v17+s30+$0x0], $0xffff  }
0xcf: {  	v17 =	vbroadcast v5, $0x0;
	v5 =	vor.u32 v0, v8;
	v8 =	vor.u32 v0, v9;
	v9 =	vld.idx.msk [tilespmem:v19+s30+$0x0], $0xffff  }
0xd0: {  	s0 =	simm.s32 $0x1900;
	v3 =	vor.u32 v0, v20;
	v2 =	vor.u32 v0, v7;
	v1 =	vor.u32 v0, v13;
	v7 =	vld.idx.msk [tilespmem:v18+s30+$0x0], $0xffff  }
0xd1: {  	s6 =	simm.s32 $0x1B00;
	s2 =	simm.s32 $0x10;
	v13 =	vor.u32 v0, v16;
	v10 =	vor.u32 v0, v10;
	[tilespmem:s0+$0x0] =	vst v4;
	v4 =	vor.u32 v0, v17  }
.LBB2_9:
0xd2: {  	s1 =	sadd.s32 $0x1, s2  }
0xd3: {  	v16 =	vmov s2;
	s3 =	sadd.s32 $0x2, s2;
	s4 =	sadd.s32 $0xE, s2;
	[tilespmem:s0+$0x40] =	vst v12;
	v12 =	vld.idx.msk [tilespmem:v14+s30+$0x0], $0xffff;
	s5 =	smov.u32 s2  }
0xd4: {  	s8 =	sadd.s32 $0x5, s2;
	s9 =	sadd.s32 $0x9, s2;
	v14 =	vmov s1;
	v17 =	vmov s3;
	s3 =	sadd.s32 $0x4, s2;
	v15 =	vor.u32 v0, v15;
	v11 =	vld.idx.msk [tilespmem:v11+s30+$0x0], $0xffff  }
0xd5: {  	s1 =	sadd.s32 $0x3, s2;
	v19 =	vmov s8;
	s8 =	sadd.s32 $0x8, s2;
	v17 =	vand.u32 $0x72, v17;
	v18 =	vmov s3;
	s3 =	sadd.s32 $0x7, s2;
	v6 =	vld.idx.msk [tilespmem:v6+s30+$0x0], $0xffff  }
0xd6: {  	s10 =	sadd.s32 $0x6, s5;
	v22 =	vmov s9;
	v21 =	vmov s8;
	s8 =	sadd.s32 $0x10, s2;
	v20 =	vmov s3;
	s3 =	sadd.s32 $0xF, s5;
	v13 =	vld.idx.msk [tilespmem:v13+s30+$0x0], $0xffff  }
0xd7: {  	p4 =	slt.u32 s2, $0x30;
	s9 =	sadd.s32 $0xA, s5;
	v23 =	vmov s4;
	v18 =	vand.u32 $0x74, v18;
	v21 =	vand.u32 $0x78, v21;
	[tilespmem:s0+$0xFFFFFF20] =	vst v7;
	v7 =	vld.idx.msk [tilespmem:v8+s30+$0x0], $0xffff  }
0xd8: {  	s4 =	sadd.s32 $0xD, s5;
	s2 =	sadd.s32 $0xC, s5;
	v8 =	vbroadcast v21, $0x0;
	v21 =	vmov s9;
	v24 =	vmov s3;
	[tilespmem:s0+$0xFFFFFF70] =	vst v9;
	v9 =	vld.idx.msk [tilespmem:v10+s30+$0x0], $0xffff  }
0xd9: {  	v25 =	vmov s4;
	s3 =	sadd.s32 $0xB, s5;
	v10 =	vand.u32 $0x71, v14;
	v14 =	vmov s2;
	v15 =	vld.idx.msk [tilespmem:v15+s30+$0x0], $0xffff;
	[tilespmem:s0+$0x50] =	vst v12  }
0xda: {  	v24 =	vand.u32 $0x7F, v24;
	v8 =	vor.u32 v0, v8;
	v12 =	vmov s3;
	v5 =	vld.idx.msk [tilespmem:v5+s30+$0x0], $0xffff;
	[tilespmem:s0+$0xFFFFFF40] =	vst v11  }
0xdb: {  	v23 =	vand.u32 $0x7E, v23;
	v11 =	vand.u32 $0x7C, v14;
	v14 =	vand.u32 $0x7D, v25;
	v3 =	vld.idx.msk [tilespmem:v3+s30+$0x0], $0xffff;
	[tilespmem:s0+$0xFFFFFF60] =	vst v6  }
0xdc: {  	v24 =	vbroadcast v24, $0x0;
	v6 =	vand.u32 $0x7B, v12;
	v11 =	vbroadcast v11, $0x0;
	v2 =	vld.idx.msk [tilespmem:v2+s30+$0x0], $0xffff;
	[tilespmem:s0+$0x70] =	vst v13  }
0xdd: {  	v12 =	vmov s10;
	v13 =	vand.u32 $0x77, v20;
	v20 =	vand.u32 $0x7A, v21;
	v4 =	vld.idx.msk [tilespmem:v4+s30+$0x0], $0xffff;
	[tilespmem:s0+$0x60] =	vst v7  }
0xde: {  	v7 =	vbroadcast v17, $0x0;
	v17 =	vmov s1;
	v11 =	vor.u32 v0, v11;
	v1 =	vld.idx.msk [tilespmem:v1+s30+$0x0], $0xffff;
	[tilespmem:s0+$0x30] =	vst v9  }
0xdf: {  	v9 =	vand.u32 $0x70, v16;
	v16 =	vand.u32 $0x75, v19;
	v19 =	vand.u32 $0x79, v22;
	v8 =	vld.idx.msk [tilespmem:v8+s30+$0x0], $0xffff;
	[tilespmem:s0+$0xFFFFFF10] =	vst v15  }
0xe0: {  	v14 =	vbroadcast v14, $0x0;
	v12 =	vand.u32 $0x76, v12;
	v9 =	vbroadcast v9, $0x0;
	[tilespmem:s0+$0xFFFFFF00] =	vst v5  }
0xe1: {  	v13 =	vbroadcast v13, $0x0;
	v15 =	vbroadcast v23, $0x0;
	v5 =	vand.u32 $0x73, v17;
	[tilespmem:s0+$0xFFFFFF50] =	vst v3  }
0xe2: {  	v7 =	vor.u32 v0, v7;
	v17 =	vbroadcast v12, $0x0;
	v3 =	vbroadcast v18, $0x0;
	[tilespmem:s0+$0x20] =	vst v2  }
0xe3: {  	v18 =	vor.u32 v0, v13;
	v2 =	vbroadcast v20, $0x0;
	v20 =	vbroadcast v6, $0x0;
	v12 =	vld.idx.msk [tilespmem:v11+s30+$0x0], $0xffff;
	[tilespmem:s0+$0x10] =	vst v4  }
.Ltmp9:
0xe4: {  	v14 =	vor.u32 v0, v14;
	v4 =	vbroadcast v5, $0x0;
	v5 =	vbroadcast v16, $0x0;
	[tilespmem:s0+$0xFFFFFF30] =	vst v1;
	s0 =	smov.u32 s6;
	(pc) =	sbr.rel @p4 .LBB2_9-.Ltmp9, $4  }
0xe5: {  	v6 =	vor.u32 v0, v17;
	v11 =	vor.u32 v0, v3;
	v2 =	vor.u32 v0, v2;
	[tilespmem:s6+$0x0] =	vst v8  }
0xe6: {  	v1 =	vor.u32 v0, v4;
	v3 =	vor.u32 v0, v5;
	v4 =	vbroadcast v19, $0x0  }
0xe7: {  	v13 =	vor.u32 v0, v24;
	v5 =	vor.u32 v0, v9;
	v8 =	vor.u32 v0, v15;
	v7 =	vld.idx.msk [tilespmem:v7+s30+$0x0], $0xffff  }
0xe8: {  	s2 =	smov.u32 s8;
	v15 =	vbroadcast v10, $0x0;
	v10 =	vor.u32 v0, v20;
	s6 =	sadd.s32 $0x200, s6;
	v4 =	vor.u32 v0, v4;
	v9 =	vld.idx.msk [tilespmem:v18+s30+$0x0], $0xffff  }
0xe9: {  	_ =	sdelay $0x3  }
0xea: {  	v14 =	vld.idx.msk [tilespmem:v14+s30+$0x0], $0xffff  }
0xeb: {  	v11 =	vld.idx.msk [tilespmem:v11+s30+$0x0], $0xffff  }
0xec: {  	[tilespmem:s0+$0x40] =	vst v12;
	v6 =	vld.idx.msk [tilespmem:v6+s30+$0x0], $0xffff  }
0xed: {  	v60 =	vld.idx.msk [tilespmem:v13+s30+$0x0], $0xffff;
	[tilespmem:s0+$0xFFFFFF20] =	vst v7  }
0xee: {  	v61 =	vld.idx.msk [tilespmem:v8+s30+$0x0], $0xffff;
	[tilespmem:s0+$0xFFFFFF70] =	vst v9  }
0xef: {  	v62 =	vld.idx.msk [tilespmem:v10+s30+$0x0], $0xffff;
	[tilespmem:s0+$0x50] =	vst v14  }
0xf0: {  	v5 =	vld.idx.msk [tilespmem:v5+s30+$0x0], $0xffff;
	v15 =	vor.u32 v0, v15;
	[tilespmem:s0+$0xFFFFFF40] =	vst v11  }
0xf1: {  	v3 =	vld.idx.msk [tilespmem:v3+s30+$0x0], $0xffff;
	[tilespmem:s0+$0xFFFFFF60] =	vst v6  }
0xf2: {  	v2 =	vld.idx.msk [tilespmem:v2+s30+$0x0], $0xffff;
	[tilespmem:s0+$0x70] =	vst v60  }
0xf3: {  	v4 =	vld.idx.msk [tilespmem:v4+s30+$0x0], $0xffff;
	[tilespmem:s0+$0x60] =	vst v61  }
0xf4: {  	v1 =	vld.idx.msk [tilespmem:v1+s30+$0x0], $0xffff;
	[tilespmem:s0+$0x30] =	vst v62  }
0xf5: {  	[tilespmem:s0+$0xFFFFFF00] =	vst v5;
	v63 =	vld.idx.msk [tilespmem:v15+s30+$0x0], $0xffff  }
0xf6: {  	[tilespmem:s0+$0xFFFFFF50] =	vst v3  }
0xf7: {  	[tilespmem:s0+$0x20] =	vst v2  }
0xf8: {  	[tilespmem:s0+$0x10] =	vst v4  }
0xf9: {  	[tilespmem:s0+$0xFFFFFF30] =	vst v1  }
0xfa: {  	[tilespmem:s0+$0xFFFFFF10] =	vst v63  }
0xfb: {  	s13 =	simm.s32 $0x1800;
	s1 =	rddreg [dreg:$0xf]  }
0xfc: {  	[hbm4b:s1+s7] =	stream.linear.scatter [tilespmem:s13], [sflag:$0x3], $0x80, $0x38;
	[tilespmem:$0x2800] =	vst v63  }
0xfd: {  	s2 =	simm.s32 $0x1900;
	s14 =	sadd.s32 $0x10, s1  }
0xfe: {  	[hbm4b:s14+s7] =	stream.linear.scatter [tilespmem:s2], [sflag:$0x3], $0x80, $0x38;
	[tilespmem:$0x2800] =	vst v63  }
0xff: {  	s17 =	simm.s32 $0x1A00;
	s15 =	sadd.s32 $0x20, s1  }
0x100: {  	[hbm4b:s15+s7] =	stream.linear.scatter [tilespmem:s17], [sflag:$0x3], $0x80, $0x38;
	[tilespmem:$0x2800] =	vst v63  }
0x101: {  	s19 =	simm.s32 $0x1B00;
	s18 =	sadd.s32 $0x30, s1  }
0x102: {  	[hbm4b:s18+s7] =	stream.linear.scatter [tilespmem:s19], [sflag:$0x3], $0x80, $0x38;
	[tilespmem:$0x2800] =	vst v63  }
0x103: {  	s21 =	simm.s32 $0x1C00;
	s20 =	sadd.s32 $0x40, s1  }
0x104: {  	[hbm4b:s20+s7] =	stream.linear.scatter [tilespmem:s21], [sflag:$0x3], $0x80, $0x38;
	[tilespmem:$0x2800] =	vst v63  }
0x105: {  	s23 =	simm.s32 $0x1D00;
	s22 =	sadd.s32 $0x50, s1  }
0x106: {  	[hbm4b:s22+s7] =	stream.linear.scatter [tilespmem:s23], [sflag:$0x3], $0x80, $0x38;
	[tilespmem:$0x2800] =	vst v63  }
0x107: {  	s25 =	simm.s32 $0x1E00;
	s24 =	sadd.s32 $0x60, s1  }
0x108: {  	[hbm4b:s24+s7] =	stream.linear.scatter [tilespmem:s25], [sflag:$0x3], $0x80, $0x38;
	[tilespmem:$0x2800] =	vst v63  }
0x109: {  	s28 =	simm.s32 $0x1F00;
	s31 =	simm.s32 $0x3;
	s26 =	sadd.s32 $0x70, s1  }
0x10a: {  	[hbm4b:s26+s7] =	stream.linear.scatter [tilespmem:s28], [sflag:$0x3], $0x80, $0x38;
	[tilespmem:$0x2800] =	vst v63  }
0x10b: {  	_ =	swait.ge [sflag:s31], $0x400  }
0x10c: {  	[sflag:s31] =	ssyncset.done $0x0  }
0x10d: {  	[sflag:s31] =	ssyncadd.s32 $0xFFFFFC00  }
.LBB2_11:
0x10e: {  	p4 =	por @!p0 $0x0, $0x0  }
.Ltmp10:
0x10f: {  	p5 =	por @!p2 $0x1, $0x1;
	s8 =	simm.s32 $0x0;
	(pc) =	sbr.rel .LBB2_12-.Ltmp10, $4  }
0x110: {  	s0 =	rddreg [dreg:$0x10];
	s1 =	simm.s32 $0x400;
	s2 =	simm.s32 $0x7A1400  }
0x111: {  	[tilespmem:s8], [sflag:$0x1] =	stream.strided.gather [hbm4b:s0+s1], $0x800, s2, s1, $0x38;
	[tilespmem:$0x2800] =	vst v63  }
0x112: {  	p5 =	por @!p3 p4, p4;
	p4 =	por $0x0, $0x0  }
0x113: {  	p4 =	por @!p0 p5, p5  }
.LBB2_16:
0x114: {  	s8 =	sadd.s32 $0x1, s8  }
0x115: {  	p5 =	sne.s32 s8, $0xF5  }
.Ltmp11:
0x116: {  	_ = 	snop;
	(pc) =	sbr.rel @!p5 .LBB2_17-.Ltmp11, $1  }
0x117: {  	_ =	sdelay $0x3  }
.LBB2_12:
0x118: {  	s10 =	sadd.s32 s11, s8  }
0x119: {  	p5 =	sge.u32 s10, s16  }
.Ltmp12:
0x11a: {  	_ = 	snop;
	(pc) =	sbr.rel @p5 .LBB2_16-.Ltmp12, $1  }
0x11b: {  	_ =	sdelay $0x3  }
0x11c: {  	s0 =	sadd.s32 $0x1, s10  }
0x11d: {  	s2 =	rddreg [dreg:$0x1];
	s18 =	simm.s32 $0x3;
	s19 =	simm.s32 $0x1  }
0x11e: {  	s20 =	simm.s32 $0x2;
	s21 =	sshll.u32 s8, $0xB;
	s22 =	sshll.u32 s8, $0x7  }
0x11f: {  	s17 =	simm.s32 $0x0;
	s6 =	simm.s32 $0x4;
	s23 =	simm.s32 $0x23  }
0x120: {  	s24 =	simm.s32 $0x21;
	s25 =	simm.s32 $0x22;
	p5 =	sge.u32 s0, s16  }
0x121: {  	s1 =	sxor.u32 @!p5 $0xFFFFFFFF, s8;
	s0 =	sshll.u32 @!p5 s0, $0x7;
	s3 =	simm.s32 @!p5 $0x7A1400  }
0x122: {  	s4 =	simm.s32 $0x20;
	v1 =	vmov s18;
	s1 =	sshll.u32 @!p5 s1, $0xB;
	s0 =	sand.u32 @!p5 $0x1FFFFF80, s0  }
0x123: {  	v2 =	vmov s19;
	v1 =	vand.u32 $0x7F, v1;
	s1 =	sand.u32 @!p5 $0x800, s1;
	s0 =	sadd.s32 @!p5 s2, s0;
	s2 =	simm.s32 @!p5 $0x400  }
0x124: {  	v3 =	vmov s20;
	v2 =	vand.u32 $0x7D, v2;
	v1 =	vbroadcast v1, $0x0;
	[tilespmem:s1], [sflag:$0x1] =	stream.strided.gather @!p5 [hbm4b:s0+s2], $0x800, s3, s2, $0x38;
	[tilespmem:$0x2800] =	vst v63  }
0x125: {  	s26 =	simm.s32 $0x40;
	s31 =	simm.s32 $0x41;
	v4 =	vmov s17;
	v3 =	vand.u32 $0x7E, v3;
	v2 =	vbroadcast v2, $0x0;
	_ =	swait.ge [sflag:s29], $0x800  }
0x126: {  	s5 =	simm.s32 $0x42;
	v4 =	vand.u32 $0x7C, v4;
	v3 =	vbroadcast v3, $0x0;
	p5 =	slt.u32 s8, $0x2;
	v5 =	vor.u32 v0, v1;
	[sflag:s29] =	ssyncset.done $0x0  }
0x127: {  	s12 =	simm.s32 $0x10;
	v4 =	vbroadcast v4, $0x0;
	v2 =	vor.u32 v0, v2;
	s0 =	simm.s32 @!p5 $0x2;
	[sflag:s29] =	ssyncadd.s32 $0xFFFFF800  }
0x128: {  	s13 =	simm.s32 $0x30;
	s9 =	sand.u32 $0x80, s22;
	v6 =	vmov s23;
	v3 =	vor.u32 v0, v3;
	_ =	swait.ge @!p5 [sflag:s0], $0x800  }
0x129: {  	s18 =	simm.s32 $0x60;
	s20 =	simm.s32 $0x61;
	v7 =	vmov s24;
	v8 =	vmov s25;
	v4 =	vor.u32 v0, v4;
	[sflag:s0] =	ssyncset.done @!p5 $0x0  }
0x12a: {  	s19 =	simm.s32 $0x62;
	v9 =	vmov s4;
	v11 =	vmov s31;
	v6 =	vand.u32 $0x7F, v6;
	[sflag:s0] =	ssyncadd.s32 @!p5 $0xFFFFF800;
	s0 =	sand.u32 $0x800, s21  }
0x12b: {  	s23 =	simm.s32 $0x6;
	s14 =	sand.u32 $0x300, s17;
	s15 =	sand.u32 $0x70, s13;
	v7 =	vand.u32 $0x7D, v7;
	v6 =	vbroadcast v6, $0x0;
	v1 =	vmov s9;
	v5 =	vld.idx.msk [tilespmem:v5+s0+$0x0], $0xffff  }
0x12c: {  	s22 =	simm.s32 $0x43;
	s12 =	sand.u32 $0x50, s12;
	s25 =	sand.u32 $0x40, s17;
	v8 =	vand.u32 $0x7E, v8;
	v9 =	vand.u32 $0x7C, v9;
	v7 =	vbroadcast v7, $0x0;
	v2 =	vld.idx.msk [tilespmem:v2+s0+$0x0], $0xffff  }
0x12d: {  	s24 =	simm.s32 $0x210;
	s31 =	simm.s32 $0x460;
	v10 =	vmov s22;
	s22 =	simm.s32 $0x220;
	v8 =	vbroadcast v8, $0x0;
	v6 =	vor.u32 v0, v6;
	v3 =	vld.idx.msk [tilespmem:v3+s0+$0x0], $0xffff  }
0x12e: {  	v9 =	vbroadcast v9, $0x0;
	s3 =	sor.u32 $0x1800, s14;
	s14 =	simm.s32 $0x20;
	v7 =	vor.u32 v0, v7;
	s2 =	sand.u32 $0x50, s24;
	v4 =	vld.idx.msk [tilespmem:v4+s0+$0x0], $0xffff  }
0x12f: {  	v8 =	vor.u32 v0, v8;
	s4 =	sor.u32 s15, s3;
	s12 =	sor.u32 s12, s3;
	s14 =	sand.u32 $0x60, s14  }
0x130: {  	v10 =	vand.u32 $0x7F, v10;
	v9 =	vor.u32 v0, v9;
	s13 =	sor.u32 s25, s3;
	s3 =	sor.u32 s14, s3;
	s14 =	simm.s32 $0x420;
	[tilespmem:v1+s4+$0x0 ss:$0x1] =	vst.idx.msk $0xffff, v5  }
0x131: {  	v10 =	vbroadcast v10, $0x0;
	s24 =	simm.s32 $0x63;
	s15 =	simm.s32 $0x400;
	s1 =	sand.u32 $0x700, s14;
	v5 =	vand.u32 $0x7D, v11;
	v11 =	vmov s5;
	[tilespmem:v1+s12+$0x0 ss:$0x1] =	vst.idx.msk $0xffff, v2  }
0x132: {  	s1 =	sor.u32 s2, s1;
	s21 =	simm.s32 $0x5;
	s4 =	sand.u32 $0x700, s15;
	[tilespmem:v1+s3+$0x0 ss:$0x1] =	vst.idx.msk $0xffff, v3;
	v2 =	vld.idx.msk [tilespmem:v6+s0+$0x0], $0xffff;
	v6 =	vmov s26;
	v5 =	vbroadcast v5, $0x0;
	v11 =	vand.u32 $0x7E, v11  }
0x133: {  	v10 =	vor.u32 v0, v10;
	s5 =	simm.s32 $0x440;
	s15 =	sand.u32 $0x700, s31;
	[tilespmem:v1+s13+$0x0 ss:$0x1] =	vst.idx.msk $0xffff, v4;
	s13 =	simm.s32 $0x410;
	v7 =	vld.idx.msk [tilespmem:v7+s0+$0x0], $0xffff;
	v3 =	vand.u32 $0x7C, v6;
	v6 =	vbroadcast v11, $0x0  }
0x134: {  	s26 =	simm.s32 $0x230;
	v4 =	vld.idx.msk [tilespmem:v8+s0+$0x0], $0xffff;
	s5 =	sand.u32 $0x700, s5;
	s4 =	sor.u32 s25, s4;
	v3 =	vbroadcast v3, $0x0;
	v5 =	vor.u32 v0, v5  }
0x135: {  	v8 =	vmov s24;
	s2 =	sand.u32 $0x50, s13;
	s24 =	simm.s32 $0x430;
	s12 =	sand.u32 $0x70, s26;
	v11 =	vld.idx.msk [tilespmem:v9+s0+$0x0], $0xffff;
	v9 =	vmov s20;
	v6 =	vor.u32 v0, v6  }
0x136: {  	s26 =	sand.u32 $0x60, s22;
	v8 =	vand.u32 $0x7F, v8;
	s22 =	simm.s32 $0x840;
	s3 =	sor.u32 s12, s15;
	v12 =	vand.u32 $0x7D, v9;
	v3 =	vor.u32 v0, v3  }
0x137: {  	s31 =	sor.u32 s26, s5;
	s5 =	simm.s32 $0x800;
	s15 =	simm.s32 $0x820;
	v13 =	vbroadcast v8, $0x0;
	v8 =	vmov s18;
	[tilespmem:v1+s3+$0x1800 ss:$0x1] =	vst.idx.msk $0xffff, v2;
	v2 =	vmov s19  }
0x138: {  	s18 =	sand.u32 $0x60, s14;
	s20 =	sand.u32 $0xB00, s22;
	s26 =	simm.s32 $0x860;
	[tilespmem:v1+s1+$0x1800 ss:$0x1] =	vst.idx.msk $0xffff, v7;
	v7 =	vand.u32 $0x7C, v8;
	v9 =	vld.idx.msk [tilespmem:v10+s0+$0x0], $0xffff;
	v10 =	vbroadcast v12, $0x0;
	v2 =	vand.u32 $0x7E, v2  }
0x139: {  	s22 =	simm.s32 $0x7;
	s19 =	sand.u32 $0xB00, s5;
	s5 =	sand.u32 $0xB00, s15;
	[tilespmem:v1+s31+$0x1800 ss:$0x1] =	vst.idx.msk $0xffff, v4;
	v63 =	vbroadcast v7, $0x0;
	v7 =	vor.u32 v0, v13;
	v8 =	vld.idx.msk [tilespmem:v5+s0+$0x0], $0xffff;
	v2 =	vbroadcast v2, $0x0  }
0x13a: {  	s1 =	sand.u32 $0x70, s24;
	s31 =	sand.u32 $0xB00, s26;
	s26 =	simm.s32 $0x8;
	[tilespmem:v1+s4+$0x1800 ss:$0x1] =	vst.idx.msk $0xffff, v11;
	v6 =	vld.idx.msk [tilespmem:v6+s0+$0x0], $0xffff;
	v5 =	vor.u32 v0, v10  }
0x13b: {  	s28 =	sor.u32 s25, s19;
	s1 =	sor.u32 s1, s31;
	s19 =	simm.s32 $0x0;
	v4 =	vld.idx.msk [tilespmem:v3+s0+$0x0], $0xffff;
	v3 =	vor.u32 v0, v2;
	v2 =	vor.u32 v0, v63  }
.LBB2_14:
0x13c: {  	p5 =	slt.u32 s26, $0x1C;
	s2 =	sor.u32 s2, s5  }
0x13d: {  	v10 =	vmov s22;
	s3 =	sor.u32 s18, s20;
	[tilespmem:v1+s1+$0x1800 ss:$0x1] =	vst.idx.msk $0xffff, v9;
	s18 =	smov.u32 s6;
	s6 =	smov.u32 s26  }
0x13e: {  	v9 =	vmov s21;
	s1 =	sadd.s32 $0xC00, s17;
	s4 =	sadd.s32 $0xC20, s17;
	v10 =	vand.u32 $0x7F, v10;
	[tilespmem:v1+s2+$0x1800 ss:$0x1] =	vst.idx.msk $0xffff, v8;
	s2 =	sadd.s32 $0x610, s19;
	v7 =	vld.idx.msk [tilespmem:v7+s0+$0x0], $0xffff  }
0x13f: {  	s5 =	sadd.s32 $0xC40, s17;
	v8 =	vand.u32 $0x7D, v9;
	v9 =	vmov s23;
	s1 =	sand.u32 $0xF00, s1;
	v10 =	vbroadcast v10, $0x0;
	v5 =	vld.idx.msk [tilespmem:v5+s0+$0x0], $0xffff;
	[tilespmem:v1+s3+$0x1800 ss:$0x1] =	vst.idx.msk $0xffff, v6;
	s3 =	sadd.s32 $0x620, s19  }
0x140: {  	s4 =	sand.u32 $0xF00, s4;
	v6 =	vmov s18;
	v8 =	vbroadcast v8, $0x0;
	v9 =	vand.u32 $0x7E, v9;
	s2 =	sand.u32 $0x50, s2;
	[tilespmem:v1+s28+$0x1800 ss:$0x1] =	vst.idx.msk $0xffff, v4;
	v3 =	vld.idx.msk [tilespmem:v3+s0+$0x0], $0xffff;
	s3 =	sand.u32 $0x60, s3  }
0x141: {  	s12 =	sadd.s32 $0x630, s19;
	s13 =	sadd.s32 $0xC60, s17;
	s5 =	sand.u32 $0xF00, s5;
	v4 =	vand.u32 $0x7C, v6;
	v6 =	vbroadcast v9, $0x0;
	v9 =	vor.u32 v0, v10;
	v2 =	vld.idx.msk [tilespmem:v2+s0+$0x0], $0xffff  }
0x142: {  	s12 =	sand.u32 $0x70, s12;
	s13 =	sand.u32 $0xF00, s13;
	s1 =	sor.u32 s25, s1;
	v4 =	vbroadcast v4, $0x0;
	v8 =	vor.u32 v0, v8  }
0x143: {  	s14 =	sadd.s32 $0x23, s18;
	s2 =	sor.u32 s2, s4;
	s4 =	sor.u32 s12, s13;
	v6 =	vor.u32 v0, v6  }
0x144: {  	s21 =	sadd.s32 $0x1, s26;
	s12 =	sadd.s32 $0x21, s18;
	v10 =	vmov s14;
	s3 =	sor.u32 s3, s5;
	v4 =	vor.u32 v0, v4;
	[tilespmem:v1+s4+$0x1800 ss:$0x1] =	vst.idx.msk $0xffff, v7  }
0x145: {  	s20 =	sadd.s32 $0x60, s18;
	s28 =	sadd.s32 $0x61, s18;
	v10 =	vand.u32 $0x7F, v10;
	v7 =	vmov s12;
	s4 =	sadd.s32 $0x22, s18;
	[tilespmem:v1+s2+$0x1800 ss:$0x1] =	vst.idx.msk $0xffff, v5  }
0x146: {  	s22 =	sadd.s32 $0x62, s18;
	s5 =	sadd.s32 $0x40, s18;
	v10 =	vbroadcast v10, $0x0;
	s2 =	sadd.s32 $0x20, s18;
	v5 =	vand.u32 $0x7D, v7;
	v7 =	vmov s4;
	v9 =	vld.idx.msk [tilespmem:v9+s0+$0x0], $0xffff;
	[tilespmem:v1+s3+$0x1800 ss:$0x1] =	vst.idx.msk $0xffff, v3  }
0x147: {  	s17 =	sadd.s32 $0x80, s17;
	v3 =	vmov s2;
	v5 =	vbroadcast v5, $0x0;
	s2 =	sadd.s32 $0x41, s18;
	v7 =	vand.u32 $0x7E, v7;
	s3 =	sadd.s32 $0x42, s18;
	v8 =	vld.idx.msk [tilespmem:v8+s0+$0x0], $0xffff;
	[tilespmem:v1+s1+$0x1800 ss:$0x1] =	vst.idx.msk $0xffff, v2  }
0x148: {  	s23 =	sadd.s32 $0x2, s26;
	s19 =	sadd.s32 $0x40, s19;
	s13 =	sadd.s32 $0x43, s18;
	v2 =	vand.u32 $0x7C, v3;
	v3 =	vld.idx.msk [tilespmem:v6+s0+$0x0], $0xffff;
	v6 =	vbroadcast v7, $0x0;
	v7 =	vor.u32 v0, v10  }
0x149: {  	s12 =	sadd.s32 $0x30, s19;
	s4 =	sadd.s32 $0x10, s19;
	s1 =	sand.u32 $0x300, s17;
	v2 =	vbroadcast v2, $0x0;
	v5 =	vor.u32 v0, v5;
	v4 =	vld.idx.msk [tilespmem:v4+s0+$0x0], $0xffff  }
0x14a: {  	s25 =	sand.u32 $0x40, s19;
	s12 =	sand.u32 $0x70, s12;
	s1 =	sor.u32 $0x1800, s1;
	v6 =	vor.u32 v0, v6  }
0x14b: {  	s14 =	sadd.s32 $0x20, s19;
	s4 =	sand.u32 $0x50, s4;
	v10 =	vmov s13;
	s12 =	sor.u32 s12, s1;
	v2 =	vor.u32 v0, v2  }
0x14c: {  	v11 =	vmov s2;
	s2 =	sand.u32 $0x60, s14;
	s14 =	sadd.s32 $0x63, s18;
	s4 =	sor.u32 s4, s1;
	[tilespmem:v1+s12+$0x0 ss:$0x1] =	vst.idx.msk $0xffff, v9;
	v9 =	vand.u32 $0x7F, v10  }
0x14d: {  	s13 =	sadd.s32 $0x400, s17;
	s12 =	sor.u32 s25, s1;
	s1 =	sor.u32 s2, s1;
	v10 =	vmov s3;
	[tilespmem:v1+s4+$0x0 ss:$0x1] =	vst.idx.msk $0xffff, v8;
	v8 =	vand.u32 $0x7D, v11;
	v7 =	vld.idx.msk [tilespmem:v7+s0+$0x0], $0xffff;
	v9 =	vbroadcast v9, $0x0  }
0x14e: {  	s2 =	sadd.s32 $0x210, s19;
	s3 =	sadd.s32 $0x420, s17;
	v11 =	vmov s5;
	v5 =	vld.idx.msk [tilespmem:v5+s0+$0x0], $0xffff;
	v8 =	vbroadcast v8, $0x0;
	[tilespmem:v1+s1+$0x0 ss:$0x1] =	vst.idx.msk $0xffff, v3;
	s1 =	sadd.s32 $0x220, s19;
	v3 =	vand.u32 $0x7E, v10  }
0x14f: {  	s4 =	sand.u32 $0x700, s13;
	s2 =	sand.u32 $0x50, s2;
	s5 =	sadd.s32 $0x440, s17;
	[tilespmem:v1+s12+$0x0 ss:$0x1] =	vst.idx.msk $0xffff, v4;
	v4 =	vand.u32 $0x7C, v11;
	v6 =	vld.idx.msk [tilespmem:v6+s0+$0x0], $0xffff;
	v3 =	vbroadcast v3, $0x0;
	v9 =	vor.u32 v0, v9  }
0x150: {  	s3 =	sand.u32 $0x700, s3;
	s13 =	sadd.s32 $0x460, s17;
	s12 =	sadd.s32 $0x230, s19;
	v2 =	vld.idx.msk [tilespmem:v2+s0+$0x0], $0xffff;
	v4 =	vbroadcast v4, $0x0;
	v8 =	vor.u32 v0, v8  }
0x151: {  	s13 =	sand.u32 $0x700, s13;
	s5 =	sand.u32 $0x700, s5;
	s12 =	sand.u32 $0x70, s12;
	v3 =	vor.u32 v0, v3  }
0x152: {  	v10 =	vmov s14;
	s4 =	sor.u32 s25, s4;
	s1 =	sand.u32 $0x60, s1;
	s12 =	sor.u32 s12, s13;
	v4 =	vor.u32 v0, v4  }
0x153: {  	s2 =	sor.u32 s2, s3;
	s3 =	sadd.s32 $0x800, s17;
	v11 =	vmov s28;
	s1 =	sor.u32 s1, s5;
	[tilespmem:v1+s12+$0x1800 ss:$0x1] =	vst.idx.msk $0xffff, v7;
	v7 =	vand.u32 $0x7F, v10  }
0x154: {  	s3 =	sand.u32 $0xB00, s3;
	s5 =	sadd.s32 $0x820, s17;
	v10 =	vmov s22;
	[tilespmem:v1+s2+$0x1800 ss:$0x1] =	vst.idx.msk $0xffff, v5;
	s2 =	sadd.s32 $0x410, s19;
	v5 =	vand.u32 $0x7D, v11;
	v9 =	vld.idx.msk [tilespmem:v9+s0+$0x0], $0xffff;
	v7 =	vbroadcast v7, $0x0  }
.Ltmp13:
0x155: {  	s12 =	sadd.s32 $0x840, s17;
	v11 =	vmov s20;
	v10 =	vand.u32 $0x7E, v10;
	v8 =	vld.idx.msk [tilespmem:v8+s0+$0x0], $0xffff;
	v5 =	vbroadcast v5, $0x0;
	[tilespmem:v1+s1+$0x1800 ss:$0x1] =	vst.idx.msk $0xffff, v6;
	s1 =	sadd.s32 $0x420, s19;
	(pc) =	sbr.rel @p5 .LBB2_14-.Ltmp13, $4  }
0x156: {  	s5 =	sand.u32 $0xB00, s5;
	s2 =	sand.u32 $0x50, s2;
	[tilespmem:v1+s4+$0x1800 ss:$0x1] =	vst.idx.msk $0xffff, v2;
	v2 =	vand.u32 $0x7C, v11;
	v6 =	vld.idx.msk [tilespmem:v3+s0+$0x0], $0xffff;
	s18 =	sand.u32 $0x60, s1;
	v3 =	vbroadcast v10, $0x0;
	v7 =	vor.u32 v0, v7  }
0x157: {  	s20 =	sand.u32 $0xB00, s12;
	s1 =	sadd.s32 $0x430, s19;
	s4 =	sadd.s32 $0x860, s17;
	v4 =	vld.idx.msk [tilespmem:v4+s0+$0x0], $0xffff;
	v2 =	vbroadcast v2, $0x0;
	v5 =	vor.u32 v0, v5  }
0x158: {  	s28 =	sor.u32 s25, s3;
	s1 =	sand.u32 $0x70, s1;
	s3 =	sand.u32 $0xB00, s4;
	v3 =	vor.u32 v0, v3  }
0x159: {  	s26 =	sadd.s32 $0x4, s26;
	s22 =	sadd.s32 $0x3, s6;
	s1 =	sor.u32 s1, s3;
	v2 =	vor.u32 v0, v2  }
0x15a: {  	v10 =	vmov s22;
	s2 =	sor.u32 s2, s5;
	s22 =	sor.u32 s18, s20  }
0x15b: {  	v11 =	vmov s21;
	s3 =	sadd.s32 $0xC00, s17;
	s4 =	sadd.s32 $0x610, s19;
	s18 =	sadd.s32 $0xC20, s17;
	v10 =	vand.u32 $0x7F, v10  }
0x15c: {  	v12 =	vmov s23;
	s12 =	sadd.s32 $0x620, s19;
	s13 =	sadd.s32 $0xC40, s17;
	s20 =	sadd.s32 $0x630, s19;
	v11 =	vand.u32 $0x7D, v11;
	v10 =	vbroadcast v10, $0x0  }
0x15d: {  	v13 =	vmov s6;
	s24 =	sadd.s32 $0xC60, s17;
	s31 =	sadd.s32 $0x23, s6;
	s14 =	sadd.s32 $0x22, s6;
	v12 =	vand.u32 $0x7E, v12;
	v11 =	vbroadcast v11, $0x0  }
0x15e: {  	s15 =	sadd.s32 $0x20, s6;
	s17 =	sadd.s32 $0x80, s17;
	s19 =	sadd.s32 $0x40, s19;
	v13 =	vand.u32 $0x7C, v13;
	v12 =	vbroadcast v12, $0x0;
	v10 =	vor.u32 v0, v10  }
0x15f: {  	s3 =	sand.u32 $0xF00, s3;
	s4 =	sand.u32 $0x50, s4;
	s5 =	sand.u32 $0xF00, s18;
	v13 =	vbroadcast v13, $0x0;
	v11 =	vor.u32 v0, v11  }
0x160: {  	s23 =	sand.u32 $0x60, s12;
	v14 =	vmov s31;
	s18 =	sor.u32 s4, s5;
	s5 =	sadd.s32 $0x21, s6;
	v12 =	vor.u32 v0, v12  }
0x161: {  	s26 =	sand.u32 $0xF00, s13;
	s13 =	sand.u32 $0xF00, s24;
	s24 =	sadd.s32 $0x60, s6;
	v14 =	vand.u32 $0x7F, v14;
	v15 =	vmov s5;
	v13 =	vor.u32 v0, v13  }
0x162: {  	s12 =	sadd.s32 $0x40, s6;
	v16 =	vmov s14;
	s31 =	sadd.s32 $0x62, s6;
	s14 =	sadd.s32 $0x10, s19;
	v14 =	vbroadcast v14, $0x0;
	v15 =	vand.u32 $0x7D, v15  }
0x163: {  	v17 =	vmov s15;
	s15 =	sadd.s32 $0x30, s19;
	[tilespmem:v1+s22+$0x1800 ss:$0x1] =	vst.idx.msk $0xffff, v6;
	s22 =	sadd.s32 $0x800, s17;
	s21 =	sor.u32 s25, s3;
	v16 =	vand.u32 $0x7E, v16;
	v15 =	vbroadcast v15, $0x0;
	v10 =	vld.idx.msk [tilespmem:v10+s0+$0x0], $0xffff  }
0x164: {  	s25 =	sand.u32 $0x70, s20;
	s3 =	sadd.s32 $0x41, s6;
	s4 =	sadd.s32 $0x42, s6;
	v17 =	vand.u32 $0x7C, v17;
	v16 =	vbroadcast v16, $0x0;
	v14 =	vor.u32 v0, v14;
	v11 =	vld.idx.msk [tilespmem:v11+s0+$0x0], $0xffff  }
0x165: {  	s20 =	sor.u32 s25, s13;
	s13 =	sand.u32 $0x300, s17;
	v17 =	vbroadcast v17, $0x0;
	s25 =	sadd.s32 $0x43, s6;
	v15 =	vor.u32 v0, v15;
	v12 =	vld.idx.msk [tilespmem:v12+s0+$0x0], $0xffff  }
0x166: {  	[tilespmem:v1+s1+$0x1800 ss:$0x1] =	vst.idx.msk $0xffff, v9;
	s14 =	sand.u32 $0x50, s14;
	v49 =	vmov s12;
	v44 =	vmov s25;
	s1 =	sor.u32 $0x1800, s13;
	s25 =	sand.u32 $0x70, s15;
	v16 =	vor.u32 v0, v16;
	v13 =	vld.idx.msk [tilespmem:v13+s0+$0x0], $0xffff  }
0x167: {  	[tilespmem:v1+s2+$0x1800 ss:$0x1] =	vst.idx.msk $0xffff, v8;
	s12 =	sadd.s32 $0x460, s17;
	v46 =	vmov s3;
	s15 =	sadd.s32 $0x20, s19;
	v45 =	vor.u32 v0, v17;
	s13 =	sor.u32 s25, s1;
	v9 =	vand.u32 $0x7F, v44  }
0x168: {  	v47 =	vmov s4;
	s25 =	sand.u32 $0x40, s19;
	s14 =	sor.u32 s14, s1;
	s2 =	sand.u32 $0x60, s15;
	v17 =	vand.u32 $0x7D, v46;
	v9 =	vbroadcast v9, $0x0;
	[tilespmem:v1+s13+$0x0 ss:$0x1] =	vst.idx.msk $0xffff, v10  }
0x169: {  	s3 =	sadd.s32 $0x230, s19;
	s15 =	sor.u32 s25, s1;
	s1 =	sor.u32 s2, s1;
	v17 =	vbroadcast v17, $0x0;
	[tilespmem:v1+s14+$0x0 ss:$0x1] =	vst.idx.msk $0xffff, v11;
	v10 =	vand.u32 $0x7E, v47;
	v48 =	vld.idx.msk [tilespmem:v14+s0+$0x0], $0xffff  }
0x16a: {  	s5 =	sadd.s32 $0x61, s6;
	s2 =	sand.u32 $0x70, s3;
	s3 =	sand.u32 $0x700, s12;
	v9 =	vor.u32 v0, v9;
	[tilespmem:v1+s1+$0x0 ss:$0x1] =	vst.idx.msk $0xffff, v12;
	v50 =	vld.idx.msk [tilespmem:v15+s0+$0x0], $0xffff;
	v14 =	vand.u32 $0x7C, v49;
	v10 =	vbroadcast v10, $0x0  }
0x16b: {  	s12 =	sadd.s32 $0x220, s19;
	s2 =	sor.u32 s2, s3;
	v52 =	vor.u32 v0, v17;
	[tilespmem:v1+s15+$0x0 ss:$0x1] =	vst.idx.msk $0xffff, v13;
	s15 =	sadd.s32 $0x63, s6;
	v51 =	vld.idx.msk [tilespmem:v16+s0+$0x0], $0xffff;
	v14 =	vbroadcast v14, $0x0  }
0x16c: {  	s13 =	sadd.s32 $0x210, s19;
	s14 =	sadd.s32 $0x420, s17;
	s6 =	sadd.s32 $0x400, s17;
	v53 =	vmov s15;
	v8 =	vld.idx.msk [tilespmem:v45+s0+$0x0], $0xffff;
	v10 =	vor.u32 v0, v10  }
0x16d: {  	v54 =	vld.idx.msk [tilespmem:v7+s0+$0x0], $0xffff;
	[tilespmem:v1+s28+$0x1800 ss:$0x1] =	vst.idx.msk $0xffff, v4;
	v55 =	vmov s5;
	s1 =	sand.u32 $0x50, s13;
	s3 =	sand.u32 $0x700, s14;
	s13 =	sadd.s32 $0x440, s17;
	v6 =	vand.u32 $0x7F, v53;
	v14 =	vor.u32 v0, v14  }
0x16e: {  	v5 =	vld.idx.msk [tilespmem:v5+s0+$0x0], $0xffff;
	v56 =	vmov s31;
	v7 =	vand.u32 $0x7D, v55;
	s1 =	sor.u32 s1, s3;
	s3 =	sand.u32 $0x60, s12;
	s15 =	sand.u32 $0x700, s13;
	v6 =	vbroadcast v6, $0x0;
	[tilespmem:v1+s2+$0x1800 ss:$0x1] =	vst.idx.msk $0xffff, v48  }
0x16f: {  	v57 =	vmov s24;
	s24 =	sadd.s32 $0x410, s19;
	v7 =	vbroadcast v7, $0x0;
	v11 =	vand.u32 $0x7E, v56;
	s14 =	sand.u32 $0x700, s6;
	s3 =	sor.u32 s3, s15;
	[tilespmem:v1+s1+$0x1800 ss:$0x1] =	vst.idx.msk $0xffff, v50;
	v9 =	vld.idx.msk [tilespmem:v9+s0+$0x0], $0xffff  }
0x170: {  	v12 =	vand.u32 $0x7C, v57;
	v11 =	vbroadcast v11, $0x0;
	s12 =	sadd.s32 $0x430, s19;
	s13 =	sadd.s32 $0x860, s17;
	v6 =	vor.u32 v0, v6;
	s2 =	sor.u32 s25, s14;
	[tilespmem:v1+s3+$0x1800 ss:$0x1] =	vst.idx.msk $0xffff, v51;
	v58 =	vld.idx.msk [tilespmem:v52+s0+$0x0], $0xffff  }
0x171: {  	s28 =	sadd.s32 $0x820, s17;
	v7 =	vor.u32 v0, v7;
	v60 =	vbroadcast v12, $0x0;
	s5 =	sand.u32 $0x70, s12;
	s6 =	sand.u32 $0xB00, s13;
	[tilespmem:v1+s2+$0x1800 ss:$0x1] =	vst.idx.msk $0xffff, v8;
	v59 =	vld.idx.msk [tilespmem:v10+s0+$0x0], $0xffff  }
0x172: {  	s31 =	sadd.s32 $0x420, s19;
	s4 =	sand.u32 $0xB00, s22;
	[tilespmem:v1+s20+$0x1800 ss:$0x1] =	vst.idx.msk $0xffff, v54;
	v11 =	vor.u32 v0, v11;
	s5 =	sor.u32 s5, s6;
	v61 =	vld.idx.msk [tilespmem:v14+s0+$0x0], $0xffff  }
0x173: {  	v3 =	vld.idx.msk [tilespmem:v3+s0+$0x0], $0xffff;
	[tilespmem:v1+s18+$0x1800 ss:$0x1] =	vst.idx.msk $0xffff, v5;
	v62 =	vor.u32 v0, v60;
	s14 =	sadd.s32 $0x840, s17;
	s1 =	sand.u32 $0x50, s24;
	s3 =	sand.u32 $0xB00, s28  }
0x174: {  	v2 =	vld.idx.msk [tilespmem:v2+s0+$0x0], $0xffff;
	s2 =	sand.u32 $0x60, s31;
	s15 =	sand.u32 $0xB00, s14;
	s1 =	sor.u32 s1, s3;
	[tilespmem:v1+s5+$0x1800 ss:$0x1] =	vst.idx.msk $0xffff, v9  }
0x175: {  	s22 =	sadd.s32 $0x610, s19;
	s4 =	sor.u32 s25, s4;
	s2 =	sor.u32 s2, s15;
	[tilespmem:v1+s1+$0x1800 ss:$0x1] =	vst.idx.msk $0xffff, v58;
	v6 =	vld.idx.msk [tilespmem:v6+s0+$0x0], $0xffff  }
0x176: {  	s20 =	sadd.s32 $0xC00, s17;
	s18 =	sor.u32 s23, s26;
	s26 =	sadd.s32 $0x630, s19;
	v7 =	vld.idx.msk [tilespmem:v7+s0+$0x0], $0xffff;
	[tilespmem:v1+s2+$0x1800 ss:$0x1] =	vst.idx.msk $0xffff, v59  }
0x177: {  	s23 =	sadd.s32 $0xC20, s17;
	s13 =	sand.u32 $0x70, s26;
	s28 =	sadd.s32 $0xC60, s17;
	[tilespmem:v1+s4+$0x1800 ss:$0x1] =	vst.idx.msk $0xffff, v61;
	v63 =	vld.idx.msk [tilespmem:v11+s0+$0x0], $0xffff  }
0x178: {  	[tilespmem:v1+s18+$0x1800 ss:$0x1] =	vst.idx.msk $0xffff, v3;
	s6 =	sand.u32 $0xF00, s23;
	s24 =	sadd.s32 $0x620, s19;
	s14 =	sand.u32 $0xF00, s28;
	v3 =	vld.idx.msk [tilespmem:v62+s0+$0x0], $0xffff  }
0x179: {  	[tilespmem:v1+s21+$0x1800 ss:$0x1] =	vst.idx.msk $0xffff, v2;
	s31 =	sadd.s32 $0xC40, s17;
	s5 =	sand.u32 $0x50, s22;
	s0 =	sor.u32 s13, s14  }
0x17a: {  	s3 =	sand.u32 $0xF00, s31;
	s2 =	sand.u32 $0x60, s24;
	s15 =	sor.u32 s5, s6;
	[tilespmem:v1+s0+$0x1800 ss:$0x1] =	vst.idx.msk $0xffff, v6  }
0x17b: {  	s17 =	sand.u32 $0xF00, s20;
	s18 =	sor.u32 s2, s3;
	[tilespmem:v1+s15+$0x1800 ss:$0x1] =	vst.idx.msk $0xffff, v7  }
0x17c: {  	s0 =	sor.u32 s25, s17;
	[tilespmem:v1+s18+$0x1800 ss:$0x1] =	vst.idx.msk $0xffff, v63  }
0x17d: {  	[tilespmem:v1+s0+$0x1800 ss:$0x1] =	vst.idx.msk $0xffff, v3  }
0x17e: {  	s19 =	sshll.u32 s10, $0x8;
	s0 =	rddreg [dreg:$0xb]  }
0x17f: {  	s20 =	sor.u32 $0x1800, s9;
	s0 =	sadd.s32 s0, s19  }
0x180: {  	[hbm4b:s0+s7] =	stream.linear.scatter [tilespmem:s20], [sflag:$0x2], $0x80, $0x38;
	[tilespmem:$0x2800] =	vst v63  }
0x181: {  	s21 =	sor.u32 $0x1900, s9;
	s22 =	sadd.s32 $0x10, s0  }
0x182: {  	[hbm4b:s22+s7] =	stream.linear.scatter [tilespmem:s21], [sflag:$0x2], $0x80, $0x38;
	[tilespmem:$0x2800] =	vst v63  }
0x183: {  	s23 =	sor.u32 $0x1A00, s9;
	s24 =	sadd.s32 $0x20, s0  }
0x184: {  	[hbm4b:s24+s7] =	stream.linear.scatter [tilespmem:s23], [sflag:$0x2], $0x80, $0x38;
	[tilespmem:$0x2800] =	vst v63  }
0x185: {  	s25 =	sor.u32 $0x1B00, s9;
	s26 =	sadd.s32 $0x30, s0  }
0x186: {  	[hbm4b:s26+s7] =	stream.linear.scatter [tilespmem:s25], [sflag:$0x2], $0x80, $0x38;
	[tilespmem:$0x2800] =	vst v63  }
0x187: {  	s28 =	sor.u32 $0x1C00, s9;
	s31 =	sadd.s32 $0x40, s0  }
0x188: {  	[hbm4b:s31+s7] =	stream.linear.scatter [tilespmem:s28], [sflag:$0x2], $0x80, $0x38;
	[tilespmem:$0x2800] =	vst v63  }
0x189: {  	s3 =	sor.u32 $0x1D00, s9;
	s4 =	sadd.s32 $0x50, s0  }
0x18a: {  	[hbm4b:s4+s7] =	stream.linear.scatter [tilespmem:s3], [sflag:$0x2], $0x80, $0x38;
	[tilespmem:$0x2800] =	vst v63  }
0x18b: {  	s5 =	sor.u32 $0x1E00, s9;
	s6 =	sadd.s32 $0x60, s0  }
0x18c: {  	[hbm4b:s6+s7] =	stream.linear.scatter [tilespmem:s5], [sflag:$0x2], $0x80, $0x38;
	[tilespmem:$0x2800] =	vst v63  }
0x18d: {  	s10 =	sor.u32 $0x1F00, s9;
	s12 =	sadd.s32 $0x70, s0  }
0x18e: {  	[hbm4b:s12+s7] =	stream.linear.scatter [tilespmem:s10], [sflag:$0x2], $0x80, $0x38;
	[tilespmem:$0x2800] =	vst v63  }
0x18f: {  	s13 =	sor.u32 $0x2000, s9;
	s14 =	sadd.s32 $0x80, s0  }
0x190: {  	[hbm4b:s14+s7] =	stream.linear.scatter [tilespmem:s13], [sflag:$0x2], $0x80, $0x38;
	[tilespmem:$0x2800] =	vst v63  }
0x191: {  	s15 =	sor.u32 $0x2100, s9;
	s17 =	sadd.s32 $0x90, s0  }
0x192: {  	[hbm4b:s17+s7] =	stream.linear.scatter [tilespmem:s15], [sflag:$0x2], $0x80, $0x38;
	[tilespmem:$0x2800] =	vst v63  }
0x193: {  	s18 =	sor.u32 $0x2200, s9;
	s19 =	sadd.s32 $0xA0, s0  }
0x194: {  	[hbm4b:s19+s7] =	stream.linear.scatter [tilespmem:s18], [sflag:$0x2], $0x80, $0x38;
	[tilespmem:$0x2800] =	vst v63  }
0x195: {  	s20 =	sor.u32 $0x2300, s9;
	s21 =	sadd.s32 $0xB0, s0  }
0x196: {  	[hbm4b:s21+s7] =	stream.linear.scatter [tilespmem:s20], [sflag:$0x2], $0x80, $0x38;
	[tilespmem:$0x2800] =	vst v63  }
0x197: {  	s22 =	sor.u32 $0x2400, s9;
	s23 =	sadd.s32 $0xC0, s0  }
0x198: {  	[hbm4b:s23+s7] =	stream.linear.scatter [tilespmem:s22], [sflag:$0x2], $0x80, $0x38;
	[tilespmem:$0x2800] =	vst v63  }
0x199: {  	s24 =	sor.u32 $0x2500, s9;
	s25 =	sadd.s32 $0xD0, s0  }
0x19a: {  	[hbm4b:s25+s7] =	stream.linear.scatter [tilespmem:s24], [sflag:$0x2], $0x80, $0x38;
	[tilespmem:$0x2800] =	vst v63  }
.Ltmp14:
0x19b: {  	_ = 	snop;
	(pc) =	sbr.rel .LBB2_16-.Ltmp14, $4  }
0x19c: {  	s26 =	sor.u32 $0x2600, s9;
	s28 =	sadd.s32 $0xE0, s0  }
0x19d: {  	[hbm4b:s28+s7] =	stream.linear.scatter [tilespmem:s26], [sflag:$0x2], $0x80, $0x38;
	[tilespmem:$0x2800] =	vst v63  }
0x19e: {  	s31 =	sor.u32 $0x2700, s9;
	s0 =	sadd.s32 $0xF0, s0  }
0x19f: {  	[hbm4b:s0+s7] =	stream.linear.scatter [tilespmem:s31], [sflag:$0x2], $0x80, $0x38;
	[tilespmem:$0x2800] =	vst v63  }
.LBB2_17:
0x1a0: {  	s0 =	simm.s32 @!p0 $0x2  }
0x1a1: {  	_ =	swait.ge @!p0 [sflag:s0], $0x800  }
.Ltmp15:
0x1a2: {  	[sflag:s0] =	ssyncset.done @!p0 $0x0;
	(pc) =	sbr.rel @p1 .LBB2_21-.Ltmp15, $4  }
0x1a3: {  	[sflag:s0] =	ssyncadd.s32 @!p0 $0xFFFFF800;
	s0 =	simm.s32 @p4 $0x2  }
0x1a4: {  	_ =	swait.ge @p4 [sflag:s0], $0x800  }
0x1a5: {  	[sflag:s0] =	ssyncset.done @p4 $0x0  }
0x1a6: {  	[sflag:s0] =	ssyncadd.s32 @p4 $0xFFFFF800  }
0x1a7: {  	s0 =	simm.s32 $0x0;
	s1 =	simm.s32 $0x1;
	s2 =	simm.s32 $0x2  }
0x1a8: {  	s15 =	simm.s32 $0x4;
	s17 =	simm.s32 $0x5;
	s18 =	simm.s32 $0x7;
	v1 =	vmov s0;
	v2 =	vmov s1;
	v3 =	vmov s2  }
0x1a9: {  	s3 =	simm.s32 $0x9;
	s19 =	simm.s32 $0x8;
	s4 =	simm.s32 $0xE;
	v4 =	vmov s15;
	v5 =	vmov s17;
	v6 =	vmov s18  }
0x1aa: {  	s20 =	simm.s32 $0xF;
	s21 =	simm.s32 $0xA;
	s23 =	simm.s32 $0xD;
	v7 =	vmov s19;
	v8 =	vmov s3;
	v9 =	vmov s4  }
0x1ab: {  	s24 =	simm.s32 $0xB;
	s26 =	simm.s32 $0x3;
	v10 =	vmov s21;
	v11 =	vmov s20;
	v12 =	vmov s23  }
0x1ac: {  	v13 =	vmov s24;
	v14 =	vmov s26;
	v3 =	vand.u32 $0x72, v3  }
0x1ad: {  	s22 =	simm.s32 $0xC;
	v4 =	vand.u32 $0x74, v4;
	v7 =	vand.u32 $0x78, v7;
	v15 =	vand.u32 $0x71, v2  }
0x1ae: {  	v2 =	vmov s22;
	v11 =	vand.u32 $0x7F, v11;
	v12 =	vand.u32 $0x7D, v12  }
0x1af: {  	v9 =	vand.u32 $0x7E, v9;
	v13 =	vand.u32 $0x7B, v13;
	v6 =	vand.u32 $0x77, v6  }
0x1b0: {  	v10 =	vand.u32 $0x7A, v10;
	v1 =	vand.u32 $0x70, v1;
	v7 =	vbroadcast v7, $0x0  }
0x1b1: {  	v2 =	vand.u32 $0x7C, v2;
	v16 =	vbroadcast v11, $0x0;
	v3 =	vbroadcast v3, $0x0  }
0x1b2: {  	s25 =	simm.s32 $0x6;
	s28 =	rddreg [dreg:$0x7];
	s31 =	simm.s32 $0x3;
	v6 =	vbroadcast v6, $0x0;
	v2 =	vbroadcast v2, $0x0;
	v7 =	vor.u32 v0, v7  }
0x1b3: {  	[tilespmem:s30], [sflag:$0x3] =	stream.linear.gather [hbm4b:s28+s0], $0x800, $0x38;
	v11 =	vmov s25;
	v9 =	vbroadcast v9, $0x0;
	v15 =	vbroadcast v15, $0x0;
	[tilespmem:$0x2800] =	vst v63  }
0x1b4: {  	_ =	swait.ge [sflag:s31], $0x800;
	v18 =	vor.u32 v0, v3;
	v3 =	vbroadcast v4, $0x0;
	v17 =	vor.u32 v0, v2  }
0x1b5: {  	[sflag:s31] =	ssyncset.done $0x0;
	v19 =	vor.u32 v0, v6;
	v2 =	vand.u32 $0x75, v5;
	v5 =	vand.u32 $0x79, v8  }
0x1b6: {  	[sflag:s31] =	ssyncadd.s32 $0xFFFFF800;
	v8 =	vbroadcast v1, $0x0;
	v1 =	vand.u32 $0x76, v11;
	v11 =	vbroadcast v12, $0x0  }
0x1b7: {  	v12 =	vand.u32 $0x73, v14;
	v1 =	vbroadcast v1, $0x0;
	v20 =	vbroadcast v2, $0x0;
	v4 =	vld.idx.msk [tilespmem:v7+s30+$0x0], $0xffff  }
0x1b8: {  	v14 =	vor.u32 v0, v11;
	v11 =	vor.u32 v0, v3;
	v7 =	vbroadcast v10, $0x0  }
0x1b9: {  	v6 =	vor.u32 v0, v1;
	v10 =	vbroadcast v13, $0x0;
	v13 =	vbroadcast v12, $0x0;
	v12 =	vld.idx.msk [tilespmem:v17+s30+$0x0], $0xffff  }
0x1ba: {  	v17 =	vbroadcast v5, $0x0;
	v5 =	vor.u32 v0, v8;
	v8 =	vor.u32 v0, v9;
	v9 =	vld.idx.msk [tilespmem:v19+s30+$0x0], $0xffff  }
0x1bb: {  	s0 =	simm.s32 $0x1900;
	v3 =	vor.u32 v0, v20;
	v2 =	vor.u32 v0, v7;
	v1 =	vor.u32 v0, v13;
	v7 =	vld.idx.msk [tilespmem:v18+s30+$0x0], $0xffff  }
0x1bc: {  	s6 =	simm.s32 $0x1B00;
	s2 =	simm.s32 $0x10;
	v13 =	vor.u32 v0, v16;
	v10 =	vor.u32 v0, v10;
	[tilespmem:s0+$0x0] =	vst v4;
	v4 =	vor.u32 v0, v17  }
.LBB2_19:
0x1bd: {  	s1 =	sadd.s32 $0x1, s2  }
0x1be: {  	v16 =	vmov s2;
	s3 =	sadd.s32 $0x2, s2;
	s4 =	sadd.s32 $0xE, s2;
	[tilespmem:s0+$0x40] =	vst v12;
	v12 =	vld.idx.msk [tilespmem:v14+s30+$0x0], $0xffff;
	s5 =	smov.u32 s2  }
0x1bf: {  	s8 =	sadd.s32 $0x5, s2;
	s9 =	sadd.s32 $0x9, s2;
	v14 =	vmov s1;
	v17 =	vmov s3;
	s3 =	sadd.s32 $0x4, s2;
	v15 =	vor.u32 v0, v15;
	v11 =	vld.idx.msk [tilespmem:v11+s30+$0x0], $0xffff  }
0x1c0: {  	s1 =	sadd.s32 $0x3, s2;
	v19 =	vmov s8;
	s8 =	sadd.s32 $0x8, s2;
	v17 =	vand.u32 $0x72, v17;
	v18 =	vmov s3;
	s3 =	sadd.s32 $0x7, s2;
	v6 =	vld.idx.msk [tilespmem:v6+s30+$0x0], $0xffff  }
0x1c1: {  	s10 =	sadd.s32 $0x6, s5;
	v22 =	vmov s9;
	v21 =	vmov s8;
	s8 =	sadd.s32 $0x10, s2;
	v20 =	vmov s3;
	s3 =	sadd.s32 $0xF, s5;
	v13 =	vld.idx.msk [tilespmem:v13+s30+$0x0], $0xffff  }
0x1c2: {  	p5 =	slt.u32 s2, $0x30;
	s9 =	sadd.s32 $0xA, s5;
	v23 =	vmov s4;
	v18 =	vand.u32 $0x74, v18;
	v21 =	vand.u32 $0x78, v21;
	[tilespmem:s0+$0xFFFFFF20] =	vst v7;
	v7 =	vld.idx.msk [tilespmem:v8+s30+$0x0], $0xffff  }
0x1c3: {  	s4 =	sadd.s32 $0xD, s5;
	s2 =	sadd.s32 $0xC, s5;
	v8 =	vbroadcast v21, $0x0;
	v21 =	vmov s9;
	v24 =	vmov s3;
	[tilespmem:s0+$0xFFFFFF70] =	vst v9;
	v9 =	vld.idx.msk [tilespmem:v10+s30+$0x0], $0xffff  }
0x1c4: {  	v25 =	vmov s4;
	s3 =	sadd.s32 $0xB, s5;
	v10 =	vand.u32 $0x71, v14;
	v14 =	vmov s2;
	v15 =	vld.idx.msk [tilespmem:v15+s30+$0x0], $0xffff;
	[tilespmem:s0+$0x50] =	vst v12  }
0x1c5: {  	v24 =	vand.u32 $0x7F, v24;
	v8 =	vor.u32 v0, v8;
	v12 =	vmov s3;
	v5 =	vld.idx.msk [tilespmem:v5+s30+$0x0], $0xffff;
	[tilespmem:s0+$0xFFFFFF40] =	vst v11  }
0x1c6: {  	v23 =	vand.u32 $0x7E, v23;
	v11 =	vand.u32 $0x7C, v14;
	v14 =	vand.u32 $0x7D, v25;
	v3 =	vld.idx.msk [tilespmem:v3+s30+$0x0], $0xffff;
	[tilespmem:s0+$0xFFFFFF60] =	vst v6  }
0x1c7: {  	v24 =	vbroadcast v24, $0x0;
	v6 =	vand.u32 $0x7B, v12;
	v11 =	vbroadcast v11, $0x0;
	v2 =	vld.idx.msk [tilespmem:v2+s30+$0x0], $0xffff;
	[tilespmem:s0+$0x70] =	vst v13  }
0x1c8: {  	v12 =	vmov s10;
	v13 =	vand.u32 $0x77, v20;
	v20 =	vand.u32 $0x7A, v21;
	v4 =	vld.idx.msk [tilespmem:v4+s30+$0x0], $0xffff;
	[tilespmem:s0+$0x60] =	vst v7  }
0x1c9: {  	v7 =	vbroadcast v17, $0x0;
	v17 =	vmov s1;
	v11 =	vor.u32 v0, v11;
	v1 =	vld.idx.msk [tilespmem:v1+s30+$0x0], $0xffff;
	[tilespmem:s0+$0x30] =	vst v9  }
0x1ca: {  	v9 =	vand.u32 $0x70, v16;
	v16 =	vand.u32 $0x75, v19;
	v19 =	vand.u32 $0x79, v22;
	v8 =	vld.idx.msk [tilespmem:v8+s30+$0x0], $0xffff;
	[tilespmem:s0+$0xFFFFFF10] =	vst v15  }
0x1cb: {  	v14 =	vbroadcast v14, $0x0;
	v12 =	vand.u32 $0x76, v12;
	v9 =	vbroadcast v9, $0x0;
	[tilespmem:s0+$0xFFFFFF00] =	vst v5  }
0x1cc: {  	v13 =	vbroadcast v13, $0x0;
	v15 =	vbroadcast v23, $0x0;
	v5 =	vand.u32 $0x73, v17;
	[tilespmem:s0+$0xFFFFFF50] =	vst v3  }
0x1cd: {  	v7 =	vor.u32 v0, v7;
	v17 =	vbroadcast v12, $0x0;
	v3 =	vbroadcast v18, $0x0;
	[tilespmem:s0+$0x20] =	vst v2  }
0x1ce: {  	v18 =	vor.u32 v0, v13;
	v2 =	vbroadcast v20, $0x0;
	v20 =	vbroadcast v6, $0x0;
	v12 =	vld.idx.msk [tilespmem:v11+s30+$0x0], $0xffff;
	[tilespmem:s0+$0x10] =	vst v4  }
.Ltmp16:
0x1cf: {  	v14 =	vor.u32 v0, v14;
	v4 =	vbroadcast v5, $0x0;
	v5 =	vbroadcast v16, $0x0;
	[tilespmem:s0+$0xFFFFFF30] =	vst v1;
	s0 =	smov.u32 s6;
	(pc) =	sbr.rel @p5 .LBB2_19-.Ltmp16, $4  }
0x1d0: {  	v6 =	vor.u32 v0, v17;
	v11 =	vor.u32 v0, v3;
	v2 =	vor.u32 v0, v2;
	[tilespmem:s6+$0x0] =	vst v8  }
0x1d1: {  	v1 =	vor.u32 v0, v4;
	v3 =	vor.u32 v0, v5;
	v4 =	vbroadcast v19, $0x0  }
0x1d2: {  	v13 =	vor.u32 v0, v24;
	v5 =	vor.u32 v0, v9;
	v8 =	vor.u32 v0, v15;
	v7 =	vld.idx.msk [tilespmem:v7+s30+$0x0], $0xffff  }
0x1d3: {  	s2 =	smov.u32 s8;
	v15 =	vbroadcast v10, $0x0;
	v10 =	vor.u32 v0, v20;
	s6 =	sadd.s32 $0x200, s6;
	v4 =	vor.u32 v0, v4;
	v9 =	vld.idx.msk [tilespmem:v18+s30+$0x0], $0xffff  }
0x1d4: {  	_ =	sdelay $0x3  }
0x1d5: {  	v14 =	vld.idx.msk [tilespmem:v14+s30+$0x0], $0xffff  }
0x1d6: {  	v11 =	vld.idx.msk [tilespmem:v11+s30+$0x0], $0xffff  }
0x1d7: {  	[tilespmem:s0+$0x40] =	vst v12;
	v6 =	vld.idx.msk [tilespmem:v6+s30+$0x0], $0xffff  }
0x1d8: {  	v60 =	vld.idx.msk [tilespmem:v13+s30+$0x0], $0xffff;
	[tilespmem:s0+$0xFFFFFF20] =	vst v7  }
0x1d9: {  	v61 =	vld.idx.msk [tilespmem:v8+s30+$0x0], $0xffff;
	[tilespmem:s0+$0xFFFFFF70] =	vst v9  }
0x1da: {  	v62 =	vld.idx.msk [tilespmem:v10+s30+$0x0], $0xffff;
	[tilespmem:s0+$0x50] =	vst v14  }
0x1db: {  	v5 =	vld.idx.msk [tilespmem:v5+s30+$0x0], $0xffff;
	v15 =	vor.u32 v0, v15;
	[tilespmem:s0+$0xFFFFFF40] =	vst v11  }
0x1dc: {  	v3 =	vld.idx.msk [tilespmem:v3+s30+$0x0], $0xffff;
	[tilespmem:s0+$0xFFFFFF60] =	vst v6  }
0x1dd: {  	v2 =	vld.idx.msk [tilespmem:v2+s30+$0x0], $0xffff;
	[tilespmem:s0+$0x70] =	vst v60  }
0x1de: {  	v4 =	vld.idx.msk [tilespmem:v4+s30+$0x0], $0xffff;
	[tilespmem:s0+$0x60] =	vst v61  }
0x1df: {  	v1 =	vld.idx.msk [tilespmem:v1+s30+$0x0], $0xffff;
	[tilespmem:s0+$0x30] =	vst v62  }
0x1e0: {  	[tilespmem:s0+$0xFFFFFF00] =	vst v5;
	v63 =	vld.idx.msk [tilespmem:v15+s30+$0x0], $0xffff  }
0x1e1: {  	[tilespmem:s0+$0xFFFFFF50] =	vst v3  }
0x1e2: {  	[tilespmem:s0+$0x20] =	vst v2  }
0x1e3: {  	[tilespmem:s0+$0x10] =	vst v4  }
0x1e4: {  	[tilespmem:s0+$0xFFFFFF30] =	vst v1  }
0x1e5: {  	[tilespmem:s0+$0xFFFFFF10] =	vst v63  }
0x1e6: {  	s13 =	simm.s32 $0x1800;
	s1 =	rddreg [dreg:$0x11]  }
0x1e7: {  	[hbm4b:s1+s7] =	stream.linear.scatter [tilespmem:s13], [sflag:$0x3], $0x80, $0x38;
	[tilespmem:$0x2800] =	vst v63  }
0x1e8: {  	s2 =	simm.s32 $0x1900;
	s14 =	sadd.s32 $0x10, s1  }
0x1e9: {  	[hbm4b:s14+s7] =	stream.linear.scatter [tilespmem:s2], [sflag:$0x3], $0x80, $0x38;
	[tilespmem:$0x2800] =	vst v63  }
0x1ea: {  	s17 =	simm.s32 $0x1A00;
	s15 =	sadd.s32 $0x20, s1  }
0x1eb: {  	[hbm4b:s15+s7] =	stream.linear.scatter [tilespmem:s17], [sflag:$0x3], $0x80, $0x38;
	[tilespmem:$0x2800] =	vst v63  }
0x1ec: {  	s19 =	simm.s32 $0x1B00;
	s18 =	sadd.s32 $0x30, s1  }
0x1ed: {  	[hbm4b:s18+s7] =	stream.linear.scatter [tilespmem:s19], [sflag:$0x3], $0x80, $0x38;
	[tilespmem:$0x2800] =	vst v63  }
0x1ee: {  	s21 =	simm.s32 $0x1C00;
	s20 =	sadd.s32 $0x40, s1  }
0x1ef: {  	[hbm4b:s20+s7] =	stream.linear.scatter [tilespmem:s21], [sflag:$0x3], $0x80, $0x38;
	[tilespmem:$0x2800] =	vst v63  }
0x1f0: {  	s23 =	simm.s32 $0x1D00;
	s22 =	sadd.s32 $0x50, s1  }
0x1f1: {  	[hbm4b:s22+s7] =	stream.linear.scatter [tilespmem:s23], [sflag:$0x3], $0x80, $0x38;
	[tilespmem:$0x2800] =	vst v63  }
0x1f2: {  	s25 =	simm.s32 $0x1E00;
	s24 =	sadd.s32 $0x60, s1  }
0x1f3: {  	[hbm4b:s24+s7] =	stream.linear.scatter [tilespmem:s25], [sflag:$0x3], $0x80, $0x38;
	[tilespmem:$0x2800] =	vst v63  }
0x1f4: {  	s28 =	simm.s32 $0x1F00;
	s31 =	simm.s32 $0x3;
	s26 =	sadd.s32 $0x70, s1  }
0x1f5: {  	[hbm4b:s26+s7] =	stream.linear.scatter [tilespmem:s28], [sflag:$0x3], $0x80, $0x38;
	[tilespmem:$0x2800] =	vst v63  }
0x1f6: {  	_ =	swait.ge [sflag:s31], $0x400  }
0x1f7: {  	[sflag:s31] =	ssyncset.done $0x0  }
0x1f8: {  	[sflag:s31] =	ssyncadd.s32 $0xFFFFFC00  }
.LBB2_21:
.Ltmp17:
0x1f9: {  	(pc) =	sbr.rel .LBB2_22-.Ltmp17, $4  }
0x1fa: {  	_ = 	snop  }
0x1fb: {  	s8 =	simm.s32 $0x0  }
0x1fc: {  	s0 =	rddreg [dreg:$0x12];
	s1 =	simm.s32 $0x400;
	s2 =	simm.s32 $0x7A1400  }
0x1fd: {  	[tilespmem:s8], [sflag:$0x1] =	stream.strided.gather [hbm4b:s0+s1], $0x800, s2, s1, $0x38;
	[tilespmem:$0x2800] =	vst v63  }
.LBB2_26:
0x1fe: {  	s8 =	sadd.s32 $0x1, s8  }
0x1ff: {  	p5 =	sne.s32 s8, $0xF5  }
.Ltmp18:
0x200: {  	_ = 	snop;
	(pc) =	sbr.rel @!p5 .LBB2_27-.Ltmp18, $1  }
0x201: {  	_ =	sdelay $0x3  }
.LBB2_22:
0x202: {  	s10 =	sadd.s32 s11, s8  }
0x203: {  	p5 =	sge.u32 s10, s16  }
.Ltmp19:
0x204: {  	_ = 	snop;
	(pc) =	sbr.rel @p5 .LBB2_26-.Ltmp19, $1  }
0x205: {  	_ =	sdelay $0x3  }
0x206: {  	s0 =	sadd.s32 $0x1, s10  }
0x207: {  	s2 =	rddreg [dreg:$0x2];
	s18 =	simm.s32 $0x3;
	s19 =	simm.s32 $0x1  }
0x208: {  	s20 =	simm.s32 $0x2;
	s21 =	sshll.u32 s8, $0xB;
	s22 =	sshll.u32 s8, $0x7  }
0x209: {  	s17 =	simm.s32 $0x0;
	s6 =	simm.s32 $0x4;
	s23 =	simm.s32 $0x23  }
0x20a: {  	s24 =	simm.s32 $0x21;
	s25 =	simm.s32 $0x22;
	p5 =	sge.u32 s0, s16  }
0x20b: {  	s1 =	sxor.u32 @!p5 $0xFFFFFFFF, s8;
	s0 =	sshll.u32 @!p5 s0, $0x7;
	s3 =	simm.s32 @!p5 $0x7A1400  }
0x20c: {  	s4 =	simm.s32 $0x20;
	v1 =	vmov s18;
	s1 =	sshll.u32 @!p5 s1, $0xB;
	s0 =	sand.u32 @!p5 $0x1FFFFF80, s0  }
0x20d: {  	v2 =	vmov s19;
	v1 =	vand.u32 $0x7F, v1;
	s1 =	sand.u32 @!p5 $0x800, s1;
	s0 =	sadd.s32 @!p5 s2, s0;
	s2 =	simm.s32 @!p5 $0x400  }
0x20e: {  	v3 =	vmov s20;
	v2 =	vand.u32 $0x7D, v2;
	v1 =	vbroadcast v1, $0x0;
	[tilespmem:s1], [sflag:$0x1] =	stream.strided.gather @!p5 [hbm4b:s0+s2], $0x800, s3, s2, $0x38;
	[tilespmem:$0x2800] =	vst v63  }
0x20f: {  	s26 =	simm.s32 $0x40;
	s31 =	simm.s32 $0x41;
	v4 =	vmov s17;
	v3 =	vand.u32 $0x7E, v3;
	v2 =	vbroadcast v2, $0x0;
	_ =	swait.ge [sflag:s29], $0x800  }
0x210: {  	s5 =	simm.s32 $0x42;
	v4 =	vand.u32 $0x7C, v4;
	v3 =	vbroadcast v3, $0x0;
	p5 =	slt.u32 s8, $0x2;
	v5 =	vor.u32 v0, v1;
	[sflag:s29] =	ssyncset.done $0x0  }
0x211: {  	s12 =	simm.s32 $0x10;
	v4 =	vbroadcast v4, $0x0;
	v2 =	vor.u32 v0, v2;
	s0 =	simm.s32 @!p5 $0x2;
	[sflag:s29] =	ssyncadd.s32 $0xFFFFF800  }
0x212: {  	s13 =	simm.s32 $0x30;
	s9 =	sand.u32 $0x80, s22;
	v6 =	vmov s23;
	v3 =	vor.u32 v0, v3;
	_ =	swait.ge @!p5 [sflag:s0], $0x800  }
0x213: {  	s18 =	simm.s32 $0x60;
	s20 =	simm.s32 $0x61;
	v7 =	vmov s24;
	v8 =	vmov s25;
	v4 =	vor.u32 v0, v4;
	[sflag:s0] =	ssyncset.done @!p5 $0x0  }
0x214: {  	s19 =	simm.s32 $0x62;
	v9 =	vmov s4;
	v11 =	vmov s31;
	v6 =	vand.u32 $0x7F, v6;
	[sflag:s0] =	ssyncadd.s32 @!p5 $0xFFFFF800;
	s0 =	sand.u32 $0x800, s21  }
0x215: {  	s23 =	simm.s32 $0x6;
	s14 =	sand.u32 $0x300, s17;
	s15 =	sand.u32 $0x70, s13;
	v7 =	vand.u32 $0x7D, v7;
	v6 =	vbroadcast v6, $0x0;
	v1 =	vmov s9;
	v5 =	vld.idx.msk [tilespmem:v5+s0+$0x0], $0xffff  }
0x216: {  	s22 =	simm.s32 $0x43;
	s12 =	sand.u32 $0x50, s12;
	s25 =	sand.u32 $0x40, s17;
	v8 =	vand.u32 $0x7E, v8;
	v9 =	vand.u32 $0x7C, v9;
	v7 =	vbroadcast v7, $0x0;
	v2 =	vld.idx.msk [tilespmem:v2+s0+$0x0], $0xffff  }
0x217: {  	s24 =	simm.s32 $0x210;
	s31 =	simm.s32 $0x460;
	v10 =	vmov s22;
	s22 =	simm.s32 $0x220;
	v8 =	vbroadcast v8, $0x0;
	v6 =	vor.u32 v0, v6;
	v3 =	vld.idx.msk [tilespmem:v3+s0+$0x0], $0xffff  }
0x218: {  	v9 =	vbroadcast v9, $0x0;
	s3 =	sor.u32 $0x1800, s14;
	s14 =	simm.s32 $0x20;
	v7 =	vor.u32 v0, v7;
	s2 =	sand.u32 $0x50, s24;
	v4 =	vld.idx.msk [tilespmem:v4+s0+$0x0], $0xffff  }
0x219: {  	v8 =	vor.u32 v0, v8;
	s4 =	sor.u32 s15, s3;
	s12 =	sor.u32 s12, s3;
	s14 =	sand.u32 $0x60, s14  }
0x21a: {  	v10 =	vand.u32 $0x7F, v10;
	v9 =	vor.u32 v0, v9;
	s13 =	sor.u32 s25, s3;
	s3 =	sor.u32 s14, s3;
	s14 =	simm.s32 $0x420;
	[tilespmem:v1+s4+$0x0 ss:$0x1] =	vst.idx.msk $0xffff, v5  }
0x21b: {  	v10 =	vbroadcast v10, $0x0;
	s24 =	simm.s32 $0x63;
	s15 =	simm.s32 $0x400;
	s1 =	sand.u32 $0x700, s14;
	v5 =	vand.u32 $0x7D, v11;
	v11 =	vmov s5;
	[tilespmem:v1+s12+$0x0 ss:$0x1] =	vst.idx.msk $0xffff, v2  }
0x21c: {  	s1 =	sor.u32 s2, s1;
	s21 =	simm.s32 $0x5;
	s4 =	sand.u32 $0x700, s15;
	[tilespmem:v1+s3+$0x0 ss:$0x1] =	vst.idx.msk $0xffff, v3;
	v2 =	vld.idx.msk [tilespmem:v6+s0+$0x0], $0xffff;
	v6 =	vmov s26;
	v5 =	vbroadcast v5, $0x0;
	v11 =	vand.u32 $0x7E, v11  }
0x21d: {  	v10 =	vor.u32 v0, v10;
	s5 =	simm.s32 $0x440;
	s15 =	sand.u32 $0x700, s31;
	[tilespmem:v1+s13+$0x0 ss:$0x1] =	vst.idx.msk $0xffff, v4;
	s13 =	simm.s32 $0x410;
	v7 =	vld.idx.msk [tilespmem:v7+s0+$0x0], $0xffff;
	v3 =	vand.u32 $0x7C, v6;
	v6 =	vbroadcast v11, $0x0  }
0x21e: {  	s26 =	simm.s32 $0x230;
	v4 =	vld.idx.msk [tilespmem:v8+s0+$0x0], $0xffff;
	s5 =	sand.u32 $0x700, s5;
	s4 =	sor.u32 s25, s4;
	v3 =	vbroadcast v3, $0x0;
	v5 =	vor.u32 v0, v5  }
0x21f: {  	v8 =	vmov s24;
	s2 =	sand.u32 $0x50, s13;
	s24 =	simm.s32 $0x430;
	s12 =	sand.u32 $0x70, s26;
	v11 =	vld.idx.msk [tilespmem:v9+s0+$0x0], $0xffff;
	v9 =	vmov s20;
	v6 =	vor.u32 v0, v6  }
0x220: {  	s26 =	sand.u32 $0x60, s22;
	v8 =	vand.u32 $0x7F, v8;
	s22 =	simm.s32 $0x840;
	s3 =	sor.u32 s12, s15;
	v12 =	vand.u32 $0x7D, v9;
	v3 =	vor.u32 v0, v3  }
0x221: {  	s31 =	sor.u32 s26, s5;
	s5 =	simm.s32 $0x800;
	s15 =	simm.s32 $0x820;
	v13 =	vbroadcast v8, $0x0;
	v8 =	vmov s18;
	[tilespmem:v1+s3+$0x1800 ss:$0x1] =	vst.idx.msk $0xffff, v2;
	v2 =	vmov s19  }
0x222: {  	s18 =	sand.u32 $0x60, s14;
	s20 =	sand.u32 $0xB00, s22;
	s26 =	simm.s32 $0x860;
	[tilespmem:v1+s1+$0x1800 ss:$0x1] =	vst.idx.msk $0xffff, v7;
	v7 =	vand.u32 $0x7C, v8;
	v9 =	vld.idx.msk [tilespmem:v10+s0+$0x0], $0xffff;
	v10 =	vbroadcast v12, $0x0;
	v2 =	vand.u32 $0x7E, v2  }
0x223: {  	s22 =	simm.s32 $0x7;
	s19 =	sand.u32 $0xB00, s5;
	s5 =	sand.u32 $0xB00, s15;
	[tilespmem:v1+s31+$0x1800 ss:$0x1] =	vst.idx.msk $0xffff, v4;
	v63 =	vbroadcast v7, $0x0;
	v7 =	vor.u32 v0, v13;
	v8 =	vld.idx.msk [tilespmem:v5+s0+$0x0], $0xffff;
	v2 =	vbroadcast v2, $0x0  }
0x224: {  	s1 =	sand.u32 $0x70, s24;
	s31 =	sand.u32 $0xB00, s26;
	s26 =	simm.s32 $0x8;
	[tilespmem:v1+s4+$0x1800 ss:$0x1] =	vst.idx.msk $0xffff, v11;
	v6 =	vld.idx.msk [tilespmem:v6+s0+$0x0], $0xffff;
	v5 =	vor.u32 v0, v10  }
0x225: {  	s28 =	sor.u32 s25, s19;
	s1 =	sor.u32 s1, s31;
	s19 =	simm.s32 $0x0;
	v4 =	vld.idx.msk [tilespmem:v3+s0+$0x0], $0xffff;
	v3 =	vor.u32 v0, v2;
	v2 =	vor.u32 v0, v63  }
.LBB2_24:
0x226: {  	p5 =	slt.u32 s26, $0x1C;
	s2 =	sor.u32 s2, s5  }
0x227: {  	v10 =	vmov s22;
	s3 =	sor.u32 s18, s20;
	[tilespmem:v1+s1+$0x1800 ss:$0x1] =	vst.idx.msk $0xffff, v9;
	s18 =	smov.u32 s6;
	s6 =	smov.u32 s26  }
0x228: {  	v9 =	vmov s21;
	s1 =	sadd.s32 $0xC00, s17;
	s4 =	sadd.s32 $0xC20, s17;
	v10 =	vand.u32 $0x7F, v10;
	[tilespmem:v1+s2+$0x1800 ss:$0x1] =	vst.idx.msk $0xffff, v8;
	s2 =	sadd.s32 $0x610, s19;
	v7 =	vld.idx.msk [tilespmem:v7+s0+$0x0], $0xffff  }
0x229: {  	s5 =	sadd.s32 $0xC40, s17;
	v8 =	vand.u32 $0x7D, v9;
	v9 =	vmov s23;
	s1 =	sand.u32 $0xF00, s1;
	v10 =	vbroadcast v10, $0x0;
	v5 =	vld.idx.msk [tilespmem:v5+s0+$0x0], $0xffff;
	[tilespmem:v1+s3+$0x1800 ss:$0x1] =	vst.idx.msk $0xffff, v6;
	s3 =	sadd.s32 $0x620, s19  }
0x22a: {  	s4 =	sand.u32 $0xF00, s4;
	v6 =	vmov s18;
	v8 =	vbroadcast v8, $0x0;
	v9 =	vand.u32 $0x7E, v9;
	s2 =	sand.u32 $0x50, s2;
	[tilespmem:v1+s28+$0x1800 ss:$0x1] =	vst.idx.msk $0xffff, v4;
	v3 =	vld.idx.msk [tilespmem:v3+s0+$0x0], $0xffff;
	s3 =	sand.u32 $0x60, s3  }
0x22b: {  	s12 =	sadd.s32 $0x630, s19;
	s13 =	sadd.s32 $0xC60, s17;
	s5 =	sand.u32 $0xF00, s5;
	v4 =	vand.u32 $0x7C, v6;
	v6 =	vbroadcast v9, $0x0;
	v9 =	vor.u32 v0, v10;
	v2 =	vld.idx.msk [tilespmem:v2+s0+$0x0], $0xffff  }
0x22c: {  	s12 =	sand.u32 $0x70, s12;
	s13 =	sand.u32 $0xF00, s13;
	s1 =	sor.u32 s25, s1;
	v4 =	vbroadcast v4, $0x0;
	v8 =	vor.u32 v0, v8  }
0x22d: {  	s14 =	sadd.s32 $0x23, s18;
	s2 =	sor.u32 s2, s4;
	s4 =	sor.u32 s12, s13;
	v6 =	vor.u32 v0, v6  }
0x22e: {  	s21 =	sadd.s32 $0x1, s26;
	s12 =	sadd.s32 $0x21, s18;
	v10 =	vmov s14;
	s3 =	sor.u32 s3, s5;
	v4 =	vor.u32 v0, v4;
	[tilespmem:v1+s4+$0x1800 ss:$0x1] =	vst.idx.msk $0xffff, v7  }
0x22f: {  	s20 =	sadd.s32 $0x60, s18;
	s28 =	sadd.s32 $0x61, s18;
	v10 =	vand.u32 $0x7F, v10;
	v7 =	vmov s12;
	s4 =	sadd.s32 $0x22, s18;
	[tilespmem:v1+s2+$0x1800 ss:$0x1] =	vst.idx.msk $0xffff, v5  }
0x230: {  	s22 =	sadd.s32 $0x62, s18;
	s5 =	sadd.s32 $0x40, s18;
	v10 =	vbroadcast v10, $0x0;
	s2 =	sadd.s32 $0x20, s18;
	v5 =	vand.u32 $0x7D, v7;
	v7 =	vmov s4;
	v9 =	vld.idx.msk [tilespmem:v9+s0+$0x0], $0xffff;
	[tilespmem:v1+s3+$0x1800 ss:$0x1] =	vst.idx.msk $0xffff, v3  }
0x231: {  	s17 =	sadd.s32 $0x80, s17;
	v3 =	vmov s2;
	v5 =	vbroadcast v5, $0x0;
	s2 =	sadd.s32 $0x41, s18;
	v7 =	vand.u32 $0x7E, v7;
	s3 =	sadd.s32 $0x42, s18;
	v8 =	vld.idx.msk [tilespmem:v8+s0+$0x0], $0xffff;
	[tilespmem:v1+s1+$0x1800 ss:$0x1] =	vst.idx.msk $0xffff, v2  }
0x232: {  	s23 =	sadd.s32 $0x2, s26;
	s19 =	sadd.s32 $0x40, s19;
	s13 =	sadd.s32 $0x43, s18;
	v2 =	vand.u32 $0x7C, v3;
	v3 =	vld.idx.msk [tilespmem:v6+s0+$0x0], $0xffff;
	v6 =	vbroadcast v7, $0x0;
	v7 =	vor.u32 v0, v10  }
0x233: {  	s12 =	sadd.s32 $0x30, s19;
	s4 =	sadd.s32 $0x10, s19;
	s1 =	sand.u32 $0x300, s17;
	v2 =	vbroadcast v2, $0x0;
	v5 =	vor.u32 v0, v5;
	v4 =	vld.idx.msk [tilespmem:v4+s0+$0x0], $0xffff  }
0x234: {  	s25 =	sand.u32 $0x40, s19;
	s12 =	sand.u32 $0x70, s12;
	s1 =	sor.u32 $0x1800, s1;
	v6 =	vor.u32 v0, v6  }
0x235: {  	s14 =	sadd.s32 $0x20, s19;
	s4 =	sand.u32 $0x50, s4;
	v10 =	vmov s13;
	s12 =	sor.u32 s12, s1;
	v2 =	vor.u32 v0, v2  }
0x236: {  	v11 =	vmov s2;
	s2 =	sand.u32 $0x60, s14;
	s14 =	sadd.s32 $0x63, s18;
	s4 =	sor.u32 s4, s1;
	[tilespmem:v1+s12+$0x0 ss:$0x1] =	vst.idx.msk $0xffff, v9;
	v9 =	vand.u32 $0x7F, v10  }
0x237: {  	s13 =	sadd.s32 $0x400, s17;
	s12 =	sor.u32 s25, s1;
	s1 =	sor.u32 s2, s1;
	v10 =	vmov s3;
	[tilespmem:v1+s4+$0x0 ss:$0x1] =	vst.idx.msk $0xffff, v8;
	v8 =	vand.u32 $0x7D, v11;
	v7 =	vld.idx.msk [tilespmem:v7+s0+$0x0], $0xffff;
	v9 =	vbroadcast v9, $0x0  }
0x238: {  	s2 =	sadd.s32 $0x210, s19;
	s3 =	sadd.s32 $0x420, s17;
	v11 =	vmov s5;
	v5 =	vld.idx.msk [tilespmem:v5+s0+$0x0], $0xffff;
	v8 =	vbroadcast v8, $0x0;
	[tilespmem:v1+s1+$0x0 ss:$0x1] =	vst.idx.msk $0xffff, v3;
	s1 =	sadd.s32 $0x220, s19;
	v3 =	vand.u32 $0x7E, v10  }
0x239: {  	s4 =	sand.u32 $0x700, s13;
	s2 =	sand.u32 $0x50, s2;
	s5 =	sadd.s32 $0x440, s17;
	[tilespmem:v1+s12+$0x0 ss:$0x1] =	vst.idx.msk $0xffff, v4;
	v4 =	vand.u32 $0x7C, v11;
	v6 =	vld.idx.msk [tilespmem:v6+s0+$0x0], $0xffff;
	v3 =	vbroadcast v3, $0x0;
	v9 =	vor.u32 v0, v9  }
0x23a: {  	s3 =	sand.u32 $0x700, s3;
	s13 =	sadd.s32 $0x460, s17;
	s12 =	sadd.s32 $0x230, s19;
	v2 =	vld.idx.msk [tilespmem:v2+s0+$0x0], $0xffff;
	v4 =	vbroadcast v4, $0x0;
	v8 =	vor.u32 v0, v8  }
0x23b: {  	s13 =	sand.u32 $0x700, s13;
	s5 =	sand.u32 $0x700, s5;
	s12 =	sand.u32 $0x70, s12;
	v3 =	vor.u32 v0, v3  }
0x23c: {  	v10 =	vmov s14;
	s4 =	sor.u32 s25, s4;
	s1 =	sand.u32 $0x60, s1;
	s12 =	sor.u32 s12, s13;
	v4 =	vor.u32 v0, v4  }
0x23d: {  	s2 =	sor.u32 s2, s3;
	s3 =	sadd.s32 $0x800, s17;
	v11 =	vmov s28;
	s1 =	sor.u32 s1, s5;
	[tilespmem:v1+s12+$0x1800 ss:$0x1] =	vst.idx.msk $0xffff, v7;
	v7 =	vand.u32 $0x7F, v10  }
0x23e: {  	s3 =	sand.u32 $0xB00, s3;
	s5 =	sadd.s32 $0x820, s17;
	v10 =	vmov s22;
	[tilespmem:v1+s2+$0x1800 ss:$0x1] =	vst.idx.msk $0xffff, v5;
	s2 =	sadd.s32 $0x410, s19;
	v5 =	vand.u32 $0x7D, v11;
	v9 =	vld.idx.msk [tilespmem:v9+s0+$0x0], $0xffff;
	v7 =	vbroadcast v7, $0x0  }
.Ltmp20:
0x23f: {  	s12 =	sadd.s32 $0x840, s17;
	v11 =	vmov s20;
	v10 =	vand.u32 $0x7E, v10;
	v8 =	vld.idx.msk [tilespmem:v8+s0+$0x0], $0xffff;
	v5 =	vbroadcast v5, $0x0;
	[tilespmem:v1+s1+$0x1800 ss:$0x1] =	vst.idx.msk $0xffff, v6;
	s1 =	sadd.s32 $0x420, s19;
	(pc) =	sbr.rel @p5 .LBB2_24-.Ltmp20, $4  }
0x240: {  	s5 =	sand.u32 $0xB00, s5;
	s2 =	sand.u32 $0x50, s2;
	[tilespmem:v1+s4+$0x1800 ss:$0x1] =	vst.idx.msk $0xffff, v2;
	v2 =	vand.u32 $0x7C, v11;
	v6 =	vld.idx.msk [tilespmem:v3+s0+$0x0], $0xffff;
	s18 =	sand.u32 $0x60, s1;
	v3 =	vbroadcast v10, $0x0;
	v7 =	vor.u32 v0, v7  }
0x241: {  	s20 =	sand.u32 $0xB00, s12;
	s1 =	sadd.s32 $0x430, s19;
	s4 =	sadd.s32 $0x860, s17;
	v4 =	vld.idx.msk [tilespmem:v4+s0+$0x0], $0xffff;
	v2 =	vbroadcast v2, $0x0;
	v5 =	vor.u32 v0, v5  }
0x242: {  	s28 =	sor.u32 s25, s3;
	s1 =	sand.u32 $0x70, s1;
	s3 =	sand.u32 $0xB00, s4;
	v3 =	vor.u32 v0, v3  }
0x243: {  	s26 =	sadd.s32 $0x4, s26;
	s22 =	sadd.s32 $0x3, s6;
	s1 =	sor.u32 s1, s3;
	v2 =	vor.u32 v0, v2  }
0x244: {  	v10 =	vmov s22;
	s2 =	sor.u32 s2, s5;
	s22 =	sor.u32 s18, s20  }
0x245: {  	v11 =	vmov s21;
	s3 =	sadd.s32 $0xC00, s17;
	s4 =	sadd.s32 $0x610, s19;
	s18 =	sadd.s32 $0xC20, s17;
	v10 =	vand.u32 $0x7F, v10  }
0x246: {  	v12 =	vmov s23;
	s12 =	sadd.s32 $0x620, s19;
	s13 =	sadd.s32 $0xC40, s17;
	s20 =	sadd.s32 $0x630, s19;
	v11 =	vand.u32 $0x7D, v11;
	v10 =	vbroadcast v10, $0x0  }
0x247: {  	v13 =	vmov s6;
	s24 =	sadd.s32 $0xC60, s17;
	s31 =	sadd.s32 $0x23, s6;
	s14 =	sadd.s32 $0x22, s6;
	v12 =	vand.u32 $0x7E, v12;
	v11 =	vbroadcast v11, $0x0  }
0x248: {  	s15 =	sadd.s32 $0x20, s6;
	s17 =	sadd.s32 $0x80, s17;
	s19 =	sadd.s32 $0x40, s19;
	v13 =	vand.u32 $0x7C, v13;
	v12 =	vbroadcast v12, $0x0;
	v10 =	vor.u32 v0, v10  }
0x249: {  	s3 =	sand.u32 $0xF00, s3;
	s4 =	sand.u32 $0x50, s4;
	s5 =	sand.u32 $0xF00, s18;
	v13 =	vbroadcast v13, $0x0;
	v11 =	vor.u32 v0, v11  }
0x24a: {  	s23 =	sand.u32 $0x60, s12;
	v14 =	vmov s31;
	s18 =	sor.u32 s4, s5;
	s5 =	sadd.s32 $0x21, s6;
	v12 =	vor.u32 v0, v12  }
0x24b: {  	s26 =	sand.u32 $0xF00, s13;
	s13 =	sand.u32 $0xF00, s24;
	s24 =	sadd.s32 $0x60, s6;
	v14 =	vand.u32 $0x7F, v14;
	v15 =	vmov s5;
	v13 =	vor.u32 v0, v13  }
0x24c: {  	s12 =	sadd.s32 $0x40, s6;
	v16 =	vmov s14;
	s31 =	sadd.s32 $0x62, s6;
	s14 =	sadd.s32 $0x10, s19;
	v14 =	vbroadcast v14, $0x0;
	v15 =	vand.u32 $0x7D, v15  }
0x24d: {  	v17 =	vmov s15;
	s15 =	sadd.s32 $0x30, s19;
	[tilespmem:v1+s22+$0x1800 ss:$0x1] =	vst.idx.msk $0xffff, v6;
	s22 =	sadd.s32 $0x800, s17;
	s21 =	sor.u32 s25, s3;
	v16 =	vand.u32 $0x7E, v16;
	v15 =	vbroadcast v15, $0x0;
	v10 =	vld.idx.msk [tilespmem:v10+s0+$0x0], $0xffff  }
0x24e: {  	s25 =	sand.u32 $0x70, s20;
	s3 =	sadd.s32 $0x41, s6;
	s4 =	sadd.s32 $0x42, s6;
	v17 =	vand.u32 $0x7C, v17;
	v16 =	vbroadcast v16, $0x0;
	v14 =	vor.u32 v0, v14;
	v11 =	vld.idx.msk [tilespmem:v11+s0+$0x0], $0xffff  }
0x24f: {  	s20 =	sor.u32 s25, s13;
	s13 =	sand.u32 $0x300, s17;
	v17 =	vbroadcast v17, $0x0;
	s25 =	sadd.s32 $0x43, s6;
	v15 =	vor.u32 v0, v15;
	v12 =	vld.idx.msk [tilespmem:v12+s0+$0x0], $0xffff  }
0x250: {  	[tilespmem:v1+s1+$0x1800 ss:$0x1] =	vst.idx.msk $0xffff, v9;
	s14 =	sand.u32 $0x50, s14;
	v49 =	vmov s12;
	v44 =	vmov s25;
	s1 =	sor.u32 $0x1800, s13;
	s25 =	sand.u32 $0x70, s15;
	v16 =	vor.u32 v0, v16;
	v13 =	vld.idx.msk [tilespmem:v13+s0+$0x0], $0xffff  }
0x251: {  	[tilespmem:v1+s2+$0x1800 ss:$0x1] =	vst.idx.msk $0xffff, v8;
	s12 =	sadd.s32 $0x460, s17;
	v46 =	vmov s3;
	s15 =	sadd.s32 $0x20, s19;
	v45 =	vor.u32 v0, v17;
	s13 =	sor.u32 s25, s1;
	v9 =	vand.u32 $0x7F, v44  }
0x252: {  	v47 =	vmov s4;
	s25 =	sand.u32 $0x40, s19;
	s14 =	sor.u32 s14, s1;
	s2 =	sand.u32 $0x60, s15;
	v17 =	vand.u32 $0x7D, v46;
	v9 =	vbroadcast v9, $0x0;
	[tilespmem:v1+s13+$0x0 ss:$0x1] =	vst.idx.msk $0xffff, v10  }
0x253: {  	s3 =	sadd.s32 $0x230, s19;
	s15 =	sor.u32 s25, s1;
	s1 =	sor.u32 s2, s1;
	v17 =	vbroadcast v17, $0x0;
	[tilespmem:v1+s14+$0x0 ss:$0x1] =	vst.idx.msk $0xffff, v11;
	v10 =	vand.u32 $0x7E, v47;
	v48 =	vld.idx.msk [tilespmem:v14+s0+$0x0], $0xffff  }
0x254: {  	s5 =	sadd.s32 $0x61, s6;
	s2 =	sand.u32 $0x70, s3;
	s3 =	sand.u32 $0x700, s12;
	v9 =	vor.u32 v0, v9;
	[tilespmem:v1+s1+$0x0 ss:$0x1] =	vst.idx.msk $0xffff, v12;
	v50 =	vld.idx.msk [tilespmem:v15+s0+$0x0], $0xffff;
	v14 =	vand.u32 $0x7C, v49;
	v10 =	vbroadcast v10, $0x0  }
0x255: {  	s12 =	sadd.s32 $0x220, s19;
	s2 =	sor.u32 s2, s3;
	v52 =	vor.u32 v0, v17;
	[tilespmem:v1+s15+$0x0 ss:$0x1] =	vst.idx.msk $0xffff, v13;
	s15 =	sadd.s32 $0x63, s6;
	v51 =	vld.idx.msk [tilespmem:v16+s0+$0x0], $0xffff;
	v14 =	vbroadcast v14, $0x0  }
0x256: {  	s13 =	sadd.s32 $0x210, s19;
	s14 =	sadd.s32 $0x420, s17;
	s6 =	sadd.s32 $0x400, s17;
	v53 =	vmov s15;
	v8 =	vld.idx.msk [tilespmem:v45+s0+$0x0], $0xffff;
	v10 =	vor.u32 v0, v10  }
0x257: {  	v54 =	vld.idx.msk [tilespmem:v7+s0+$0x0], $0xffff;
	[tilespmem:v1+s28+$0x1800 ss:$0x1] =	vst.idx.msk $0xffff, v4;
	v55 =	vmov s5;
	s1 =	sand.u32 $0x50, s13;
	s3 =	sand.u32 $0x700, s14;
	s13 =	sadd.s32 $0x440, s17;
	v6 =	vand.u32 $0x7F, v53;
	v14 =	vor.u32 v0, v14  }
0x258: {  	v5 =	vld.idx.msk [tilespmem:v5+s0+$0x0], $0xffff;
	v56 =	vmov s31;
	v7 =	vand.u32 $0x7D, v55;
	s1 =	sor.u32 s1, s3;
	s3 =	sand.u32 $0x60, s12;
	s15 =	sand.u32 $0x700, s13;
	v6 =	vbroadcast v6, $0x0;
	[tilespmem:v1+s2+$0x1800 ss:$0x1] =	vst.idx.msk $0xffff, v48  }
0x259: {  	v57 =	vmov s24;
	s24 =	sadd.s32 $0x410, s19;
	v7 =	vbroadcast v7, $0x0;
	v11 =	vand.u32 $0x7E, v56;
	s14 =	sand.u32 $0x700, s6;
	s3 =	sor.u32 s3, s15;
	[tilespmem:v1+s1+$0x1800 ss:$0x1] =	vst.idx.msk $0xffff, v50;
	v9 =	vld.idx.msk [tilespmem:v9+s0+$0x0], $0xffff  }
0x25a: {  	v12 =	vand.u32 $0x7C, v57;
	v11 =	vbroadcast v11, $0x0;
	s12 =	sadd.s32 $0x430, s19;
	s13 =	sadd.s32 $0x860, s17;
	v6 =	vor.u32 v0, v6;
	s2 =	sor.u32 s25, s14;
	[tilespmem:v1+s3+$0x1800 ss:$0x1] =	vst.idx.msk $0xffff, v51;
	v58 =	vld.idx.msk [tilespmem:v52+s0+$0x0], $0xffff  }
0x25b: {  	s28 =	sadd.s32 $0x820, s17;
	v7 =	vor.u32 v0, v7;
	v60 =	vbroadcast v12, $0x0;
	s5 =	sand.u32 $0x70, s12;
	s6 =	sand.u32 $0xB00, s13;
	[tilespmem:v1+s2+$0x1800 ss:$0x1] =	vst.idx.msk $0xffff, v8;
	v59 =	vld.idx.msk [tilespmem:v10+s0+$0x0], $0xffff  }
0x25c: {  	s31 =	sadd.s32 $0x420, s19;
	s4 =	sand.u32 $0xB00, s22;
	[tilespmem:v1+s20+$0x1800 ss:$0x1] =	vst.idx.msk $0xffff, v54;
	v11 =	vor.u32 v0, v11;
	s5 =	sor.u32 s5, s6;
	v61 =	vld.idx.msk [tilespmem:v14+s0+$0x0], $0xffff  }
0x25d: {  	v3 =	vld.idx.msk [tilespmem:v3+s0+$0x0], $0xffff;
	[tilespmem:v1+s18+$0x1800 ss:$0x1] =	vst.idx.msk $0xffff, v5;
	v62 =	vor.u32 v0, v60;
	s14 =	sadd.s32 $0x840, s17;
	s1 =	sand.u32 $0x50, s24;
	s3 =	sand.u32 $0xB00, s28  }
0x25e: {  	v2 =	vld.idx.msk [tilespmem:v2+s0+$0x0], $0xffff;
	s2 =	sand.u32 $0x60, s31;
	s15 =	sand.u32 $0xB00, s14;
	s1 =	sor.u32 s1, s3;
	[tilespmem:v1+s5+$0x1800 ss:$0x1] =	vst.idx.msk $0xffff, v9  }
0x25f: {  	s22 =	sadd.s32 $0x610, s19;
	s4 =	sor.u32 s25, s4;
	s2 =	sor.u32 s2, s15;
	[tilespmem:v1+s1+$0x1800 ss:$0x1] =	vst.idx.msk $0xffff, v58;
	v6 =	vld.idx.msk [tilespmem:v6+s0+$0x0], $0xffff  }
0x260: {  	s20 =	sadd.s32 $0xC00, s17;
	s18 =	sor.u32 s23, s26;
	s26 =	sadd.s32 $0x630, s19;
	v7 =	vld.idx.msk [tilespmem:v7+s0+$0x0], $0xffff;
	[tilespmem:v1+s2+$0x1800 ss:$0x1] =	vst.idx.msk $0xffff, v59  }
0x261: {  	s23 =	sadd.s32 $0xC20, s17;
	s13 =	sand.u32 $0x70, s26;
	s28 =	sadd.s32 $0xC60, s17;
	[tilespmem:v1+s4+$0x1800 ss:$0x1] =	vst.idx.msk $0xffff, v61;
	v63 =	vld.idx.msk [tilespmem:v11+s0+$0x0], $0xffff  }
0x262: {  	[tilespmem:v1+s18+$0x1800 ss:$0x1] =	vst.idx.msk $0xffff, v3;
	s6 =	sand.u32 $0xF00, s23;
	s24 =	sadd.s32 $0x620, s19;
	s14 =	sand.u32 $0xF00, s28;
	v3 =	vld.idx.msk [tilespmem:v62+s0+$0x0], $0xffff  }
0x263: {  	[tilespmem:v1+s21+$0x1800 ss:$0x1] =	vst.idx.msk $0xffff, v2;
	s31 =	sadd.s32 $0xC40, s17;
	s5 =	sand.u32 $0x50, s22;
	s0 =	sor.u32 s13, s14  }
0x264: {  	s3 =	sand.u32 $0xF00, s31;
	s2 =	sand.u32 $0x60, s24;
	s15 =	sor.u32 s5, s6;
	[tilespmem:v1+s0+$0x1800 ss:$0x1] =	vst.idx.msk $0xffff, v6  }
0x265: {  	s17 =	sand.u32 $0xF00, s20;
	s18 =	sor.u32 s2, s3;
	[tilespmem:v1+s15+$0x1800 ss:$0x1] =	vst.idx.msk $0xffff, v7  }
0x266: {  	s0 =	sor.u32 s25, s17;
	[tilespmem:v1+s18+$0x1800 ss:$0x1] =	vst.idx.msk $0xffff, v63  }
0x267: {  	[tilespmem:v1+s0+$0x1800 ss:$0x1] =	vst.idx.msk $0xffff, v3  }
0x268: {  	s19 =	sshll.u32 s10, $0x8;
	s0 =	rddreg [dreg:$0xc]  }
0x269: {  	s20 =	sor.u32 $0x1800, s9;
	s0 =	sadd.s32 s0, s19  }
0x26a: {  	[hbm4b:s0+s7] =	stream.linear.scatter [tilespmem:s20], [sflag:$0x2], $0x80, $0x38;
	[tilespmem:$0x2800] =	vst v63  }
0x26b: {  	s21 =	sor.u32 $0x1900, s9;
	s22 =	sadd.s32 $0x10, s0  }
0x26c: {  	[hbm4b:s22+s7] =	stream.linear.scatter [tilespmem:s21], [sflag:$0x2], $0x80, $0x38;
	[tilespmem:$0x2800] =	vst v63  }
0x26d: {  	s23 =	sor.u32 $0x1A00, s9;
	s24 =	sadd.s32 $0x20, s0  }
0x26e: {  	[hbm4b:s24+s7] =	stream.linear.scatter [tilespmem:s23], [sflag:$0x2], $0x80, $0x38;
	[tilespmem:$0x2800] =	vst v63  }
0x26f: {  	s25 =	sor.u32 $0x1B00, s9;
	s26 =	sadd.s32 $0x30, s0  }
0x270: {  	[hbm4b:s26+s7] =	stream.linear.scatter [tilespmem:s25], [sflag:$0x2], $0x80, $0x38;
	[tilespmem:$0x2800] =	vst v63  }
0x271: {  	s28 =	sor.u32 $0x1C00, s9;
	s31 =	sadd.s32 $0x40, s0  }
0x272: {  	[hbm4b:s31+s7] =	stream.linear.scatter [tilespmem:s28], [sflag:$0x2], $0x80, $0x38;
	[tilespmem:$0x2800] =	vst v63  }
0x273: {  	s3 =	sor.u32 $0x1D00, s9;
	s4 =	sadd.s32 $0x50, s0  }
0x274: {  	[hbm4b:s4+s7] =	stream.linear.scatter [tilespmem:s3], [sflag:$0x2], $0x80, $0x38;
	[tilespmem:$0x2800] =	vst v63  }
0x275: {  	s5 =	sor.u32 $0x1E00, s9;
	s6 =	sadd.s32 $0x60, s0  }
0x276: {  	[hbm4b:s6+s7] =	stream.linear.scatter [tilespmem:s5], [sflag:$0x2], $0x80, $0x38;
	[tilespmem:$0x2800] =	vst v63  }
0x277: {  	s10 =	sor.u32 $0x1F00, s9;
	s12 =	sadd.s32 $0x70, s0  }
0x278: {  	[hbm4b:s12+s7] =	stream.linear.scatter [tilespmem:s10], [sflag:$0x2], $0x80, $0x38;
	[tilespmem:$0x2800] =	vst v63  }
0x279: {  	s13 =	sor.u32 $0x2000, s9;
	s14 =	sadd.s32 $0x80, s0  }
0x27a: {  	[hbm4b:s14+s7] =	stream.linear.scatter [tilespmem:s13], [sflag:$0x2], $0x80, $0x38;
	[tilespmem:$0x2800] =	vst v63  }
0x27b: {  	s15 =	sor.u32 $0x2100, s9;
	s17 =	sadd.s32 $0x90, s0  }
0x27c: {  	[hbm4b:s17+s7] =	stream.linear.scatter [tilespmem:s15], [sflag:$0x2], $0x80, $0x38;
	[tilespmem:$0x2800] =	vst v63  }
0x27d: {  	s18 =	sor.u32 $0x2200, s9;
	s19 =	sadd.s32 $0xA0, s0  }
0x27e: {  	[hbm4b:s19+s7] =	stream.linear.scatter [tilespmem:s18], [sflag:$0x2], $0x80, $0x38;
	[tilespmem:$0x2800] =	vst v63  }
0x27f: {  	s20 =	sor.u32 $0x2300, s9;
	s21 =	sadd.s32 $0xB0, s0  }
0x280: {  	[hbm4b:s21+s7] =	stream.linear.scatter [tilespmem:s20], [sflag:$0x2], $0x80, $0x38;
	[tilespmem:$0x2800] =	vst v63  }
0x281: {  	s22 =	sor.u32 $0x2400, s9;
	s23 =	sadd.s32 $0xC0, s0  }
0x282: {  	[hbm4b:s23+s7] =	stream.linear.scatter [tilespmem:s22], [sflag:$0x2], $0x80, $0x38;
	[tilespmem:$0x2800] =	vst v63  }
0x283: {  	s24 =	sor.u32 $0x2500, s9;
	s25 =	sadd.s32 $0xD0, s0  }
0x284: {  	[hbm4b:s25+s7] =	stream.linear.scatter [tilespmem:s24], [sflag:$0x2], $0x80, $0x38;
	[tilespmem:$0x2800] =	vst v63  }
.Ltmp21:
0x285: {  	_ = 	snop;
	(pc) =	sbr.rel .LBB2_26-.Ltmp21, $4  }
0x286: {  	s26 =	sor.u32 $0x2600, s9;
	s28 =	sadd.s32 $0xE0, s0  }
0x287: {  	[hbm4b:s28+s7] =	stream.linear.scatter [tilespmem:s26], [sflag:$0x2], $0x80, $0x38;
	[tilespmem:$0x2800] =	vst v63  }
0x288: {  	s31 =	sor.u32 $0x2700, s9;
	s0 =	sadd.s32 $0xF0, s0  }
0x289: {  	[hbm4b:s0+s7] =	stream.linear.scatter [tilespmem:s31], [sflag:$0x2], $0x80, $0x38;
	[tilespmem:$0x2800] =	vst v63  }
.LBB2_27:
0x28a: {  	s0 =	simm.s32 @!p0 $0x2  }
0x28b: {  	_ =	swait.ge @!p0 [sflag:s0], $0x800  }
.Ltmp22:
0x28c: {  	[sflag:s0] =	ssyncset.done @!p0 $0x0;
	(pc) =	sbr.rel @p1 .LBB2_31-.Ltmp22, $4  }
0x28d: {  	[sflag:s0] =	ssyncadd.s32 @!p0 $0xFFFFF800;
	s0 =	simm.s32 @p4 $0x2  }
0x28e: {  	_ =	swait.ge @p4 [sflag:s0], $0x800  }
0x28f: {  	[sflag:s0] =	ssyncset.done @p4 $0x0  }
0x290: {  	[sflag:s0] =	ssyncadd.s32 @p4 $0xFFFFF800  }
0x291: {  	s0 =	simm.s32 $0x0;
	s1 =	simm.s32 $0x1;
	s2 =	simm.s32 $0x2  }
0x292: {  	s15 =	simm.s32 $0x4;
	s17 =	simm.s32 $0x5;
	s18 =	simm.s32 $0x7;
	v1 =	vmov s0;
	v2 =	vmov s1;
	v3 =	vmov s2  }
0x293: {  	s3 =	simm.s32 $0x9;
	s19 =	simm.s32 $0x8;
	s4 =	simm.s32 $0xE;
	v4 =	vmov s15;
	v5 =	vmov s17;
	v6 =	vmov s18  }
0x294: {  	s20 =	simm.s32 $0xF;
	s21 =	simm.s32 $0xA;
	s23 =	simm.s32 $0xD;
	v7 =	vmov s19;
	v8 =	vmov s3;
	v9 =	vmov s4  }
0x295: {  	s24 =	simm.s32 $0xB;
	s26 =	simm.s32 $0x3;
	v10 =	vmov s21;
	v11 =	vmov s20;
	v12 =	vmov s23  }
0x296: {  	v13 =	vmov s24;
	v14 =	vmov s26;
	v3 =	vand.u32 $0x72, v3  }
0x297: {  	s22 =	simm.s32 $0xC;
	v4 =	vand.u32 $0x74, v4;
	v7 =	vand.u32 $0x78, v7;
	v15 =	vand.u32 $0x71, v2  }
0x298: {  	v2 =	vmov s22;
	v11 =	vand.u32 $0x7F, v11;
	v12 =	vand.u32 $0x7D, v12  }
0x299: {  	v9 =	vand.u32 $0x7E, v9;
	v13 =	vand.u32 $0x7B, v13;
	v6 =	vand.u32 $0x77, v6  }
0x29a: {  	v10 =	vand.u32 $0x7A, v10;
	v1 =	vand.u32 $0x70, v1;
	v7 =	vbroadcast v7, $0x0  }
0x29b: {  	v2 =	vand.u32 $0x7C, v2;
	v16 =	vbroadcast v11, $0x0;
	v3 =	vbroadcast v3, $0x0  }
0x29c: {  	s25 =	simm.s32 $0x6;
	s28 =	rddreg [dreg:$0x8];
	s31 =	simm.s32 $0x3;
	v6 =	vbroadcast v6, $0x0;
	v2 =	vbroadcast v2, $0x0;
	v7 =	vor.u32 v0, v7  }
0x29d: {  	[tilespmem:s30], [sflag:$0x3] =	stream.linear.gather [hbm4b:s28+s0], $0x800, $0x38;
	v11 =	vmov s25;
	v9 =	vbroadcast v9, $0x0;
	v15 =	vbroadcast v15, $0x0;
	[tilespmem:$0x2800] =	vst v63  }
0x29e: {  	_ =	swait.ge [sflag:s31], $0x800;
	v18 =	vor.u32 v0, v3;
	v3 =	vbroadcast v4, $0x0;
	v17 =	vor.u32 v0, v2  }
0x29f: {  	[sflag:s31] =	ssyncset.done $0x0;
	v19 =	vor.u32 v0, v6;
	v2 =	vand.u32 $0x75, v5;
	v5 =	vand.u32 $0x79, v8  }
0x2a0: {  	[sflag:s31] =	ssyncadd.s32 $0xFFFFF800;
	v8 =	vbroadcast v1, $0x0;
	v1 =	vand.u32 $0x76, v11;
	v11 =	vbroadcast v12, $0x0  }
0x2a1: {  	v12 =	vand.u32 $0x73, v14;
	v1 =	vbroadcast v1, $0x0;
	v20 =	vbroadcast v2, $0x0;
	v4 =	vld.idx.msk [tilespmem:v7+s30+$0x0], $0xffff  }
0x2a2: {  	v14 =	vor.u32 v0, v11;
	v11 =	vor.u32 v0, v3;
	v7 =	vbroadcast v10, $0x0  }
0x2a3: {  	v6 =	vor.u32 v0, v1;
	v10 =	vbroadcast v13, $0x0;
	v13 =	vbroadcast v12, $0x0;
	v12 =	vld.idx.msk [tilespmem:v17+s30+$0x0], $0xffff  }
0x2a4: {  	v17 =	vbroadcast v5, $0x0;
	v5 =	vor.u32 v0, v8;
	v8 =	vor.u32 v0, v9;
	v9 =	vld.idx.msk [tilespmem:v19+s30+$0x0], $0xffff  }
0x2a5: {  	s0 =	simm.s32 $0x1900;
	v3 =	vor.u32 v0, v20;
	v2 =	vor.u32 v0, v7;
	v1 =	vor.u32 v0, v13;
	v7 =	vld.idx.msk [tilespmem:v18+s30+$0x0], $0xffff  }
0x2a6: {  	s6 =	simm.s32 $0x1B00;
	s2 =	simm.s32 $0x10;
	v13 =	vor.u32 v0, v16;
	v10 =	vor.u32 v0, v10;
	[tilespmem:s0+$0x0] =	vst v4;
	v4 =	vor.u32 v0, v17  }
.LBB2_29:
0x2a7: {  	s1 =	sadd.s32 $0x1, s2  }
0x2a8: {  	v16 =	vmov s2;
	s3 =	sadd.s32 $0x2, s2;
	s4 =	sadd.s32 $0xE, s2;
	[tilespmem:s0+$0x40] =	vst v12;
	v12 =	vld.idx.msk [tilespmem:v14+s30+$0x0], $0xffff;
	s5 =	smov.u32 s2  }
0x2a9: {  	s8 =	sadd.s32 $0x5, s2;
	s9 =	sadd.s32 $0x9, s2;
	v14 =	vmov s1;
	v17 =	vmov s3;
	s3 =	sadd.s32 $0x4, s2;
	v15 =	vor.u32 v0, v15;
	v11 =	vld.idx.msk [tilespmem:v11+s30+$0x0], $0xffff  }
0x2aa: {  	s1 =	sadd.s32 $0x3, s2;
	v19 =	vmov s8;
	s8 =	sadd.s32 $0x8, s2;
	v17 =	vand.u32 $0x72, v17;
	v18 =	vmov s3;
	s3 =	sadd.s32 $0x7, s2;
	v6 =	vld.idx.msk [tilespmem:v6+s30+$0x0], $0xffff  }
0x2ab: {  	s10 =	sadd.s32 $0x6, s5;
	v22 =	vmov s9;
	v21 =	vmov s8;
	s8 =	sadd.s32 $0x10, s2;
	v20 =	vmov s3;
	s3 =	sadd.s32 $0xF, s5;
	v13 =	vld.idx.msk [tilespmem:v13+s30+$0x0], $0xffff  }
0x2ac: {  	p5 =	slt.u32 s2, $0x30;
	s9 =	sadd.s32 $0xA, s5;
	v23 =	vmov s4;
	v18 =	vand.u32 $0x74, v18;
	v21 =	vand.u32 $0x78, v21;
	[tilespmem:s0+$0xFFFFFF20] =	vst v7;
	v7 =	vld.idx.msk [tilespmem:v8+s30+$0x0], $0xffff  }
0x2ad: {  	s4 =	sadd.s32 $0xD, s5;
	s2 =	sadd.s32 $0xC, s5;
	v8 =	vbroadcast v21, $0x0;
	v21 =	vmov s9;
	v24 =	vmov s3;
	[tilespmem:s0+$0xFFFFFF70] =	vst v9;
	v9 =	vld.idx.msk [tilespmem:v10+s30+$0x0], $0xffff  }
0x2ae: {  	v25 =	vmov s4;
	s3 =	sadd.s32 $0xB, s5;
	v10 =	vand.u32 $0x71, v14;
	v14 =	vmov s2;
	v15 =	vld.idx.msk [tilespmem:v15+s30+$0x0], $0xffff;
	[tilespmem:s0+$0x50] =	vst v12  }
0x2af: {  	v24 =	vand.u32 $0x7F, v24;
	v8 =	vor.u32 v0, v8;
	v12 =	vmov s3;
	v5 =	vld.idx.msk [tilespmem:v5+s30+$0x0], $0xffff;
	[tilespmem:s0+$0xFFFFFF40] =	vst v11  }
0x2b0: {  	v23 =	vand.u32 $0x7E, v23;
	v11 =	vand.u32 $0x7C, v14;
	v14 =	vand.u32 $0x7D, v25;
	v3 =	vld.idx.msk [tilespmem:v3+s30+$0x0], $0xffff;
	[tilespmem:s0+$0xFFFFFF60] =	vst v6  }
0x2b1: {  	v24 =	vbroadcast v24, $0x0;
	v6 =	vand.u32 $0x7B, v12;
	v11 =	vbroadcast v11, $0x0;
	v2 =	vld.idx.msk [tilespmem:v2+s30+$0x0], $0xffff;
	[tilespmem:s0+$0x70] =	vst v13  }
0x2b2: {  	v12 =	vmov s10;
	v13 =	vand.u32 $0x77, v20;
	v20 =	vand.u32 $0x7A, v21;
	v4 =	vld.idx.msk [tilespmem:v4+s30+$0x0], $0xffff;
	[tilespmem:s0+$0x60] =	vst v7  }
0x2b3: {  	v7 =	vbroadcast v17, $0x0;
	v17 =	vmov s1;
	v11 =	vor.u32 v0, v11;
	v1 =	vld.idx.msk [tilespmem:v1+s30+$0x0], $0xffff;
	[tilespmem:s0+$0x30] =	vst v9  }
0x2b4: {  	v9 =	vand.u32 $0x70, v16;
	v16 =	vand.u32 $0x75, v19;
	v19 =	vand.u32 $0x79, v22;
	v8 =	vld.idx.msk [tilespmem:v8+s30+$0x0], $0xffff;
	[tilespmem:s0+$0xFFFFFF10] =	vst v15  }
0x2b5: {  	v14 =	vbroadcast v14, $0x0;
	v12 =	vand.u32 $0x76, v12;
	v9 =	vbroadcast v9, $0x0;
	[tilespmem:s0+$0xFFFFFF00] =	vst v5  }
0x2b6: {  	v13 =	vbroadcast v13, $0x0;
	v15 =	vbroadcast v23, $0x0;
	v5 =	vand.u32 $0x73, v17;
	[tilespmem:s0+$0xFFFFFF50] =	vst v3  }
0x2b7: {  	v7 =	vor.u32 v0, v7;
	v17 =	vbroadcast v12, $0x0;
	v3 =	vbroadcast v18, $0x0;
	[tilespmem:s0+$0x20] =	vst v2  }
0x2b8: {  	v18 =	vor.u32 v0, v13;
	v2 =	vbroadcast v20, $0x0;
	v20 =	vbroadcast v6, $0x0;
	v12 =	vld.idx.msk [tilespmem:v11+s30+$0x0], $0xffff;
	[tilespmem:s0+$0x10] =	vst v4  }
.Ltmp23:
0x2b9: {  	v14 =	vor.u32 v0, v14;
	v4 =	vbroadcast v5, $0x0;
	v5 =	vbroadcast v16, $0x0;
	[tilespmem:s0+$0xFFFFFF30] =	vst v1;
	s0 =	smov.u32 s6;
	(pc) =	sbr.rel @p5 .LBB2_29-.Ltmp23, $4  }
0x2ba: {  	v6 =	vor.u32 v0, v17;
	v11 =	vor.u32 v0, v3;
	v2 =	vor.u32 v0, v2;
	[tilespmem:s6+$0x0] =	vst v8  }
0x2bb: {  	v1 =	vor.u32 v0, v4;
	v3 =	vor.u32 v0, v5;
	v4 =	vbroadcast v19, $0x0  }
0x2bc: {  	v13 =	vor.u32 v0, v24;
	v5 =	vor.u32 v0, v9;
	v8 =	vor.u32 v0, v15;
	v7 =	vld.idx.msk [tilespmem:v7+s30+$0x0], $0xffff  }
0x2bd: {  	s2 =	smov.u32 s8;
	v15 =	vbroadcast v10, $0x0;
	v10 =	vor.u32 v0, v20;
	s6 =	sadd.s32 $0x200, s6;
	v4 =	vor.u32 v0, v4;
	v9 =	vld.idx.msk [tilespmem:v18+s30+$0x0], $0xffff  }
0x2be: {  	_ =	sdelay $0x3  }
0x2bf: {  	v14 =	vld.idx.msk [tilespmem:v14+s30+$0x0], $0xffff  }
0x2c0: {  	v11 =	vld.idx.msk [tilespmem:v11+s30+$0x0], $0xffff  }
0x2c1: {  	[tilespmem:s0+$0x40] =	vst v12;
	v6 =	vld.idx.msk [tilespmem:v6+s30+$0x0], $0xffff  }
0x2c2: {  	v60 =	vld.idx.msk [tilespmem:v13+s30+$0x0], $0xffff;
	[tilespmem:s0+$0xFFFFFF20] =	vst v7  }
0x2c3: {  	v61 =	vld.idx.msk [tilespmem:v8+s30+$0x0], $0xffff;
	[tilespmem:s0+$0xFFFFFF70] =	vst v9  }
0x2c4: {  	v62 =	vld.idx.msk [tilespmem:v10+s30+$0x0], $0xffff;
	[tilespmem:s0+$0x50] =	vst v14  }
0x2c5: {  	v5 =	vld.idx.msk [tilespmem:v5+s30+$0x0], $0xffff;
	v15 =	vor.u32 v0, v15;
	[tilespmem:s0+$0xFFFFFF40] =	vst v11  }
0x2c6: {  	v3 =	vld.idx.msk [tilespmem:v3+s30+$0x0], $0xffff;
	[tilespmem:s0+$0xFFFFFF60] =	vst v6  }
0x2c7: {  	v2 =	vld.idx.msk [tilespmem:v2+s30+$0x0], $0xffff;
	[tilespmem:s0+$0x70] =	vst v60  }
0x2c8: {  	v4 =	vld.idx.msk [tilespmem:v4+s30+$0x0], $0xffff;
	[tilespmem:s0+$0x60] =	vst v61  }
0x2c9: {  	v1 =	vld.idx.msk [tilespmem:v1+s30+$0x0], $0xffff;
	[tilespmem:s0+$0x30] =	vst v62  }
0x2ca: {  	[tilespmem:s0+$0xFFFFFF00] =	vst v5;
	v63 =	vld.idx.msk [tilespmem:v15+s30+$0x0], $0xffff  }
0x2cb: {  	[tilespmem:s0+$0xFFFFFF50] =	vst v3  }
0x2cc: {  	[tilespmem:s0+$0x20] =	vst v2  }
0x2cd: {  	[tilespmem:s0+$0x10] =	vst v4  }
0x2ce: {  	[tilespmem:s0+$0xFFFFFF30] =	vst v1  }
0x2cf: {  	[tilespmem:s0+$0xFFFFFF10] =	vst v63  }
0x2d0: {  	s13 =	simm.s32 $0x1800;
	s1 =	rddreg [dreg:$0x13]  }
0x2d1: {  	[hbm4b:s1+s7] =	stream.linear.scatter [tilespmem:s13], [sflag:$0x3], $0x80, $0x38;
	[tilespmem:$0x2800] =	vst v63  }
0x2d2: {  	s2 =	simm.s32 $0x1900;
	s14 =	sadd.s32 $0x10, s1  }
0x2d3: {  	[hbm4b:s14+s7] =	stream.linear.scatter [tilespmem:s2], [sflag:$0x3], $0x80, $0x38;
	[tilespmem:$0x2800] =	vst v63  }
0x2d4: {  	s17 =	simm.s32 $0x1A00;
	s15 =	sadd.s32 $0x20, s1  }
0x2d5: {  	[hbm4b:s15+s7] =	stream.linear.scatter [tilespmem:s17], [sflag:$0x3], $0x80, $0x38;
	[tilespmem:$0x2800] =	vst v63  }
0x2d6: {  	s19 =	simm.s32 $0x1B00;
	s18 =	sadd.s32 $0x30, s1  }
0x2d7: {  	[hbm4b:s18+s7] =	stream.linear.scatter [tilespmem:s19], [sflag:$0x3], $0x80, $0x38;
	[tilespmem:$0x2800] =	vst v63  }
0x2d8: {  	s21 =	simm.s32 $0x1C00;
	s20 =	sadd.s32 $0x40, s1  }
0x2d9: {  	[hbm4b:s20+s7] =	stream.linear.scatter [tilespmem:s21], [sflag:$0x3], $0x80, $0x38;
	[tilespmem:$0x2800] =	vst v63  }
0x2da: {  	s23 =	simm.s32 $0x1D00;
	s22 =	sadd.s32 $0x50, s1  }
0x2db: {  	[hbm4b:s22+s7] =	stream.linear.scatter [tilespmem:s23], [sflag:$0x3], $0x80, $0x38;
	[tilespmem:$0x2800] =	vst v63  }
0x2dc: {  	s25 =	simm.s32 $0x1E00;
	s24 =	sadd.s32 $0x60, s1  }
0x2dd: {  	[hbm4b:s24+s7] =	stream.linear.scatter [tilespmem:s25], [sflag:$0x3], $0x80, $0x38;
	[tilespmem:$0x2800] =	vst v63  }
0x2de: {  	s28 =	simm.s32 $0x1F00;
	s31 =	simm.s32 $0x3;
	s26 =	sadd.s32 $0x70, s1  }
0x2df: {  	[hbm4b:s26+s7] =	stream.linear.scatter [tilespmem:s28], [sflag:$0x3], $0x80, $0x38;
	[tilespmem:$0x2800] =	vst v63  }
0x2e0: {  	_ =	swait.ge [sflag:s31], $0x400  }
0x2e1: {  	[sflag:s31] =	ssyncset.done $0x0  }
0x2e2: {  	[sflag:s31] =	ssyncadd.s32 $0xFFFFFC00  }
.LBB2_31:
.Ltmp24:
0x2e3: {  	(pc) =	sbr.rel .LBB2_32-.Ltmp24, $4  }
0x2e4: {  	_ = 	snop  }
0x2e5: {  	s8 =	simm.s32 $0x0  }
0x2e6: {  	s0 =	rddreg [dreg:$0x14];
	s1 =	simm.s32 $0x400;
	s2 =	simm.s32 $0x7A1400  }
0x2e7: {  	[tilespmem:s8], [sflag:$0x1] =	stream.strided.gather [hbm4b:s0+s1], $0x800, s2, s1, $0x38;
	[tilespmem:$0x2800] =	vst v63  }
.LBB2_36:
0x2e8: {  	s8 =	sadd.s32 $0x1, s8  }
0x2e9: {  	p5 =	sne.s32 s8, $0xF5  }
.Ltmp25:
0x2ea: {  	_ = 	snop;
	(pc) =	sbr.rel @!p5 .LBB2_37-.Ltmp25, $1  }
0x2eb: {  	_ =	sdelay $0x3  }
.LBB2_32:
0x2ec: {  	s10 =	sadd.s32 s11, s8  }
0x2ed: {  	p5 =	sge.u32 s10, s16  }
.Ltmp26:
0x2ee: {  	_ = 	snop;
	(pc) =	sbr.rel @p5 .LBB2_36-.Ltmp26, $1  }
0x2ef: {  	_ =	sdelay $0x3  }
0x2f0: {  	s0 =	sadd.s32 $0x1, s10  }
0x2f1: {  	s2 =	rddreg [dreg:$0x3];
	s18 =	simm.s32 $0x3;
	s19 =	simm.s32 $0x1  }
0x2f2: {  	s20 =	simm.s32 $0x2;
	s21 =	sshll.u32 s8, $0xB;
	s22 =	sshll.u32 s8, $0x7  }
0x2f3: {  	s17 =	simm.s32 $0x0;
	s6 =	simm.s32 $0x4;
	s23 =	simm.s32 $0x23  }
0x2f4: {  	s24 =	simm.s32 $0x21;
	s25 =	simm.s32 $0x22;
	p5 =	sge.u32 s0, s16  }
0x2f5: {  	s1 =	sxor.u32 @!p5 $0xFFFFFFFF, s8;
	s0 =	sshll.u32 @!p5 s0, $0x7;
	s3 =	simm.s32 @!p5 $0x7A1400  }
0x2f6: {  	s4 =	simm.s32 $0x20;
	v1 =	vmov s18;
	s1 =	sshll.u32 @!p5 s1, $0xB;
	s0 =	sand.u32 @!p5 $0x1FFFFF80, s0  }
0x2f7: {  	v2 =	vmov s19;
	v1 =	vand.u32 $0x7F, v1;
	s1 =	sand.u32 @!p5 $0x800, s1;
	s0 =	sadd.s32 @!p5 s2, s0;
	s2 =	simm.s32 @!p5 $0x400  }
0x2f8: {  	v3 =	vmov s20;
	v2 =	vand.u32 $0x7D, v2;
	v1 =	vbroadcast v1, $0x0;
	[tilespmem:s1], [sflag:$0x1] =	stream.strided.gather @!p5 [hbm4b:s0+s2], $0x800, s3, s2, $0x38;
	[tilespmem:$0x2800] =	vst v63  }
0x2f9: {  	s26 =	simm.s32 $0x40;
	s31 =	simm.s32 $0x41;
	v4 =	vmov s17;
	v3 =	vand.u32 $0x7E, v3;
	v2 =	vbroadcast v2, $0x0;
	_ =	swait.ge [sflag:s29], $0x800  }
0x2fa: {  	s5 =	simm.s32 $0x42;
	v4 =	vand.u32 $0x7C, v4;
	v3 =	vbroadcast v3, $0x0;
	p5 =	slt.u32 s8, $0x2;
	v5 =	vor.u32 v0, v1;
	[sflag:s29] =	ssyncset.done $0x0  }
0x2fb: {  	s12 =	simm.s32 $0x10;
	v4 =	vbroadcast v4, $0x0;
	v2 =	vor.u32 v0, v2;
	s0 =	simm.s32 @!p5 $0x2;
	[sflag:s29] =	ssyncadd.s32 $0xFFFFF800  }
0x2fc: {  	s13 =	simm.s32 $0x30;
	s9 =	sand.u32 $0x80, s22;
	v6 =	vmov s23;
	v3 =	vor.u32 v0, v3;
	_ =	swait.ge @!p5 [sflag:s0], $0x800  }
0x2fd: {  	s18 =	simm.s32 $0x60;
	s20 =	simm.s32 $0x61;
	v7 =	vmov s24;
	v8 =	vmov s25;
	v4 =	vor.u32 v0, v4;
	[sflag:s0] =	ssyncset.done @!p5 $0x0  }
0x2fe: {  	s19 =	simm.s32 $0x62;
	v9 =	vmov s4;
	v11 =	vmov s31;
	v6 =	vand.u32 $0x7F, v6;
	[sflag:s0] =	ssyncadd.s32 @!p5 $0xFFFFF800;
	s0 =	sand.u32 $0x800, s21  }
0x2ff: {  	s23 =	simm.s32 $0x6;
	s14 =	sand.u32 $0x300, s17;
	s15 =	sand.u32 $0x70, s13;
	v7 =	vand.u32 $0x7D, v7;
	v6 =	vbroadcast v6, $0x0;
	v1 =	vmov s9;
	v5 =	vld.idx.msk [tilespmem:v5+s0+$0x0], $0xffff  }
0x300: {  	s22 =	simm.s32 $0x43;
	s12 =	sand.u32 $0x50, s12;
	s25 =	sand.u32 $0x40, s17;
	v8 =	vand.u32 $0x7E, v8;
	v9 =	vand.u32 $0x7C, v9;
	v7 =	vbroadcast v7, $0x0;
	v2 =	vld.idx.msk [tilespmem:v2+s0+$0x0], $0xffff  }
0x301: {  	s24 =	simm.s32 $0x210;
	s31 =	simm.s32 $0x460;
	v10 =	vmov s22;
	s22 =	simm.s32 $0x220;
	v8 =	vbroadcast v8, $0x0;
	v6 =	vor.u32 v0, v6;
	v3 =	vld.idx.msk [tilespmem:v3+s0+$0x0], $0xffff  }
0x302: {  	v9 =	vbroadcast v9, $0x0;
	s3 =	sor.u32 $0x1800, s14;
	s14 =	simm.s32 $0x20;
	v7 =	vor.u32 v0, v7;
	s2 =	sand.u32 $0x50, s24;
	v4 =	vld.idx.msk [tilespmem:v4+s0+$0x0], $0xffff  }
0x303: {  	v8 =	vor.u32 v0, v8;
	s4 =	sor.u32 s15, s3;
	s12 =	sor.u32 s12, s3;
	s14 =	sand.u32 $0x60, s14  }
0x304: {  	v10 =	vand.u32 $0x7F, v10;
	v9 =	vor.u32 v0, v9;
	s13 =	sor.u32 s25, s3;
	s3 =	sor.u32 s14, s3;
	s14 =	simm.s32 $0x420;
	[tilespmem:v1+s4+$0x0 ss:$0x1] =	vst.idx.msk $0xffff, v5  }
0x305: {  	v10 =	vbroadcast v10, $0x0;
	s24 =	simm.s32 $0x63;
	s15 =	simm.s32 $0x400;
	s1 =	sand.u32 $0x700, s14;
	v5 =	vand.u32 $0x7D, v11;
	v11 =	vmov s5;
	[tilespmem:v1+s12+$0x0 ss:$0x1] =	vst.idx.msk $0xffff, v2  }
0x306: {  	s1 =	sor.u32 s2, s1;
	s21 =	simm.s32 $0x5;
	s4 =	sand.u32 $0x700, s15;
	[tilespmem:v1+s3+$0x0 ss:$0x1] =	vst.idx.msk $0xffff, v3;
	v2 =	vld.idx.msk [tilespmem:v6+s0+$0x0], $0xffff;
	v6 =	vmov s26;
	v5 =	vbroadcast v5, $0x0;
	v11 =	vand.u32 $0x7E, v11  }
0x307: {  	v10 =	vor.u32 v0, v10;
	s5 =	simm.s32 $0x440;
	s15 =	sand.u32 $0x700, s31;
	[tilespmem:v1+s13+$0x0 ss:$0x1] =	vst.idx.msk $0xffff, v4;
	s13 =	simm.s32 $0x410;
	v7 =	vld.idx.msk [tilespmem:v7+s0+$0x0], $0xffff;
	v3 =	vand.u32 $0x7C, v6;
	v6 =	vbroadcast v11, $0x0  }
0x308: {  	s26 =	simm.s32 $0x230;
	v4 =	vld.idx.msk [tilespmem:v8+s0+$0x0], $0xffff;
	s5 =	sand.u32 $0x700, s5;
	s4 =	sor.u32 s25, s4;
	v3 =	vbroadcast v3, $0x0;
	v5 =	vor.u32 v0, v5  }
0x309: {  	v8 =	vmov s24;
	s2 =	sand.u32 $0x50, s13;
	s24 =	simm.s32 $0x430;
	s12 =	sand.u32 $0x70, s26;
	v11 =	vld.idx.msk [tilespmem:v9+s0+$0x0], $0xffff;
	v9 =	vmov s20;
	v6 =	vor.u32 v0, v6  }
0x30a: {  	s26 =	sand.u32 $0x60, s22;
	v8 =	vand.u32 $0x7F, v8;
	s22 =	simm.s32 $0x840;
	s3 =	sor.u32 s12, s15;
	v12 =	vand.u32 $0x7D, v9;
	v3 =	vor.u32 v0, v3  }
0x30b: {  	s31 =	sor.u32 s26, s5;
	s5 =	simm.s32 $0x800;
	s15 =	simm.s32 $0x820;
	v13 =	vbroadcast v8, $0x0;
	v8 =	vmov s18;
	[tilespmem:v1+s3+$0x1800 ss:$0x1] =	vst.idx.msk $0xffff, v2;
	v2 =	vmov s19  }
0x30c: {  	s18 =	sand.u32 $0x60, s14;
	s20 =	sand.u32 $0xB00, s22;
	s26 =	simm.s32 $0x860;
	[tilespmem:v1+s1+$0x1800 ss:$0x1] =	vst.idx.msk $0xffff, v7;
	v7 =	vand.u32 $0x7C, v8;
	v9 =	vld.idx.msk [tilespmem:v10+s0+$0x0], $0xffff;
	v10 =	vbroadcast v12, $0x0;
	v2 =	vand.u32 $0x7E, v2  }
0x30d: {  	s22 =	simm.s32 $0x7;
	s19 =	sand.u32 $0xB00, s5;
	s5 =	sand.u32 $0xB00, s15;
	[tilespmem:v1+s31+$0x1800 ss:$0x1] =	vst.idx.msk $0xffff, v4;
	v63 =	vbroadcast v7, $0x0;
	v7 =	vor.u32 v0, v13;
	v8 =	vld.idx.msk [tilespmem:v5+s0+$0x0], $0xffff;
	v2 =	vbroadcast v2, $0x0  }
0x30e: {  	s1 =	sand.u32 $0x70, s24;
	s31 =	sand.u32 $0xB00, s26;
	s26 =	simm.s32 $0x8;
	[tilespmem:v1+s4+$0x1800 ss:$0x1] =	vst.idx.msk $0xffff, v11;
	v6 =	vld.idx.msk [tilespmem:v6+s0+$0x0], $0xffff;
	v5 =	vor.u32 v0, v10  }
0x30f: {  	s28 =	sor.u32 s25, s19;
	s1 =	sor.u32 s1, s31;
	s19 =	simm.s32 $0x0;
	v4 =	vld.idx.msk [tilespmem:v3+s0+$0x0], $0xffff;
	v3 =	vor.u32 v0, v2;
	v2 =	vor.u32 v0, v63  }
.LBB2_34:
0x310: {  	p5 =	slt.u32 s26, $0x1C;
	s2 =	sor.u32 s2, s5  }
0x311: {  	v10 =	vmov s22;
	s3 =	sor.u32 s18, s20;
	[tilespmem:v1+s1+$0x1800 ss:$0x1] =	vst.idx.msk $0xffff, v9;
	s18 =	smov.u32 s6;
	s6 =	smov.u32 s26  }
0x312: {  	v9 =	vmov s21;
	s1 =	sadd.s32 $0xC00, s17;
	s4 =	sadd.s32 $0xC20, s17;
	v10 =	vand.u32 $0x7F, v10;
	[tilespmem:v1+s2+$0x1800 ss:$0x1] =	vst.idx.msk $0xffff, v8;
	s2 =	sadd.s32 $0x610, s19;
	v7 =	vld.idx.msk [tilespmem:v7+s0+$0x0], $0xffff  }
0x313: {  	s5 =	sadd.s32 $0xC40, s17;
	v8 =	vand.u32 $0x7D, v9;
	v9 =	vmov s23;
	s1 =	sand.u32 $0xF00, s1;
	v10 =	vbroadcast v10, $0x0;
	v5 =	vld.idx.msk [tilespmem:v5+s0+$0x0], $0xffff;
	[tilespmem:v1+s3+$0x1800 ss:$0x1] =	vst.idx.msk $0xffff, v6;
	s3 =	sadd.s32 $0x620, s19  }
0x314: {  	s4 =	sand.u32 $0xF00, s4;
	v6 =	vmov s18;
	v8 =	vbroadcast v8, $0x0;
	v9 =	vand.u32 $0x7E, v9;
	s2 =	sand.u32 $0x50, s2;
	[tilespmem:v1+s28+$0x1800 ss:$0x1] =	vst.idx.msk $0xffff, v4;
	v3 =	vld.idx.msk [tilespmem:v3+s0+$0x0], $0xffff;
	s3 =	sand.u32 $0x60, s3  }
0x315: {  	s12 =	sadd.s32 $0x630, s19;
	s13 =	sadd.s32 $0xC60, s17;
	s5 =	sand.u32 $0xF00, s5;
	v4 =	vand.u32 $0x7C, v6;
	v6 =	vbroadcast v9, $0x0;
	v9 =	vor.u32 v0, v10;
	v2 =	vld.idx.msk [tilespmem:v2+s0+$0x0], $0xffff  }
0x316: {  	s12 =	sand.u32 $0x70, s12;
	s13 =	sand.u32 $0xF00, s13;
	s1 =	sor.u32 s25, s1;
	v4 =	vbroadcast v4, $0x0;
	v8 =	vor.u32 v0, v8  }
0x317: {  	s14 =	sadd.s32 $0x23, s18;
	s2 =	sor.u32 s2, s4;
	s4 =	sor.u32 s12, s13;
	v6 =	vor.u32 v0, v6  }
0x318: {  	s21 =	sadd.s32 $0x1, s26;
	s12 =	sadd.s32 $0x21, s18;
	v10 =	vmov s14;
	s3 =	sor.u32 s3, s5;
	v4 =	vor.u32 v0, v4;
	[tilespmem:v1+s4+$0x1800 ss:$0x1] =	vst.idx.msk $0xffff, v7  }
0x319: {  	s20 =	sadd.s32 $0x60, s18;
	s28 =	sadd.s32 $0x61, s18;
	v10 =	vand.u32 $0x7F, v10;
	v7 =	vmov s12;
	s4 =	sadd.s32 $0x22, s18;
	[tilespmem:v1+s2+$0x1800 ss:$0x1] =	vst.idx.msk $0xffff, v5  }
0x31a: {  	s22 =	sadd.s32 $0x62, s18;
	s5 =	sadd.s32 $0x40, s18;
	v10 =	vbroadcast v10, $0x0;
	s2 =	sadd.s32 $0x20, s18;
	v5 =	vand.u32 $0x7D, v7;
	v7 =	vmov s4;
	v9 =	vld.idx.msk [tilespmem:v9+s0+$0x0], $0xffff;
	[tilespmem:v1+s3+$0x1800 ss:$0x1] =	vst.idx.msk $0xffff, v3  }
0x31b: {  	s17 =	sadd.s32 $0x80, s17;
	v3 =	vmov s2;
	v5 =	vbroadcast v5, $0x0;
	s2 =	sadd.s32 $0x41, s18;
	v7 =	vand.u32 $0x7E, v7;
	s3 =	sadd.s32 $0x42, s18;
	v8 =	vld.idx.msk [tilespmem:v8+s0+$0x0], $0xffff;
	[tilespmem:v1+s1+$0x1800 ss:$0x1] =	vst.idx.msk $0xffff, v2  }
0x31c: {  	s23 =	sadd.s32 $0x2, s26;
	s19 =	sadd.s32 $0x40, s19;
	s13 =	sadd.s32 $0x43, s18;
	v2 =	vand.u32 $0x7C, v3;
	v3 =	vld.idx.msk [tilespmem:v6+s0+$0x0], $0xffff;
	v6 =	vbroadcast v7, $0x0;
	v7 =	vor.u32 v0, v10  }
0x31d: {  	s12 =	sadd.s32 $0x30, s19;
	s4 =	sadd.s32 $0x10, s19;
	s1 =	sand.u32 $0x300, s17;
	v2 =	vbroadcast v2, $0x0;
	v5 =	vor.u32 v0, v5;
	v4 =	vld.idx.msk [tilespmem:v4+s0+$0x0], $0xffff  }
0x31e: {  	s25 =	sand.u32 $0x40, s19;
	s12 =	sand.u32 $0x70, s12;
	s1 =	sor.u32 $0x1800, s1;
	v6 =	vor.u32 v0, v6  }
0x31f: {  	s14 =	sadd.s32 $0x20, s19;
	s4 =	sand.u32 $0x50, s4;
	v10 =	vmov s13;
	s12 =	sor.u32 s12, s1;
	v2 =	vor.u32 v0, v2  }
0x320: {  	v11 =	vmov s2;
	s2 =	sand.u32 $0x60, s14;
	s14 =	sadd.s32 $0x63, s18;
	s4 =	sor.u32 s4, s1;
	[tilespmem:v1+s12+$0x0 ss:$0x1] =	vst.idx.msk $0xffff, v9;
	v9 =	vand.u32 $0x7F, v10  }
0x321: {  	s13 =	sadd.s32 $0x400, s17;
	s12 =	sor.u32 s25, s1;
	s1 =	sor.u32 s2, s1;
	v10 =	vmov s3;
	[tilespmem:v1+s4+$0x0 ss:$0x1] =	vst.idx.msk $0xffff, v8;
	v8 =	vand.u32 $0x7D, v11;
	v7 =	vld.idx.msk [tilespmem:v7+s0+$0x0], $0xffff;
	v9 =	vbroadcast v9, $0x0  }
0x322: {  	s2 =	sadd.s32 $0x210, s19;
	s3 =	sadd.s32 $0x420, s17;
	v11 =	vmov s5;
	v5 =	vld.idx.msk [tilespmem:v5+s0+$0x0], $0xffff;
	v8 =	vbroadcast v8, $0x0;
	[tilespmem:v1+s1+$0x0 ss:$0x1] =	vst.idx.msk $0xffff, v3;
	s1 =	sadd.s32 $0x220, s19;
	v3 =	vand.u32 $0x7E, v10  }
0x323: {  	s4 =	sand.u32 $0x700, s13;
	s2 =	sand.u32 $0x50, s2;
	s5 =	sadd.s32 $0x440, s17;
	[tilespmem:v1+s12+$0x0 ss:$0x1] =	vst.idx.msk $0xffff, v4;
	v4 =	vand.u32 $0x7C, v11;
	v6 =	vld.idx.msk [tilespmem:v6+s0+$0x0], $0xffff;
	v3 =	vbroadcast v3, $0x0;
	v9 =	vor.u32 v0, v9  }
0x324: {  	s3 =	sand.u32 $0x700, s3;
	s13 =	sadd.s32 $0x460, s17;
	s12 =	sadd.s32 $0x230, s19;
	v2 =	vld.idx.msk [tilespmem:v2+s0+$0x0], $0xffff;
	v4 =	vbroadcast v4, $0x0;
	v8 =	vor.u32 v0, v8  }
0x325: {  	s13 =	sand.u32 $0x700, s13;
	s5 =	sand.u32 $0x700, s5;
	s12 =	sand.u32 $0x70, s12;
	v3 =	vor.u32 v0, v3  }
0x326: {  	v10 =	vmov s14;
	s4 =	sor.u32 s25, s4;
	s1 =	sand.u32 $0x60, s1;
	s12 =	sor.u32 s12, s13;
	v4 =	vor.u32 v0, v4  }
0x327: {  	s2 =	sor.u32 s2, s3;
	s3 =	sadd.s32 $0x800, s17;
	v11 =	vmov s28;
	s1 =	sor.u32 s1, s5;
	[tilespmem:v1+s12+$0x1800 ss:$0x1] =	vst.idx.msk $0xffff, v7;
	v7 =	vand.u32 $0x7F, v10  }
0x328: {  	s3 =	sand.u32 $0xB00, s3;
	s5 =	sadd.s32 $0x820, s17;
	v10 =	vmov s22;
	[tilespmem:v1+s2+$0x1800 ss:$0x1] =	vst.idx.msk $0xffff, v5;
	s2 =	sadd.s32 $0x410, s19;
	v5 =	vand.u32 $0x7D, v11;
	v9 =	vld.idx.msk [tilespmem:v9+s0+$0x0], $0xffff;
	v7 =	vbroadcast v7, $0x0  }
.Ltmp27:
0x329: {  	s12 =	sadd.s32 $0x840, s17;
	v11 =	vmov s20;
	v10 =	vand.u32 $0x7E, v10;
	v8 =	vld.idx.msk [tilespmem:v8+s0+$0x0], $0xffff;
	v5 =	vbroadcast v5, $0x0;
	[tilespmem:v1+s1+$0x1800 ss:$0x1] =	vst.idx.msk $0xffff, v6;
	s1 =	sadd.s32 $0x420, s19;
	(pc) =	sbr.rel @p5 .LBB2_34-.Ltmp27, $4  }
0x32a: {  	s5 =	sand.u32 $0xB00, s5;
	s2 =	sand.u32 $0x50, s2;
	[tilespmem:v1+s4+$0x1800 ss:$0x1] =	vst.idx.msk $0xffff, v2;
	v2 =	vand.u32 $0x7C, v11;
	v6 =	vld.idx.msk [tilespmem:v3+s0+$0x0], $0xffff;
	s18 =	sand.u32 $0x60, s1;
	v3 =	vbroadcast v10, $0x0;
	v7 =	vor.u32 v0, v7  }
0x32b: {  	s20 =	sand.u32 $0xB00, s12;
	s1 =	sadd.s32 $0x430, s19;
	s4 =	sadd.s32 $0x860, s17;
	v4 =	vld.idx.msk [tilespmem:v4+s0+$0x0], $0xffff;
	v2 =	vbroadcast v2, $0x0;
	v5 =	vor.u32 v0, v5  }
0x32c: {  	s28 =	sor.u32 s25, s3;
	s1 =	sand.u32 $0x70, s1;
	s3 =	sand.u32 $0xB00, s4;
	v3 =	vor.u32 v0, v3  }
0x32d: {  	s26 =	sadd.s32 $0x4, s26;
	s22 =	sadd.s32 $0x3, s6;
	s1 =	sor.u32 s1, s3;
	v2 =	vor.u32 v0, v2  }
0x32e: {  	v10 =	vmov s22;
	s2 =	sor.u32 s2, s5;
	s22 =	sor.u32 s18, s20  }
0x32f: {  	v11 =	vmov s21;
	s3 =	sadd.s32 $0xC00, s17;
	s4 =	sadd.s32 $0x610, s19;
	s18 =	sadd.s32 $0xC20, s17;
	v10 =	vand.u32 $0x7F, v10  }
0x330: {  	v12 =	vmov s23;
	s12 =	sadd.s32 $0x620, s19;
	s13 =	sadd.s32 $0xC40, s17;
	s20 =	sadd.s32 $0x630, s19;
	v11 =	vand.u32 $0x7D, v11;
	v10 =	vbroadcast v10, $0x0  }
0x331: {  	v13 =	vmov s6;
	s24 =	sadd.s32 $0xC60, s17;
	s31 =	sadd.s32 $0x23, s6;
	s14 =	sadd.s32 $0x22, s6;
	v12 =	vand.u32 $0x7E, v12;
	v11 =	vbroadcast v11, $0x0  }
0x332: {  	s15 =	sadd.s32 $0x20, s6;
	s17 =	sadd.s32 $0x80, s17;
	s19 =	sadd.s32 $0x40, s19;
	v13 =	vand.u32 $0x7C, v13;
	v12 =	vbroadcast v12, $0x0;
	v10 =	vor.u32 v0, v10  }
0x333: {  	s3 =	sand.u32 $0xF00, s3;
	s4 =	sand.u32 $0x50, s4;
	s5 =	sand.u32 $0xF00, s18;
	v13 =	vbroadcast v13, $0x0;
	v11 =	vor.u32 v0, v11  }
0x334: {  	s23 =	sand.u32 $0x60, s12;
	v14 =	vmov s31;
	s18 =	sor.u32 s4, s5;
	s5 =	sadd.s32 $0x21, s6;
	v12 =	vor.u32 v0, v12  }
0x335: {  	s26 =	sand.u32 $0xF00, s13;
	s13 =	sand.u32 $0xF00, s24;
	s24 =	sadd.s32 $0x60, s6;
	v14 =	vand.u32 $0x7F, v14;
	v15 =	vmov s5;
	v13 =	vor.u32 v0, v13  }
0x336: {  	s12 =	sadd.s32 $0x40, s6;
	v16 =	vmov s14;
	s31 =	sadd.s32 $0x62, s6;
	s14 =	sadd.s32 $0x10, s19;
	v14 =	vbroadcast v14, $0x0;
	v15 =	vand.u32 $0x7D, v15  }
0x337: {  	v17 =	vmov s15;
	s15 =	sadd.s32 $0x30, s19;
	[tilespmem:v1+s22+$0x1800 ss:$0x1] =	vst.idx.msk $0xffff, v6;
	s22 =	sadd.s32 $0x800, s17;
	s21 =	sor.u32 s25, s3;
	v16 =	vand.u32 $0x7E, v16;
	v15 =	vbroadcast v15, $0x0;
	v10 =	vld.idx.msk [tilespmem:v10+s0+$0x0], $0xffff  }
0x338: {  	s25 =	sand.u32 $0x70, s20;
	s3 =	sadd.s32 $0x41, s6;
	s4 =	sadd.s32 $0x42, s6;
	v17 =	vand.u32 $0x7C, v17;
	v16 =	vbroadcast v16, $0x0;
	v14 =	vor.u32 v0, v14;
	v11 =	vld.idx.msk [tilespmem:v11+s0+$0x0], $0xffff  }
0x339: {  	s20 =	sor.u32 s25, s13;
	s13 =	sand.u32 $0x300, s17;
	v17 =	vbroadcast v17, $0x0;
	s25 =	sadd.s32 $0x43, s6;
	v15 =	vor.u32 v0, v15;
	v12 =	vld.idx.msk [tilespmem:v12+s0+$0x0], $0xffff  }
0x33a: {  	[tilespmem:v1+s1+$0x1800 ss:$0x1] =	vst.idx.msk $0xffff, v9;
	s14 =	sand.u32 $0x50, s14;
	v49 =	vmov s12;
	v44 =	vmov s25;
	s1 =	sor.u32 $0x1800, s13;
	s25 =	sand.u32 $0x70, s15;
	v16 =	vor.u32 v0, v16;
	v13 =	vld.idx.msk [tilespmem:v13+s0+$0x0], $0xffff  }
0x33b: {  	[tilespmem:v1+s2+$0x1800 ss:$0x1] =	vst.idx.msk $0xffff, v8;
	s12 =	sadd.s32 $0x460, s17;
	v46 =	vmov s3;
	s15 =	sadd.s32 $0x20, s19;
	v45 =	vor.u32 v0, v17;
	s13 =	sor.u32 s25, s1;
	v9 =	vand.u32 $0x7F, v44  }
0x33c: {  	v47 =	vmov s4;
	s25 =	sand.u32 $0x40, s19;
	s14 =	sor.u32 s14, s1;
	s2 =	sand.u32 $0x60, s15;
	v17 =	vand.u32 $0x7D, v46;
	v9 =	vbroadcast v9, $0x0;
	[tilespmem:v1+s13+$0x0 ss:$0x1] =	vst.idx.msk $0xffff, v10  }
0x33d: {  	s3 =	sadd.s32 $0x230, s19;
	s15 =	sor.u32 s25, s1;
	s1 =	sor.u32 s2, s1;
	v17 =	vbroadcast v17, $0x0;
	[tilespmem:v1+s14+$0x0 ss:$0x1] =	vst.idx.msk $0xffff, v11;
	v10 =	vand.u32 $0x7E, v47;
	v48 =	vld.idx.msk [tilespmem:v14+s0+$0x0], $0xffff  }
0x33e: {  	s5 =	sadd.s32 $0x61, s6;
	s2 =	sand.u32 $0x70, s3;
	s3 =	sand.u32 $0x700, s12;
	v9 =	vor.u32 v0, v9;
	[tilespmem:v1+s1+$0x0 ss:$0x1] =	vst.idx.msk $0xffff, v12;
	v50 =	vld.idx.msk [tilespmem:v15+s0+$0x0], $0xffff;
	v14 =	vand.u32 $0x7C, v49;
	v10 =	vbroadcast v10, $0x0  }
0x33f: {  	s12 =	sadd.s32 $0x220, s19;
	s2 =	sor.u32 s2, s3;
	v52 =	vor.u32 v0, v17;
	[tilespmem:v1+s15+$0x0 ss:$0x1] =	vst.idx.msk $0xffff, v13;
	s15 =	sadd.s32 $0x63, s6;
	v51 =	vld.idx.msk [tilespmem:v16+s0+$0x0], $0xffff;
	v14 =	vbroadcast v14, $0x0  }
0x340: {  	s13 =	sadd.s32 $0x210, s19;
	s14 =	sadd.s32 $0x420, s17;
	s6 =	sadd.s32 $0x400, s17;
	v53 =	vmov s15;
	v8 =	vld.idx.msk [tilespmem:v45+s0+$0x0], $0xffff;
	v10 =	vor.u32 v0, v10  }
0x341: {  	v54 =	vld.idx.msk [tilespmem:v7+s0+$0x0], $0xffff;
	[tilespmem:v1+s28+$0x1800 ss:$0x1] =	vst.idx.msk $0xffff, v4;
	v55 =	vmov s5;
	s1 =	sand.u32 $0x50, s13;
	s3 =	sand.u32 $0x700, s14;
	s13 =	sadd.s32 $0x440, s17;
	v6 =	vand.u32 $0x7F, v53;
	v14 =	vor.u32 v0, v14  }
0x342: {  	v5 =	vld.idx.msk [tilespmem:v5+s0+$0x0], $0xffff;
	v56 =	vmov s31;
	v7 =	vand.u32 $0x7D, v55;
	s1 =	sor.u32 s1, s3;
	s3 =	sand.u32 $0x60, s12;
	s15 =	sand.u32 $0x700, s13;
	v6 =	vbroadcast v6, $0x0;
	[tilespmem:v1+s2+$0x1800 ss:$0x1] =	vst.idx.msk $0xffff, v48  }
0x343: {  	v57 =	vmov s24;
	s24 =	sadd.s32 $0x410, s19;
	v7 =	vbroadcast v7, $0x0;
	v11 =	vand.u32 $0x7E, v56;
	s14 =	sand.u32 $0x700, s6;
	s3 =	sor.u32 s3, s15;
	[tilespmem:v1+s1+$0x1800 ss:$0x1] =	vst.idx.msk $0xffff, v50;
	v9 =	vld.idx.msk [tilespmem:v9+s0+$0x0], $0xffff  }
0x344: {  	v12 =	vand.u32 $0x7C, v57;
	v11 =	vbroadcast v11, $0x0;
	s12 =	sadd.s32 $0x430, s19;
	s13 =	sadd.s32 $0x860, s17;
	v6 =	vor.u32 v0, v6;
	s2 =	sor.u32 s25, s14;
	[tilespmem:v1+s3+$0x1800 ss:$0x1] =	vst.idx.msk $0xffff, v51;
	v58 =	vld.idx.msk [tilespmem:v52+s0+$0x0], $0xffff  }
0x345: {  	s28 =	sadd.s32 $0x820, s17;
	v7 =	vor.u32 v0, v7;
	v60 =	vbroadcast v12, $0x0;
	s5 =	sand.u32 $0x70, s12;
	s6 =	sand.u32 $0xB00, s13;
	[tilespmem:v1+s2+$0x1800 ss:$0x1] =	vst.idx.msk $0xffff, v8;
	v59 =	vld.idx.msk [tilespmem:v10+s0+$0x0], $0xffff  }
0x346: {  	s31 =	sadd.s32 $0x420, s19;
	s4 =	sand.u32 $0xB00, s22;
	[tilespmem:v1+s20+$0x1800 ss:$0x1] =	vst.idx.msk $0xffff, v54;
	v11 =	vor.u32 v0, v11;
	s5 =	sor.u32 s5, s6;
	v61 =	vld.idx.msk [tilespmem:v14+s0+$0x0], $0xffff  }
0x347: {  	v3 =	vld.idx.msk [tilespmem:v3+s0+$0x0], $0xffff;
	[tilespmem:v1+s18+$0x1800 ss:$0x1] =	vst.idx.msk $0xffff, v5;
	v62 =	vor.u32 v0, v60;
	s14 =	sadd.s32 $0x840, s17;
	s1 =	sand.u32 $0x50, s24;
	s3 =	sand.u32 $0xB00, s28  }
0x348: {  	v2 =	vld.idx.msk [tilespmem:v2+s0+$0x0], $0xffff;
	s2 =	sand.u32 $0x60, s31;
	s15 =	sand.u32 $0xB00, s14;
	s1 =	sor.u32 s1, s3;
	[tilespmem:v1+s5+$0x1800 ss:$0x1] =	vst.idx.msk $0xffff, v9  }
0x349: {  	s22 =	sadd.s32 $0x610, s19;
	s4 =	sor.u32 s25, s4;
	s2 =	sor.u32 s2, s15;
	[tilespmem:v1+s1+$0x1800 ss:$0x1] =	vst.idx.msk $0xffff, v58;
	v6 =	vld.idx.msk [tilespmem:v6+s0+$0x0], $0xffff  }
0x34a: {  	s20 =	sadd.s32 $0xC00, s17;
	s18 =	sor.u32 s23, s26;
	s26 =	sadd.s32 $0x630, s19;
	v7 =	vld.idx.msk [tilespmem:v7+s0+$0x0], $0xffff;
	[tilespmem:v1+s2+$0x1800 ss:$0x1] =	vst.idx.msk $0xffff, v59  }
0x34b: {  	s23 =	sadd.s32 $0xC20, s17;
	s13 =	sand.u32 $0x70, s26;
	s28 =	sadd.s32 $0xC60, s17;
	[tilespmem:v1+s4+$0x1800 ss:$0x1] =	vst.idx.msk $0xffff, v61;
	v63 =	vld.idx.msk [tilespmem:v11+s0+$0x0], $0xffff  }
0x34c: {  	[tilespmem:v1+s18+$0x1800 ss:$0x1] =	vst.idx.msk $0xffff, v3;
	s6 =	sand.u32 $0xF00, s23;
	s24 =	sadd.s32 $0x620, s19;
	s14 =	sand.u32 $0xF00, s28;
	v3 =	vld.idx.msk [tilespmem:v62+s0+$0x0], $0xffff  }
0x34d: {  	[tilespmem:v1+s21+$0x1800 ss:$0x1] =	vst.idx.msk $0xffff, v2;
	s31 =	sadd.s32 $0xC40, s17;
	s5 =	sand.u32 $0x50, s22;
	s0 =	sor.u32 s13, s14  }
0x34e: {  	s3 =	sand.u32 $0xF00, s31;
	s2 =	sand.u32 $0x60, s24;
	s15 =	sor.u32 s5, s6;
	[tilespmem:v1+s0+$0x1800 ss:$0x1] =	vst.idx.msk $0xffff, v6  }
0x34f: {  	s17 =	sand.u32 $0xF00, s20;
	s18 =	sor.u32 s2, s3;
	[tilespmem:v1+s15+$0x1800 ss:$0x1] =	vst.idx.msk $0xffff, v7  }
0x350: {  	s0 =	sor.u32 s25, s17;
	[tilespmem:v1+s18+$0x1800 ss:$0x1] =	vst.idx.msk $0xffff, v63  }
0x351: {  	[tilespmem:v1+s0+$0x1800 ss:$0x1] =	vst.idx.msk $0xffff, v3  }
0x352: {  	s19 =	sshll.u32 s10, $0x8;
	s0 =	rddreg [dreg:$0xd]  }
0x353: {  	s20 =	sor.u32 $0x1800, s9;
	s0 =	sadd.s32 s0, s19  }
0x354: {  	[hbm4b:s0+s7] =	stream.linear.scatter [tilespmem:s20], [sflag:$0x2], $0x80, $0x38;
	[tilespmem:$0x2800] =	vst v63  }
0x355: {  	s21 =	sor.u32 $0x1900, s9;
	s22 =	sadd.s32 $0x10, s0  }
0x356: {  	[hbm4b:s22+s7] =	stream.linear.scatter [tilespmem:s21], [sflag:$0x2], $0x80, $0x38;
	[tilespmem:$0x2800] =	vst v63  }
0x357: {  	s23 =	sor.u32 $0x1A00, s9;
	s24 =	sadd.s32 $0x20, s0  }
0x358: {  	[hbm4b:s24+s7] =	stream.linear.scatter [tilespmem:s23], [sflag:$0x2], $0x80, $0x38;
	[tilespmem:$0x2800] =	vst v63  }
0x359: {  	s25 =	sor.u32 $0x1B00, s9;
	s26 =	sadd.s32 $0x30, s0  }
0x35a: {  	[hbm4b:s26+s7] =	stream.linear.scatter [tilespmem:s25], [sflag:$0x2], $0x80, $0x38;
	[tilespmem:$0x2800] =	vst v63  }
0x35b: {  	s28 =	sor.u32 $0x1C00, s9;
	s31 =	sadd.s32 $0x40, s0  }
0x35c: {  	[hbm4b:s31+s7] =	stream.linear.scatter [tilespmem:s28], [sflag:$0x2], $0x80, $0x38;
	[tilespmem:$0x2800] =	vst v63  }
0x35d: {  	s3 =	sor.u32 $0x1D00, s9;
	s4 =	sadd.s32 $0x50, s0  }
0x35e: {  	[hbm4b:s4+s7] =	stream.linear.scatter [tilespmem:s3], [sflag:$0x2], $0x80, $0x38;
	[tilespmem:$0x2800] =	vst v63  }
0x35f: {  	s5 =	sor.u32 $0x1E00, s9;
	s6 =	sadd.s32 $0x60, s0  }
0x360: {  	[hbm4b:s6+s7] =	stream.linear.scatter [tilespmem:s5], [sflag:$0x2], $0x80, $0x38;
	[tilespmem:$0x2800] =	vst v63  }
0x361: {  	s10 =	sor.u32 $0x1F00, s9;
	s12 =	sadd.s32 $0x70, s0  }
0x362: {  	[hbm4b:s12+s7] =	stream.linear.scatter [tilespmem:s10], [sflag:$0x2], $0x80, $0x38;
	[tilespmem:$0x2800] =	vst v63  }
0x363: {  	s13 =	sor.u32 $0x2000, s9;
	s14 =	sadd.s32 $0x80, s0  }
0x364: {  	[hbm4b:s14+s7] =	stream.linear.scatter [tilespmem:s13], [sflag:$0x2], $0x80, $0x38;
	[tilespmem:$0x2800] =	vst v63  }
0x365: {  	s15 =	sor.u32 $0x2100, s9;
	s17 =	sadd.s32 $0x90, s0  }
0x366: {  	[hbm4b:s17+s7] =	stream.linear.scatter [tilespmem:s15], [sflag:$0x2], $0x80, $0x38;
	[tilespmem:$0x2800] =	vst v63  }
0x367: {  	s18 =	sor.u32 $0x2200, s9;
	s19 =	sadd.s32 $0xA0, s0  }
0x368: {  	[hbm4b:s19+s7] =	stream.linear.scatter [tilespmem:s18], [sflag:$0x2], $0x80, $0x38;
	[tilespmem:$0x2800] =	vst v63  }
0x369: {  	s20 =	sor.u32 $0x2300, s9;
	s21 =	sadd.s32 $0xB0, s0  }
0x36a: {  	[hbm4b:s21+s7] =	stream.linear.scatter [tilespmem:s20], [sflag:$0x2], $0x80, $0x38;
	[tilespmem:$0x2800] =	vst v63  }
0x36b: {  	s22 =	sor.u32 $0x2400, s9;
	s23 =	sadd.s32 $0xC0, s0  }
0x36c: {  	[hbm4b:s23+s7] =	stream.linear.scatter [tilespmem:s22], [sflag:$0x2], $0x80, $0x38;
	[tilespmem:$0x2800] =	vst v63  }
0x36d: {  	s24 =	sor.u32 $0x2500, s9;
	s25 =	sadd.s32 $0xD0, s0  }
0x36e: {  	[hbm4b:s25+s7] =	stream.linear.scatter [tilespmem:s24], [sflag:$0x2], $0x80, $0x38;
	[tilespmem:$0x2800] =	vst v63  }
.Ltmp28:
0x36f: {  	_ = 	snop;
	(pc) =	sbr.rel .LBB2_36-.Ltmp28, $4  }
0x370: {  	s26 =	sor.u32 $0x2600, s9;
	s28 =	sadd.s32 $0xE0, s0  }
0x371: {  	[hbm4b:s28+s7] =	stream.linear.scatter [tilespmem:s26], [sflag:$0x2], $0x80, $0x38;
	[tilespmem:$0x2800] =	vst v63  }
0x372: {  	s31 =	sor.u32 $0x2700, s9;
	s0 =	sadd.s32 $0xF0, s0  }
0x373: {  	[hbm4b:s0+s7] =	stream.linear.scatter [tilespmem:s31], [sflag:$0x2], $0x80, $0x38;
	[tilespmem:$0x2800] =	vst v63  }
.LBB2_38:
0x374: {  	s0 =	simm.s32 $0x0;
	s1 =	simm.s32 $0x1;
	s2 =	simm.s32 $0x2  }
0x375: {  	s15 =	simm.s32 $0x4;
	s17 =	simm.s32 $0x5;
	s18 =	simm.s32 $0x7;
	v1 =	vmov s0;
	v2 =	vmov s1;
	v3 =	vmov s2  }
0x376: {  	s3 =	simm.s32 $0x9;
	s19 =	simm.s32 $0x8;
	s4 =	simm.s32 $0xE;
	v4 =	vmov s15;
	v5 =	vmov s17;
	v6 =	vmov s18  }
0x377: {  	s20 =	simm.s32 $0xF;
	s21 =	simm.s32 $0xA;
	s23 =	simm.s32 $0xD;
	v7 =	vmov s19;
	v8 =	vmov s3;
	v9 =	vmov s4  }
0x378: {  	s24 =	simm.s32 $0xB;
	s26 =	simm.s32 $0x3;
	v10 =	vmov s21;
	v11 =	vmov s20;
	v12 =	vmov s23  }
0x379: {  	v13 =	vmov s24;
	v14 =	vmov s26;
	v3 =	vand.u32 $0x72, v3  }
0x37a: {  	s22 =	simm.s32 $0xC;
	v4 =	vand.u32 $0x74, v4;
	v7 =	vand.u32 $0x78, v7;
	v15 =	vand.u32 $0x71, v2  }
0x37b: {  	v2 =	vmov s22;
	v11 =	vand.u32 $0x7F, v11;
	v12 =	vand.u32 $0x7D, v12  }
0x37c: {  	v9 =	vand.u32 $0x7E, v9;
	v13 =	vand.u32 $0x7B, v13;
	v6 =	vand.u32 $0x77, v6  }
0x37d: {  	v10 =	vand.u32 $0x7A, v10;
	v1 =	vand.u32 $0x70, v1;
	v7 =	vbroadcast v7, $0x0  }
0x37e: {  	v2 =	vand.u32 $0x7C, v2;
	v16 =	vbroadcast v11, $0x0;
	v3 =	vbroadcast v3, $0x0  }
0x37f: {  	s25 =	simm.s32 $0x6;
	s28 =	rddreg [dreg:$0x9];
	s31 =	simm.s32 $0x3;
	v6 =	vbroadcast v6, $0x0;
	v2 =	vbroadcast v2, $0x0;
	v7 =	vor.u32 v0, v7  }
0x380: {  	[tilespmem:s30], [sflag:$0x3] =	stream.linear.gather [hbm4b:s28+s0], $0x800, $0x38;
	v11 =	vmov s25;
	v9 =	vbroadcast v9, $0x0;
	v15 =	vbroadcast v15, $0x0;
	[tilespmem:$0x2800] =	vst v63  }
0x381: {  	_ =	swait.ge [sflag:s31], $0x800;
	v18 =	vor.u32 v0, v3;
	v3 =	vbroadcast v4, $0x0;
	v17 =	vor.u32 v0, v2  }
0x382: {  	[sflag:s31] =	ssyncset.done $0x0;
	v19 =	vor.u32 v0, v6;
	v2 =	vand.u32 $0x75, v5;
	v5 =	vand.u32 $0x79, v8  }
0x383: {  	[sflag:s31] =	ssyncadd.s32 $0xFFFFF800;
	v8 =	vbroadcast v1, $0x0;
	v1 =	vand.u32 $0x76, v11;
	v11 =	vbroadcast v12, $0x0  }
0x384: {  	v12 =	vand.u32 $0x73, v14;
	v1 =	vbroadcast v1, $0x0;
	v20 =	vbroadcast v2, $0x0;
	v4 =	vld.idx.msk [tilespmem:v7+s30+$0x0], $0xffff  }
0x385: {  	v14 =	vor.u32 v0, v11;
	v11 =	vor.u32 v0, v3;
	v7 =	vbroadcast v10, $0x0  }
0x386: {  	v6 =	vor.u32 v0, v1;
	v10 =	vbroadcast v13, $0x0;
	v13 =	vbroadcast v12, $0x0;
	v12 =	vld.idx.msk [tilespmem:v17+s30+$0x0], $0xffff  }
0x387: {  	v17 =	vbroadcast v5, $0x0;
	v5 =	vor.u32 v0, v8;
	v8 =	vor.u32 v0, v9;
	v9 =	vld.idx.msk [tilespmem:v19+s30+$0x0], $0xffff  }
0x388: {  	s0 =	simm.s32 $0x1900;
	v3 =	vor.u32 v0, v20;
	v2 =	vor.u32 v0, v7;
	v1 =	vor.u32 v0, v13;
	v7 =	vld.idx.msk [tilespmem:v18+s30+$0x0], $0xffff  }
0x389: {  	s6 =	simm.s32 $0x1B00;
	s2 =	simm.s32 $0x10;
	v13 =	vor.u32 v0, v16;
	v10 =	vor.u32 v0, v10;
	[tilespmem:s0+$0x0] =	vst v4;
	v4 =	vor.u32 v0, v17  }
.LBB2_39:
0x38a: {  	s1 =	sadd.s32 $0x1, s2  }
0x38b: {  	v16 =	vmov s2;
	s3 =	sadd.s32 $0x2, s2;
	s4 =	sadd.s32 $0xE, s2;
	[tilespmem:s0+$0x40] =	vst v12;
	v12 =	vld.idx.msk [tilespmem:v14+s30+$0x0], $0xffff;
	s5 =	smov.u32 s2  }
0x38c: {  	s8 =	sadd.s32 $0x5, s2;
	s9 =	sadd.s32 $0x9, s2;
	v14 =	vmov s1;
	v17 =	vmov s3;
	s3 =	sadd.s32 $0x4, s2;
	v15 =	vor.u32 v0, v15;
	v11 =	vld.idx.msk [tilespmem:v11+s30+$0x0], $0xffff  }
0x38d: {  	s1 =	sadd.s32 $0x3, s2;
	v19 =	vmov s8;
	s8 =	sadd.s32 $0x8, s2;
	v17 =	vand.u32 $0x72, v17;
	v18 =	vmov s3;
	s3 =	sadd.s32 $0x7, s2;
	v6 =	vld.idx.msk [tilespmem:v6+s30+$0x0], $0xffff  }
0x38e: {  	s10 =	sadd.s32 $0x6, s5;
	v22 =	vmov s9;
	v21 =	vmov s8;
	s8 =	sadd.s32 $0x10, s2;
	v20 =	vmov s3;
	s3 =	sadd.s32 $0xF, s5;
	v13 =	vld.idx.msk [tilespmem:v13+s30+$0x0], $0xffff  }
0x38f: {  	p4 =	slt.u32 s2, $0x30;
	s9 =	sadd.s32 $0xA, s5;
	v23 =	vmov s4;
	v18 =	vand.u32 $0x74, v18;
	v21 =	vand.u32 $0x78, v21;
	[tilespmem:s0+$0xFFFFFF20] =	vst v7;
	v7 =	vld.idx.msk [tilespmem:v8+s30+$0x0], $0xffff  }
0x390: {  	s4 =	sadd.s32 $0xD, s5;
	s2 =	sadd.s32 $0xC, s5;
	v8 =	vbroadcast v21, $0x0;
	v21 =	vmov s9;
	v24 =	vmov s3;
	[tilespmem:s0+$0xFFFFFF70] =	vst v9;
	v9 =	vld.idx.msk [tilespmem:v10+s30+$0x0], $0xffff  }
0x391: {  	v25 =	vmov s4;
	s3 =	sadd.s32 $0xB, s5;
	v10 =	vand.u32 $0x71, v14;
	v14 =	vmov s2;
	v15 =	vld.idx.msk [tilespmem:v15+s30+$0x0], $0xffff;
	[tilespmem:s0+$0x50] =	vst v12  }
0x392: {  	v24 =	vand.u32 $0x7F, v24;
	v8 =	vor.u32 v0, v8;
	v12 =	vmov s3;
	v5 =	vld.idx.msk [tilespmem:v5+s30+$0x0], $0xffff;
	[tilespmem:s0+$0xFFFFFF40] =	vst v11  }
0x393: {  	v23 =	vand.u32 $0x7E, v23;
	v11 =	vand.u32 $0x7C, v14;
	v14 =	vand.u32 $0x7D, v25;
	v3 =	vld.idx.msk [tilespmem:v3+s30+$0x0], $0xffff;
	[tilespmem:s0+$0xFFFFFF60] =	vst v6  }
0x394: {  	v24 =	vbroadcast v24, $0x0;
	v6 =	vand.u32 $0x7B, v12;
	v11 =	vbroadcast v11, $0x0;
	v2 =	vld.idx.msk [tilespmem:v2+s30+$0x0], $0xffff;
	[tilespmem:s0+$0x70] =	vst v13  }
0x395: {  	v12 =	vmov s10;
	v13 =	vand.u32 $0x77, v20;
	v20 =	vand.u32 $0x7A, v21;
	v4 =	vld.idx.msk [tilespmem:v4+s30+$0x0], $0xffff;
	[tilespmem:s0+$0x60] =	vst v7  }
0x396: {  	v7 =	vbroadcast v17, $0x0;
	v17 =	vmov s1;
	v11 =	vor.u32 v0, v11;
	v1 =	vld.idx.msk [tilespmem:v1+s30+$0x0], $0xffff;
	[tilespmem:s0+$0x30] =	vst v9  }
0x397: {  	v9 =	vand.u32 $0x70, v16;
	v16 =	vand.u32 $0x75, v19;
	v19 =	vand.u32 $0x79, v22;
	v8 =	vld.idx.msk [tilespmem:v8+s30+$0x0], $0xffff;
	[tilespmem:s0+$0xFFFFFF10] =	vst v15  }
0x398: {  	v14 =	vbroadcast v14, $0x0;
	v12 =	vand.u32 $0x76, v12;
	v9 =	vbroadcast v9, $0x0;
	[tilespmem:s0+$0xFFFFFF00] =	vst v5  }
0x399: {  	v13 =	vbroadcast v13, $0x0;
	v15 =	vbroadcast v23, $0x0;
	v5 =	vand.u32 $0x73, v17;
	[tilespmem:s0+$0xFFFFFF50] =	vst v3  }
0x39a: {  	v7 =	vor.u32 v0, v7;
	v17 =	vbroadcast v12, $0x0;
	v3 =	vbroadcast v18, $0x0;
	[tilespmem:s0+$0x20] =	vst v2  }
0x39b: {  	v18 =	vor.u32 v0, v13;
	v2 =	vbroadcast v20, $0x0;
	v20 =	vbroadcast v6, $0x0;
	v12 =	vld.idx.msk [tilespmem:v11+s30+$0x0], $0xffff;
	[tilespmem:s0+$0x10] =	vst v4  }
.Ltmp29:
0x39c: {  	v14 =	vor.u32 v0, v14;
	v4 =	vbroadcast v5, $0x0;
	v5 =	vbroadcast v16, $0x0;
	[tilespmem:s0+$0xFFFFFF30] =	vst v1;
	s0 =	smov.u32 s6;
	(pc) =	sbr.rel @p4 .LBB2_39-.Ltmp29, $4  }
0x39d: {  	v6 =	vor.u32 v0, v17;
	v11 =	vor.u32 v0, v3;
	v2 =	vor.u32 v0, v2;
	[tilespmem:s6+$0x0] =	vst v8  }
0x39e: {  	v1 =	vor.u32 v0, v4;
	v3 =	vor.u32 v0, v5;
	v4 =	vbroadcast v19, $0x0  }
0x39f: {  	v13 =	vor.u32 v0, v24;
	v5 =	vor.u32 v0, v9;
	v8 =	vor.u32 v0, v15;
	v7 =	vld.idx.msk [tilespmem:v7+s30+$0x0], $0xffff  }
0x3a0: {  	s2 =	smov.u32 s8;
	v15 =	vbroadcast v10, $0x0;
	v10 =	vor.u32 v0, v20;
	s6 =	sadd.s32 $0x200, s6;
	v4 =	vor.u32 v0, v4;
	v9 =	vld.idx.msk [tilespmem:v18+s30+$0x0], $0xffff  }
0x3a1: {  	_ =	sdelay $0x3  }
0x3a2: {  	v14 =	vld.idx.msk [tilespmem:v14+s30+$0x0], $0xffff  }
0x3a3: {  	v11 =	vld.idx.msk [tilespmem:v11+s30+$0x0], $0xffff  }
0x3a4: {  	[tilespmem:s0+$0x40] =	vst v12;
	v6 =	vld.idx.msk [tilespmem:v6+s30+$0x0], $0xffff  }
0x3a5: {  	v60 =	vld.idx.msk [tilespmem:v13+s30+$0x0], $0xffff;
	[tilespmem:s0+$0xFFFFFF20] =	vst v7  }
0x3a6: {  	v61 =	vld.idx.msk [tilespmem:v8+s30+$0x0], $0xffff;
	[tilespmem:s0+$0xFFFFFF70] =	vst v9  }
0x3a7: {  	v62 =	vld.idx.msk [tilespmem:v10+s30+$0x0], $0xffff;
	[tilespmem:s0+$0x50] =	vst v14  }
0x3a8: {  	v5 =	vld.idx.msk [tilespmem:v5+s30+$0x0], $0xffff;
	v15 =	vor.u32 v0, v15;
	[tilespmem:s0+$0xFFFFFF40] =	vst v11  }
0x3a9: {  	v3 =	vld.idx.msk [tilespmem:v3+s30+$0x0], $0xffff;
	[tilespmem:s0+$0xFFFFFF60] =	vst v6  }
0x3aa: {  	v2 =	vld.idx.msk [tilespmem:v2+s30+$0x0], $0xffff;
	[tilespmem:s0+$0x70] =	vst v60  }
0x3ab: {  	v4 =	vld.idx.msk [tilespmem:v4+s30+$0x0], $0xffff;
	[tilespmem:s0+$0x60] =	vst v61  }
0x3ac: {  	v1 =	vld.idx.msk [tilespmem:v1+s30+$0x0], $0xffff;
	[tilespmem:s0+$0x30] =	vst v62  }
0x3ad: {  	[tilespmem:s0+$0xFFFFFF00] =	vst v5;
	v63 =	vld.idx.msk [tilespmem:v15+s30+$0x0], $0xffff  }
0x3ae: {  	[tilespmem:s0+$0xFFFFFF50] =	vst v3  }
0x3af: {  	[tilespmem:s0+$0x20] =	vst v2  }
0x3b0: {  	[tilespmem:s0+$0x10] =	vst v4  }
0x3b1: {  	[tilespmem:s0+$0xFFFFFF30] =	vst v1  }
0x3b2: {  	[tilespmem:s0+$0xFFFFFF10] =	vst v63  }
0x3b3: {  	s13 =	simm.s32 $0x1800;
	s1 =	rddreg [dreg:$0x15]  }
0x3b4: {  	[hbm4b:s1+s7] =	stream.linear.scatter [tilespmem:s13], [sflag:$0x3], $0x80, $0x38;
	[tilespmem:$0x2800] =	vst v63  }
0x3b5: {  	s2 =	simm.s32 $0x1900;
	s14 =	sadd.s32 $0x10, s1  }
0x3b6: {  	[hbm4b:s14+s7] =	stream.linear.scatter [tilespmem:s2], [sflag:$0x3], $0x80, $0x38;
	[tilespmem:$0x2800] =	vst v63  }
0x3b7: {  	s17 =	simm.s32 $0x1A00;
	s15 =	sadd.s32 $0x20, s1  }
0x3b8: {  	[hbm4b:s15+s7] =	stream.linear.scatter [tilespmem:s17], [sflag:$0x3], $0x80, $0x38;
	[tilespmem:$0x2800] =	vst v63  }
0x3b9: {  	s19 =	simm.s32 $0x1B00;
	s18 =	sadd.s32 $0x30, s1  }
0x3ba: {  	[hbm4b:s18+s7] =	stream.linear.scatter [tilespmem:s19], [sflag:$0x3], $0x80, $0x38;
	[tilespmem:$0x2800] =	vst v63  }
0x3bb: {  	s21 =	simm.s32 $0x1C00;
	s20 =	sadd.s32 $0x40, s1  }
0x3bc: {  	[hbm4b:s20+s7] =	stream.linear.scatter [tilespmem:s21], [sflag:$0x3], $0x80, $0x38;
	[tilespmem:$0x2800] =	vst v63  }
0x3bd: {  	s23 =	simm.s32 $0x1D00;
	s22 =	sadd.s32 $0x50, s1  }
0x3be: {  	[hbm4b:s22+s7] =	stream.linear.scatter [tilespmem:s23], [sflag:$0x3], $0x80, $0x38;
	[tilespmem:$0x2800] =	vst v63  }
0x3bf: {  	s25 =	simm.s32 $0x1E00;
	s28 =	simm.s32 $0x1F00;
	s24 =	sadd.s32 $0x60, s1  }
0x3c0: {  	[hbm4b:s24+s7] =	stream.linear.scatter [tilespmem:s25], [sflag:$0x3], $0x80, $0x38;
	[tilespmem:$0x2800] =	vst v63  }
.Ltmp30:
0x3c1: {  	s31 =	simm.s32 $0x3;
	s26 =	sadd.s32 $0x70, s1;
	(pc) =	sbr.rel .LBB2_41-.Ltmp30, $4  }
0x3c2: {  	[hbm4b:s26+s7] =	stream.linear.scatter [tilespmem:s28], [sflag:$0x3], $0x80, $0x38;
	[tilespmem:$0x2800] =	vst v63  }
0x3c3: {  	_ =	swait.ge [sflag:s31], $0x400  }
0x3c4: {  	[sflag:s31] =	ssyncset.done $0x0  }
0x3c5: {  	s1 =	rddreg [dreg:$0x17];
	[sflag:s31] =	ssyncadd.s32 $0xFFFFFC00  }
.LBB2_42:
0x3c6: {  	_ =	sfence.sel $0x180000  }
0x3c7: {  	[bflag:$0x0] =	sbarrier.arrive $0xFFFF  }
0x3c8: {  	_ =	strace $0x90000047  }
0x3c9: {  	s0 =	stileid.u32;
	[bflag:$0x2] =	sbarrier.arrive $0xFFFF  }
0x3ca: {  	p0 =	sne.s32 s0, $0x0;
	s0 =	rddreg [dreg:$0x6]  }
0x3cb: {  	s0 =	sadd.s32 @!p0 $0x100000, s0  }
0x3cc: {  	[sflag:s0] =	ssyncadd.tile.s32 @!p0 $0x1;
	_ =	shalt  }
.Lfunc_end2:
_tile_overlayer_lowered:
.L_overlay_start_2:
0x3cd: {  	(tag) =	ssettag $0x2  }
0x3ce: {  	s0 =	rddreg [dreg:$0x0];
	s2 =	stileid.u32  }
0x3cf: {  	s1 =	rddreg [dreg:$0x1];
	p0 =	sne.s32 s2, $0x0  }
0x3d0: {  	s3 =	rddreg [dreg:$0x2];
	[bflag:$0x3] =	sbarrier.arrive $0xFFFF;
	s2 =	simm.s32 @!p0 $0x1C03  }
0x3d1: {  	[timem:s3], [sflag:s2] =	dma.local @!p0 [hbm:s0], s1  }
0x3d2: {  	s0 =	simm.s32 @!p0 $0x3  }
0x3d3: {  	_ =	swait.ge @!p0 [sflag:s0], s1  }
0x3d4: {  	s1 =	ssub.s32 @!p0 $0x0, s1;
	[sflag:s0] =	ssyncset.done @!p0 $0x0  }
0x3d5: {  	[sflag:s0] =	ssyncadd.s32 @!p0 s1  }
0x3d6: {  	[bflag:$0x3] =	sbarrier.arrive $0xFFFF  }
0x3d7: {  	_ =	shalt  }

// kernel: kernel.7.cloned.1.call-start
scs
__scs_entry_jumppad:
0x0: {  	(pc) =	sbr.rel $0x88, $3  }
0x1: {  	(tag) =	ssettag $0x0;
	lr =	simm.s32 $0x1  }
0x2: {  	[smem:$0x3F9C] =	sst lr;
	_ =	strace $0xD0000000  }
0x3: {  	_ = 	snop  }
0x4: {  	_ = 	snop  }
0x5: {  	_ = 	snop  }
0x6: {  	_ = 	snop  }
0x7: {  	_ = 	snop  }
__scs_overlays_trampoline_lowered:
0x8: {  	[smem:$0x3FAB] =	sst s0  }
0x9: {  	[smem:$0x3FAC] =	sst s1  }
0xa: {  	[smem:$0x3FAD] =	sst s2  }
0xb: {  	[smem:$0x3FAE] =	sst s3  }
0xc: {  	[smem:$0x3FAF] =	sst s4  }
0xd: {  	[smem:$0x3FB0] =	sst s5  }
0xe: {  	[smem:$0x3FB1] =	sst s6  }
0xf: {  	[smem:$0x3FB2] =	sst s7  }
0x10: {  	[smem:$0x3FB3] =	sst s8  }
0x11: {  	[smem:$0x3FB4] =	sst s9;
	s0 =	simm.s32 @!p0 $0x0  }
0x12: {  	s1 =	sld [smem:$0x3F9A];
	s0 =	simm.s32 @p0 $0x1  }
0x13: {  	[smem:$0x3FB5] =	sst s0;
	s0 =	simm.s32 @!p1 $0x0  }
0x14: {  	s2 =	sld [smem:$0x3F99];
	s0 =	simm.s32 @p1 $0x1  }
0x15: {  	[smem:$0x3FB6] =	sst s0;
	s0 =	simm.s32 @!p2 $0x0  }
0x16: {  	s3 =	sld [smem:$0x3FDB];
	s0 =	simm.s32 @p2 $0x1  }
0x17: {  	s4 =	simm.s32 $0x1BF5;
	[smem:$0x3FB8] =	sst s0  }
0x18: {  	s0 =	sld [smem:$0x3F9B];
	_ =	swait.ge [sflag:s4], $0x0  }
0x19: {  	s7 =	sld [smem:$0x3F9C]  }
0x1a: {  	s8 =	sadd.s32 $0xFFFFE003, lr  }
0x1b: {  	s9 =	sadd.s32 $0xFFFFFEF7, lr;
	s5 =	simm.s32 $0xFFFFFFFF;
	p2 =	slt.u32 s8, $0xFFFFF086  }
0x1c: {  	p1 =	slt.u32 s9, $0xF7A;
	s5 =	simm.s32 @!p2 $0x0  }
0x1d: {  	s5 =	simm.s32 @p1 $0x1;
	p0 =	seq.s32 s7, s2  }
0x1e: {  	s7 =	smul.u32 @!p0 $0xF7A, s2;
	p2 =	seq.s32 @!p0 s5, $0x0  }
0x1f: {  	s9 =	smul.u32 $0xF7A, s1;
	s8 =	simm.s32 @!p0 $0x1BF5;
	p2 =	por !p2, p0  }
0x20: {  	[sflag:s8] =	ssyncset.s32 @!p0 $0xFFFFF086;
	s6 =	sadd.s32 @!p0 s3, s7;
	s7 =	simm.s32 @!p0 $0x108  }
0x21: {  	s3 =	sadd.s32 s3, s9;
	s6 =	sadd.s32 @!p0 $0x88, s6;
	s7 =	simm.s32 @p2 $0x1082  }
0x22: {  	[simem:s7], [sflag:s8] =	dma.local @!p0 [hbm:s6], $0xF7A  }
0x23: {  	s9 =	sor.u32 $0xD0000000, s2;
	s6 =	simm.s32 $0x108;
	_ =	swait.ge @!p0 [sflag:s8], $0x0  }
0x24: {  	s3 =	sadd.s32 $0x88, s3;
	s6 =	simm.s32 @!p1 $0x1082;
	[sflag:s4] =	ssyncset.s32 $0xFFFFF086  }
0x25: {  	[simem:s6], [sflag:s4] =	dma.local [hbm:s3], $0xF7A  }
0x26: {  	[smem:$0x3F9C] =	sst s1;
	(tag) =	ssettag s2;
	_ =	strace s9  }
0x27: {  	s1 =	sld [smem:$0x3FAC]  }
0x28: {  	s2 =	sld [smem:$0x3FAD]  }
0x29: {  	s4 =	sld [smem:$0x3FAF]  }
0x2a: {  	p0 =	seq.s32 s5, $0x0;
	s5 =	sld [smem:$0x3FB0]  }
0x2b: {  	s6 =	sld [smem:$0x3FB1]  }
0x2c: {  	s7 =	sld [smem:$0x3FB2]  }
0x2d: {  	s3 =	simm.s32 $0x108;
	s8 =	sld [smem:$0x3FB3]  }
0x2e: {  	s3 =	simm.s32 @!p0 $0x1082;
	s9 =	sld [smem:$0x3FB4]  }
0x2f: {  	lr =	sadd.s32 s0, s3;
	s0 =	sld [smem:$0x3FAB]  }
0x30: {  	s3 =	sld [smem:$0x3FAE]  }
0x31: {  	[smem:$0x3FB7] =	sst s10  }
0x32: {  	s10 =	sld [smem:$0x3FB5];
	_ =	sdelay $0x3  }
0x33: {  	p0 =	seq.s32 s10, $0x1;
	s10 =	sld [smem:$0x3FB7];
	_ =	sdelay $0x3  }
0x34: {  	[smem:$0x3FB7] =	sst s10  }
0x35: {  	s10 =	sld [smem:$0x3FB6];
	_ =	sdelay $0x3  }
0x36: {  	p1 =	seq.s32 s10, $0x1;
	s10 =	sld [smem:$0x3FB7];
	_ =	sdelay $0x3  }
0x37: {  	[smem:$0x3FB7] =	sst s10  }
0x38: {  	s10 =	sld [smem:$0x3FB8]  }
0x39: {  	_ = 	snop;
	(pc) =	sbr.ind lr, $3  }
0x3a: {  	_ = 	snop  }
0x3b: {  	_ = 	snop  }
0x3c: {  	p2 =	seq.s32 s10, $0x1;
	s10 =	sld [smem:$0x3FB7]  }
0x3d: {  	_ =	shalt  }
0x3e: {  	_ =	shalt  }
0x3f: {  	_ =	shalt  }
0x40: {  	_ =	shalt  }
0x41: {  	_ =	shalt  }
0x42: {  	_ =	shalt  }
0x43: {  	_ =	shalt  }
0x44: {  	_ =	shalt  }
0x45: {  	_ =	shalt  }
0x46: {  	_ =	shalt  }
0x47: {  	_ =	shalt  }
0x48: {  	_ =	shalt  }
0x49: {  	_ =	shalt  }
0x4a: {  	_ =	shalt  }
0x4b: {  	_ =	shalt  }
0x4c: {  	_ =	shalt  }
0x4d: {  	_ =	shalt  }
0x4e: {  	_ =	shalt  }
0x4f: {  	_ =	shalt  }
0x50: {  	_ =	shalt  }
0x51: {  	_ =	shalt  }
0x52: {  	_ =	shalt  }
0x53: {  	_ =	shalt  }
0x54: {  	_ =	shalt  }
0x55: {  	_ =	shalt  }
0x56: {  	_ =	shalt  }
0x57: {  	_ =	shalt  }
0x58: {  	_ =	shalt  }
0x59: {  	_ =	shalt  }
0x5a: {  	_ =	shalt  }
0x5b: {  	_ =	shalt  }
0x5c: {  	_ =	shalt  }
0x5d: {  	_ =	shalt  }
0x5e: {  	_ =	shalt  }
0x5f: {  	_ =	shalt  }
0x60: {  	_ =	shalt  }
0x61: {  	_ =	shalt  }
0x62: {  	_ =	shalt  }
0x63: {  	_ =	shalt  }
0x64: {  	_ =	shalt  }
0x65: {  	_ =	shalt  }
0x66: {  	_ =	shalt  }
0x67: {  	_ =	shalt  }
0x68: {  	_ =	shalt  }
0x69: {  	_ =	shalt  }
0x6a: {  	_ =	shalt  }
0x6b: {  	_ =	shalt  }
0x6c: {  	_ =	shalt  }
0x6d: {  	_ =	shalt  }
0x6e: {  	_ =	shalt  }
0x6f: {  	_ =	shalt  }
0x70: {  	_ =	shalt  }
0x71: {  	_ =	shalt  }
0x72: {  	_ =	shalt  }
0x73: {  	_ =	shalt  }
0x74: {  	_ =	shalt  }
0x75: {  	_ =	shalt  }
0x76: {  	_ =	shalt  }
0x77: {  	_ =	shalt  }
0x78: {  	_ =	shalt  }
0x79: {  	_ =	shalt  }
0x7a: {  	_ =	shalt  }
0x7b: {  	_ =	shalt  }
0x7c: {  	_ =	shalt  }
0x7d: {  	_ =	shalt  }
0x7e: {  	_ =	shalt  }
0x7f: {  	_ =	shalt  }
0x80: {  	_ =	shalt  }
0x81: {  	_ =	shalt  }
0x82: {  	_ =	shalt  }
0x83: {  	_ =	shalt  }
0x84: {  	_ =	shalt  }
0x85: {  	_ =	shalt  }
0x86: {  	_ =	shalt  }
0x87: {  	_ =	shalt  }
.Lfunc_end0:
.L_simem_size_0:
called_computation.1_lowered:
.L_overlay_start_0:
0x88: {  	s2 =	sld [smem:$0x3FD9]  }
0x89: {  	s3 =	sld [smem:$0x3FFE];
	_ =	sdelay $0x1  }
0x8a: {  	s1 =	srdreg.scid  }
0x8b: {  	s0 =	sand.u32 $0x1, s1  }
0x8c: {  	s17 =	sshll.u32 s0, $0xA;
	s2 =	sadd.s32 s3, s2  }
0x8d: {  	s2 =	sadd.s32 s2, s17  }
0x8e: {  	[smem:$0x3FC3] =	sst s2  }
0x8f: {  	_ = 	snop  }
0x90: {  	s2 =	sld [smem:$0x3FD0];
	(tm) =	ssettm $0x1  }
0x91: {  	s18 =	sld [smem:$0x3FFB];
	_ =	sdelay $0x3  }
0x92: {  	_ =	strace s18  }
0x93: {  	s3 =	sld [smem:$0x3FFC];
	_ =	sdelay $0x3  }
0x94: {  	_ =	strace s3  }
0x95: {  	s3 =	sld [smem:$0x3FFD];
	_ =	sdelay $0x3  }
0x96: {  	_ =	strace s3  }
0x97: {  	_ =	strace $0x8FFFFFFF  }
0x98: {  	s19 =	sld [smem:$0x3FDB];
	_ =	sdelay $0x1  }
0x99: {  	s4 =	simm.s32 $_scs_section_size  }
0x9a: {  	s5 =	simm.s32 $_size__tile_overlayer_lowered;
	s6 =	simm.s32 $_tile_overlayer_lowered  }
0x9b: {  	s22 =	simm.s32 $0x1BFF;
	s21 =	sshll.u32 s6, $0x1;
	s3 =	sadd.s32 s4, s19  }
0x9c: {  	s7 =	simm.s32 $0x0;
	s20 =	sshll.u32 s5, $0x1;
	s5 =	sadd.s32 s21, s3  }
0x9d: {  	[timem:s7], [sflag:s22] =	dma.local [hbm:s5], s20  }
0x9e: {  	_ =	swait.ge [sflag:s22], s20  }
0x9f: {  	s4 =	ssub.s32 $0x0, s20;
	[sflag:s22] =	ssyncset.done $0x0  }
0xa0: {  	[sflag:s22] =	ssyncadd.s32 s4;
	_ =	sdelay $0x1  }
0xa1: {  	s23 =	simm.s32 $0x1B8B  }
0xa2: {  	_ =	swait.ge [sflag:s23], $0x1  }
0xa3: {  	[sflag:s23] =	ssyncset.done $0x0  }
0xa4: {  	s25 =	simm.s32 $0x1B8E;
	s24 =	sld [smem:$0x3FFE];
	[sflag:s23] =	ssyncadd.s32 $0xFFFFFFFF  }
0xa5: {  	s26 =	simm.s32 $execute0_lowered;
	[smem:$0x3FD2] =	sst s25  }
0xa6: {  	s5 =	sshll.u32 s26, $0x1;
	_ =	strace $0x80000049;
	[dreg:$0x1] =	wrdreg $0xFFFFFFFF  }
0xa7: {  	s28 =	simm.s32 $_size_execute0_lowered;
	s3 =	sadd.s32 s3, s5;
	[dreg:$0x0] =	wrdreg $0x0  }
0xa8: {  	s5 =	sshll.u32 s28, $0x1;
	[dreg:$0x2] =	wrdreg s3  }
0xa9: {  	[dreg:$0x3] =	wrdreg s5  }
0xaa: {  	[dreg:$0x4] =	wrdreg $0xC0  }
0xab: {  	_ =	task [dreg:s7], $0x5FFFF  }
0xac: {  	[dreg:$0x1] =	wrdreg $0xFFFFFFFF  }
0xad: {  	[dreg:$0x0] =	wrdreg $0x60  }
0xae: {  	[dreg:$0x2] =	wrdreg s24  }
0xaf: {  	[dreg:$0x3] =	wrdreg s2  }
0xb0: {  	[dreg:$0x4] =	wrdreg $0x9  }
0xb1: {  	_ =	task.clear_ibuf [dreg:s7], $0x5FFFF;
	_ =	strace $0x90000049  }
0xb2: {  	s29 =	simm.s32 $0x9;
	_ =	strace $0x8000004B  }
0xb3: {  	_ =	swait.ge [sflag:s29], $0x1  }
0xb4: {  	[sflag:s29] =	ssyncadd.s32 $0xFFFFFFFF  }
0xb5: {  	_ =	strace $0x9000004B  }
0xb6: {  	_ =	sfence  }
0xb7: {  	s30 =	sld [smem:$0x0];
	_ =	sdelay $0x2  }
0xb8: {  	s31 =	sshll.u32 s1, $0xD;
	s1 =	sshrl.u32 s1, $0x2  }
0xb9: {  	s3 =	sand.u32 $0x4000, s31;
	s1 =	sadd.s32 s1, s30  }
0xba: {  	s0 =	sor.u32 s3, s0;
	s1 =	sshll.u32 s1, $0x11  }
0xbb: {  	s0 =	sor.u32 s1, s0  }
0xbc: {  	s0 =	sadd.s32 $0x8F2B, s0  }
0xbd: {  	[sflag:s0] =	ssyncadd.remote.s32 $0x1  }
0xbe: {  	_ =	sfence.sel $0xFFFF  }
0xbf: {  	[dreg:$0x0] =	wrdreg $0xFFFFFFFF;
	(pc) =	sbr.abs _section_cstart, $3  }
0xc0: {  	[dreg:$0x1] =	wrdreg $0xFFFFFFFF  }
0xc1: {  	_ =	task.clear_ibuf [dreg:s7], $0x2FFFF;
	_ =	strace $0x9FFFFFFF  }
0xc2: {  	(tm) =	ssettm $0x7FFFFFFF  }
0xc3: {  	_ =	shalt  }
tec
execute0_lowered:
.L_overlay_start_1:
0x0: {  	(tag) =	ssettag $0x1  }
0x1: {  	s1 =	srdreg.scid  }
0x2: {  	s0 =	stileid.u32;
	s1 =	sand.u32 $0x1, s1  }
0x3: {  	s18 =	rddreg [dreg:$0x0];
	s2 =	sshll.u32 s0, $0xA;
	s3 =	sshll.u32 s1, $0x9  }
0x4: {  	s4 =	rddreg [dreg:$0x1];
	s3 =	sor.u32 s3, s2;
	s2 =	simm.s32 $0x0  }
0x5: {  	s0 =	simm.s32 $0x1000;
	[smem:$0x7FF] =	sst s2  }
0x6: {  	s6 =	simm.s32 $0x1800;
	_ =	strace $0x8000004A;
	[dreg:$0x7] =	wrdreg s0  }
0x7: {  	s7 =	simm.s32 $0x180;
	[dreg:$0x9] =	wrdreg s6  }
0x8: {  	s8 =	simm.s32 $0x2000;
	[dreg:$0xa] =	wrdreg s7  }
0x9: {  	s9 =	simm.s32 $0x280;
	[dreg:$0xb] =	wrdreg s8  }
0xa: {  	s10 =	simm.s32 $0x3000;
	[dreg:$0xc] =	wrdreg s9  }
0xb: {  	s11 =	simm.s32 $0x300;
	[dreg:$0xd] =	wrdreg s10  }
0xc: {  	s12 =	simm.s32 $0x3800;
	[dreg:$0xe] =	wrdreg s11  }
0xd: {  	s13 =	simm.s32 $0x380;
	s14 =	simm.s32 $0x400;
	[dreg:$0xf] =	wrdreg s12  }
0xe: {  	s5 =	sshrl.u32 s3, $0x3;
	s3 =	sshll.u32 s3, $0x3;
	[dreg:$0x10] =	wrdreg s13  }
0xf: {  	s5 =	sadd.s32 s5, s18;
	[dreg:$0x11] =	wrdreg s14;
	s8 =	simm.s32 $0x480  }
0x10: {  	s3 =	sadd.s32 s4, s3;
	s5 =	sadd.s32 $0x7A2C00, s5;
	[dreg:$0x12] =	wrdreg s8  }
0x11: {  	s4 =	sadd.s32 $0x2, s3;
	[dreg:$0x3] =	wrdreg s5  }
0x12: {  	s25 =	sadd.s32 $0x4, s3;
	[dreg:$0x4] =	wrdreg s4  }
0x13: {  	s26 =	sadd.s32 $0x6, s3;
	[dreg:$0x5] =	wrdreg s25  }
0x14: {  	[dreg:$0x6] =	wrdreg s26;
	s5 =	simm.s32 $0x100  }
0x15: {  	s6 =	simm.s32 $0x4000;
	[dreg:$0x8] =	wrdreg s5  }
0x16: {  	s4 =	simm.s32 $0x2;
	s7 =	rddreg [dreg:$0x3];
	s5 =	simm.s32 $0x200  }
0x17: {  	[tilespmem:s2], [sflag:$0x2] =	stream.strided.gather [hbm4b:s7+s5], $0x800, s6, s5, $0x38;
	[tilespmem:$0x8800] =	vst v63  }
0x18: {  	_ =	swait.ge [sflag:s4], $0x800  }
0x19: {  	s9 =	simm.s32 $0x800;
	s12 =	rddreg [dreg:$0xd]  }
0x1a: {  	s8 =	simm.s32 $0x80;
	s10 =	rddreg [dreg:$0x8];
	[sflag:s4] =	ssyncset.done $0x0  }
0x1b: {  	s7 =	sadd.s32 $0x1400, s18;
	s11 =	rddreg [dreg:$0x7];
	[sflag:s4] =	ssyncadd.s32 $0xFFFFF800  }
0x1c: {  	[tilespmem:s9], [sflag:$0x1] =	stream.indirect.gather [hbm4b:s7+s8], $0x10, s2, s8, $0xb8;
	[tilespmem:$0x8800] =	vst v63  }
0x1d: {  	s13 =	rddreg [dreg:$0x9]  }
0x1e: {  	[tilespmem:s11], [sflag:$0x1] =	stream.indirect.gather [hbm4b:s7+s8], $0x10, s8, s8, $0xb8;
	[tilespmem:$0x8800] =	vst v63  }
0x1f: {  	s14 =	rddreg [dreg:$0xb]  }
0x20: {  	[tilespmem:s13], [sflag:$0x1] =	stream.indirect.gather [hbm4b:s7+s8], $0x10, s10, s8, $0xb8;
	[tilespmem:$0x8800] =	vst v63  }
0x21: {  	s15 =	rddreg [dreg:$0xa]  }
0x22: {  	[tilespmem:s14], [sflag:$0x1] =	stream.indirect.gather [hbm4b:s7+s8], $0x10, s15, s8, $0xb8;
	[tilespmem:$0x8800] =	vst v63  }
0x23: {  	s16 =	rddreg [dreg:$0xf];
	s11 =	simm.s32 $0x2800;
	s10 =	sadd.s32 $0x1E9A00, s18  }
0x24: {  	[tilespmem:s11], [sflag:$0x1] =	stream.indirect.gather [hbm4b:s10+s8], $0x10, s5, s8, $0xb8;
	[tilespmem:$0x8800] =	vst v63  }
0x25: {  	s17 =	rddreg [dreg:$0xc]  }
0x26: {  	[tilespmem:s12], [sflag:$0x1] =	stream.indirect.gather [hbm4b:s10+s8], $0x10, s17, s8, $0xb8;
	[tilespmem:$0x8800] =	vst v63  }
0x27: {  	s15 =	rddreg [dreg:$0xe]  }
0x28: {  	[tilespmem:s16], [sflag:$0x1] =	stream.indirect.gather [hbm4b:s10+s8], $0x10, s15, s8, $0xb8;
	[tilespmem:$0x8800] =	vst v63  }
0x29: {  	s19 =	rddreg [dreg:$0x10]  }
0x2a: {  	[tilespmem:s6], [sflag:$0x1] =	stream.indirect.gather [hbm4b:s10+s8], $0x10, s19, s8, $0xb8;
	[tilespmem:$0x8800] =	vst v63  }
0x2b: {  	s20 =	rddreg [dreg:$0x11];
	s13 =	simm.s32 $0x4800;
	s12 =	sadd.s32 $0x3D2000, s18  }
0x2c: {  	[tilespmem:s13], [sflag:$0x1] =	stream.indirect.gather [hbm4b:s12+s8], $0x10, s20, s8, $0xb8;
	[tilespmem:$0x8800] =	vst v63  }
0x2d: {  	s22 =	simm.s32 $0x5000;
	s21 =	rddreg [dreg:$0x12]  }
0x2e: {  	[tilespmem:s22], [sflag:$0x1] =	stream.indirect.gather [hbm4b:s12+s8], $0x10, s21, s8, $0xb8;
	[tilespmem:$0x8800] =	vst v63  }
0x2f: {  	s23 =	simm.s32 $0x500;
	s24 =	simm.s32 $0x5800  }
0x30: {  	[tilespmem:s24], [sflag:$0x1] =	stream.indirect.gather [hbm4b:s12+s8], $0x10, s23, s8, $0xb8;
	[tilespmem:$0x8800] =	vst v63  }
0x31: {  	s25 =	simm.s32 $0x580;
	s26 =	simm.s32 $0x6000  }
0x32: {  	[tilespmem:s26], [sflag:$0x1] =	stream.indirect.gather [hbm4b:s12+s8], $0x10, s25, s8, $0xb8;
	[tilespmem:$0x8800] =	vst v63  }
0x33: {  	s20 =	sadd.s32 $0x5BA600, s18;
	s18 =	simm.s32 $0x6800;
	s21 =	simm.s32 $0x600  }
0x34: {  	[tilespmem:s18], [sflag:$0x1] =	stream.indirect.gather [hbm4b:s20+s8], $0x10, s21, s8, $0xb8;
	[tilespmem:$0x8800] =	vst v63  }
0x35: {  	s22 =	simm.s32 $0x680;
	s23 =	simm.s32 $0x7000  }
0x36: {  	[tilespmem:s23], [sflag:$0x1] =	stream.indirect.gather [hbm4b:s20+s8], $0x10, s22, s8, $0xb8;
	[tilespmem:$0x8800] =	vst v63  }
0x37: {  	s24 =	simm.s32 $0x700;
	s25 =	simm.s32 $0x7800  }
0x38: {  	[tilespmem:s25], [sflag:$0x1] =	stream.indirect.gather [hbm4b:s20+s8], $0x10, s24, s8, $0xb8;
	[tilespmem:$0x8800] =	vst v63  }
0x39: {  	s28 =	simm.s32 $0x8000;
	s29 =	simm.s32 $0x1;
	s26 =	simm.s32 $0x780  }
0x3a: {  	[tilespmem:s28], [sflag:$0x1] =	stream.indirect.gather [hbm4b:s20+s8], $0x10, s26, s8, $0xb8;
	[tilespmem:$0x8800] =	vst v63  }
0x3b: {  	_ =	swait.ge [sflag:s29], $0x800  }
0x3c: {  	[sflag:s29] =	ssyncset.done $0x0  }
0x3d: {  	[sflag:s29] =	ssyncadd.s32 $0xFFFFF800  }
0x3e: {  	_ =	swait.ge [sflag:s29], $0x800  }
0x3f: {  	[sflag:s29] =	ssyncset.done $0x0  }
0x40: {  	[sflag:s29] =	ssyncadd.s32 $0xFFFFF800  }
0x41: {  	_ =	swait.ge [sflag:s29], $0x800  }
0x42: {  	[sflag:s29] =	ssyncset.done $0x0  }
0x43: {  	[sflag:s29] =	ssyncadd.s32 $0xFFFFF800  }
0x44: {  	_ =	swait.ge [sflag:s29], $0x800  }
0x45: {  	[sflag:s29] =	ssyncset.done $0x0  }
0x46: {  	[sflag:s29] =	ssyncadd.s32 $0xFFFFF800  }
0x47: {  	_ =	swait.ge [sflag:s29], $0x800  }
0x48: {  	[sflag:s29] =	ssyncset.done $0x0  }
0x49: {  	[sflag:s29] =	ssyncadd.s32 $0xFFFFF800  }
0x4a: {  	_ =	swait.ge [sflag:s29], $0x800  }
0x4b: {  	[sflag:s29] =	ssyncset.done $0x0  }
0x4c: {  	[sflag:s29] =	ssyncadd.s32 $0xFFFFF800  }
0x4d: {  	_ =	swait.ge [sflag:s29], $0x800  }
0x4e: {  	[sflag:s29] =	ssyncset.done $0x0  }
0x4f: {  	[sflag:s29] =	ssyncadd.s32 $0xFFFFF800  }
0x50: {  	_ =	swait.ge [sflag:s29], $0x800  }
0x51: {  	[sflag:s29] =	ssyncset.done $0x0  }
0x52: {  	[sflag:s29] =	ssyncadd.s32 $0xFFFFF800  }
0x53: {  	_ =	swait.ge [sflag:s29], $0x800  }
0x54: {  	[sflag:s29] =	ssyncset.done $0x0  }
0x55: {  	[sflag:s29] =	ssyncadd.s32 $0xFFFFF800  }
0x56: {  	_ =	swait.ge [sflag:s29], $0x800  }
0x57: {  	[sflag:s29] =	ssyncset.done $0x0  }
0x58: {  	[sflag:s29] =	ssyncadd.s32 $0xFFFFF800  }
0x59: {  	_ =	swait.ge [sflag:s29], $0x800  }
0x5a: {  	[sflag:s29] =	ssyncset.done $0x0  }
0x5b: {  	[sflag:s29] =	ssyncadd.s32 $0xFFFFF800  }
0x5c: {  	_ =	swait.ge [sflag:s29], $0x800  }
0x5d: {  	[sflag:s29] =	ssyncset.done $0x0  }
0x5e: {  	[sflag:s29] =	ssyncadd.s32 $0xFFFFF800  }
0x5f: {  	_ =	swait.ge [sflag:s29], $0x800  }
0x60: {  	[sflag:s29] =	ssyncset.done $0x0  }
0x61: {  	[sflag:s29] =	ssyncadd.s32 $0xFFFFF800  }
0x62: {  	_ =	swait.ge [sflag:s29], $0x800  }
0x63: {  	[sflag:s29] =	ssyncset.done $0x0  }
0x64: {  	[sflag:s29] =	ssyncadd.s32 $0xFFFFF800  }
0x65: {  	_ =	swait.ge [sflag:s29], $0x800  }
0x66: {  	[sflag:s29] =	ssyncset.done $0x0  }
0x67: {  	[sflag:s29] =	ssyncadd.s32 $0xFFFFF800  }
0x68: {  	_ =	swait.ge [sflag:s29], $0x800  }
0x69: {  	s30 =	simm.s32 $0x10;
	s16 =	ssub.s32 $0x2, s1;
	[sflag:s29] =	ssyncset.done $0x0  }
0x6a: {  	s31 =	simm.s32 $0x40;
	s1 =	sshrl.u32 s16, $0x1;
	[sflag:s29] =	ssyncadd.s32 $0xFFFFF800  }
0x6b: {  	[hbm4b:s3+s30] =	stream.strided.scatter [tilespmem:s9], [sflag:$0x2], $0x2000, s31, s30, $0x38;
	[tilespmem:$0x8800] =	vst v63  }
0x6c: {  	s0 =	ssub.s32 s16, s1;
	_ =	swait.ge [sflag:s4], $0x2000  }
0x6d: {  	s0 =	smax.u32 s0, $0x1;
	[sflag:s4] =	ssyncset.done $0x0  }
0x6e: {  	p0 =	sne.s32 s0, $0x1;
	s15 =	rddreg [dreg:$0x4];
	[sflag:s4] =	ssyncadd.s32 $0xFFFFE000  }
0x6f: {  	[hbm4b:s15+s30] =	stream.strided.scatter [tilespmem:s11], [sflag:$0x2], $0x2000, s31, s30, $0x38;
	[tilespmem:$0x8800] =	vst v63  }
.Ltmp0:
0x70: {  	_ =	swait.ge [sflag:s4], $0x2000;
	(pc) =	sbr.rel @!p0 .LBB2_2-.Ltmp0, $4  }
0x71: {  	[sflag:s4] =	ssyncset.done $0x0  }
0x72: {  	s17 =	rddreg [dreg:$0x5];
	[sflag:s4] =	ssyncadd.s32 $0xFFFFE000  }
0x73: {  	[hbm4b:s17+s30] =	stream.strided.scatter [tilespmem:s13], [sflag:$0x2], $0x2000, s31, s30, $0x38;
	[tilespmem:$0x8800] =	vst v63  }
0x74: {  	s19 =	simm.s32 $0x6000;
	s1 =	sadd.s32 $0xFFFFFFFF, s0;
	_ =	swait.ge [sflag:s4], $0x2000  }
.LBB2_1:
0x75: {  	[sflag:s4] =	ssyncset.done $0x0  }
0x76: {  	s0 =	rddreg [dreg:$0x6];
	[sflag:s4] =	ssyncadd.s32 $0xFFFFE000  }
0x77: {  	[hbm4b:s0+s30] =	stream.strided.scatter [tilespmem:s18], [sflag:$0x2], $0x2000, s31, s30, $0x38;
	[tilespmem:$0x8800] =	vst v63  }
0x78: {  	_ =	swait.ge [sflag:s4], $0x2000  }
0x79: {  	[sflag:s4] =	ssyncset.done $0x0  }
0x7a: {  	s15 =	rddreg [dreg:$0x3];
	[sflag:s4] =	ssyncadd.s32 $0xFFFFE000  }
0x7b: {  	[tilespmem:s2], [sflag:$0x2] =	stream.strided.gather [hbm4b:s15+s5], $0x800, s6, s5, $0x38;
	[tilespmem:$0x8800] =	vst v63  }
0x7c: {  	_ =	swait.ge [sflag:s4], $0x800  }
0x7d: {  	s0 =	rddreg [dreg:$0xd]  }
0x7e: {  	s14 =	rddreg [dreg:$0x8];
	[sflag:s4] =	ssyncset.done $0x0  }
0x7f: {  	s15 =	rddreg [dreg:$0x7];
	[sflag:s4] =	ssyncadd.s32 $0xFFFFF800  }
0x80: {  	[tilespmem:s9], [sflag:$0x1] =	stream.indirect.gather [hbm4b:s7+s8], $0x10, s2, s8, $0xb8;
	[tilespmem:$0x8800] =	vst v63  }
0x81: {  	s16 =	rddreg [dreg:$0x9]  }
0x82: {  	[tilespmem:s15], [sflag:$0x1] =	stream.indirect.gather [hbm4b:s7+s8], $0x10, s8, s8, $0xb8;
	[tilespmem:$0x8800] =	vst v63  }
0x83: {  	s17 =	rddreg [dreg:$0xb]  }
0x84: {  	[tilespmem:s16], [sflag:$0x1] =	stream.indirect.gather [hbm4b:s7+s8], $0x10, s14, s8, $0xb8;
	[tilespmem:$0x8800] =	vst v63  }
0x85: {  	s15 =	rddreg [dreg:$0xa]  }
0x86: {  	[tilespmem:s17], [sflag:$0x1] =	stream.indirect.gather [hbm4b:s7+s8], $0x10, s15, s8, $0xb8;
	[tilespmem:$0x8800] =	vst v63  }
0x87: {  	s14 =	rddreg [dreg:$0xf]  }
0x88: {  	[tilespmem:s11], [sflag:$0x1] =	stream.indirect.gather [hbm4b:s10+s8], $0x10, s5, s8, $0xb8;
	[tilespmem:$0x8800] =	vst v63  }
0x89: {  	s16 =	rddreg [dreg:$0xc]  }
0x8a: {  	[tilespmem:s0], [sflag:$0x1] =	stream.indirect.gather [hbm4b:s10+s8], $0x10, s16, s8, $0xb8;
	[tilespmem:$0x8800] =	vst v63  }
0x8b: {  	s17 =	rddreg [dreg:$0xe]  }
0x8c: {  	[tilespmem:s14], [sflag:$0x1] =	stream.indirect.gather [hbm4b:s10+s8], $0x10, s17, s8, $0xb8;
	[tilespmem:$0x8800] =	vst v63  }
0x8d: {  	s15 =	rddreg [dreg:$0x10]  }
0x8e: {  	[tilespmem:s6], [sflag:$0x1] =	stream.indirect.gather [hbm4b:s10+s8], $0x10, s15, s8, $0xb8;
	[tilespmem:$0x8800] =	vst v63  }
0x8f: {  	s16 =	rddreg [dreg:$0x11]  }
0x90: {  	[tilespmem:s13], [sflag:$0x1] =	stream.indirect.gather [hbm4b:s12+s8], $0x10, s16, s8, $0xb8;
	[tilespmem:$0x8800] =	vst v63  }
0x91: {  	s17 =	rddreg [dreg:$0x12];
	s15 =	simm.s32 $0x5000  }
0x92: {  	[tilespmem:s15], [sflag:$0x1] =	stream.indirect.gather [hbm4b:s12+s8], $0x10, s17, s8, $0xb8;
	[tilespmem:$0x8800] =	vst v63  }
0x93: {  	s16 =	simm.s32 $0x500;
	s17 =	simm.s32 $0x5800  }
0x94: {  	[tilespmem:s17], [sflag:$0x1] =	stream.indirect.gather [hbm4b:s12+s8], $0x10, s16, s8, $0xb8;
	[tilespmem:$0x8800] =	vst v63  }
0x95: {  	s15 =	simm.s32 $0x580  }
0x96: {  	[tilespmem:s19], [sflag:$0x1] =	stream.indirect.gather [hbm4b:s12+s8], $0x10, s15, s8, $0xb8;
	[tilespmem:$0x8800] =	vst v63  }
0x97: {  	_ = 	snop  }
0x98: {  	[tilespmem:s18], [sflag:$0x1] =	stream.indirect.gather [hbm4b:s20+s8], $0x10, s21, s8, $0xb8;
	[tilespmem:$0x8800] =	vst v63  }
0x99: {  	_ = 	snop  }
0x9a: {  	[tilespmem:s23], [sflag:$0x1] =	stream.indirect.gather [hbm4b:s20+s8], $0x10, s22, s8, $0xb8;
	[tilespmem:$0x8800] =	vst v63  }
0x9b: {  	_ = 	snop  }
0x9c: {  	[tilespmem:s25], [sflag:$0x1] =	stream.indirect.gather [hbm4b:s20+s8], $0x10, s24, s8, $0xb8;
	[tilespmem:$0x8800] =	vst v63  }
0x9d: {  	_ = 	snop  }
0x9e: {  	[tilespmem:s28], [sflag:$0x1] =	stream.indirect.gather [hbm4b:s20+s8], $0x10, s26, s8, $0xb8;
	[tilespmem:$0x8800] =	vst v63  }
0x9f: {  	_ =	swait.ge [sflag:s29], $0x800  }
0xa0: {  	[sflag:s29] =	ssyncset.done $0x0  }
0xa1: {  	[sflag:s29] =	ssyncadd.s32 $0xFFFFF800  }
0xa2: {  	_ =	swait.ge [sflag:s29], $0x800  }
0xa3: {  	[sflag:s29] =	ssyncset.done $0x0  }
0xa4: {  	[sflag:s29] =	ssyncadd.s32 $0xFFFFF800  }
0xa5: {  	_ =	swait.ge [sflag:s29], $0x800  }
0xa6: {  	[sflag:s29] =	ssyncset.done $0x0  }
0xa7: {  	[sflag:s29] =	ssyncadd.s32 $0xFFFFF800  }
0xa8: {  	_ =	swait.ge [sflag:s29], $0x800  }
0xa9: {  	[sflag:s29] =	ssyncset.done $0x0  }
0xaa: {  	[sflag:s29] =	ssyncadd.s32 $0xFFFFF800  }
0xab: {  	_ =	swait.ge [sflag:s29], $0x800  }
0xac: {  	[sflag:s29] =	ssyncset.done $0x0  }
0xad: {  	[sflag:s29] =	ssyncadd.s32 $0xFFFFF800  }
0xae: {  	_ =	swait.ge [sflag:s29], $0x800  }
0xaf: {  	[sflag:s29] =	ssyncset.done $0x0  }
0xb0: {  	[sflag:s29] =	ssyncadd.s32 $0xFFFFF800  }
0xb1: {  	_ =	swait.ge [sflag:s29], $0x800  }
0xb2: {  	[sflag:s29] =	ssyncset.done $0x0  }
0xb3: {  	[sflag:s29] =	ssyncadd.s32 $0xFFFFF800  }
0xb4: {  	_ =	swait.ge [sflag:s29], $0x800  }
0xb5: {  	[sflag:s29] =	ssyncset.done $0x0  }
0xb6: {  	[sflag:s29] =	ssyncadd.s32 $0xFFFFF800  }
0xb7: {  	_ =	swait.ge [sflag:s29], $0x800  }
0xb8: {  	[sflag:s29] =	ssyncset.done $0x0  }
0xb9: {  	[sflag:s29] =	ssyncadd.s32 $0xFFFFF800  }
0xba: {  	_ =	swait.ge [sflag:s29], $0x800  }
0xbb: {  	[sflag:s29] =	ssyncset.done $0x0  }
0xbc: {  	[sflag:s29] =	ssyncadd.s32 $0xFFFFF800  }
0xbd: {  	_ =	swait.ge [sflag:s29], $0x800  }
0xbe: {  	[sflag:s29] =	ssyncset.done $0x0  }
0xbf: {  	[sflag:s29] =	ssyncadd.s32 $0xFFFFF800  }
0xc0: {  	_ =	swait.ge [sflag:s29], $0x800  }
0xc1: {  	[sflag:s29] =	ssyncset.done $0x0  }
0xc2: {  	[sflag:s29] =	ssyncadd.s32 $0xFFFFF800  }
0xc3: {  	_ =	swait.ge [sflag:s29], $0x800  }
0xc4: {  	[sflag:s29] =	ssyncset.done $0x0  }
0xc5: {  	[sflag:s29] =	ssyncadd.s32 $0xFFFFF800  }
0xc6: {  	_ =	swait.ge [sflag:s29], $0x800  }
0xc7: {  	[sflag:s29] =	ssyncset.done $0x0  }
0xc8: {  	[sflag:s29] =	ssyncadd.s32 $0xFFFFF800  }
0xc9: {  	_ =	swait.ge [sflag:s29], $0x800  }
0xca: {  	[sflag:s29] =	ssyncset.done $0x0  }
0xcb: {  	[sflag:s29] =	ssyncadd.s32 $0xFFFFF800  }
0xcc: {  	_ =	swait.ge [sflag:s29], $0x800  }
0xcd: {  	[sflag:s29] =	ssyncset.done $0x0  }
0xce: {  	[sflag:s29] =	ssyncadd.s32 $0xFFFFF800  }
0xcf: {  	[hbm4b:s3+s30] =	stream.strided.scatter [tilespmem:s9], [sflag:$0x2], $0x2000, s31, s30, $0x38;
	[tilespmem:$0x8800] =	vst v63  }
0xd0: {  	_ =	swait.ge [sflag:s4], $0x2000  }
0xd1: {  	[sflag:s4] =	ssyncset.done $0x0  }
0xd2: {  	p0 =	sne.s32 s1, $0x1;
	s16 =	rddreg [dreg:$0x4];
	[sflag:s4] =	ssyncadd.s32 $0xFFFFE000  }
0xd3: {  	[hbm4b:s16+s30] =	stream.strided.scatter [tilespmem:s11], [sflag:$0x2], $0x2000, s31, s30, $0x38;
	[tilespmem:$0x8800] =	vst v63  }
.Ltmp1:
0xd4: {  	_ =	swait.ge [sflag:s4], $0x2000;
	(pc) =	sbr.rel @p0 .LBB2_1-.Ltmp1, $4  }
0xd5: {  	[sflag:s4] =	ssyncset.done $0x0  }
0xd6: {  	s17 =	rddreg [dreg:$0x5];
	[sflag:s4] =	ssyncadd.s32 $0xFFFFE000  }
0xd7: {  	[hbm4b:s17+s30] =	stream.strided.scatter [tilespmem:s13], [sflag:$0x2], $0x2000, s31, s30, $0x38;
	[tilespmem:$0x8800] =	vst v63  }
0xd8: {  	s1 =	sadd.s32 $0xFFFFFFFF, s1;
	_ =	swait.ge [sflag:s4], $0x2000  }
.LBB2_2:
0xd9: {  	[sflag:s4] =	ssyncset.done $0x0  }
0xda: {  	s0 =	rddreg [dreg:$0x6];
	[sflag:s4] =	ssyncadd.s32 $0xFFFFE000  }
0xdb: {  	[hbm4b:s0+s30] =	stream.strided.scatter [tilespmem:s18], [sflag:$0x2], $0x2000, s31, s30, $0x38;
	[tilespmem:$0x8800] =	vst v63  }
0xdc: {  	_ =	swait.ge [sflag:s4], $0x2000  }
0xdd: {  	[sflag:s4] =	ssyncset.done $0x0  }
0xde: {  	[sflag:s4] =	ssyncadd.s32 $0xFFFFE000  }
0xdf: {  	_ =	sfence.sel $0x180000  }
0xe0: {  	[bflag:$0x0] =	sbarrier.arrive $0xFFFF  }
0xe1: {  	_ =	strace $0x9000004A  }
0xe2: {  	s31 =	stileid.u32;
	[bflag:$0x2] =	sbarrier.arrive $0xFFFF  }
0xe3: {  	p0 =	sne.s32 s31, $0x0;
	s0 =	rddreg [dreg:$0x2]  }
0xe4: {  	s0 =	sadd.s32 @!p0 $0x100000, s0  }
0xe5: {  	[sflag:s0] =	ssyncadd.tile.s32 @!p0 $0x1;
	_ =	shalt  }
.Lfunc_end2:
_tile_overlayer_lowered:
.L_overlay_start_2:
0xe6: {  	(tag) =	ssettag $0x2  }
0xe7: {  	s0 =	rddreg [dreg:$0x0];
	s2 =	stileid.u32  }
0xe8: {  	s1 =	rddreg [dreg:$0x1];
	p0 =	sne.s32 s2, $0x0  }
0xe9: {  	s3 =	rddreg [dreg:$0x2];
	[bflag:$0x3] =	sbarrier.arrive $0xFFFF;
	s2 =	simm.s32 @!p0 $0x1C02  }
0xea: {  	[timem:s3], [sflag:s2] =	dma.local @!p0 [hbm:s0], s1  }
0xeb: {  	s0 =	simm.s32 @!p0 $0x2  }
0xec: {  	_ =	swait.ge @!p0 [sflag:s0], s1  }
0xed: {  	s1 =	ssub.s32 @!p0 $0x0, s1;
	[sflag:s0] =	ssyncset.done @!p0 $0x0  }
0xee: {  	[sflag:s0] =	ssyncadd.s32 @!p0 s1  }
0xef: {  	[bflag:$0x3] =	sbarrier.arrive $0xFFFF  }
0xf0: {  	_ =	shalt  }

</sc_bundles>
